<compile_context>
chip_gen: v7x
topology: tpu7x:2x2x1
jax: 0.10.2.dev20260603
libtpu: 0.0.44.dev20260713+nightly
codegen_flags: <defaults>
</compile_context>

<pallas_src>
import functools

import jax
import jax.numpy as jnp
from jax import lax
from jax.experimental import pallas as pl
from jax.experimental.pallas import tpu as pltpu
from jax.experimental.pallas import tpu_sc as plsc

_CPARAMS = pltpu.CompilerParams(needs_layout_passes=False)

_PCTS = (0.25, 0.5, 0.75)
_L = 16
_NC = 2
_NS = 16
_NW = _NC * _NS
_WIN = 16


def _f32v(v):
    return jnp.full((_L,), v, jnp.float32)


def _i32v(v):
    return jnp.full((_L,), v, jnp.int32)


@functools.lru_cache(maxsize=None)
def _build_fast(Bn):
    RW = Bn // _NW
    G = RW // _L
    mesh = plsc.VectorSubcoreMesh(core_axis_name="c", subcore_axis_name="s")

    @functools.partial(
        pl.kernel,
        mesh=mesh,
        out_type=jax.ShapeDtypeStruct((_NW * 2 * _L,), jnp.float32),
        scratch_types=[
            pltpu.VMEM((RW * _WIN,), jnp.float32),
            pltpu.VMEM((RW * _WIN,), jnp.float32),
            pltpu.VMEM((_WIN * _L,), jnp.float32),
            pltpu.VMEM((_WIN * _L,), jnp.float32),
            pltpu.VMEM((2 * _L,), jnp.float32),
            pltpu.SemaphoreType.DMA,
        ],
        compiler_params=_CPARAMS,
    )
    def fast(we_hbm, wt_hbm, out_acc, tl_t, tl_e, cf_t, cf_e, v01, sem):
        wid = lax.axis_index("s") * _NC + lax.axis_index("c")
        base = wid * RW * _WIN
        H = RW * _WIN // 2
        pltpu.sync_copy(wt_hbm.at[pl.ds(base, H)], tl_t.at[pl.ds(0, H)])
        pltpu.sync_copy(we_hbm.at[pl.ds(base, H)], tl_e.at[pl.ds(0, H)])
        cp_t = pltpu.async_copy(wt_hbm.at[pl.ds(base + H, H)],
                                tl_t.at[pl.ds(H, H)], sem)
        cp_e = pltpu.async_copy(we_hbm.at[pl.ds(base + H, H)],
                                tl_e.at[pl.ds(H, H)], sem)
        lane = lax.iota(jnp.int32, _L)

        def group(g, carry):
            acc, unres = carry
            rowbase = (g * _L + lane) * _WIN
            run_t = jnp.zeros((_L,), jnp.float32)
            run_e = jnp.zeros((_L,), jnp.float32)
            cnt_t = [jnp.zeros((_L,), jnp.int32) for _ in _PCTS]
            cnt_e = [jnp.zeros((_L,), jnp.int32) for _ in _PCTS]
            for j in range(_WIN):
                cols = rowbase + _i32v(j)
                x_t = plsc.load_gather(tl_t, [cols])
                x_e = plsc.load_gather(tl_e, [cols])
                run_t = run_t + x_t
                run_e = run_e + x_e
                cf_t[pl.ds(j * _L, _L)] = run_t
                cf_e[pl.ds(j * _L, _L)] = run_e
                for k, p in enumerate(_PCTS):
                    cnt_t[k] = cnt_t[k] + (run_t < _f32v(p)).astype(jnp.int32)
                    cnt_e[k] = cnt_e[k] + (run_e < _f32v(p)).astype(jnp.int32)

            def interp(tile, cdft, cnt, p):
                idx = jnp.minimum(cnt, _i32v(_WIN - 1))
                yb = plsc.load_gather(cdft, [idx * _L + lane])
                aa = plsc.load_gather(tile, [rowbase + idx])
                return idx.astype(jnp.float32) + _f32v(1.0) + (_f32v(p) - yb) / aa

            for k, p in enumerate(_PCTS):
                q_t = interp(tl_t, cf_t, cnt_t[k], p)
                q_e = interp(tl_e, cf_e, cnt_e[k], p)
                acc = acc + jnp.abs(q_t - q_e)
            u = (cnt_t[2] >= _i32v(_WIN)) | (cnt_e[2] >= _i32v(_WIN))
            unres = unres + jnp.where(u, _f32v(1.0), _f32v(0.0))
            return acc, unres

        z2 = (jnp.zeros((_L,), jnp.float32), jnp.zeros((_L,), jnp.float32))
        acc, unres = lax.fori_loop(0, G // 2, group, z2)
        cp_t.wait()
        cp_e.wait()
        acc, unres = lax.fori_loop(G // 2, G, group, (acc, unres))
        v01[pl.ds(0, _L)] = acc
        v01[pl.ds(_L, _L)] = unres
        pltpu.sync_copy(v01, out_acc.at[pl.ds(wid * 2 * _L, 2 * _L)])

    return fast


@functools.lru_cache(maxsize=None)
def _build_full(Bn, Nn):
    RW = Bn // _NW
    G = RW // _L
    mesh = plsc.VectorSubcoreMesh(core_axis_name="c", subcore_axis_name="s")

    @functools.partial(
        pl.kernel,
        mesh=mesh,
        out_type=jax.ShapeDtypeStruct((_NW * _L,), jnp.float32),
        scratch_types=[
            pltpu.VMEM((_L * Nn,), jnp.float32),
            pltpu.VMEM((_L * Nn,), jnp.float32),
            pltpu.VMEM((Nn * _L,), jnp.float32),
            pltpu.VMEM((Nn * _L,), jnp.float32),
            pltpu.VMEM((_L,), jnp.float32),
        ],
        compiler_params=_CPARAMS,
    )
    def full(pe_hbm, pt_hbm, out_acc, tl_t, tl_e, cf_t, cf_e, v0):
        wid = lax.axis_index("s") * _NC + lax.axis_index("c")
        base = wid * RW * Nn
        lane = lax.iota(jnp.int32, _L)

        def scan_tile(tile, cdft):
            rowbase = lane * Nn

            def col(j, carry):
                run, c0, c1, c2 = carry
                x = plsc.load_gather(tile, [rowbase + j])
                run = run + x
                plsc.store_scatter(cdft, [j * _L + lane], run)
                c0 = c0 + jnp.where(run < _f32v(0.25), _i32v(1), _i32v(0))
                c1 = c1 + jnp.where(run < _f32v(0.5), _i32v(1), _i32v(0))
                c2 = c2 + jnp.where(run < _f32v(0.75), _i32v(1), _i32v(0))
                return run, c0, c1, c2

            z = jnp.zeros((_L,), jnp.int32)
            _, c0, c1, c2 = lax.fori_loop(
                0, Nn, col, (jnp.zeros((_L,), jnp.float32), z, z, z))
            qs = []
            for p, cnt in zip(_PCTS, (c0, c1, c2)):
                idx = jnp.where(cnt >= _i32v(Nn), _i32v(0), cnt)
                yb = plsc.load_gather(cdft, [idx * _L + lane])
                aa = plsc.load_gather(tile, [rowbase + idx])
                qs.append(idx.astype(jnp.float32) + _f32v(1.0) + (_f32v(p) - yb) / aa)
            return qs

        def group(g, acc):
            off = base + g * _L * Nn
            pltpu.sync_copy(pt_hbm.at[pl.ds(off, _L * Nn)], tl_t)
            pltpu.sync_copy(pe_hbm.at[pl.ds(off, _L * Nn)], tl_e)
            q_t = scan_tile(tl_t, cf_t)
            q_e = scan_tile(tl_e, cf_e)
            for k in range(len(_PCTS)):
                acc = acc + jnp.abs(q_t[k] - q_e[k])
            return acc

        acc = lax.fori_loop(0, G, group, jnp.zeros((_L,), jnp.float32))
        v0[...] = acc
        pltpu.sync_copy(v0, out_acc.at[pl.ds(wid * _L, _L)])

    return full


def kernel(p_estimate, p_target):
    Bn, Nn = p_estimate.shape
    we = lax.slice(p_estimate, (0, 0), (Bn, _WIN)).reshape(-1)
    wt = lax.slice(p_target, (0, 0), (Bn, _WIN)).reshape(-1)
    accu = _build_fast(Bn)(we, wt).reshape(_NW, 2, _L)
    loss_fast = jnp.sum(accu[:, 0]) / jnp.float32(Bn * len(_PCTS))
    unres = accu[:, 1]

    def _full_path(ops):
        pe, pt = ops
        facc = _build_full(Bn, Nn)(pe.reshape(-1), pt.reshape(-1))
        return jnp.sum(facc) / jnp.float32(Bn * len(_PCTS))

    def _fast_path(ops):
        return loss_fast

    return lax.cond(jnp.sum(unres) > 0.0, _full_path, _fast_path,
                    (p_estimate, p_target))

# --- scband reference (transcript-rebuilt; emitter-appended) ---
"""Pipeline reference for scband-mquantile-loss-23965917511808 (READ-ONLY COPY).

The authoritative reference and input builder live on the scoring server;
editing this copy changes nothing except your own understanding.
"""

import jax, jax.numpy as jnp
import numpy as np

B = 16384
N = 1000

def setup_inputs(seed: int = 0):
    key = jax.random.key(seed)
    k1, k2 = jax.random.split(key)
    p_estimate = jax.random.uniform(k1, (B, N), dtype=jnp.float32)
    p_target = jax.random.uniform(k2, (B, N), dtype=jnp.float32)
    return {"p_estimate": p_estimate, "p_target": p_target}


def _quantiles(cdf, percentiles):
    # cdf: [B, N]. For each percentile p, find first index i with cdf[i] >= p,
    # then linearly interpolate between (x[i-1], cdf[i-1]) and (x[i], cdf[i])
    # with x = arange(1, N+1); if i == 0 interpolate from (0, 0).
    outs = []
    for p in percentiles:
        ge = cdf >= p
        idx = jnp.argmax(ge, axis=1)  # first True along bins
        Yb = jnp.take_along_axis(cdf, idx[:, None], axis=1)[:, 0]
        Ya_prev = jnp.take_along_axis(cdf, jnp.maximum(idx - 1, 0)[:, None], axis=1)[:, 0]
        Ya = jnp.where(idx == 0, jnp.zeros_like(Ya_prev), Ya_prev)
        Xb = (idx + 1).astype(cdf.dtype)
        Xa = idx.astype(cdf.dtype)
        A = (Yb - Ya) / (Xb - Xa)
        Bc = Yb - A * Xb
        outs.append((p - Bc) / A)
    return jnp.stack(outs, axis=1)  # [B, len(percentiles)]


def reference(p_estimate, p_target):
    cdf_target = jnp.cumsum(p_target, axis=1)
    cdf_estimate = jnp.cumsum(p_estimate, axis=1)
    percentiles = [0.25, 0.5, 0.75]
    quan1 = _quantiles(cdf_target, percentiles)
    quan2 = _quantiles(cdf_estimate, percentiles)
    loss = jnp.abs(quan1 - quan2)
    return loss.mean()

if __name__ == "__main__":
    import jax
    _d = setup_inputs()
    print(jax.jit(kernel)(*tuple(_d.values())))

</pallas_src>

<mosaic_0001>
#map = affine_map<(d0, d1) -> (0)>
module attributes {stable_mosaic.version = 14 : i64} {
  func.func @full(%arg0: i32, %arg1: i32, %arg2: memref<16384000xf32, #tpu.memory_space<hbm>>, %arg3: memref<16384000xf32, #tpu.memory_space<hbm>>, %arg4: memref<512xf32, #tpu.memory_space<hbm>>, %arg5: memref<16000xf32, #tpu.memory_space<vmem>>, %arg6: memref<16000xf32, #tpu.memory_space<vmem>>, %arg7: memref<16000xf32, #tpu.memory_space<vmem>>, %arg8: memref<16000xf32, #tpu.memory_space<vmem>>, %arg9: memref<16xf32, #tpu.memory_space<vmem>>) attributes {dimension_semantics = [#tpu.dimension_semantics<core_parallel>, #tpu.dimension_semantics<subcore_parallel>], iteration_bounds = array<i64: 2, 16>, scalar_prefetch = 0 : i64, scratch_operands = 5 : i64, tpu.core_type = #tpu.core_type<sc_vector_subcore>, window_params = [{transform_indices = #map}, {transform_indices = #map}, {transform_indices = #map}]} {
    %mul3A = arith.constant 2 : i32
    %mul3A_0 = arith.muli %arg1, %mul3A : i32
    %add3A = arith.addi %mul3A_0, %arg0 : i32
    %mul3A_1 = arith.constant 512 : i32
    %mul3A_2 = arith.muli %add3A, %mul3A_1 : i32
    %mul3A_3 = arith.constant 1000 : i32
    %mul3A_4 = arith.muli %mul3A_2, %mul3A_3 : i32
    %iota3A = tpu.iota {dimensions = array<i32: 0>} : vector<16xi32>
    %broadcast_in_dim3A = arith.constant 0.000000e+00 : f32
    %broadcast_in_dim3A_5 = vector.broadcast %broadcast_in_dim3A : f32 to vector<16xf32>
    %scan3A = arith.constant 0 : i32
    %scan3A_6 = arith.constant 32 : i32
    %scan3A_7 = arith.addi %scan3A, %scan3A_6 : i32
    %scan3A_8 = arith.constant 1 : i32
    %scan3A_9 = scf.for %scan3A_14 = %scan3A to %scan3A_7 step %scan3A_8 iter_args(%scan3A_15 = %broadcast_in_dim3A_5) -> (vector<16xf32>)  : i32 {
      %mul3A_16 = arith.constant 16 : i32
      %mul3A_17 = arith.muli %scan3A_14, %mul3A_16 : i32
      %mul3A_18 = arith.constant 1000 : i32
      %mul3A_19 = arith.muli %mul3A_17, %mul3A_18 : i32
      %add3A_20 = arith.addi %mul3A_4, %mul3A_19 : i32
      "tpu.region"() ({
        %run_scoped3A = tpu.sem_alloc : memref<!tpu.dma_semaphore, #tpu.memory_space<semaphore_mem>>
        %dma_start3A = tpu.memref_slice %arg3[%add3A_20] : memref<16384000xf32, #tpu.memory_space<hbm>> -> memref<16000xf32, #tpu.memory_space<hbm>>
        %dma_start3A_181 = tpu.memref_slice %arg3[%add3A_20] : memref<16384000xf32, #tpu.memory_space<hbm>> -> memref<16000xf32, #tpu.memory_space<hbm>>
        tpu.enqueue_dma source(%dma_start3A_181 : memref<16000xf32, #tpu.memory_space<hbm>>) target(%arg5 : memref<16000xf32, #tpu.memory_space<vmem>>) target_semaphore(%run_scoped3A : memref<!tpu.dma_semaphore, #tpu.memory_space<semaphore_mem>>)
        %dma_wait3A = tpu.memref_slice %arg3[%add3A_20] : memref<16384000xf32, #tpu.memory_space<hbm>> -> memref<16000xf32, #tpu.memory_space<hbm>>
        %dma_wait3A_182 = tpu.memref_slice %arg3[%add3A_20] : memref<16384000xf32, #tpu.memory_space<hbm>> -> memref<16000xf32, #tpu.memory_space<hbm>>
        tpu.wait_dma2 semaphore(%run_scoped3A : memref<!tpu.dma_semaphore, #tpu.memory_space<semaphore_mem>>) src(%dma_wait3A_182 : memref<16000xf32, #tpu.memory_space<hbm>>) dst(%arg5 : memref<16000xf32, #tpu.memory_space<vmem>>)
        tpu.yield
      }) : () -> ()
      "tpu.region"() ({
        %run_scoped3A = tpu.sem_alloc : memref<!tpu.dma_semaphore, #tpu.memory_space<semaphore_mem>>
        %dma_start3A = tpu.memref_slice %arg2[%add3A_20] : memref<16384000xf32, #tpu.memory_space<hbm>> -> memref<16000xf32, #tpu.memory_space<hbm>>
        %dma_start3A_181 = tpu.memref_slice %arg2[%add3A_20] : memref<16384000xf32, #tpu.memory_space<hbm>> -> memref<16000xf32, #tpu.memory_space<hbm>>
        tpu.enqueue_dma source(%dma_start3A_181 : memref<16000xf32, #tpu.memory_space<hbm>>) target(%arg6 : memref<16000xf32, #tpu.memory_space<vmem>>) target_semaphore(%run_scoped3A : memref<!tpu.dma_semaphore, #tpu.memory_space<semaphore_mem>>)
        %dma_wait3A = tpu.memref_slice %arg2[%add3A_20] : memref<16384000xf32, #tpu.memory_space<hbm>> -> memref<16000xf32, #tpu.memory_space<hbm>>
        %dma_wait3A_182 = tpu.memref_slice %arg2[%add3A_20] : memref<16384000xf32, #tpu.memory_space<hbm>> -> memref<16000xf32, #tpu.memory_space<hbm>>
        tpu.wait_dma2 semaphore(%run_scoped3A : memref<!tpu.dma_semaphore, #tpu.memory_space<semaphore_mem>>) src(%dma_wait3A_182 : memref<16000xf32, #tpu.memory_space<hbm>>) dst(%arg6 : memref<16000xf32, #tpu.memory_space<vmem>>)
        tpu.yield
      }) : () -> ()
      %mul3A_21 = arith.constant 1000 : i32
      %mul3A_22 = vector.broadcast %mul3A_21 : i32 to vector<16xi32>
      %mul3A_23 = arith.muli %iota3A, %mul3A_22 : vector<16xi32>
      %broadcast_in_dim3A_24 = arith.constant 0 : i32
      %broadcast_in_dim3A_25 = vector.broadcast %broadcast_in_dim3A_24 : i32 to vector<16xi32>
      %broadcast_in_dim3A_26 = arith.constant 0.000000e+00 : f32
      %broadcast_in_dim3A_27 = vector.broadcast %broadcast_in_dim3A_26 : f32 to vector<16xf32>
      %scan3A_28 = arith.constant 0 : i32
      %scan3A_29 = arith.constant 1000 : i32
      %scan3A_30 = arith.addi %scan3A_28, %scan3A_29 : i32
      %scan3A_31 = arith.constant 1 : i32
      %scan3A_32:4 = scf.for %scan3A_181 = %scan3A_28 to %scan3A_30 step %scan3A_31 iter_args(%scan3A_182 = %broadcast_in_dim3A_27, %scan3A_183 = %broadcast_in_dim3A_25, %scan3A_184 = %broadcast_in_dim3A_25, %scan3A_185 = %broadcast_in_dim3A_25) -> (vector<16xf32>, vector<16xi32>, vector<16xi32>, vector<16xi32>)  : i32 {
        %add3A_186 = vector.broadcast %scan3A_181 : i32 to vector<16xi32>
        %add3A_187 = arith.addi %mul3A_23, %add3A_186 : vector<16xi32>
        %gather3A_188 = tpu.vector_load_idx %arg5[%add3A_187] : memref<16000xf32, #tpu.memory_space<vmem>>[vector<16xi32>], vector<16xf32>,
        %add3A_189 = arith.addf %scan3A_182, %gather3A_188 : vector<16xf32>
        %mul3A_190 = arith.constant 16 : i32
        %mul3A_191 = arith.muli %scan3A_181, %mul3A_190 : i32
        %add3A_192 = vector.broadcast %mul3A_191 : i32 to vector<16xi32>
        %add3A_193 = arith.addi %add3A_192, %iota3A : vector<16xi32>
        tpu.vector_store_idx %arg7[%add3A_193], %add3A_189 : memref<16000xf32, #tpu.memory_space<vmem>>[vector<16xi32>], vector<16xf32>,
        %broadcast_in_dim3A_194 = arith.constant 2.500000e-01 : f32
        %broadcast_in_dim3A_195 = vector.broadcast %broadcast_in_dim3A_194 : f32 to vector<16xf32>
        %lt3A = arith.cmpf olt, %add3A_189, %broadcast_in_dim3A_195 : vector<16xf32>
        %broadcast_in_dim3A_196 = arith.constant 1 : i32
        %broadcast_in_dim3A_197 = vector.broadcast %broadcast_in_dim3A_196 : i32 to vector<16xi32>
        %broadcast_in_dim3A_198 = arith.constant 0 : i32
        %broadcast_in_dim3A_199 = vector.broadcast %broadcast_in_dim3A_198 : i32 to vector<16xi32>
        %select_n3A_200 = arith.select %lt3A, %broadcast_in_dim3A_197, %broadcast_in_dim3A_199 : vector<16xi1>, vector<16xi32>
        %add3A_201 = arith.addi %scan3A_183, %select_n3A_200 : vector<16xi32>
        %broadcast_in_dim3A_202 = arith.constant 5.000000e-01 : f32
        %broadcast_in_dim3A_203 = vector.broadcast %broadcast_in_dim3A_202 : f32 to vector<16xf32>
        %lt3A_204 = arith.cmpf olt, %add3A_189, %broadcast_in_dim3A_203 : vector<16xf32>
        %broadcast_in_dim3A_205 = arith.constant 1 : i32
        %broadcast_in_dim3A_206 = vector.broadcast %broadcast_in_dim3A_205 : i32 to vector<16xi32>
        %broadcast_in_dim3A_207 = arith.constant 0 : i32
        %broadcast_in_dim3A_208 = vector.broadcast %broadcast_in_dim3A_207 : i32 to vector<16xi32>
        %select_n3A_209 = arith.select %lt3A_204, %broadcast_in_dim3A_206, %broadcast_in_dim3A_208 : vector<16xi1>, vector<16xi32>
        %add3A_210 = arith.addi %scan3A_184, %select_n3A_209 : vector<16xi32>
        %broadcast_in_dim3A_211 = arith.constant 7.500000e-01 : f32
        %broadcast_in_dim3A_212 = vector.broadcast %broadcast_in_dim3A_211 : f32 to vector<16xf32>
        %lt3A_213 = arith.cmpf olt, %add3A_189, %broadcast_in_dim3A_212 : vector<16xf32>
        %broadcast_in_dim3A_214 = arith.constant 1 : i32
        %broadcast_in_dim3A_215 = vector.broadcast %broadcast_in_dim3A_214 : i32 to vector<16xi32>
        %broadcast_in_dim3A_216 = arith.constant 0 : i32
        %broadcast_in_dim3A_217 = vector.broadcast %broadcast_in_dim3A_216 : i32 to vector<16xi32>
        %select_n3A_218 = arith.select %lt3A_213, %broadcast_in_dim3A_215, %broadcast_in_dim3A_217 : vector<16xi1>, vector<16xi32>
        %add3A_219 = arith.addi %scan3A_185, %select_n3A_218 : vector<16xi32>
        scf.yield %add3A_189, %add3A_201, %add3A_210, %add3A_219 : vector<16xf32>, vector<16xi32>, vector<16xi32>, vector<16xi32>
      }
      %scan3A_33 = arith.constant 1000 : i32
      %broadcast_in_dim3A_34 = arith.constant 1000 : i32
      %broadcast_in_dim3A_35 = vector.broadcast %broadcast_in_dim3A_34 : i32 to vector<16xi32>
      %ge3A = arith.cmpi sge, %scan3A_32#1, %broadcast_in_dim3A_35 : vector<16xi32>
      %broadcast_in_dim3A_36 = arith.constant 0 : i32
      %broadcast_in_dim3A_37 = vector.broadcast %broadcast_in_dim3A_36 : i32 to vector<16xi32>
      %select_n3A = arith.select %ge3A, %broadcast_in_dim3A_37, %scan3A_32#1 : vector<16xi1>, vector<16xi32>
      %mul3A_38 = arith.constant 16 : i32
      %mul3A_39 = vector.broadcast %mul3A_38 : i32 to vector<16xi32>
      %mul3A_40 = arith.muli %select_n3A, %mul3A_39 : vector<16xi32>
      %add3A_41 = arith.addi %mul3A_40, %iota3A : vector<16xi32>
      %gather3A = tpu.vector_load_idx %arg7[%add3A_41] : memref<16000xf32, #tpu.memory_space<vmem>>[vector<16xi32>], vector<16xf32>,
      %add3A_42 = arith.addi %mul3A_23, %select_n3A : vector<16xi32>
      %gather3A_43 = tpu.vector_load_idx %arg5[%add3A_42] : memref<16000xf32, #tpu.memory_space<vmem>>[vector<16xi32>], vector<16xf32>,
      %convert_element_type3A = arith.sitofp %select_n3A : vector<16xi32> to vector<16xf32>
      %broadcast_in_dim3A_44 = arith.constant 1.000000e+00 : f32
      %broadcast_in_dim3A_45 = vector.broadcast %broadcast_in_dim3A_44 : f32 to vector<16xf32>
      %add3A_46 = arith.addf %convert_element_type3A, %broadcast_in_dim3A_45 : vector<16xf32>
      %broadcast_in_dim3A_47 = arith.constant 2.500000e-01 : f32
      %broadcast_in_dim3A_48 = vector.broadcast %broadcast_in_dim3A_47 : f32 to vector<16xf32>
      %sub3A = arith.subf %broadcast_in_dim3A_48, %gather3A : vector<16xf32>
      %div3A = arith.divf %sub3A, %gather3A_43 : vector<16xf32>
      %add3A_49 = arith.addf %add3A_46, %div3A : vector<16xf32>
      %broadcast_in_dim3A_50 = arith.constant 1000 : i32
      %broadcast_in_dim3A_51 = vector.broadcast %broadcast_in_dim3A_50 : i32 to vector<16xi32>
      %ge3A_52 = arith.cmpi sge, %scan3A_32#2, %broadcast_in_dim3A_51 : vector<16xi32>
      %broadcast_in_dim3A_53 = arith.constant 0 : i32
      %broadcast_in_dim3A_54 = vector.broadcast %broadcast_in_dim3A_53 : i32 to vector<16xi32>
      %select_n3A_55 = arith.select %ge3A_52, %broadcast_in_dim3A_54, %scan3A_32#2 : vector<16xi1>, vector<16xi32>
      %mul3A_56 = arith.constant 16 : i32
      %mul3A_57 = vector.broadcast %mul3A_56 : i32 to vector<16xi32>
      %mul3A_58 = arith.muli %select_n3A_55, %mul3A_57 : vector<16xi32>
      %add3A_59 = arith.addi %mul3A_58, %iota3A : vector<16xi32>
      %gather3A_60 = tpu.vector_load_idx %arg7[%add3A_59] : memref<16000xf32, #tpu.memory_space<vmem>>[vector<16xi32>], vector<16xf32>,
      %add3A_61 = arith.addi %mul3A_23, %select_n3A_55 : vector<16xi32>
      %gather3A_62 = tpu.vector_load_idx %arg5[%add3A_61] : memref<16000xf32, #tpu.memory_space<vmem>>[vector<16xi32>], vector<16xf32>,
      %convert_element_type3A_63 = arith.sitofp %select_n3A_55 : vector<16xi32> to vector<16xf32>
      %broadcast_in_dim3A_64 = arith.constant 1.000000e+00 : f32
      %broadcast_in_dim3A_65 = vector.broadcast %broadcast_in_dim3A_64 : f32 to vector<16xf32>
      %add3A_66 = arith.addf %convert_element_type3A_63, %broadcast_in_dim3A_65 : vector<16xf32>
      %broadcast_in_dim3A_67 = arith.constant 5.000000e-01 : f32
      %broadcast_in_dim3A_68 = vector.broadcast %broadcast_in_dim3A_67 : f32 to vector<16xf32>
      %sub3A_69 = arith.subf %broadcast_in_dim3A_68, %gather3A_60 : vector<16xf32>
      %div3A_70 = arith.divf %sub3A_69, %gather3A_62 : vector<16xf32>
      %add3A_71 = arith.addf %add3A_66, %div3A_70 : vector<16xf32>
      %broadcast_in_dim3A_72 = arith.constant 1000 : i32
      %broadcast_in_dim3A_73 = vector.broadcast %broadcast_in_dim3A_72 : i32 to vector<16xi32>
      %ge3A_74 = arith.cmpi sge, %scan3A_32#3, %broadcast_in_dim3A_73 : vector<16xi32>
      %broadcast_in_dim3A_75 = arith.constant 0 : i32
      %broadcast_in_dim3A_76 = vector.broadcast %broadcast_in_dim3A_75 : i32 to vector<16xi32>
      %select_n3A_77 = arith.select %ge3A_74, %broadcast_in_dim3A_76, %scan3A_32#3 : vector<16xi1>, vector<16xi32>
      %mul3A_78 = arith.constant 16 : i32
      %mul3A_79 = vector.broadcast %mul3A_78 : i32 to vector<16xi32>
      %mul3A_80 = arith.muli %select_n3A_77, %mul3A_79 : vector<16xi32>
      %add3A_81 = arith.addi %mul3A_80, %iota3A : vector<16xi32>
      %gather3A_82 = tpu.vector_load_idx %arg7[%add3A_81] : memref<16000xf32, #tpu.memory_space<vmem>>[vector<16xi32>], vector<16xf32>,
      %add3A_83 = arith.addi %mul3A_23, %select_n3A_77 : vector<16xi32>
      %gather3A_84 = tpu.vector_load_idx %arg5[%add3A_83] : memref<16000xf32, #tpu.memory_space<vmem>>[vector<16xi32>], vector<16xf32>,
      %convert_element_type3A_85 = arith.sitofp %select_n3A_77 : vector<16xi32> to vector<16xf32>
      %broadcast_in_dim3A_86 = arith.constant 1.000000e+00 : f32
      %broadcast_in_dim3A_87 = vector.broadcast %broadcast_in_dim3A_86 : f32 to vector<16xf32>
      %add3A_88 = arith.addf %convert_element_type3A_85, %broadcast_in_dim3A_87 : vector<16xf32>
      %broadcast_in_dim3A_89 = arith.constant 7.500000e-01 : f32
      %broadcast_in_dim3A_90 = vector.broadcast %broadcast_in_dim3A_89 : f32 to vector<16xf32>
      %sub3A_91 = arith.subf %broadcast_in_dim3A_90, %gather3A_82 : vector<16xf32>
      %div3A_92 = arith.divf %sub3A_91, %gather3A_84 : vector<16xf32>
      %add3A_93 = arith.addf %add3A_88, %div3A_92 : vector<16xf32>
      %mul3A_94 = arith.constant 1000 : i32
      %mul3A_95 = vector.broadcast %mul3A_94 : i32 to vector<16xi32>
      %mul3A_96 = arith.muli %iota3A, %mul3A_95 : vector<16xi32>
      %broadcast_in_dim3A_97 = arith.constant 0 : i32
      %broadcast_in_dim3A_98 = vector.broadcast %broadcast_in_dim3A_97 : i32 to vector<16xi32>
      %broadcast_in_dim3A_99 = arith.constant 0.000000e+00 : f32
      %broadcast_in_dim3A_100 = vector.broadcast %broadcast_in_dim3A_99 : f32 to vector<16xf32>
      %scan3A_101 = arith.constant 0 : i32
      %scan3A_102 = arith.constant 1000 : i32
      %scan3A_103 = arith.addi %scan3A_101, %scan3A_102 : i32
      %scan3A_104 = arith.constant 1 : i32
      %scan3A_105:4 = scf.for %scan3A_181 = %scan3A_101 to %scan3A_103 step %scan3A_104 iter_args(%scan3A_182 = %broadcast_in_dim3A_100, %scan3A_183 = %broadcast_in_dim3A_98, %scan3A_184 = %broadcast_in_dim3A_98, %scan3A_185 = %broadcast_in_dim3A_98) -> (vector<16xf32>, vector<16xi32>, vector<16xi32>, vector<16xi32>)  : i32 {
        %add3A_186 = vector.broadcast %scan3A_181 : i32 to vector<16xi32>
        %add3A_187 = arith.addi %mul3A_96, %add3A_186 : vector<16xi32>
        %gather3A_188 = tpu.vector_load_idx %arg6[%add3A_187] : memref<16000xf32, #tpu.memory_space<vmem>>[vector<16xi32>], vector<16xf32>,
        %add3A_189 = arith.addf %scan3A_182, %gather3A_188 : vector<16xf32>
        %mul3A_190 = arith.constant 16 : i32
        %mul3A_191 = arith.muli %scan3A_181, %mul3A_190 : i32
        %add3A_192 = vector.broadcast %mul3A_191 : i32 to vector<16xi32>
        %add3A_193 = arith.addi %add3A_192, %iota3A : vector<16xi32>
        tpu.vector_store_idx %arg8[%add3A_193], %add3A_189 : memref<16000xf32, #tpu.memory_space<vmem>>[vector<16xi32>], vector<16xf32>,
        %broadcast_in_dim3A_194 = arith.constant 2.500000e-01 : f32
        %broadcast_in_dim3A_195 = vector.broadcast %broadcast_in_dim3A_194 : f32 to vector<16xf32>
        %lt3A = arith.cmpf olt, %add3A_189, %broadcast_in_dim3A_195 : vector<16xf32>
        %broadcast_in_dim3A_196 = arith.constant 1 : i32
        %broadcast_in_dim3A_197 = vector.broadcast %broadcast_in_dim3A_196 : i32 to vector<16xi32>
        %broadcast_in_dim3A_198 = arith.constant 0 : i32
        %broadcast_in_dim3A_199 = vector.broadcast %broadcast_in_dim3A_198 : i32 to vector<16xi32>
        %select_n3A_200 = arith.select %lt3A, %broadcast_in_dim3A_197, %broadcast_in_dim3A_199 : vector<16xi1>, vector<16xi32>
        %add3A_201 = arith.addi %scan3A_183, %select_n3A_200 : vector<16xi32>
        %broadcast_in_dim3A_202 = arith.constant 5.000000e-01 : f32
        %broadcast_in_dim3A_203 = vector.broadcast %broadcast_in_dim3A_202 : f32 to vector<16xf32>
        %lt3A_204 = arith.cmpf olt, %add3A_189, %broadcast_in_dim3A_203 : vector<16xf32>
        %broadcast_in_dim3A_205 = arith.constant 1 : i32
        %broadcast_in_dim3A_206 = vector.broadcast %broadcast_in_dim3A_205 : i32 to vector<16xi32>
        %broadcast_in_dim3A_207 = arith.constant 0 : i32
        %broadcast_in_dim3A_208 = vector.broadcast %broadcast_in_dim3A_207 : i32 to vector<16xi32>
        %select_n3A_209 = arith.select %lt3A_204, %broadcast_in_dim3A_206, %broadcast_in_dim3A_208 : vector<16xi1>, vector<16xi32>
        %add3A_210 = arith.addi %scan3A_184, %select_n3A_209 : vector<16xi32>
        %broadcast_in_dim3A_211 = arith.constant 7.500000e-01 : f32
        %broadcast_in_dim3A_212 = vector.broadcast %broadcast_in_dim3A_211 : f32 to vector<16xf32>
        %lt3A_213 = arith.cmpf olt, %add3A_189, %broadcast_in_dim3A_212 : vector<16xf32>
        %broadcast_in_dim3A_214 = arith.constant 1 : i32
        %broadcast_in_dim3A_215 = vector.broadcast %broadcast_in_dim3A_214 : i32 to vector<16xi32>
        %broadcast_in_dim3A_216 = arith.constant 0 : i32
        %broadcast_in_dim3A_217 = vector.broadcast %broadcast_in_dim3A_216 : i32 to vector<16xi32>
        %select_n3A_218 = arith.select %lt3A_213, %broadcast_in_dim3A_215, %broadcast_in_dim3A_217 : vector<16xi1>, vector<16xi32>
        %add3A_219 = arith.addi %scan3A_185, %select_n3A_218 : vector<16xi32>
        scf.yield %add3A_189, %add3A_201, %add3A_210, %add3A_219 : vector<16xf32>, vector<16xi32>, vector<16xi32>, vector<16xi32>
      }
      %scan3A_106 = arith.constant 1000 : i32
      %broadcast_in_dim3A_107 = arith.constant 1000 : i32
      %broadcast_in_dim3A_108 = vector.broadcast %broadcast_in_dim3A_107 : i32 to vector<16xi32>
      %ge3A_109 = arith.cmpi sge, %scan3A_105#1, %broadcast_in_dim3A_108 : vector<16xi32>
      %broadcast_in_dim3A_110 = arith.constant 0 : i32
      %broadcast_in_dim3A_111 = vector.broadcast %broadcast_in_dim3A_110 : i32 to vector<16xi32>
      %select_n3A_112 = arith.select %ge3A_109, %broadcast_in_dim3A_111, %scan3A_105#1 : vector<16xi1>, vector<16xi32>
      %mul3A_113 = arith.constant 16 : i32
      %mul3A_114 = vector.broadcast %mul3A_113 : i32 to vector<16xi32>
      %mul3A_115 = arith.muli %select_n3A_112, %mul3A_114 : vector<16xi32>
      %add3A_116 = arith.addi %mul3A_115, %iota3A : vector<16xi32>
      %gather3A_117 = tpu.vector_load_idx %arg8[%add3A_116] : memref<16000xf32, #tpu.memory_space<vmem>>[vector<16xi32>], vector<16xf32>,
      %add3A_118 = arith.addi %mul3A_96, %select_n3A_112 : vector<16xi32>
      %gather3A_119 = tpu.vector_load_idx %arg6[%add3A_118] : memref<16000xf32, #tpu.memory_space<vmem>>[vector<16xi32>], vector<16xf32>,
      %convert_element_type3A_120 = arith.sitofp %select_n3A_112 : vector<16xi32> to vector<16xf32>
      %broadcast_in_dim3A_121 = arith.constant 1.000000e+00 : f32
      %broadcast_in_dim3A_122 = vector.broadcast %broadcast_in_dim3A_121 : f32 to vector<16xf32>
      %add3A_123 = arith.addf %convert_element_type3A_120, %broadcast_in_dim3A_122 : vector<16xf32>
      %broadcast_in_dim3A_124 = arith.constant 2.500000e-01 : f32
      %broadcast_in_dim3A_125 = vector.broadcast %broadcast_in_dim3A_124 : f32 to vector<16xf32>
      %sub3A_126 = arith.subf %broadcast_in_dim3A_125, %gather3A_117 : vector<16xf32>
      %div3A_127 = arith.divf %sub3A_126, %gather3A_119 : vector<16xf32>
      %add3A_128 = arith.addf %add3A_123, %div3A_127 : vector<16xf32>
      %broadcast_in_dim3A_129 = arith.constant 1000 : i32
      %broadcast_in_dim3A_130 = vector.broadcast %broadcast_in_dim3A_129 : i32 to vector<16xi32>
      %ge3A_131 = arith.cmpi sge, %scan3A_105#2, %broadcast_in_dim3A_130 : vector<16xi32>
      %broadcast_in_dim3A_132 = arith.constant 0 : i32
      %broadcast_in_dim3A_133 = vector.broadcast %broadcast_in_dim3A_132 : i32 to vector<16xi32>
      %select_n3A_134 = arith.select %ge3A_131, %broadcast_in_dim3A_133, %scan3A_105#2 : vector<16xi1>, vector<16xi32>
      %mul3A_135 = arith.constant 16 : i32
      %mul3A_136 = vector.broadcast %mul3A_135 : i32 to vector<16xi32>
      %mul3A_137 = arith.muli %select_n3A_134, %mul3A_136 : vector<16xi32>
      %add3A_138 = arith.addi %mul3A_137, %iota3A : vector<16xi32>
      %gather3A_139 = tpu.vector_load_idx %arg8[%add3A_138] : memref<16000xf32, #tpu.memory_space<vmem>>[vector<16xi32>], vector<16xf32>,
      %add3A_140 = arith.addi %mul3A_96, %select_n3A_134 : vector<16xi32>
      %gather3A_141 = tpu.vector_load_idx %arg6[%add3A_140] : memref<16000xf32, #tpu.memory_space<vmem>>[vector<16xi32>], vector<16xf32>,
      %convert_element_type3A_142 = arith.sitofp %select_n3A_134 : vector<16xi32> to vector<16xf32>
      %broadcast_in_dim3A_143 = arith.constant 1.000000e+00 : f32
      %broadcast_in_dim3A_144 = vector.broadcast %broadcast_in_dim3A_143 : f32 to vector<16xf32>
      %add3A_145 = arith.addf %convert_element_type3A_142, %broadcast_in_dim3A_144 : vector<16xf32>
      %broadcast_in_dim3A_146 = arith.constant 5.000000e-01 : f32
      %broadcast_in_dim3A_147 = vector.broadcast %broadcast_in_dim3A_146 : f32 to vector<16xf32>
      %sub3A_148 = arith.subf %broadcast_in_dim3A_147, %gather3A_139 : vector<16xf32>
      %div3A_149 = arith.divf %sub3A_148, %gather3A_141 : vector<16xf32>
      %add3A_150 = arith.addf %add3A_145, %div3A_149 : vector<16xf32>
      %broadcast_in_dim3A_151 = arith.constant 1000 : i32
      %broadcast_in_dim3A_152 = vector.broadcast %broadcast_in_dim3A_151 : i32 to vector<16xi32>
      %ge3A_153 = arith.cmpi sge, %scan3A_105#3, %broadcast_in_dim3A_152 : vector<16xi32>
      %broadcast_in_dim3A_154 = arith.constant 0 : i32
      %broadcast_in_dim3A_155 = vector.broadcast %broadcast_in_dim3A_154 : i32 to vector<16xi32>
      %select_n3A_156 = arith.select %ge3A_153, %broadcast_in_dim3A_155, %scan3A_105#3 : vector<16xi1>, vector<16xi32>
      %mul3A_157 = arith.constant 16 : i32
      %mul3A_158 = vector.broadcast %mul3A_157 : i32 to vector<16xi32>
      %mul3A_159 = arith.muli %select_n3A_156, %mul3A_158 : vector<16xi32>
      %add3A_160 = arith.addi %mul3A_159, %iota3A : vector<16xi32>
      %gather3A_161 = tpu.vector_load_idx %arg8[%add3A_160] : memref<16000xf32, #tpu.memory_space<vmem>>[vector<16xi32>], vector<16xf32>,
      %add3A_162 = arith.addi %mul3A_96, %select_n3A_156 : vector<16xi32>
      %gather3A_163 = tpu.vector_load_idx %arg6[%add3A_162] : memref<16000xf32, #tpu.memory_space<vmem>>[vector<16xi32>], vector<16xf32>,
      %convert_element_type3A_164 = arith.sitofp %select_n3A_156 : vector<16xi32> to vector<16xf32>
      %broadcast_in_dim3A_165 = arith.constant 1.000000e+00 : f32
      %broadcast_in_dim3A_166 = vector.broadcast %broadcast_in_dim3A_165 : f32 to vector<16xf32>
      %add3A_167 = arith.addf %convert_element_type3A_164, %broadcast_in_dim3A_166 : vector<16xf32>
      %broadcast_in_dim3A_168 = arith.constant 7.500000e-01 : f32
      %broadcast_in_dim3A_169 = vector.broadcast %broadcast_in_dim3A_168 : f32 to vector<16xf32>
      %sub3A_170 = arith.subf %broadcast_in_dim3A_169, %gather3A_161 : vector<16xf32>
      %div3A_171 = arith.divf %sub3A_170, %gather3A_163 : vector<16xf32>
      %add3A_172 = arith.addf %add3A_167, %div3A_171 : vector<16xf32>
      %sub3A_173 = arith.subf %add3A_49, %add3A_128 : vector<16xf32>
      %abs3A = math.absf %sub3A_173 : vector<16xf32>
      %add3A_174 = arith.addf %scan3A_15, %abs3A : vector<16xf32>
      %sub3A_175 = arith.subf %add3A_71, %add3A_150 : vector<16xf32>
      %abs3A_176 = math.absf %sub3A_175 : vector<16xf32>
      %add3A_177 = arith.addf %add3A_174, %abs3A_176 : vector<16xf32>
      %sub3A_178 = arith.subf %add3A_93, %add3A_172 : vector<16xf32>
      %abs3A_179 = math.absf %sub3A_178 : vector<16xf32>
      %add3A_180 = arith.addf %add3A_177, %abs3A_179 : vector<16xf32>
      scf.yield %add3A_180 : vector<16xf32>
    }
    %scan3A_10 = arith.constant 32 : i32
    %swap3A = arith.constant 0 : index
    %swap3A_11 = tpu.vector_load %arg9[%swap3A] {strides = array<i32>} : memref<16xf32, #tpu.memory_space<vmem>>, vector<16xf32>,
    tpu.vector_store %arg9[%swap3A], %scan3A_9 {strides = array<i32>} : memref<16xf32, #tpu.memory_space<vmem>>, vector<16xf32>,
    %mul3A_12 = arith.constant 16 : i32
    %mul3A_13 = arith.muli %add3A, %mul3A_12 : i32
    "tpu.region"() ({
      %run_scoped3A = tpu.sem_alloc : memref<!tpu.dma_semaphore, #tpu.memory_space<semaphore_mem>>
      %dma_start3A = tpu.memref_slice %arg4[%mul3A_13] : memref<512xf32, #tpu.memory_space<hbm>> -> memref<16xf32, #tpu.memory_space<hbm>>
      %dma_start3A_14 = tpu.memref_slice %arg4[%mul3A_13] : memref<512xf32, #tpu.memory_space<hbm>> -> memref<16xf32, #tpu.memory_space<hbm>>
      tpu.enqueue_dma source(%arg9 : memref<16xf32, #tpu.memory_space<vmem>>) target(%dma_start3A_14 : memref<16xf32, #tpu.memory_space<hbm>>) target_semaphore(%run_scoped3A : memref<!tpu.dma_semaphore, #tpu.memory_space<semaphore_mem>>)
      %dma_wait3A = tpu.memref_slice %arg4[%mul3A_13] : memref<512xf32, #tpu.memory_space<hbm>> -> memref<16xf32, #tpu.memory_space<hbm>>
      %dma_wait3A_15 = tpu.memref_slice %arg4[%mul3A_13] : memref<512xf32, #tpu.memory_space<hbm>> -> memref<16xf32, #tpu.memory_space<hbm>>
      tpu.wait_dma2 semaphore(%run_scoped3A : memref<!tpu.dma_semaphore, #tpu.memory_space<semaphore_mem>>) src(%arg9 : memref<16xf32, #tpu.memory_space<vmem>>) dst(%dma_wait3A_15 : memref<16xf32, #tpu.memory_space<hbm>>)
      tpu.yield
    }) : () -> ()
    return
  }
}

#map = affine_map<(d0, d1) -> (0)>
module attributes {stable_mosaic.version = 14 : i64} {
  func.func @fast(%arg0: i32, %arg1: i32, %arg2: memref<262144xf32, #tpu.memory_space<hbm>>, %arg3: memref<262144xf32, #tpu.memory_space<hbm>>, %arg4: memref<1024xf32, #tpu.memory_space<hbm>>, %arg5: memref<8192xf32, #tpu.memory_space<vmem>>, %arg6: memref<8192xf32, #tpu.memory_space<vmem>>, %arg7: memref<256xf32, #tpu.memory_space<vmem>>, %arg8: memref<256xf32, #tpu.memory_space<vmem>>, %arg9: memref<32xf32, #tpu.memory_space<vmem>>, %arg10: memref<!tpu.dma_semaphore, #tpu.memory_space<semaphore_mem>>) attributes {dimension_semantics = [#tpu.dimension_semantics<core_parallel>, #tpu.dimension_semantics<subcore_parallel>], iteration_bounds = array<i64: 2, 16>, scalar_prefetch = 0 : i64, scratch_operands = 6 : i64, tpu.core_type = #tpu.core_type<sc_vector_subcore>, window_params = [{transform_indices = #map}, {transform_indices = #map}, {transform_indices = #map}]} {
    %mul3A = arith.constant 2 : i32
    %mul3A_0 = arith.muli %arg1, %mul3A : i32
    %add3A = arith.addi %mul3A_0, %arg0 : i32
    %mul3A_1 = arith.constant 512 : i32
    %mul3A_2 = arith.muli %add3A, %mul3A_1 : i32
    %mul3A_3 = arith.constant 16 : i32
    %mul3A_4 = arith.muli %mul3A_2, %mul3A_3 : i32
    "tpu.region"() ({
      %run_scoped3A = tpu.sem_alloc : memref<!tpu.dma_semaphore, #tpu.memory_space<semaphore_mem>>
      %dma_start3A_52 = arith.constant 0 : i32
      %dma_start3A_53 = tpu.memref_slice %arg5[%dma_start3A_52] : memref<8192xf32, #tpu.memory_space<vmem>> -> memref<4096xf32, #tpu.memory_space<vmem>>
      %dma_start3A_54 = tpu.memref_slice %arg3[%mul3A_4] : memref<262144xf32, #tpu.memory_space<hbm>> -> memref<4096xf32, #tpu.memory_space<hbm>>
      %dma_start3A_55 = arith.constant 0 : i32
      %dma_start3A_56 = tpu.memref_slice %arg5[%dma_start3A_55] : memref<8192xf32, #tpu.memory_space<vmem>> -> memref<4096xf32, #tpu.memory_space<vmem>>
      %dma_start3A_57 = tpu.memref_slice %arg3[%mul3A_4] : memref<262144xf32, #tpu.memory_space<hbm>> -> memref<4096xf32, #tpu.memory_space<hbm>>
      tpu.enqueue_dma source(%dma_start3A_57 : memref<4096xf32, #tpu.memory_space<hbm>>) target(%dma_start3A_56 : memref<4096xf32, #tpu.memory_space<vmem>>) target_semaphore(%run_scoped3A : memref<!tpu.dma_semaphore, #tpu.memory_space<semaphore_mem>>)
      %dma_wait3A_58 = arith.constant 0 : i32
      %dma_wait3A_59 = tpu.memref_slice %arg5[%dma_wait3A_58] : memref<8192xf32, #tpu.memory_space<vmem>> -> memref<4096xf32, #tpu.memory_space<vmem>>
      %dma_wait3A_60 = tpu.memref_slice %arg3[%mul3A_4] : memref<262144xf32, #tpu.memory_space<hbm>> -> memref<4096xf32, #tpu.memory_space<hbm>>
      %dma_wait3A_61 = arith.constant 0 : i32
      %dma_wait3A_62 = tpu.memref_slice %arg5[%dma_wait3A_61] : memref<8192xf32, #tpu.memory_space<vmem>> -> memref<4096xf32, #tpu.memory_space<vmem>>
      %dma_wait3A_63 = tpu.memref_slice %arg3[%mul3A_4] : memref<262144xf32, #tpu.memory_space<hbm>> -> memref<4096xf32, #tpu.memory_space<hbm>>
      tpu.wait_dma2 semaphore(%run_scoped3A : memref<!tpu.dma_semaphore, #tpu.memory_space<semaphore_mem>>) src(%dma_wait3A_63 : memref<4096xf32, #tpu.memory_space<hbm>>) dst(%dma_wait3A_62 : memref<4096xf32, #tpu.memory_space<vmem>>)
      tpu.yield
    }) : () -> ()
    "tpu.region"() ({
      %run_scoped3A = tpu.sem_alloc : memref<!tpu.dma_semaphore, #tpu.memory_space<semaphore_mem>>
      %dma_start3A_52 = arith.constant 0 : i32
      %dma_start3A_53 = tpu.memref_slice %arg6[%dma_start3A_52] : memref<8192xf32, #tpu.memory_space<vmem>> -> memref<4096xf32, #tpu.memory_space<vmem>>
      %dma_start3A_54 = tpu.memref_slice %arg2[%mul3A_4] : memref<262144xf32, #tpu.memory_space<hbm>> -> memref<4096xf32, #tpu.memory_space<hbm>>
      %dma_start3A_55 = arith.constant 0 : i32
      %dma_start3A_56 = tpu.memref_slice %arg6[%dma_start3A_55] : memref<8192xf32, #tpu.memory_space<vmem>> -> memref<4096xf32, #tpu.memory_space<vmem>>
      %dma_start3A_57 = tpu.memref_slice %arg2[%mul3A_4] : memref<262144xf32, #tpu.memory_space<hbm>> -> memref<4096xf32, #tpu.memory_space<hbm>>
      tpu.enqueue_dma source(%dma_start3A_57 : memref<4096xf32, #tpu.memory_space<hbm>>) target(%dma_start3A_56 : memref<4096xf32, #tpu.memory_space<vmem>>) target_semaphore(%run_scoped3A : memref<!tpu.dma_semaphore, #tpu.memory_space<semaphore_mem>>)
      %dma_wait3A_58 = arith.constant 0 : i32
      %dma_wait3A_59 = tpu.memref_slice %arg6[%dma_wait3A_58] : memref<8192xf32, #tpu.memory_space<vmem>> -> memref<4096xf32, #tpu.memory_space<vmem>>
      %dma_wait3A_60 = tpu.memref_slice %arg2[%mul3A_4] : memref<262144xf32, #tpu.memory_space<hbm>> -> memref<4096xf32, #tpu.memory_space<hbm>>
      %dma_wait3A_61 = arith.constant 0 : i32
      %dma_wait3A_62 = tpu.memref_slice %arg6[%dma_wait3A_61] : memref<8192xf32, #tpu.memory_space<vmem>> -> memref<4096xf32, #tpu.memory_space<vmem>>
      %dma_wait3A_63 = tpu.memref_slice %arg2[%mul3A_4] : memref<262144xf32, #tpu.memory_space<hbm>> -> memref<4096xf32, #tpu.memory_space<hbm>>
      tpu.wait_dma2 semaphore(%run_scoped3A : memref<!tpu.dma_semaphore, #tpu.memory_space<semaphore_mem>>) src(%dma_wait3A_63 : memref<4096xf32, #tpu.memory_space<hbm>>) dst(%dma_wait3A_62 : memref<4096xf32, #tpu.memory_space<vmem>>)
      tpu.yield
    }) : () -> ()
    %add3A_5 = arith.constant 4096 : i32
    %add3A_6 = arith.addi %mul3A_4, %add3A_5 : i32
    %dma_start3A = arith.constant 4096 : i32
    %dma_start3A_7 = tpu.memref_slice %arg5[%dma_start3A] : memref<8192xf32, #tpu.memory_space<vmem>> -> memref<4096xf32, #tpu.memory_space<vmem>>
    %dma_start3A_8 = tpu.memref_slice %arg3[%add3A_6] : memref<262144xf32, #tpu.memory_space<hbm>> -> memref<4096xf32, #tpu.memory_space<hbm>>
    %dma_start3A_9 = arith.constant 4096 : i32
    %dma_start3A_10 = tpu.memref_slice %arg5[%dma_start3A_9] : memref<8192xf32, #tpu.memory_space<vmem>> -> memref<4096xf32, #tpu.memory_space<vmem>>
    %dma_start3A_11 = tpu.memref_slice %arg3[%add3A_6] : memref<262144xf32, #tpu.memory_space<hbm>> -> memref<4096xf32, #tpu.memory_space<hbm>>
    tpu.enqueue_dma source(%dma_start3A_11 : memref<4096xf32, #tpu.memory_space<hbm>>) target(%dma_start3A_10 : memref<4096xf32, #tpu.memory_space<vmem>>) target_semaphore(%arg10 : memref<!tpu.dma_semaphore, #tpu.memory_space<semaphore_mem>>)
    %add3A_12 = arith.constant 4096 : i32
    %add3A_13 = arith.addi %mul3A_4, %add3A_12 : i32
    %dma_start3A_14 = arith.constant 4096 : i32
    %dma_start3A_15 = tpu.memref_slice %arg6[%dma_start3A_14] : memref<8192xf32, #tpu.memory_space<vmem>> -> memref<4096xf32, #tpu.memory_space<vmem>>
    %dma_start3A_16 = tpu.memref_slice %arg2[%add3A_13] : memref<262144xf32, #tpu.memory_space<hbm>> -> memref<4096xf32, #tpu.memory_space<hbm>>
    %dma_start3A_17 = arith.constant 4096 : i32
    %dma_start3A_18 = tpu.memref_slice %arg6[%dma_start3A_17] : memref<8192xf32, #tpu.memory_space<vmem>> -> memref<4096xf32, #tpu.memory_space<vmem>>
    %dma_start3A_19 = tpu.memref_slice %arg2[%add3A_13] : memref<262144xf32, #tpu.memory_space<hbm>> -> memref<4096xf32, #tpu.memory_space<hbm>>
    tpu.enqueue_dma source(%dma_start3A_19 : memref<4096xf32, #tpu.memory_space<hbm>>) target(%dma_start3A_18 : memref<4096xf32, #tpu.memory_space<vmem>>) target_semaphore(%arg10 : memref<!tpu.dma_semaphore, #tpu.memory_space<semaphore_mem>>)
    %iota3A = tpu.iota {dimensions = array<i32: 0>} : vector<16xi32>
    %broadcast_in_dim3A = arith.constant 0.000000e+00 : f32
    %broadcast_in_dim3A_20 = vector.broadcast %broadcast_in_dim3A : f32 to vector<16xf32>
    %broadcast_in_dim3A_21 = arith.constant 0.000000e+00 : f32
    %broadcast_in_dim3A_22 = vector.broadcast %broadcast_in_dim3A_21 : f32 to vector<16xf32>
    %scan3A = arith.constant 0 : i32
    %scan3A_23 = arith.constant 16 : i32
    %scan3A_24 = arith.addi %scan3A, %scan3A_23 : i32
    %scan3A_25 = arith.constant 1 : i32
    %scan3A_26:2 = scf.for %scan3A_52 = %scan3A to %scan3A_24 step %scan3A_25 iter_args(%scan3A_53 = %broadcast_in_dim3A_20, %scan3A_54 = %broadcast_in_dim3A_22) -> (vector<16xf32>, vector<16xf32>)  : i32 {
      %mul3A_55 = arith.constant 16 : i32
      %mul3A_56 = arith.muli %scan3A_52, %mul3A_55 : i32
      %add3A_57 = vector.broadcast %mul3A_56 : i32 to vector<16xi32>
      %add3A_58 = arith.addi %add3A_57, %iota3A : vector<16xi32>
      %mul3A_59 = arith.constant 16 : i32
      %mul3A_60 = vector.broadcast %mul3A_59 : i32 to vector<16xi32>
      %mul3A_61 = arith.muli %add3A_58, %mul3A_60 : vector<16xi32>
      %broadcast_in_dim3A_62 = arith.constant 0.000000e+00 : f32
      %broadcast_in_dim3A_63 = vector.broadcast %broadcast_in_dim3A_62 : f32 to vector<16xf32>
      %broadcast_in_dim3A_64 = arith.constant 0.000000e+00 : f32
      %broadcast_in_dim3A_65 = vector.broadcast %broadcast_in_dim3A_64 : f32 to vector<16xf32>
      %broadcast_in_dim3A_66 = arith.constant 0 : i32
      %broadcast_in_dim3A_67 = vector.broadcast %broadcast_in_dim3A_66 : i32 to vector<16xi32>
      %broadcast_in_dim3A_68 = arith.constant 0 : i32
      %broadcast_in_dim3A_69 = vector.broadcast %broadcast_in_dim3A_68 : i32 to vector<16xi32>
      %broadcast_in_dim3A_70 = arith.constant 0 : i32
      %broadcast_in_dim3A_71 = vector.broadcast %broadcast_in_dim3A_70 : i32 to vector<16xi32>
      %broadcast_in_dim3A_72 = arith.constant 0 : i32
      %broadcast_in_dim3A_73 = vector.broadcast %broadcast_in_dim3A_72 : i32 to vector<16xi32>
      %broadcast_in_dim3A_74 = arith.constant 0 : i32
      %broadcast_in_dim3A_75 = vector.broadcast %broadcast_in_dim3A_74 : i32 to vector<16xi32>
      %broadcast_in_dim3A_76 = arith.constant 0 : i32
      %broadcast_in_dim3A_77 = vector.broadcast %broadcast_in_dim3A_76 : i32 to vector<16xi32>
      %broadcast_in_dim3A_78 = arith.constant 0 : i32
      %broadcast_in_dim3A_79 = vector.broadcast %broadcast_in_dim3A_78 : i32 to vector<16xi32>
      %add3A_80 = arith.addi %mul3A_61, %broadcast_in_dim3A_79 : vector<16xi32>
      %gather3A = tpu.vector_load_idx %arg5[%add3A_80] : memref<8192xf32, #tpu.memory_space<vmem>>[vector<16xi32>], vector<16xf32>,
      %gather3A_81 = tpu.vector_load_idx %arg6[%add3A_80] : memref<8192xf32, #tpu.memory_space<vmem>>[vector<16xi32>], vector<16xf32>,
      %add3A_82 = arith.addf %broadcast_in_dim3A_63, %gather3A : vector<16xf32>
      %add3A_83 = arith.addf %broadcast_in_dim3A_65, %gather3A_81 : vector<16xf32>
      %swap3A_84 = arith.constant 0 : index
      %swap3A_85 = tpu.vector_load %arg7[%swap3A_84] {strides = array<i32>} : memref<256xf32, #tpu.memory_space<vmem>>, vector<16xf32>,
      tpu.vector_store %arg7[%swap3A_84], %add3A_82 {strides = array<i32>} : memref<256xf32, #tpu.memory_space<vmem>>, vector<16xf32>,
      %swap3A_86 = arith.constant 0 : index
      %swap3A_87 = tpu.vector_load %arg8[%swap3A_86] {strides = array<i32>} : memref<256xf32, #tpu.memory_space<vmem>>, vector<16xf32>,
      tpu.vector_store %arg8[%swap3A_86], %add3A_83 {strides = array<i32>} : memref<256xf32, #tpu.memory_space<vmem>>, vector<16xf32>,
      %broadcast_in_dim3A_88 = arith.constant 2.500000e-01 : f32
      %broadcast_in_dim3A_89 = vector.broadcast %broadcast_in_dim3A_88 : f32 to vector<16xf32>
      %lt3A = arith.cmpf olt, %add3A_82, %broadcast_in_dim3A_89 : vector<16xf32>
      %convert_element_type3A = arith.extui %lt3A : vector<16xi1> to vector<16xi32>
      %add3A_90 = arith.addi %broadcast_in_dim3A_67, %convert_element_type3A : vector<16xi32>
      %broadcast_in_dim3A_91 = arith.constant 2.500000e-01 : f32
      %broadcast_in_dim3A_92 = vector.broadcast %broadcast_in_dim3A_91 : f32 to vector<16xf32>
      %lt3A_93 = arith.cmpf olt, %add3A_83, %broadcast_in_dim3A_92 : vector<16xf32>
      %convert_element_type3A_94 = arith.extui %lt3A_93 : vector<16xi1> to vector<16xi32>
      %add3A_95 = arith.addi %broadcast_in_dim3A_73, %convert_element_type3A_94 : vector<16xi32>
      %broadcast_in_dim3A_96 = arith.constant 5.000000e-01 : f32
      %broadcast_in_dim3A_97 = vector.broadcast %broadcast_in_dim3A_96 : f32 to vector<16xf32>
      %lt3A_98 = arith.cmpf olt, %add3A_82, %broadcast_in_dim3A_97 : vector<16xf32>
      %convert_element_type3A_99 = arith.extui %lt3A_98 : vector<16xi1> to vector<16xi32>
      %add3A_100 = arith.addi %broadcast_in_dim3A_69, %convert_element_type3A_99 : vector<16xi32>
      %broadcast_in_dim3A_101 = arith.constant 5.000000e-01 : f32
      %broadcast_in_dim3A_102 = vector.broadcast %broadcast_in_dim3A_101 : f32 to vector<16xf32>
      %lt3A_103 = arith.cmpf olt, %add3A_83, %broadcast_in_dim3A_102 : vector<16xf32>
      %convert_element_type3A_104 = arith.extui %lt3A_103 : vector<16xi1> to vector<16xi32>
      %add3A_105 = arith.addi %broadcast_in_dim3A_75, %convert_element_type3A_104 : vector<16xi32>
      %broadcast_in_dim3A_106 = arith.constant 7.500000e-01 : f32
      %broadcast_in_dim3A_107 = vector.broadcast %broadcast_in_dim3A_106 : f32 to vector<16xf32>
      %lt3A_108 = arith.cmpf olt, %add3A_82, %broadcast_in_dim3A_107 : vector<16xf32>
      %convert_element_type3A_109 = arith.extui %lt3A_108 : vector<16xi1> to vector<16xi32>
      %add3A_110 = arith.addi %broadcast_in_dim3A_71, %convert_element_type3A_109 : vector<16xi32>
      %broadcast_in_dim3A_111 = arith.constant 7.500000e-01 : f32
      %broadcast_in_dim3A_112 = vector.broadcast %broadcast_in_dim3A_111 : f32 to vector<16xf32>
      %lt3A_113 = arith.cmpf olt, %add3A_83, %broadcast_in_dim3A_112 : vector<16xf32>
      %convert_element_type3A_114 = arith.extui %lt3A_113 : vector<16xi1> to vector<16xi32>
      %add3A_115 = arith.addi %broadcast_in_dim3A_77, %convert_element_type3A_114 : vector<16xi32>
      %broadcast_in_dim3A_116 = arith.constant 1 : i32
      %broadcast_in_dim3A_117 = vector.broadcast %broadcast_in_dim3A_116 : i32 to vector<16xi32>
      %add3A_118 = arith.addi %mul3A_61, %broadcast_in_dim3A_117 : vector<16xi32>
      %gather3A_119 = tpu.vector_load_idx %arg5[%add3A_118] : memref<8192xf32, #tpu.memory_space<vmem>>[vector<16xi32>], vector<16xf32>,
      %gather3A_120 = tpu.vector_load_idx %arg6[%add3A_118] : memref<8192xf32, #tpu.memory_space<vmem>>[vector<16xi32>], vector<16xf32>,
      %add3A_121 = arith.addf %add3A_82, %gather3A_119 : vector<16xf32>
      %add3A_122 = arith.addf %add3A_83, %gather3A_120 : vector<16xf32>
      %swap3A_123 = arith.constant 16 : index
      %swap3A_124 = tpu.vector_load %arg7[%swap3A_123] {strides = array<i32>} : memref<256xf32, #tpu.memory_space<vmem>>, vector<16xf32>,
      tpu.vector_store %arg7[%swap3A_123], %add3A_121 {strides = array<i32>} : memref<256xf32, #tpu.memory_space<vmem>>, vector<16xf32>,
      %swap3A_125 = arith.constant 16 : index
      %swap3A_126 = tpu.vector_load %arg8[%swap3A_125] {strides = array<i32>} : memref<256xf32, #tpu.memory_space<vmem>>, vector<16xf32>,
      tpu.vector_store %arg8[%swap3A_125], %add3A_122 {strides = array<i32>} : memref<256xf32, #tpu.memory_space<vmem>>, vector<16xf32>,
      %broadcast_in_dim3A_127 = arith.constant 2.500000e-01 : f32
      %broadcast_in_dim3A_128 = vector.broadcast %broadcast_in_dim3A_127 : f32 to vector<16xf32>
      %lt3A_129 = arith.cmpf olt, %add3A_121, %broadcast_in_dim3A_128 : vector<16xf32>
      %convert_element_type3A_130 = arith.extui %lt3A_129 : vector<16xi1> to vector<16xi32>
      %add3A_131 = arith.addi %add3A_90, %convert_element_type3A_130 : vector<16xi32>
      %broadcast_in_dim3A_132 = arith.constant 2.500000e-01 : f32
      %broadcast_in_dim3A_133 = vector.broadcast %broadcast_in_dim3A_132 : f32 to vector<16xf32>
      %lt3A_134 = arith.cmpf olt, %add3A_122, %broadcast_in_dim3A_133 : vector<16xf32>
      %convert_element_type3A_135 = arith.extui %lt3A_134 : vector<16xi1> to vector<16xi32>
      %add3A_136 = arith.addi %add3A_95, %convert_element_type3A_135 : vector<16xi32>
      %broadcast_in_dim3A_137 = arith.constant 5.000000e-01 : f32
      %broadcast_in_dim3A_138 = vector.broadcast %broadcast_in_dim3A_137 : f32 to vector<16xf32>
      %lt3A_139 = arith.cmpf olt, %add3A_121, %broadcast_in_dim3A_138 : vector<16xf32>
      %convert_element_type3A_140 = arith.extui %lt3A_139 : vector<16xi1> to vector<16xi32>
      %add3A_141 = arith.addi %add3A_100, %convert_element_type3A_140 : vector<16xi32>
      %broadcast_in_dim3A_142 = arith.constant 5.000000e-01 : f32
      %broadcast_in_dim3A_143 = vector.broadcast %broadcast_in_dim3A_142 : f32 to vector<16xf32>
      %lt3A_144 = arith.cmpf olt, %add3A_122, %broadcast_in_dim3A_143 : vector<16xf32>
      %convert_element_type3A_145 = arith.extui %lt3A_144 : vector<16xi1> to vector<16xi32>
      %add3A_146 = arith.addi %add3A_105, %convert_element_type3A_145 : vector<16xi32>
      %broadcast_in_dim3A_147 = arith.constant 7.500000e-01 : f32
      %broadcast_in_dim3A_148 = vector.broadcast %broadcast_in_dim3A_147 : f32 to vector<16xf32>
      %lt3A_149 = arith.cmpf olt, %add3A_121, %broadcast_in_dim3A_148 : vector<16xf32>
      %convert_element_type3A_150 = arith.extui %lt3A_149 : vector<16xi1> to vector<16xi32>
      %add3A_151 = arith.addi %add3A_110, %convert_element_type3A_150 : vector<16xi32>
      %broadcast_in_dim3A_152 = arith.constant 7.500000e-01 : f32
      %broadcast_in_dim3A_153 = vector.broadcast %broadcast_in_dim3A_152 : f32 to vector<16xf32>
      %lt3A_154 = arith.cmpf olt, %add3A_122, %broadcast_in_dim3A_153 : vector<16xf32>
      %convert_element_type3A_155 = arith.extui %lt3A_154 : vector<16xi1> to vector<16xi32>
      %add3A_156 = arith.addi %add3A_115, %convert_element_type3A_155 : vector<16xi32>
      %broadcast_in_dim3A_157 = arith.constant 2 : i32
      %broadcast_in_dim3A_158 = vector.broadcast %broadcast_in_dim3A_157 : i32 to vector<16xi32>
      %add3A_159 = arith.addi %mul3A_61, %broadcast_in_dim3A_158 : vector<16xi32>
      %gather3A_160 = tpu.vector_load_idx %arg5[%add3A_159] : memref<8192xf32, #tpu.memory_space<vmem>>[vector<16xi32>], vector<16xf32>,
      %gather3A_161 = tpu.vector_load_idx %arg6[%add3A_159] : memref<8192xf32, #tpu.memory_space<vmem>>[vector<16xi32>], vector<16xf32>,
      %add3A_162 = arith.addf %add3A_121, %gather3A_160 : vector<16xf32>
      %add3A_163 = arith.addf %add3A_122, %gather3A_161 : vector<16xf32>
      %swap3A_164 = arith.constant 32 : index
      %swap3A_165 = tpu.vector_load %arg7[%swap3A_164] {strides = array<i32>} : memref<256xf32, #tpu.memory_space<vmem>>, vector<16xf32>,
      tpu.vector_store %arg7[%swap3A_164], %add3A_162 {strides = array<i32>} : memref<256xf32, #tpu.memory_space<vmem>>, vector<16xf32>,
      %swap3A_166 = arith.constant 32 : index
      %swap3A_167 = tpu.vector_load %arg8[%swap3A_166] {strides = array<i32>} : memref<256xf32, #tpu.memory_space<vmem>>, vector<16xf32>,
      tpu.vector_store %arg8[%swap3A_166], %add3A_163 {strides = array<i32>} : memref<256xf32, #tpu.memory_space<vmem>>, vector<16xf32>,
      %broadcast_in_dim3A_168 = arith.constant 2.500000e-01 : f32
      %broadcast_in_dim3A_169 = vector.broadcast %broadcast_in_dim3A_168 : f32 to vector<16xf32>
      %lt3A_170 = arith.cmpf olt, %add3A_162, %broadcast_in_dim3A_169 : vector<16xf32>
      %convert_element_type3A_171 = arith.extui %lt3A_170 : vector<16xi1> to vector<16xi32>
      %add3A_172 = arith.addi %add3A_131, %convert_element_type3A_171 : vector<16xi32>
      %broadcast_in_dim3A_173 = arith.constant 2.500000e-01 : f32
      %broadcast_in_dim3A_174 = vector.broadcast %broadcast_in_dim3A_173 : f32 to vector<16xf32>
      %lt3A_175 = arith.cmpf olt, %add3A_163, %broadcast_in_dim3A_174 : vector<16xf32>
      %convert_element_type3A_176 = arith.extui %lt3A_175 : vector<16xi1> to vector<16xi32>
      %add3A_177 = arith.addi %add3A_136, %convert_element_type3A_176 : vector<16xi32>
      %broadcast_in_dim3A_178 = arith.constant 5.000000e-01 : f32
      %broadcast_in_dim3A_179 = vector.broadcast %broadcast_in_dim3A_178 : f32 to vector<16xf32>
      %lt3A_180 = arith.cmpf olt, %add3A_162, %broadcast_in_dim3A_179 : vector<16xf32>
      %convert_element_type3A_181 = arith.extui %lt3A_180 : vector<16xi1> to vector<16xi32>
      %add3A_182 = arith.addi %add3A_141, %convert_element_type3A_181 : vector<16xi32>
      %broadcast_in_dim3A_183 = arith.constant 5.000000e-01 : f32
      %broadcast_in_dim3A_184 = vector.broadcast %broadcast_in_dim3A_183 : f32 to vector<16xf32>
      %lt3A_185 = arith.cmpf olt, %add3A_163, %broadcast_in_dim3A_184 : vector<16xf32>
      %convert_element_type3A_186 = arith.extui %lt3A_185 : vector<16xi1> to vector<16xi32>
      %add3A_187 = arith.addi %add3A_146, %convert_element_type3A_186 : vector<16xi32>
      %broadcast_in_dim3A_188 = arith.constant 7.500000e-01 : f32
      %broadcast_in_dim3A_189 = vector.broadcast %broadcast_in_dim3A_188 : f32 to vector<16xf32>
      %lt3A_190 = arith.cmpf olt, %add3A_162, %broadcast_in_dim3A_189 : vector<16xf32>
      %convert_element_type3A_191 = arith.extui %lt3A_190 : vector<16xi1> to vector<16xi32>
      %add3A_192 = arith.addi %add3A_151, %convert_element_type3A_191 : vector<16xi32>
      %broadcast_in_dim3A_193 = arith.constant 7.500000e-01 : f32
      %broadcast_in_dim3A_194 = vector.broadcast %broadcast_in_dim3A_193 : f32 to vector<16xf32>
      %lt3A_195 = arith.cmpf olt, %add3A_163, %broadcast_in_dim3A_194 : vector<16xf32>
      %convert_element_type3A_196 = arith.extui %lt3A_195 : vector<16xi1> to vector<16xi32>
      %add3A_197 = arith.addi %add3A_156, %convert_element_type3A_196 : vector<16xi32>
      %broadcast_in_dim3A_198 = arith.constant 3 : i32
      %broadcast_in_dim3A_199 = vector.broadcast %broadcast_in_dim3A_198 : i32 to vector<16xi32>
      %add3A_200 = arith.addi %mul3A_61, %broadcast_in_dim3A_199 : vector<16xi32>
      %gather3A_201 = tpu.vector_load_idx %arg5[%add3A_200] : memref<8192xf32, #tpu.memory_space<vmem>>[vector<16xi32>], vector<16xf32>,
      %gather3A_202 = tpu.vector_load_idx %arg6[%add3A_200] : memref<8192xf32, #tpu.memory_space<vmem>>[vector<16xi32>], vector<16xf32>,
      %add3A_203 = arith.addf %add3A_162, %gather3A_201 : vector<16xf32>
      %add3A_204 = arith.addf %add3A_163, %gather3A_202 : vector<16xf32>
      %swap3A_205 = arith.constant 48 : index
      %swap3A_206 = tpu.vector_load %arg7[%swap3A_205] {strides = array<i32>} : memref<256xf32, #tpu.memory_space<vmem>>, vector<16xf32>,
      tpu.vector_store %arg7[%swap3A_205], %add3A_203 {strides = array<i32>} : memref<256xf32, #tpu.memory_space<vmem>>, vector<16xf32>,
      %swap3A_207 = arith.constant 48 : index
      %swap3A_208 = tpu.vector_load %arg8[%swap3A_207] {strides = array<i32>} : memref<256xf32, #tpu.memory_space<vmem>>, vector<16xf32>,
      tpu.vector_store %arg8[%swap3A_207], %add3A_204 {strides = array<i32>} : memref<256xf32, #tpu.memory_space<vmem>>, vector<16xf32>,
      %broadcast_in_dim3A_209 = arith.constant 2.500000e-01 : f32
      %broadcast_in_dim3A_210 = vector.broadcast %broadcast_in_dim3A_209 : f32 to vector<16xf32>
      %lt3A_211 = arith.cmpf olt, %add3A_203, %broadcast_in_dim3A_210 : vector<16xf32>
      %convert_element_type3A_212 = arith.extui %lt3A_211 : vector<16xi1> to vector<16xi32>
      %add3A_213 = arith.addi %add3A_172, %convert_element_type3A_212 : vector<16xi32>
      %broadcast_in_dim3A_214 = arith.constant 2.500000e-01 : f32
      %broadcast_in_dim3A_215 = vector.broadcast %broadcast_in_dim3A_214 : f32 to vector<16xf32>
      %lt3A_216 = arith.cmpf olt, %add3A_204, %broadcast_in_dim3A_215 : vector<16xf32>
      %convert_element_type3A_217 = arith.extui %lt3A_216 : vector<16xi1> to vector<16xi32>
      %add3A_218 = arith.addi %add3A_177, %convert_element_type3A_217 : vector<16xi32>
      %broadcast_in_dim3A_219 = arith.constant 5.000000e-01 : f32
      %broadcast_in_dim3A_220 = vector.broadcast %broadcast_in_dim3A_219 : f32 to vector<16xf32>
      %lt3A_221 = arith.cmpf olt, %add3A_203, %broadcast_in_dim3A_220 : vector<16xf32>
      %convert_element_type3A_222 = arith.extui %lt3A_221 : vector<16xi1> to vector<16xi32>
      %add3A_223 = arith.addi %add3A_182, %convert_element_type3A_222 : vector<16xi32>
      %broadcast_in_dim3A_224 = arith.constant 5.000000e-01 : f32
      %broadcast_in_dim3A_225 = vector.broadcast %broadcast_in_dim3A_224 : f32 to vector<16xf32>
      %lt3A_226 = arith.cmpf olt, %add3A_204, %broadcast_in_dim3A_225 : vector<16xf32>
      %convert_element_type3A_227 = arith.extui %lt3A_226 : vector<16xi1> to vector<16xi32>
      %add3A_228 = arith.addi %add3A_187, %convert_element_type3A_227 : vector<16xi32>
      %broadcast_in_dim3A_229 = arith.constant 7.500000e-01 : f32
      %broadcast_in_dim3A_230 = vector.broadcast %broadcast_in_dim3A_229 : f32 to vector<16xf32>
      %lt3A_231 = arith.cmpf olt, %add3A_203, %broadcast_in_dim3A_230 : vector<16xf32>
      %convert_element_type3A_232 = arith.extui %lt3A_231 : vector<16xi1> to vector<16xi32>
      %add3A_233 = arith.addi %add3A_192, %convert_element_type3A_232 : vector<16xi32>
      %broadcast_in_dim3A_234 = arith.constant 7.500000e-01 : f32
      %broadcast_in_dim3A_235 = vector.broadcast %broadcast_in_dim3A_234 : f32 to vector<16xf32>
      %lt3A_236 = arith.cmpf olt, %add3A_204, %broadcast_in_dim3A_235 : vector<16xf32>
      %convert_element_type3A_237 = arith.extui %lt3A_236 : vector<16xi1> to vector<16xi32>
      %add3A_238 = arith.addi %add3A_197, %convert_element_type3A_237 : vector<16xi32>
      %broadcast_in_dim3A_239 = arith.constant 4 : i32
      %broadcast_in_dim3A_240 = vector.broadcast %broadcast_in_dim3A_239 : i32 to vector<16xi32>
      %add3A_241 = arith.addi %mul3A_61, %broadcast_in_dim3A_240 : vector<16xi32>
      %gather3A_242 = tpu.vector_load_idx %arg5[%add3A_241] : memref<8192xf32, #tpu.memory_space<vmem>>[vector<16xi32>], vector<16xf32>,
      %gather3A_243 = tpu.vector_load_idx %arg6[%add3A_241] : memref<8192xf32, #tpu.memory_space<vmem>>[vector<16xi32>], vector<16xf32>,
      %add3A_244 = arith.addf %add3A_203, %gather3A_242 : vector<16xf32>
      %add3A_245 = arith.addf %add3A_204, %gather3A_243 : vector<16xf32>
      %swap3A_246 = arith.constant 64 : index
      %swap3A_247 = tpu.vector_load %arg7[%swap3A_246] {strides = array<i32>} : memref<256xf32, #tpu.memory_space<vmem>>, vector<16xf32>,
      tpu.vector_store %arg7[%swap3A_246], %add3A_244 {strides = array<i32>} : memref<256xf32, #tpu.memory_space<vmem>>, vector<16xf32>,
      %swap3A_248 = arith.constant 64 : index
      %swap3A_249 = tpu.vector_load %arg8[%swap3A_248] {strides = array<i32>} : memref<256xf32, #tpu.memory_space<vmem>>, vector<16xf32>,
      tpu.vector_store %arg8[%swap3A_248], %add3A_245 {strides = array<i32>} : memref<256xf32, #tpu.memory_space<vmem>>, vector<16xf32>,
      %broadcast_in_dim3A_250 = arith.constant 2.500000e-01 : f32
      %broadcast_in_dim3A_251 = vector.broadcast %broadcast_in_dim3A_250 : f32 to vector<16xf32>
      %lt3A_252 = arith.cmpf olt, %add3A_244, %broadcast_in_dim3A_251 : vector<16xf32>
      %convert_element_type3A_253 = arith.extui %lt3A_252 : vector<16xi1> to vector<16xi32>
      %add3A_254 = arith.addi %add3A_213, %convert_element_type3A_253 : vector<16xi32>
      %broadcast_in_dim3A_255 = arith.constant 2.500000e-01 : f32
      %broadcast_in_dim3A_256 = vector.broadcast %broadcast_in_dim3A_255 : f32 to vector<16xf32>
      %lt3A_257 = arith.cmpf olt, %add3A_245, %broadcast_in_dim3A_256 : vector<16xf32>
      %convert_element_type3A_258 = arith.extui %lt3A_257 : vector<16xi1> to vector<16xi32>
      %add3A_259 = arith.addi %add3A_218, %convert_element_type3A_258 : vector<16xi32>
      %broadcast_in_dim3A_260 = arith.constant 5.000000e-01 : f32
      %broadcast_in_dim3A_261 = vector.broadcast %broadcast_in_dim3A_260 : f32 to vector<16xf32>
      %lt3A_262 = arith.cmpf olt, %add3A_244, %broadcast_in_dim3A_261 : vector<16xf32>
      %convert_element_type3A_263 = arith.extui %lt3A_262 : vector<16xi1> to vector<16xi32>
      %add3A_264 = arith.addi %add3A_223, %convert_element_type3A_263 : vector<16xi32>
      %broadcast_in_dim3A_265 = arith.constant 5.000000e-01 : f32
      %broadcast_in_dim3A_266 = vector.broadcast %broadcast_in_dim3A_265 : f32 to vector<16xf32>
      %lt3A_267 = arith.cmpf olt, %add3A_245, %broadcast_in_dim3A_266 : vector<16xf32>
      %convert_element_type3A_268 = arith.extui %lt3A_267 : vector<16xi1> to vector<16xi32>
      %add3A_269 = arith.addi %add3A_228, %convert_element_type3A_268 : vector<16xi32>
      %broadcast_in_dim3A_270 = arith.constant 7.500000e-01 : f32
      %broadcast_in_dim3A_271 = vector.broadcast %broadcast_in_dim3A_270 : f32 to vector<16xf32>
      %lt3A_272 = arith.cmpf olt, %add3A_244, %broadcast_in_dim3A_271 : vector<16xf32>
      %convert_element_type3A_273 = arith.extui %lt3A_272 : vector<16xi1> to vector<16xi32>
      %add3A_274 = arith.addi %add3A_233, %convert_element_type3A_273 : vector<16xi32>
      %broadcast_in_dim3A_275 = arith.constant 7.500000e-01 : f32
      %broadcast_in_dim3A_276 = vector.broadcast %broadcast_in_dim3A_275 : f32 to vector<16xf32>
      %lt3A_277 = arith.cmpf olt, %add3A_245, %broadcast_in_dim3A_276 : vector<16xf32>
      %convert_element_type3A_278 = arith.extui %lt3A_277 : vector<16xi1> to vector<16xi32>
      %add3A_279 = arith.addi %add3A_238, %convert_element_type3A_278 : vector<16xi32>
      %broadcast_in_dim3A_280 = arith.constant 5 : i32
      %broadcast_in_dim3A_281 = vector.broadcast %broadcast_in_dim3A_280 : i32 to vector<16xi32>
      %add3A_282 = arith.addi %mul3A_61, %broadcast_in_dim3A_281 : vector<16xi32>
      %gather3A_283 = tpu.vector_load_idx %arg5[%add3A_282] : memref<8192xf32, #tpu.memory_space<vmem>>[vector<16xi32>], vector<16xf32>,
      %gather3A_284 = tpu.vector_load_idx %arg6[%add3A_282] : memref<8192xf32, #tpu.memory_space<vmem>>[vector<16xi32>], vector<16xf32>,
      %add3A_285 = arith.addf %add3A_244, %gather3A_283 : vector<16xf32>
      %add3A_286 = arith.addf %add3A_245, %gather3A_284 : vector<16xf32>
      %swap3A_287 = arith.constant 80 : index
      %swap3A_288 = tpu.vector_load %arg7[%swap3A_287] {strides = array<i32>} : memref<256xf32, #tpu.memory_space<vmem>>, vector<16xf32>,
      tpu.vector_store %arg7[%swap3A_287], %add3A_285 {strides = array<i32>} : memref<256xf32, #tpu.memory_space<vmem>>, vector<16xf32>,
      %swap3A_289 = arith.constant 80 : index
      %swap3A_290 = tpu.vector_load %arg8[%swap3A_289] {strides = array<i32>} : memref<256xf32, #tpu.memory_space<vmem>>, vector<16xf32>,
      tpu.vector_store %arg8[%swap3A_289], %add3A_286 {strides = array<i32>} : memref<256xf32, #tpu.memory_space<vmem>>, vector<16xf32>,
      %broadcast_in_dim3A_291 = arith.constant 2.500000e-01 : f32
      %broadcast_in_dim3A_292 = vector.broadcast %broadcast_in_dim3A_291 : f32 to vector<16xf32>
      %lt3A_293 = arith.cmpf olt, %add3A_285, %broadcast_in_dim3A_292 : vector<16xf32>
      %convert_element_type3A_294 = arith.extui %lt3A_293 : vector<16xi1> to vector<16xi32>
      %add3A_295 = arith.addi %add3A_254, %convert_element_type3A_294 : vector<16xi32>
      %broadcast_in_dim3A_296 = arith.constant 2.500000e-01 : f32
      %broadcast_in_dim3A_297 = vector.broadcast %broadcast_in_dim3A_296 : f32 to vector<16xf32>
      %lt3A_298 = arith.cmpf olt, %add3A_286, %broadcast_in_dim3A_297 : vector<16xf32>
      %convert_element_type3A_299 = arith.extui %lt3A_298 : vector<16xi1> to vector<16xi32>
      %add3A_300 = arith.addi %add3A_259, %convert_element_type3A_299 : vector<16xi32>
      %broadcast_in_dim3A_301 = arith.constant 5.000000e-01 : f32
      %broadcast_in_dim3A_302 = vector.broadcast %broadcast_in_dim3A_301 : f32 to vector<16xf32>
      %lt3A_303 = arith.cmpf olt, %add3A_285, %broadcast_in_dim3A_302 : vector<16xf32>
      %convert_element_type3A_304 = arith.extui %lt3A_303 : vector<16xi1> to vector<16xi32>
      %add3A_305 = arith.addi %add3A_264, %convert_element_type3A_304 : vector<16xi32>
      %broadcast_in_dim3A_306 = arith.constant 5.000000e-01 : f32
      %broadcast_in_dim3A_307 = vector.broadcast %broadcast_in_dim3A_306 : f32 to vector<16xf32>
      %lt3A_308 = arith.cmpf olt, %add3A_286, %broadcast_in_dim3A_307 : vector<16xf32>
      %convert_element_type3A_309 = arith.extui %lt3A_308 : vector<16xi1> to vector<16xi32>
      %add3A_310 = arith.addi %add3A_269, %convert_element_type3A_309 : vector<16xi32>
      %broadcast_in_dim3A_311 = arith.constant 7.500000e-01 : f32
      %broadcast_in_dim3A_312 = vector.broadcast %broadcast_in_dim3A_311 : f32 to vector<16xf32>
      %lt3A_313 = arith.cmpf olt, %add3A_285, %broadcast_in_dim3A_312 : vector<16xf32>
      %convert_element_type3A_314 = arith.extui %lt3A_313 : vector<16xi1> to vector<16xi32>
      %add3A_315 = arith.addi %add3A_274, %convert_element_type3A_314 : vector<16xi32>
      %broadcast_in_dim3A_316 = arith.constant 7.500000e-01 : f32
      %broadcast_in_dim3A_317 = vector.broadcast %broadcast_in_dim3A_316 : f32 to vector<16xf32>
      %lt3A_318 = arith.cmpf olt, %add3A_286, %broadcast_in_dim3A_317 : vector<16xf32>
      %convert_element_type3A_319 = arith.extui %lt3A_318 : vector<16xi1> to vector<16xi32>
      %add3A_320 = arith.addi %add3A_279, %convert_element_type3A_319 : vector<16xi32>
      %broadcast_in_dim3A_321 = arith.constant 6 : i32
      %broadcast_in_dim3A_322 = vector.broadcast %broadcast_in_dim3A_321 : i32 to vector<16xi32>
      %add3A_323 = arith.addi %mul3A_61, %broadcast_in_dim3A_322 : vector<16xi32>
      %gather3A_324 = tpu.vector_load_idx %arg5[%add3A_323] : memref<8192xf32, #tpu.memory_space<vmem>>[vector<16xi32>], vector<16xf32>,
      %gather3A_325 = tpu.vector_load_idx %arg6[%add3A_323] : memref<8192xf32, #tpu.memory_space<vmem>>[vector<16xi32>], vector<16xf32>,
      %add3A_326 = arith.addf %add3A_285, %gather3A_324 : vector<16xf32>
      %add3A_327 = arith.addf %add3A_286, %gather3A_325 : vector<16xf32>
      %swap3A_328 = arith.constant 96 : index
      %swap3A_329 = tpu.vector_load %arg7[%swap3A_328] {strides = array<i32>} : memref<256xf32, #tpu.memory_space<vmem>>, vector<16xf32>,
      tpu.vector_store %arg7[%swap3A_328], %add3A_326 {strides = array<i32>} : memref<256xf32, #tpu.memory_space<vmem>>, vector<16xf32>,
      %swap3A_330 = arith.constant 96 : index
      %swap3A_331 = tpu.vector_load %arg8[%swap3A_330] {strides = array<i32>} : memref<256xf32, #tpu.memory_space<vmem>>, vector<16xf32>,
      tpu.vector_store %arg8[%swap3A_330], %add3A_327 {strides = array<i32>} : memref<256xf32, #tpu.memory_space<vmem>>, vector<16xf32>,
      %broadcast_in_dim3A_332 = arith.constant 2.500000e-01 : f32
      %broadcast_in_dim3A_333 = vector.broadcast %broadcast_in_dim3A_332 : f32 to vector<16xf32>
      %lt3A_334 = arith.cmpf olt, %add3A_326, %broadcast_in_dim3A_333 : vector<16xf32>
      %convert_element_type3A_335 = arith.extui %lt3A_334 : vector<16xi1> to vector<16xi32>
      %add3A_336 = arith.addi %add3A_295, %convert_element_type3A_335 : vector<16xi32>
      %broadcast_in_dim3A_337 = arith.constant 2.500000e-01 : f32
      %broadcast_in_dim3A_338 = vector.broadcast %broadcast_in_dim3A_337 : f32 to vector<16xf32>
      %lt3A_339 = arith.cmpf olt, %add3A_327, %broadcast_in_dim3A_338 : vector<16xf32>
      %convert_element_type3A_340 = arith.extui %lt3A_339 : vector<16xi1> to vector<16xi32>
      %add3A_341 = arith.addi %add3A_300, %convert_element_type3A_340 : vector<16xi32>
      %broadcast_in_dim3A_342 = arith.constant 5.000000e-01 : f32
      %broadcast_in_dim3A_343 = vector.broadcast %broadcast_in_dim3A_342 : f32 to vector<16xf32>
      %lt3A_344 = arith.cmpf olt, %add3A_326, %broadcast_in_dim3A_343 : vector<16xf32>
      %convert_element_type3A_345 = arith.extui %lt3A_344 : vector<16xi1> to vector<16xi32>
      %add3A_346 = arith.addi %add3A_305, %convert_element_type3A_345 : vector<16xi32>
      %broadcast_in_dim3A_347 = arith.constant 5.000000e-01 : f32
      %broadcast_in_dim3A_348 = vector.broadcast %broadcast_in_dim3A_347 : f32 to vector<16xf32>
      %lt3A_349 = arith.cmpf olt, %add3A_327, %broadcast_in_dim3A_348 : vector<16xf32>
      %convert_element_type3A_350 = arith.extui %lt3A_349 : vector<16xi1> to vector<16xi32>
      %add3A_351 = arith.addi %add3A_310, %convert_element_type3A_350 : vector<16xi32>
      %broadcast_in_dim3A_352 = arith.constant 7.500000e-01 : f32
      %broadcast_in_dim3A_353 = vector.broadcast %broadcast_in_dim3A_352 : f32 to vector<16xf32>
      %lt3A_354 = arith.cmpf olt, %add3A_326, %broadcast_in_dim3A_353 : vector<16xf32>
      %convert_element_type3A_355 = arith.extui %lt3A_354 : vector<16xi1> to vector<16xi32>
      %add3A_356 = arith.addi %add3A_315, %convert_element_type3A_355 : vector<16xi32>
      %broadcast_in_dim3A_357 = arith.constant 7.500000e-01 : f32
      %broadcast_in_dim3A_358 = vector.broadcast %broadcast_in_dim3A_357 : f32 to vector<16xf32>
      %lt3A_359 = arith.cmpf olt, %add3A_327, %broadcast_in_dim3A_358 : vector<16xf32>
      %convert_element_type3A_360 = arith.extui %lt3A_359 : vector<16xi1> to vector<16xi32>
      %add3A_361 = arith.addi %add3A_320, %convert_element_type3A_360 : vector<16xi32>
      %broadcast_in_dim3A_362 = arith.constant 7 : i32
      %broadcast_in_dim3A_363 = vector.broadcast %broadcast_in_dim3A_362 : i32 to vector<16xi32>
      %add3A_364 = arith.addi %mul3A_61, %broadcast_in_dim3A_363 : vector<16xi32>
      %gather3A_365 = tpu.vector_load_idx %arg5[%add3A_364] : memref<8192xf32, #tpu.memory_space<vmem>>[vector<16xi32>], vector<16xf32>,
      %gather3A_366 = tpu.vector_load_idx %arg6[%add3A_364] : memref<8192xf32, #tpu.memory_space<vmem>>[vector<16xi32>], vector<16xf32>,
      %add3A_367 = arith.addf %add3A_326, %gather3A_365 : vector<16xf32>
      %add3A_368 = arith.addf %add3A_327, %gather3A_366 : vector<16xf32>
      %swap3A_369 = arith.constant 112 : index
      %swap3A_370 = tpu.vector_load %arg7[%swap3A_369] {strides = array<i32>} : memref<256xf32, #tpu.memory_space<vmem>>, vector<16xf32>,
      tpu.vector_store %arg7[%swap3A_369], %add3A_367 {strides = array<i32>} : memref<256xf32, #tpu.memory_space<vmem>>, vector<16xf32>,
      %swap3A_371 = arith.constant 112 : index
      %swap3A_372 = tpu.vector_load %arg8[%swap3A_371] {strides = array<i32>} : memref<256xf32, #tpu.memory_space<vmem>>, vector<16xf32>,
      tpu.vector_store %arg8[%swap3A_371], %add3A_368 {strides = array<i32>} : memref<256xf32, #tpu.memory_space<vmem>>, vector<16xf32>,
      %broadcast_in_dim3A_373 = arith.constant 2.500000e-01 : f32
      %broadcast_in_dim3A_374 = vector.broadcast %broadcast_in_dim3A_373 : f32 to vector<16xf32>
      %lt3A_375 = arith.cmpf olt, %add3A_367, %broadcast_in_dim3A_374 : vector<16xf32>
      %convert_element_type3A_376 = arith.extui %lt3A_375 : vector<16xi1> to vector<16xi32>
      %add3A_377 = arith.addi %add3A_336, %convert_element_type3A_376 : vector<16xi32>
      %broadcast_in_dim3A_378 = arith.constant 2.500000e-01 : f32
      %broadcast_in_dim3A_379 = vector.broadcast %broadcast_in_dim3A_378 : f32 to vector<16xf32>
      %lt3A_380 = arith.cmpf olt, %add3A_368, %broadcast_in_dim3A_379 : vector<16xf32>
      %convert_element_type3A_381 = arith.extui %lt3A_380 : vector<16xi1> to vector<16xi32>
      %add3A_382 = arith.addi %add3A_341, %convert_element_type3A_381 : vector<16xi32>
      %broadcast_in_dim3A_383 = arith.constant 5.000000e-01 : f32
      %broadcast_in_dim3A_384 = vector.broadcast %broadcast_in_dim3A_383 : f32 to vector<16xf32>
      %lt3A_385 = arith.cmpf olt, %add3A_367, %broadcast_in_dim3A_384 : vector<16xf32>
      %convert_element_type3A_386 = arith.extui %lt3A_385 : vector<16xi1> to vector<16xi32>
      %add3A_387 = arith.addi %add3A_346, %convert_element_type3A_386 : vector<16xi32>
      %broadcast_in_dim3A_388 = arith.constant 5.000000e-01 : f32
      %broadcast_in_dim3A_389 = vector.broadcast %broadcast_in_dim3A_388 : f32 to vector<16xf32>
      %lt3A_390 = arith.cmpf olt, %add3A_368, %broadcast_in_dim3A_389 : vector<16xf32>
      %convert_element_type3A_391 = arith.extui %lt3A_390 : vector<16xi1> to vector<16xi32>
      %add3A_392 = arith.addi %add3A_351, %convert_element_type3A_391 : vector<16xi32>
      %broadcast_in_dim3A_393 = arith.constant 7.500000e-01 : f32
      %broadcast_in_dim3A_394 = vector.broadcast %broadcast_in_dim3A_393 : f32 to vector<16xf32>
      %lt3A_395 = arith.cmpf olt, %add3A_367, %broadcast_in_dim3A_394 : vector<16xf32>
      %convert_element_type3A_396 = arith.extui %lt3A_395 : vector<16xi1> to vector<16xi32>
      %add3A_397 = arith.addi %add3A_356, %convert_element_type3A_396 : vector<16xi32>
      %broadcast_in_dim3A_398 = arith.constant 7.500000e-01 : f32
      %broadcast_in_dim3A_399 = vector.broadcast %broadcast_in_dim3A_398 : f32 to vector<16xf32>
      %lt3A_400 = arith.cmpf olt, %add3A_368, %broadcast_in_dim3A_399 : vector<16xf32>
      %convert_element_type3A_401 = arith.extui %lt3A_400 : vector<16xi1> to vector<16xi32>
      %add3A_402 = arith.addi %add3A_361, %convert_element_type3A_401 : vector<16xi32>
      %broadcast_in_dim3A_403 = arith.constant 8 : i32
      %broadcast_in_dim3A_404 = vector.broadcast %broadcast_in_dim3A_403 : i32 to vector<16xi32>
      %add3A_405 = arith.addi %mul3A_61, %broadcast_in_dim3A_404 : vector<16xi32>
      %gather3A_406 = tpu.vector_load_idx %arg5[%add3A_405] : memref<8192xf32, #tpu.memory_space<vmem>>[vector<16xi32>], vector<16xf32>,
      %gather3A_407 = tpu.vector_load_idx %arg6[%add3A_405] : memref<8192xf32, #tpu.memory_space<vmem>>[vector<16xi32>], vector<16xf32>,
      %add3A_408 = arith.addf %add3A_367, %gather3A_406 : vector<16xf32>
      %add3A_409 = arith.addf %add3A_368, %gather3A_407 : vector<16xf32>
      %swap3A_410 = arith.constant 128 : index
      %swap3A_411 = tpu.vector_load %arg7[%swap3A_410] {strides = array<i32>} : memref<256xf32, #tpu.memory_space<vmem>>, vector<16xf32>,
      tpu.vector_store %arg7[%swap3A_410], %add3A_408 {strides = array<i32>} : memref<256xf32, #tpu.memory_space<vmem>>, vector<16xf32>,
      %swap3A_412 = arith.constant 128 : index
      %swap3A_413 = tpu.vector_load %arg8[%swap3A_412] {strides = array<i32>} : memref<256xf32, #tpu.memory_space<vmem>>, vector<16xf32>,
      tpu.vector_store %arg8[%swap3A_412], %add3A_409 {strides = array<i32>} : memref<256xf32, #tpu.memory_space<vmem>>, vector<16xf32>,
      %broadcast_in_dim3A_414 = arith.constant 2.500000e-01 : f32
      %broadcast_in_dim3A_415 = vector.broadcast %broadcast_in_dim3A_414 : f32 to vector<16xf32>
      %lt3A_416 = arith.cmpf olt, %add3A_408, %broadcast_in_dim3A_415 : vector<16xf32>
      %convert_element_type3A_417 = arith.extui %lt3A_416 : vector<16xi1> to vector<16xi32>
      %add3A_418 = arith.addi %add3A_377, %convert_element_type3A_417 : vector<16xi32>
      %broadcast_in_dim3A_419 = arith.constant 2.500000e-01 : f32
      %broadcast_in_dim3A_420 = vector.broadcast %broadcast_in_dim3A_419 : f32 to vector<16xf32>
      %lt3A_421 = arith.cmpf olt, %add3A_409, %broadcast_in_dim3A_420 : vector<16xf32>
      %convert_element_type3A_422 = arith.extui %lt3A_421 : vector<16xi1> to vector<16xi32>
      %add3A_423 = arith.addi %add3A_382, %convert_element_type3A_422 : vector<16xi32>
      %broadcast_in_dim3A_424 = arith.constant 5.000000e-01 : f32
      %broadcast_in_dim3A_425 = vector.broadcast %broadcast_in_dim3A_424 : f32 to vector<16xf32>
      %lt3A_426 = arith.cmpf olt, %add3A_408, %broadcast_in_dim3A_425 : vector<16xf32>
      %convert_element_type3A_427 = arith.extui %lt3A_426 : vector<16xi1> to vector<16xi32>
      %add3A_428 = arith.addi %add3A_387, %convert_element_type3A_427 : vector<16xi32>
      %broadcast_in_dim3A_429 = arith.constant 5.000000e-01 : f32
      %broadcast_in_dim3A_430 = vector.broadcast %broadcast_in_dim3A_429 : f32 to vector<16xf32>
      %lt3A_431 = arith.cmpf olt, %add3A_409, %broadcast_in_dim3A_430 : vector<16xf32>
      %convert_element_type3A_432 = arith.extui %lt3A_431 : vector<16xi1> to vector<16xi32>
      %add3A_433 = arith.addi %add3A_392, %convert_element_type3A_432 : vector<16xi32>
      %broadcast_in_dim3A_434 = arith.constant 7.500000e-01 : f32
      %broadcast_in_dim3A_435 = vector.broadcast %broadcast_in_dim3A_434 : f32 to vector<16xf32>
      %lt3A_436 = arith.cmpf olt, %add3A_408, %broadcast_in_dim3A_435 : vector<16xf32>
      %convert_element_type3A_437 = arith.extui %lt3A_436 : vector<16xi1> to vector<16xi32>
      %add3A_438 = arith.addi %add3A_397, %convert_element_type3A_437 : vector<16xi32>
      %broadcast_in_dim3A_439 = arith.constant 7.500000e-01 : f32
      %broadcast_in_dim3A_440 = vector.broadcast %broadcast_in_dim3A_439 : f32 to vector<16xf32>
      %lt3A_441 = arith.cmpf olt, %add3A_409, %broadcast_in_dim3A_440 : vector<16xf32>
      %convert_element_type3A_442 = arith.extui %lt3A_441 : vector<16xi1> to vector<16xi32>
      %add3A_443 = arith.addi %add3A_402, %convert_element_type3A_442 : vector<16xi32>
      %broadcast_in_dim3A_444 = arith.constant 9 : i32
      %broadcast_in_dim3A_445 = vector.broadcast %broadcast_in_dim3A_444 : i32 to vector<16xi32>
      %add3A_446 = arith.addi %mul3A_61, %broadcast_in_dim3A_445 : vector<16xi32>
      %gather3A_447 = tpu.vector_load_idx %arg5[%add3A_446] : memref<8192xf32, #tpu.memory_space<vmem>>[vector<16xi32>], vector<16xf32>,
      %gather3A_448 = tpu.vector_load_idx %arg6[%add3A_446] : memref<8192xf32, #tpu.memory_space<vmem>>[vector<16xi32>], vector<16xf32>,
      %add3A_449 = arith.addf %add3A_408, %gather3A_447 : vector<16xf32>
      %add3A_450 = arith.addf %add3A_409, %gather3A_448 : vector<16xf32>
      %swap3A_451 = arith.constant 144 : index
      %swap3A_452 = tpu.vector_load %arg7[%swap3A_451] {strides = array<i32>} : memref<256xf32, #tpu.memory_space<vmem>>, vector<16xf32>,
      tpu.vector_store %arg7[%swap3A_451], %add3A_449 {strides = array<i32>} : memref<256xf32, #tpu.memory_space<vmem>>, vector<16xf32>,
      %swap3A_453 = arith.constant 144 : index
      %swap3A_454 = tpu.vector_load %arg8[%swap3A_453] {strides = array<i32>} : memref<256xf32, #tpu.memory_space<vmem>>, vector<16xf32>,
      tpu.vector_store %arg8[%swap3A_453], %add3A_450 {strides = array<i32>} : memref<256xf32, #tpu.memory_space<vmem>>, vector<16xf32>,
      %broadcast_in_dim3A_455 = arith.constant 2.500000e-01 : f32
      %broadcast_in_dim3A_456 = vector.broadcast %broadcast_in_dim3A_455 : f32 to vector<16xf32>
      %lt3A_457 = arith.cmpf olt, %add3A_449, %broadcast_in_dim3A_456 : vector<16xf32>
      %convert_element_type3A_458 = arith.extui %lt3A_457 : vector<16xi1> to vector<16xi32>
      %add3A_459 = arith.addi %add3A_418, %convert_element_type3A_458 : vector<16xi32>
      %broadcast_in_dim3A_460 = arith.constant 2.500000e-01 : f32
      %broadcast_in_dim3A_461 = vector.broadcast %broadcast_in_dim3A_460 : f32 to vector<16xf32>
      %lt3A_462 = arith.cmpf olt, %add3A_450, %broadcast_in_dim3A_461 : vector<16xf32>
      %convert_element_type3A_463 = arith.extui %lt3A_462 : vector<16xi1> to vector<16xi32>
      %add3A_464 = arith.addi %add3A_423, %convert_element_type3A_463 : vector<16xi32>
      %broadcast_in_dim3A_465 = arith.constant 5.000000e-01 : f32
      %broadcast_in_dim3A_466 = vector.broadcast %broadcast_in_dim3A_465 : f32 to vector<16xf32>
      %lt3A_467 = arith.cmpf olt, %add3A_449, %broadcast_in_dim3A_466 : vector<16xf32>
      %convert_element_type3A_468 = arith.extui %lt3A_467 : vector<16xi1> to vector<16xi32>
      %add3A_469 = arith.addi %add3A_428, %convert_element_type3A_468 : vector<16xi32>
      %broadcast_in_dim3A_470 = arith.constant 5.000000e-01 : f32
      %broadcast_in_dim3A_471 = vector.broadcast %broadcast_in_dim3A_470 : f32 to vector<16xf32>
      %lt3A_472 = arith.cmpf olt, %add3A_450, %broadcast_in_dim3A_471 : vector<16xf32>
      %convert_element_type3A_473 = arith.extui %lt3A_472 : vector<16xi1> to vector<16xi32>
      %add3A_474 = arith.addi %add3A_433, %convert_element_type3A_473 : vector<16xi32>
      %broadcast_in_dim3A_475 = arith.constant 7.500000e-01 : f32
      %broadcast_in_dim3A_476 = vector.broadcast %broadcast_in_dim3A_475 : f32 to vector<16xf32>
      %lt3A_477 = arith.cmpf olt, %add3A_449, %broadcast_in_dim3A_476 : vector<16xf32>
      %convert_element_type3A_478 = arith.extui %lt3A_477 : vector<16xi1> to vector<16xi32>
      %add3A_479 = arith.addi %add3A_438, %convert_element_type3A_478 : vector<16xi32>
      %broadcast_in_dim3A_480 = arith.constant 7.500000e-01 : f32
      %broadcast_in_dim3A_481 = vector.broadcast %broadcast_in_dim3A_480 : f32 to vector<16xf32>
      %lt3A_482 = arith.cmpf olt, %add3A_450, %broadcast_in_dim3A_481 : vector<16xf32>
      %convert_element_type3A_483 = arith.extui %lt3A_482 : vector<16xi1> to vector<16xi32>
      %add3A_484 = arith.addi %add3A_443, %convert_element_type3A_483 : vector<16xi32>
      %broadcast_in_dim3A_485 = arith.constant 10 : i32
      %broadcast_in_dim3A_486 = vector.broadcast %broadcast_in_dim3A_485 : i32 to vector<16xi32>
      %add3A_487 = arith.addi %mul3A_61, %broadcast_in_dim3A_486 : vector<16xi32>
      %gather3A_488 = tpu.vector_load_idx %arg5[%add3A_487] : memref<8192xf32, #tpu.memory_space<vmem>>[vector<16xi32>], vector<16xf32>,
      %gather3A_489 = tpu.vector_load_idx %arg6[%add3A_487] : memref<8192xf32, #tpu.memory_space<vmem>>[vector<16xi32>], vector<16xf32>,
      %add3A_490 = arith.addf %add3A_449, %gather3A_488 : vector<16xf32>
      %add3A_491 = arith.addf %add3A_450, %gather3A_489 : vector<16xf32>
      %swap3A_492 = arith.constant 160 : index
      %swap3A_493 = tpu.vector_load %arg7[%swap3A_492] {strides = array<i32>} : memref<256xf32, #tpu.memory_space<vmem>>, vector<16xf32>,
      tpu.vector_store %arg7[%swap3A_492], %add3A_490 {strides = array<i32>} : memref<256xf32, #tpu.memory_space<vmem>>, vector<16xf32>,
      %swap3A_494 = arith.constant 160 : index
      %swap3A_495 = tpu.vector_load %arg8[%swap3A_494] {strides = array<i32>} : memref<256xf32, #tpu.memory_space<vmem>>, vector<16xf32>,
      tpu.vector_store %arg8[%swap3A_494], %add3A_491 {strides = array<i32>} : memref<256xf32, #tpu.memory_space<vmem>>, vector<16xf32>,
      %broadcast_in_dim3A_496 = arith.constant 2.500000e-01 : f32
      %broadcast_in_dim3A_497 = vector.broadcast %broadcast_in_dim3A_496 : f32 to vector<16xf32>
      %lt3A_498 = arith.cmpf olt, %add3A_490, %broadcast_in_dim3A_497 : vector<16xf32>
      %convert_element_type3A_499 = arith.extui %lt3A_498 : vector<16xi1> to vector<16xi32>
      %add3A_500 = arith.addi %add3A_459, %convert_element_type3A_499 : vector<16xi32>
      %broadcast_in_dim3A_501 = arith.constant 2.500000e-01 : f32
      %broadcast_in_dim3A_502 = vector.broadcast %broadcast_in_dim3A_501 : f32 to vector<16xf32>
      %lt3A_503 = arith.cmpf olt, %add3A_491, %broadcast_in_dim3A_502 : vector<16xf32>
      %convert_element_type3A_504 = arith.extui %lt3A_503 : vector<16xi1> to vector<16xi32>
      %add3A_505 = arith.addi %add3A_464, %convert_element_type3A_504 : vector<16xi32>
      %broadcast_in_dim3A_506 = arith.constant 5.000000e-01 : f32
      %broadcast_in_dim3A_507 = vector.broadcast %broadcast_in_dim3A_506 : f32 to vector<16xf32>
      %lt3A_508 = arith.cmpf olt, %add3A_490, %broadcast_in_dim3A_507 : vector<16xf32>
      %convert_element_type3A_509 = arith.extui %lt3A_508 : vector<16xi1> to vector<16xi32>
      %add3A_510 = arith.addi %add3A_469, %convert_element_type3A_509 : vector<16xi32>
      %broadcast_in_dim3A_511 = arith.constant 5.000000e-01 : f32
      %broadcast_in_dim3A_512 = vector.broadcast %broadcast_in_dim3A_511 : f32 to vector<16xf32>
      %lt3A_513 = arith.cmpf olt, %add3A_491, %broadcast_in_dim3A_512 : vector<16xf32>
      %convert_element_type3A_514 = arith.extui %lt3A_513 : vector<16xi1> to vector<16xi32>
      %add3A_515 = arith.addi %add3A_474, %convert_element_type3A_514 : vector<16xi32>
      %broadcast_in_dim3A_516 = arith.constant 7.500000e-01 : f32
      %broadcast_in_dim3A_517 = vector.broadcast %broadcast_in_dim3A_516 : f32 to vector<16xf32>
      %lt3A_518 = arith.cmpf olt, %add3A_490, %broadcast_in_dim3A_517 : vector<16xf32>
      %convert_element_type3A_519 = arith.extui %lt3A_518 : vector<16xi1> to vector<16xi32>
      %add3A_520 = arith.addi %add3A_479, %convert_element_type3A_519 : vector<16xi32>
      %broadcast_in_dim3A_521 = arith.constant 7.500000e-01 : f32
      %broadcast_in_dim3A_522 = vector.broadcast %broadcast_in_dim3A_521 : f32 to vector<16xf32>
      %lt3A_523 = arith.cmpf olt, %add3A_491, %broadcast_in_dim3A_522 : vector<16xf32>
      %convert_element_type3A_524 = arith.extui %lt3A_523 : vector<16xi1> to vector<16xi32>
      %add3A_525 = arith.addi %add3A_484, %convert_element_type3A_524 : vector<16xi32>
      %broadcast_in_dim3A_526 = arith.constant 11 : i32
      %broadcast_in_dim3A_527 = vector.broadcast %broadcast_in_dim3A_526 : i32 to vector<16xi32>
      %add3A_528 = arith.addi %mul3A_61, %broadcast_in_dim3A_527 : vector<16xi32>
      %gather3A_529 = tpu.vector_load_idx %arg5[%add3A_528] : memref<8192xf32, #tpu.memory_space<vmem>>[vector<16xi32>], vector<16xf32>,
      %gather3A_530 = tpu.vector_load_idx %arg6[%add3A_528] : memref<8192xf32, #tpu.memory_space<vmem>>[vector<16xi32>], vector<16xf32>,
      %add3A_531 = arith.addf %add3A_490, %gather3A_529 : vector<16xf32>
      %add3A_532 = arith.addf %add3A_491, %gather3A_530 : vector<16xf32>
      %swap3A_533 = arith.constant 176 : index
      %swap3A_534 = tpu.vector_load %arg7[%swap3A_533] {strides = array<i32>} : memref<256xf32, #tpu.memory_space<vmem>>, vector<16xf32>,
      tpu.vector_store %arg7[%swap3A_533], %add3A_531 {strides = array<i32>} : memref<256xf32, #tpu.memory_space<vmem>>, vector<16xf32>,
      %swap3A_535 = arith.constant 176 : index
      %swap3A_536 = tpu.vector_load %arg8[%swap3A_535] {strides = array<i32>} : memref<256xf32, #tpu.memory_space<vmem>>, vector<16xf32>,
      tpu.vector_store %arg8[%swap3A_535], %add3A_532 {strides = array<i32>} : memref<256xf32, #tpu.memory_space<vmem>>, vector<16xf32>,
      %broadcast_in_dim3A_537 = arith.constant 2.500000e-01 : f32
      %broadcast_in_dim3A_538 = vector.broadcast %broadcast_in_dim3A_537 : f32 to vector<16xf32>
      %lt3A_539 = arith.cmpf olt, %add3A_531, %broadcast_in_dim3A_538 : vector<16xf32>
      %convert_element_type3A_540 = arith.extui %lt3A_539 : vector<16xi1> to vector<16xi32>
      %add3A_541 = arith.addi %add3A_500, %convert_element_type3A_540 : vector<16xi32>
      %broadcast_in_dim3A_542 = arith.constant 2.500000e-01 : f32
      %broadcast_in_dim3A_543 = vector.broadcast %broadcast_in_dim3A_542 : f32 to vector<16xf32>
      %lt3A_544 = arith.cmpf olt, %add3A_532, %broadcast_in_dim3A_543 : vector<16xf32>
      %convert_element_type3A_545 = arith.extui %lt3A_544 : vector<16xi1> to vector<16xi32>
      %add3A_546 = arith.addi %add3A_505, %convert_element_type3A_545 : vector<16xi32>
      %broadcast_in_dim3A_547 = arith.constant 5.000000e-01 : f32
      %broadcast_in_dim3A_548 = vector.broadcast %broadcast_in_dim3A_547 : f32 to vector<16xf32>
      %lt3A_549 = arith.cmpf olt, %add3A_531, %broadcast_in_dim3A_548 : vector<16xf32>
      %convert_element_type3A_550 = arith.extui %lt3A_549 : vector<16xi1> to vector<16xi32>
      %add3A_551 = arith.addi %add3A_510, %convert_element_type3A_550 : vector<16xi32>
      %broadcast_in_dim3A_552 = arith.constant 5.000000e-01 : f32
      %broadcast_in_dim3A_553 = vector.broadcast %broadcast_in_dim3A_552 : f32 to vector<16xf32>
      %lt3A_554 = arith.cmpf olt, %add3A_532, %broadcast_in_dim3A_553 : vector<16xf32>
      %convert_element_type3A_555 = arith.extui %lt3A_554 : vector<16xi1> to vector<16xi32>
      %add3A_556 = arith.addi %add3A_515, %convert_element_type3A_555 : vector<16xi32>
      %broadcast_in_dim3A_557 = arith.constant 7.500000e-01 : f32
      %broadcast_in_dim3A_558 = vector.broadcast %broadcast_in_dim3A_557 : f32 to vector<16xf32>
      %lt3A_559 = arith.cmpf olt, %add3A_531, %broadcast_in_dim3A_558 : vector<16xf32>
      %convert_element_type3A_560 = arith.extui %lt3A_559 : vector<16xi1> to vector<16xi32>
      %add3A_561 = arith.addi %add3A_520, %convert_element_type3A_560 : vector<16xi32>
      %broadcast_in_dim3A_562 = arith.constant 7.500000e-01 : f32
      %broadcast_in_dim3A_563 = vector.broadcast %broadcast_in_dim3A_562 : f32 to vector<16xf32>
      %lt3A_564 = arith.cmpf olt, %add3A_532, %broadcast_in_dim3A_563 : vector<16xf32>
      %convert_element_type3A_565 = arith.extui %lt3A_564 : vector<16xi1> to vector<16xi32>
      %add3A_566 = arith.addi %add3A_525, %convert_element_type3A_565 : vector<16xi32>
      %broadcast_in_dim3A_567 = arith.constant 12 : i32
      %broadcast_in_dim3A_568 = vector.broadcast %broadcast_in_dim3A_567 : i32 to vector<16xi32>
      %add3A_569 = arith.addi %mul3A_61, %broadcast_in_dim3A_568 : vector<16xi32>
      %gather3A_570 = tpu.vector_load_idx %arg5[%add3A_569] : memref<8192xf32, #tpu.memory_space<vmem>>[vector<16xi32>], vector<16xf32>,
      %gather3A_571 = tpu.vector_load_idx %arg6[%add3A_569] : memref<8192xf32, #tpu.memory_space<vmem>>[vector<16xi32>], vector<16xf32>,
      %add3A_572 = arith.addf %add3A_531, %gather3A_570 : vector<16xf32>
      %add3A_573 = arith.addf %add3A_532, %gather3A_571 : vector<16xf32>
      %swap3A_574 = arith.constant 192 : index
      %swap3A_575 = tpu.vector_load %arg7[%swap3A_574] {strides = array<i32>} : memref<256xf32, #tpu.memory_space<vmem>>, vector<16xf32>,
      tpu.vector_store %arg7[%swap3A_574], %add3A_572 {strides = array<i32>} : memref<256xf32, #tpu.memory_space<vmem>>, vector<16xf32>,
      %swap3A_576 = arith.constant 192 : index
      %swap3A_577 = tpu.vector_load %arg8[%swap3A_576] {strides = array<i32>} : memref<256xf32, #tpu.memory_space<vmem>>, vector<16xf32>,
      tpu.vector_store %arg8[%swap3A_576], %add3A_573 {strides = array<i32>} : memref<256xf32, #tpu.memory_space<vmem>>, vector<16xf32>,
      %broadcast_in_dim3A_578 = arith.constant 2.500000e-01 : f32
      %broadcast_in_dim3A_579 = vector.broadcast %broadcast_in_dim3A_578 : f32 to vector<16xf32>
      %lt3A_580 = arith.cmpf olt, %add3A_572, %broadcast_in_dim3A_579 : vector<16xf32>
      %convert_element_type3A_581 = arith.extui %lt3A_580 : vector<16xi1> to vector<16xi32>
      %add3A_582 = arith.addi %add3A_541, %convert_element_type3A_581 : vector<16xi32>
      %broadcast_in_dim3A_583 = arith.constant 2.500000e-01 : f32
      %broadcast_in_dim3A_584 = vector.broadcast %broadcast_in_dim3A_583 : f32 to vector<16xf32>
      %lt3A_585 = arith.cmpf olt, %add3A_573, %broadcast_in_dim3A_584 : vector<16xf32>
      %convert_element_type3A_586 = arith.extui %lt3A_585 : vector<16xi1> to vector<16xi32>
      %add3A_587 = arith.addi %add3A_546, %convert_element_type3A_586 : vector<16xi32>
      %broadcast_in_dim3A_588 = arith.constant 5.000000e-01 : f32
      %broadcast_in_dim3A_589 = vector.broadcast %broadcast_in_dim3A_588 : f32 to vector<16xf32>
      %lt3A_590 = arith.cmpf olt, %add3A_572, %broadcast_in_dim3A_589 : vector<16xf32>
      %convert_element_type3A_591 = arith.extui %lt3A_590 : vector<16xi1> to vector<16xi32>
      %add3A_592 = arith.addi %add3A_551, %convert_element_type3A_591 : vector<16xi32>
      %broadcast_in_dim3A_593 = arith.constant 5.000000e-01 : f32
      %broadcast_in_dim3A_594 = vector.broadcast %broadcast_in_dim3A_593 : f32 to vector<16xf32>
      %lt3A_595 = arith.cmpf olt, %add3A_573, %broadcast_in_dim3A_594 : vector<16xf32>
      %convert_element_type3A_596 = arith.extui %lt3A_595 : vector<16xi1> to vector<16xi32>
      %add3A_597 = arith.addi %add3A_556, %convert_element_type3A_596 : vector<16xi32>
      %broadcast_in_dim3A_598 = arith.constant 7.500000e-01 : f32
      %broadcast_in_dim3A_599 = vector.broadcast %broadcast_in_dim3A_598 : f32 to vector<16xf32>
      %lt3A_600 = arith.cmpf olt, %add3A_572, %broadcast_in_dim3A_599 : vector<16xf32>
      %convert_element_type3A_601 = arith.extui %lt3A_600 : vector<16xi1> to vector<16xi32>
      %add3A_602 = arith.addi %add3A_561, %convert_element_type3A_601 : vector<16xi32>
      %broadcast_in_dim3A_603 = arith.constant 7.500000e-01 : f32
      %broadcast_in_dim3A_604 = vector.broadcast %broadcast_in_dim3A_603 : f32 to vector<16xf32>
      %lt3A_605 = arith.cmpf olt, %add3A_573, %broadcast_in_dim3A_604 : vector<16xf32>
      %convert_element_type3A_606 = arith.extui %lt3A_605 : vector<16xi1> to vector<16xi32>
      %add3A_607 = arith.addi %add3A_566, %convert_element_type3A_606 : vector<16xi32>
      %broadcast_in_dim3A_608 = arith.constant 13 : i32
      %broadcast_in_dim3A_609 = vector.broadcast %broadcast_in_dim3A_608 : i32 to vector<16xi32>
      %add3A_610 = arith.addi %mul3A_61, %broadcast_in_dim3A_609 : vector<16xi32>
      %gather3A_611 = tpu.vector_load_idx %arg5[%add3A_610] : memref<8192xf32, #tpu.memory_space<vmem>>[vector<16xi32>], vector<16xf32>,
      %gather3A_612 = tpu.vector_load_idx %arg6[%add3A_610] : memref<8192xf32, #tpu.memory_space<vmem>>[vector<16xi32>], vector<16xf32>,
      %add3A_613 = arith.addf %add3A_572, %gather3A_611 : vector<16xf32>
      %add3A_614 = arith.addf %add3A_573, %gather3A_612 : vector<16xf32>
      %swap3A_615 = arith.constant 208 : index
      %swap3A_616 = tpu.vector_load %arg7[%swap3A_615] {strides = array<i32>} : memref<256xf32, #tpu.memory_space<vmem>>, vector<16xf32>,
      tpu.vector_store %arg7[%swap3A_615], %add3A_613 {strides = array<i32>} : memref<256xf32, #tpu.memory_space<vmem>>, vector<16xf32>,
      %swap3A_617 = arith.constant 208 : index
      %swap3A_618 = tpu.vector_load %arg8[%swap3A_617] {strides = array<i32>} : memref<256xf32, #tpu.memory_space<vmem>>, vector<16xf32>,
      tpu.vector_store %arg8[%swap3A_617], %add3A_614 {strides = array<i32>} : memref<256xf32, #tpu.memory_space<vmem>>, vector<16xf32>,
      %broadcast_in_dim3A_619 = arith.constant 2.500000e-01 : f32
      %broadcast_in_dim3A_620 = vector.broadcast %broadcast_in_dim3A_619 : f32 to vector<16xf32>
      %lt3A_621 = arith.cmpf olt, %add3A_613, %broadcast_in_dim3A_620 : vector<16xf32>
      %convert_element_type3A_622 = arith.extui %lt3A_621 : vector<16xi1> to vector<16xi32>
      %add3A_623 = arith.addi %add3A_582, %convert_element_type3A_622 : vector<16xi32>
      %broadcast_in_dim3A_624 = arith.constant 2.500000e-01 : f32
      %broadcast_in_dim3A_625 = vector.broadcast %broadcast_in_dim3A_624 : f32 to vector<16xf32>
      %lt3A_626 = arith.cmpf olt, %add3A_614, %broadcast_in_dim3A_625 : vector<16xf32>
      %convert_element_type3A_627 = arith.extui %lt3A_626 : vector<16xi1> to vector<16xi32>
      %add3A_628 = arith.addi %add3A_587, %convert_element_type3A_627 : vector<16xi32>
      %broadcast_in_dim3A_629 = arith.constant 5.000000e-01 : f32
      %broadcast_in_dim3A_630 = vector.broadcast %broadcast_in_dim3A_629 : f32 to vector<16xf32>
      %lt3A_631 = arith.cmpf olt, %add3A_613, %broadcast_in_dim3A_630 : vector<16xf32>
      %convert_element_type3A_632 = arith.extui %lt3A_631 : vector<16xi1> to vector<16xi32>
      %add3A_633 = arith.addi %add3A_592, %convert_element_type3A_632 : vector<16xi32>
      %broadcast_in_dim3A_634 = arith.constant 5.000000e-01 : f32
      %broadcast_in_dim3A_635 = vector.broadcast %broadcast_in_dim3A_634 : f32 to vector<16xf32>
      %lt3A_636 = arith.cmpf olt, %add3A_614, %broadcast_in_dim3A_635 : vector<16xf32>
      %convert_element_type3A_637 = arith.extui %lt3A_636 : vector<16xi1> to vector<16xi32>
      %add3A_638 = arith.addi %add3A_597, %convert_element_type3A_637 : vector<16xi32>
      %broadcast_in_dim3A_639 = arith.constant 7.500000e-01 : f32
      %broadcast_in_dim3A_640 = vector.broadcast %broadcast_in_dim3A_639 : f32 to vector<16xf32>
      %lt3A_641 = arith.cmpf olt, %add3A_613, %broadcast_in_dim3A_640 : vector<16xf32>
      %convert_element_type3A_642 = arith.extui %lt3A_641 : vector<16xi1> to vector<16xi32>
      %add3A_643 = arith.addi %add3A_602, %convert_element_type3A_642 : vector<16xi32>
      %broadcast_in_dim3A_644 = arith.constant 7.500000e-01 : f32
      %broadcast_in_dim3A_645 = vector.broadcast %broadcast_in_dim3A_644 : f32 to vector<16xf32>
      %lt3A_646 = arith.cmpf olt, %add3A_614, %broadcast_in_dim3A_645 : vector<16xf32>
      %convert_element_type3A_647 = arith.extui %lt3A_646 : vector<16xi1> to vector<16xi32>
      %add3A_648 = arith.addi %add3A_607, %convert_element_type3A_647 : vector<16xi32>
      %broadcast_in_dim3A_649 = arith.constant 14 : i32
      %broadcast_in_dim3A_650 = vector.broadcast %broadcast_in_dim3A_649 : i32 to vector<16xi32>
      %add3A_651 = arith.addi %mul3A_61, %broadcast_in_dim3A_650 : vector<16xi32>
      %gather3A_652 = tpu.vector_load_idx %arg5[%add3A_651] : memref<8192xf32, #tpu.memory_space<vmem>>[vector<16xi32>], vector<16xf32>,
      %gather3A_653 = tpu.vector_load_idx %arg6[%add3A_651] : memref<8192xf32, #tpu.memory_space<vmem>>[vector<16xi32>], vector<16xf32>,
      %add3A_654 = arith.addf %add3A_613, %gather3A_652 : vector<16xf32>
      %add3A_655 = arith.addf %add3A_614, %gather3A_653 : vector<16xf32>
      %swap3A_656 = arith.constant 224 : index
      %swap3A_657 = tpu.vector_load %arg7[%swap3A_656] {strides = array<i32>} : memref<256xf32, #tpu.memory_space<vmem>>, vector<16xf32>,
      tpu.vector_store %arg7[%swap3A_656], %add3A_654 {strides = array<i32>} : memref<256xf32, #tpu.memory_space<vmem>>, vector<16xf32>,
      %swap3A_658 = arith.constant 224 : index
      %swap3A_659 = tpu.vector_load %arg8[%swap3A_658] {strides = array<i32>} : memref<256xf32, #tpu.memory_space<vmem>>, vector<16xf32>,
      tpu.vector_store %arg8[%swap3A_658], %add3A_655 {strides = array<i32>} : memref<256xf32, #tpu.memory_space<vmem>>, vector<16xf32>,
      %broadcast_in_dim3A_660 = arith.constant 2.500000e-01 : f32
      %broadcast_in_dim3A_661 = vector.broadcast %broadcast_in_dim3A_660 : f32 to vector<16xf32>
      %lt3A_662 = arith.cmpf olt, %add3A_654, %broadcast_in_dim3A_661 : vector<16xf32>
      %convert_element_type3A_663 = arith.extui %lt3A_662 : vector<16xi1> to vector<16xi32>
      %add3A_664 = arith.addi %add3A_623, %convert_element_type3A_663 : vector<16xi32>
      %broadcast_in_dim3A_665 = arith.constant 2.500000e-01 : f32
      %broadcast_in_dim3A_666 = vector.broadcast %broadcast_in_dim3A_665 : f32 to vector<16xf32>
      %lt3A_667 = arith.cmpf olt, %add3A_655, %broadcast_in_dim3A_666 : vector<16xf32>
      %convert_element_type3A_668 = arith.extui %lt3A_667 : vector<16xi1> to vector<16xi32>
      %add3A_669 = arith.addi %add3A_628, %convert_element_type3A_668 : vector<16xi32>
      %broadcast_in_dim3A_670 = arith.constant 5.000000e-01 : f32
      %broadcast_in_dim3A_671 = vector.broadcast %broadcast_in_dim3A_670 : f32 to vector<16xf32>
      %lt3A_672 = arith.cmpf olt, %add3A_654, %broadcast_in_dim3A_671 : vector<16xf32>
      %convert_element_type3A_673 = arith.extui %lt3A_672 : vector<16xi1> to vector<16xi32>
      %add3A_674 = arith.addi %add3A_633, %convert_element_type3A_673 : vector<16xi32>
      %broadcast_in_dim3A_675 = arith.constant 5.000000e-01 : f32
      %broadcast_in_dim3A_676 = vector.broadcast %broadcast_in_dim3A_675 : f32 to vector<16xf32>
      %lt3A_677 = arith.cmpf olt, %add3A_655, %broadcast_in_dim3A_676 : vector<16xf32>
      %convert_element_type3A_678 = arith.extui %lt3A_677 : vector<16xi1> to vector<16xi32>
      %add3A_679 = arith.addi %add3A_638, %convert_element_type3A_678 : vector<16xi32>
      %broadcast_in_dim3A_680 = arith.constant 7.500000e-01 : f32
      %broadcast_in_dim3A_681 = vector.broadcast %broadcast_in_dim3A_680 : f32 to vector<16xf32>
      %lt3A_682 = arith.cmpf olt, %add3A_654, %broadcast_in_dim3A_681 : vector<16xf32>
      %convert_element_type3A_683 = arith.extui %lt3A_682 : vector<16xi1> to vector<16xi32>
      %add3A_684 = arith.addi %add3A_643, %convert_element_type3A_683 : vector<16xi32>
      %broadcast_in_dim3A_685 = arith.constant 7.500000e-01 : f32
      %broadcast_in_dim3A_686 = vector.broadcast %broadcast_in_dim3A_685 : f32 to vector<16xf32>
      %lt3A_687 = arith.cmpf olt, %add3A_655, %broadcast_in_dim3A_686 : vector<16xf32>
      %convert_element_type3A_688 = arith.extui %lt3A_687 : vector<16xi1> to vector<16xi32>
      %add3A_689 = arith.addi %add3A_648, %convert_element_type3A_688 : vector<16xi32>
      %broadcast_in_dim3A_690 = arith.constant 15 : i32
      %broadcast_in_dim3A_691 = vector.broadcast %broadcast_in_dim3A_690 : i32 to vector<16xi32>
      %add3A_692 = arith.addi %mul3A_61, %broadcast_in_dim3A_691 : vector<16xi32>
      %gather3A_693 = tpu.vector_load_idx %arg5[%add3A_692] : memref<8192xf32, #tpu.memory_space<vmem>>[vector<16xi32>], vector<16xf32>,
      %gather3A_694 = tpu.vector_load_idx %arg6[%add3A_692] : memref<8192xf32, #tpu.memory_space<vmem>>[vector<16xi32>], vector<16xf32>,
      %add3A_695 = arith.addf %add3A_654, %gather3A_693 : vector<16xf32>
      %add3A_696 = arith.addf %add3A_655, %gather3A_694 : vector<16xf32>
      %swap3A_697 = arith.constant 240 : index
      %swap3A_698 = tpu.vector_load %arg7[%swap3A_697] {strides = array<i32>} : memref<256xf32, #tpu.memory_space<vmem>>, vector<16xf32>,
      tpu.vector_store %arg7[%swap3A_697], %add3A_695 {strides = array<i32>} : memref<256xf32, #tpu.memory_space<vmem>>, vector<16xf32>,
      %swap3A_699 = arith.constant 240 : index
      %swap3A_700 = tpu.vector_load %arg8[%swap3A_699] {strides = array<i32>} : memref<256xf32, #tpu.memory_space<vmem>>, vector<16xf32>,
      tpu.vector_store %arg8[%swap3A_699], %add3A_696 {strides = array<i32>} : memref<256xf32, #tpu.memory_space<vmem>>, vector<16xf32>,
      %broadcast_in_dim3A_701 = arith.constant 2.500000e-01 : f32
      %broadcast_in_dim3A_702 = vector.broadcast %broadcast_in_dim3A_701 : f32 to vector<16xf32>
      %lt3A_703 = arith.cmpf olt, %add3A_695, %broadcast_in_dim3A_702 : vector<16xf32>
      %convert_element_type3A_704 = arith.extui %lt3A_703 : vector<16xi1> to vector<16xi32>
      %add3A_705 = arith.addi %add3A_664, %convert_element_type3A_704 : vector<16xi32>
      %broadcast_in_dim3A_706 = arith.constant 2.500000e-01 : f32
      %broadcast_in_dim3A_707 = vector.broadcast %broadcast_in_dim3A_706 : f32 to vector<16xf32>
      %lt3A_708 = arith.cmpf olt, %add3A_696, %broadcast_in_dim3A_707 : vector<16xf32>
      %convert_element_type3A_709 = arith.extui %lt3A_708 : vector<16xi1> to vector<16xi32>
      %add3A_710 = arith.addi %add3A_669, %convert_element_type3A_709 : vector<16xi32>
      %broadcast_in_dim3A_711 = arith.constant 5.000000e-01 : f32
      %broadcast_in_dim3A_712 = vector.broadcast %broadcast_in_dim3A_711 : f32 to vector<16xf32>
      %lt3A_713 = arith.cmpf olt, %add3A_695, %broadcast_in_dim3A_712 : vector<16xf32>
      %convert_element_type3A_714 = arith.extui %lt3A_713 : vector<16xi1> to vector<16xi32>
      %add3A_715 = arith.addi %add3A_674, %convert_element_type3A_714 : vector<16xi32>
      %broadcast_in_dim3A_716 = arith.constant 5.000000e-01 : f32
      %broadcast_in_dim3A_717 = vector.broadcast %broadcast_in_dim3A_716 : f32 to vector<16xf32>
      %lt3A_718 = arith.cmpf olt, %add3A_696, %broadcast_in_dim3A_717 : vector<16xf32>
      %convert_element_type3A_719 = arith.extui %lt3A_718 : vector<16xi1> to vector<16xi32>
      %add3A_720 = arith.addi %add3A_679, %convert_element_type3A_719 : vector<16xi32>
      %broadcast_in_dim3A_721 = arith.constant 7.500000e-01 : f32
      %broadcast_in_dim3A_722 = vector.broadcast %broadcast_in_dim3A_721 : f32 to vector<16xf32>
      %lt3A_723 = arith.cmpf olt, %add3A_695, %broadcast_in_dim3A_722 : vector<16xf32>
      %convert_element_type3A_724 = arith.extui %lt3A_723 : vector<16xi1> to vector<16xi32>
      %add3A_725 = arith.addi %add3A_684, %convert_element_type3A_724 : vector<16xi32>
      %broadcast_in_dim3A_726 = arith.constant 7.500000e-01 : f32
      %broadcast_in_dim3A_727 = vector.broadcast %broadcast_in_dim3A_726 : f32 to vector<16xf32>
      %lt3A_728 = arith.cmpf olt, %add3A_696, %broadcast_in_dim3A_727 : vector<16xf32>
      %convert_element_type3A_729 = arith.extui %lt3A_728 : vector<16xi1> to vector<16xi32>
      %add3A_730 = arith.addi %add3A_689, %convert_element_type3A_729 : vector<16xi32>
      %broadcast_in_dim3A_731 = arith.constant 15 : i32
      %broadcast_in_dim3A_732 = vector.broadcast %broadcast_in_dim3A_731 : i32 to vector<16xi32>
      %min3A = arith.minsi %add3A_705, %broadcast_in_dim3A_732 : vector<16xi32>
      %mul3A_733 = arith.constant 16 : i32
      %mul3A_734 = vector.broadcast %mul3A_733 : i32 to vector<16xi32>
      %mul3A_735 = arith.muli %min3A, %mul3A_734 : vector<16xi32>
      %add3A_736 = arith.addi %mul3A_735, %iota3A : vector<16xi32>
      %gather3A_737 = tpu.vector_load_idx %arg7[%add3A_736] : memref<256xf32, #tpu.memory_space<vmem>>[vector<16xi32>], vector<16xf32>,
      %add3A_738 = arith.addi %mul3A_61, %min3A : vector<16xi32>
      %gather3A_739 = tpu.vector_load_idx %arg5[%add3A_738] : memref<8192xf32, #tpu.memory_space<vmem>>[vector<16xi32>], vector<16xf32>,
      %convert_element_type3A_740 = arith.sitofp %min3A : vector<16xi32> to vector<16xf32>
      %broadcast_in_dim3A_741 = arith.constant 1.000000e+00 : f32
      %broadcast_in_dim3A_742 = vector.broadcast %broadcast_in_dim3A_741 : f32 to vector<16xf32>
      %add3A_743 = arith.addf %convert_element_type3A_740, %broadcast_in_dim3A_742 : vector<16xf32>
      %broadcast_in_dim3A_744 = arith.constant 2.500000e-01 : f32
      %broadcast_in_dim3A_745 = vector.broadcast %broadcast_in_dim3A_744 : f32 to vector<16xf32>
      %sub3A = arith.subf %broadcast_in_dim3A_745, %gather3A_737 : vector<16xf32>
      %div3A = arith.divf %sub3A, %gather3A_739 : vector<16xf32>
      %add3A_746 = arith.addf %add3A_743, %div3A : vector<16xf32>
      %broadcast_in_dim3A_747 = arith.constant 15 : i32
      %broadcast_in_dim3A_748 = vector.broadcast %broadcast_in_dim3A_747 : i32 to vector<16xi32>
      %min3A_749 = arith.minsi %add3A_710, %broadcast_in_dim3A_748 : vector<16xi32>
      %mul3A_750 = arith.constant 16 : i32
      %mul3A_751 = vector.broadcast %mul3A_750 : i32 to vector<16xi32>
      %mul3A_752 = arith.muli %min3A_749, %mul3A_751 : vector<16xi32>
      %add3A_753 = arith.addi %mul3A_752, %iota3A : vector<16xi32>
      %gather3A_754 = tpu.vector_load_idx %arg8[%add3A_753] : memref<256xf32, #tpu.memory_space<vmem>>[vector<16xi32>], vector<16xf32>,
      %add3A_755 = arith.addi %mul3A_61, %min3A_749 : vector<16xi32>
      %gather3A_756 = tpu.vector_load_idx %arg6[%add3A_755] : memref<8192xf32, #tpu.memory_space<vmem>>[vector<16xi32>], vector<16xf32>,
      %convert_element_type3A_757 = arith.sitofp %min3A_749 : vector<16xi32> to vector<16xf32>
      %broadcast_in_dim3A_758 = arith.constant 1.000000e+00 : f32
      %broadcast_in_dim3A_759 = vector.broadcast %broadcast_in_dim3A_758 : f32 to vector<16xf32>
      %add3A_760 = arith.addf %convert_element_type3A_757, %broadcast_in_dim3A_759 : vector<16xf32>
      %broadcast_in_dim3A_761 = arith.constant 2.500000e-01 : f32
      %broadcast_in_dim3A_762 = vector.broadcast %broadcast_in_dim3A_761 : f32 to vector<16xf32>
      %sub3A_763 = arith.subf %broadcast_in_dim3A_762, %gather3A_754 : vector<16xf32>
      %div3A_764 = arith.divf %sub3A_763, %gather3A_756 : vector<16xf32>
      %add3A_765 = arith.addf %add3A_760, %div3A_764 : vector<16xf32>
      %sub3A_766 = arith.subf %add3A_746, %add3A_765 : vector<16xf32>
      %abs3A = math.absf %sub3A_766 : vector<16xf32>
      %add3A_767 = arith.addf %scan3A_53, %abs3A : vector<16xf32>
      %broadcast_in_dim3A_768 = arith.constant 15 : i32
      %broadcast_in_dim3A_769 = vector.broadcast %broadcast_in_dim3A_768 : i32 to vector<16xi32>
      %min3A_770 = arith.minsi %add3A_715, %broadcast_in_dim3A_769 : vector<16xi32>
      %mul3A_771 = arith.constant 16 : i32
      %mul3A_772 = vector.broadcast %mul3A_771 : i32 to vector<16xi32>
      %mul3A_773 = arith.muli %min3A_770, %mul3A_772 : vector<16xi32>
      %add3A_774 = arith.addi %mul3A_773, %iota3A : vector<16xi32>
      %gather3A_775 = tpu.vector_load_idx %arg7[%add3A_774] : memref<256xf32, #tpu.memory_space<vmem>>[vector<16xi32>], vector<16xf32>,
      %add3A_776 = arith.addi %mul3A_61, %min3A_770 : vector<16xi32>
      %gather3A_777 = tpu.vector_load_idx %arg5[%add3A_776] : memref<8192xf32, #tpu.memory_space<vmem>>[vector<16xi32>], vector<16xf32>,
      %convert_element_type3A_778 = arith.sitofp %min3A_770 : vector<16xi32> to vector<16xf32>
      %broadcast_in_dim3A_779 = arith.constant 1.000000e+00 : f32
      %broadcast_in_dim3A_780 = vector.broadcast %broadcast_in_dim3A_779 : f32 to vector<16xf32>
      %add3A_781 = arith.addf %convert_element_type3A_778, %broadcast_in_dim3A_780 : vector<16xf32>
      %broadcast_in_dim3A_782 = arith.constant 5.000000e-01 : f32
      %broadcast_in_dim3A_783 = vector.broadcast %broadcast_in_dim3A_782 : f32 to vector<16xf32>
      %sub3A_784 = arith.subf %broadcast_in_dim3A_783, %gather3A_775 : vector<16xf32>
      %div3A_785 = arith.divf %sub3A_784, %gather3A_777 : vector<16xf32>
      %add3A_786 = arith.addf %add3A_781, %div3A_785 : vector<16xf32>
      %broadcast_in_dim3A_787 = arith.constant 15 : i32
      %broadcast_in_dim3A_788 = vector.broadcast %broadcast_in_dim3A_787 : i32 to vector<16xi32>
      %min3A_789 = arith.minsi %add3A_720, %broadcast_in_dim3A_788 : vector<16xi32>
      %mul3A_790 = arith.constant 16 : i32
      %mul3A_791 = vector.broadcast %mul3A_790 : i32 to vector<16xi32>
      %mul3A_792 = arith.muli %min3A_789, %mul3A_791 : vector<16xi32>
      %add3A_793 = arith.addi %mul3A_792, %iota3A : vector<16xi32>
      %gather3A_794 = tpu.vector_load_idx %arg8[%add3A_793] : memref<256xf32, #tpu.memory_space<vmem>>[vector<16xi32>], vector<16xf32>,
      %add3A_795 = arith.addi %mul3A_61, %min3A_789 : vector<16xi32>
      %gather3A_796 = tpu.vector_load_idx %arg6[%add3A_795] : memref<8192xf32, #tpu.memory_space<vmem>>[vector<16xi32>], vector<16xf32>,
      %convert_element_type3A_797 = arith.sitofp %min3A_789 : vector<16xi32> to vector<16xf32>
      %broadcast_in_dim3A_798 = arith.constant 1.000000e+00 : f32
      %broadcast_in_dim3A_799 = vector.broadcast %broadcast_in_dim3A_798 : f32 to vector<16xf32>
      %add3A_800 = arith.addf %convert_element_type3A_797, %broadcast_in_dim3A_799 : vector<16xf32>
      %broadcast_in_dim3A_801 = arith.constant 5.000000e-01 : f32
      %broadcast_in_dim3A_802 = vector.broadcast %broadcast_in_dim3A_801 : f32 to vector<16xf32>
      %sub3A_803 = arith.subf %broadcast_in_dim3A_802, %gather3A_794 : vector<16xf32>
      %div3A_804 = arith.divf %sub3A_803, %gather3A_796 : vector<16xf32>
      %add3A_805 = arith.addf %add3A_800, %div3A_804 : vector<16xf32>
      %sub3A_806 = arith.subf %add3A_786, %add3A_805 : vector<16xf32>
      %abs3A_807 = math.absf %sub3A_806 : vector<16xf32>
      %add3A_808 = arith.addf %add3A_767, %abs3A_807 : vector<16xf32>
      %broadcast_in_dim3A_809 = arith.constant 15 : i32
      %broadcast_in_dim3A_810 = vector.broadcast %broadcast_in_dim3A_809 : i32 to vector<16xi32>
      %min3A_811 = arith.minsi %add3A_725, %broadcast_in_dim3A_810 : vector<16xi32>
      %mul3A_812 = arith.constant 16 : i32
      %mul3A_813 = vector.broadcast %mul3A_812 : i32 to vector<16xi32>
      %mul3A_814 = arith.muli %min3A_811, %mul3A_813 : vector<16xi32>
      %add3A_815 = arith.addi %mul3A_814, %iota3A : vector<16xi32>
      %gather3A_816 = tpu.vector_load_idx %arg7[%add3A_815] : memref<256xf32, #tpu.memory_space<vmem>>[vector<16xi32>], vector<16xf32>,
      %add3A_817 = arith.addi %mul3A_61, %min3A_811 : vector<16xi32>
      %gather3A_818 = tpu.vector_load_idx %arg5[%add3A_817] : memref<8192xf32, #tpu.memory_space<vmem>>[vector<16xi32>], vector<16xf32>,
      %convert_element_type3A_819 = arith.sitofp %min3A_811 : vector<16xi32> to vector<16xf32>
      %broadcast_in_dim3A_820 = arith.constant 1.000000e+00 : f32
      %broadcast_in_dim3A_821 = vector.broadcast %broadcast_in_dim3A_820 : f32 to vector<16xf32>
      %add3A_822 = arith.addf %convert_element_type3A_819, %broadcast_in_dim3A_821 : vector<16xf32>
      %broadcast_in_dim3A_823 = arith.constant 7.500000e-01 : f32
      %broadcast_in_dim3A_824 = vector.broadcast %broadcast_in_dim3A_823 : f32 to vector<16xf32>
      %sub3A_825 = arith.subf %broadcast_in_dim3A_824, %gather3A_816 : vector<16xf32>
      %div3A_826 = arith.divf %sub3A_825, %gather3A_818 : vector<16xf32>
      %add3A_827 = arith.addf %add3A_822, %div3A_826 : vector<16xf32>
      %broadcast_in_dim3A_828 = arith.constant 15 : i32
      %broadcast_in_dim3A_829 = vector.broadcast %broadcast_in_dim3A_828 : i32 to vector<16xi32>
      %min3A_830 = arith.minsi %add3A_730, %broadcast_in_dim3A_829 : vector<16xi32>
      %mul3A_831 = arith.constant 16 : i32
      %mul3A_832 = vector.broadcast %mul3A_831 : i32 to vector<16xi32>
      %mul3A_833 = arith.muli %min3A_830, %mul3A_832 : vector<16xi32>
      %add3A_834 = arith.addi %mul3A_833, %iota3A : vector<16xi32>
      %gather3A_835 = tpu.vector_load_idx %arg8[%add3A_834] : memref<256xf32, #tpu.memory_space<vmem>>[vector<16xi32>], vector<16xf32>,
      %add3A_836 = arith.addi %mul3A_61, %min3A_830 : vector<16xi32>
      %gather3A_837 = tpu.vector_load_idx %arg6[%add3A_836] : memref<8192xf32, #tpu.memory_space<vmem>>[vector<16xi32>], vector<16xf32>,
      %convert_element_type3A_838 = arith.sitofp %min3A_830 : vector<16xi32> to vector<16xf32>
      %broadcast_in_dim3A_839 = arith.constant 1.000000e+00 : f32
      %broadcast_in_dim3A_840 = vector.broadcast %broadcast_in_dim3A_839 : f32 to vector<16xf32>
      %add3A_841 = arith.addf %convert_element_type3A_838, %broadcast_in_dim3A_840 : vector<16xf32>
      %broadcast_in_dim3A_842 = arith.constant 7.500000e-01 : f32
      %broadcast_in_dim3A_843 = vector.broadcast %broadcast_in_dim3A_842 : f32 to vector<16xf32>
      %sub3A_844 = arith.subf %broadcast_in_dim3A_843, %gather3A_835 : vector<16xf32>
      %div3A_845 = arith.divf %sub3A_844, %gather3A_837 : vector<16xf32>
      %add3A_846 = arith.addf %add3A_841, %div3A_845 : vector<16xf32>
      %sub3A_847 = arith.subf %add3A_827, %add3A_846 : vector<16xf32>
      %abs3A_848 = math.absf %sub3A_847 : vector<16xf32>
      %add3A_849 = arith.addf %add3A_808, %abs3A_848 : vector<16xf32>
      %broadcast_in_dim3A_850 = arith.constant 16 : i32
      %broadcast_in_dim3A_851 = vector.broadcast %broadcast_in_dim3A_850 : i32 to vector<16xi32>
      %ge3A = arith.cmpi sge, %add3A_725, %broadcast_in_dim3A_851 : vector<16xi32>
      %broadcast_in_dim3A_852 = arith.constant 16 : i32
      %broadcast_in_dim3A_853 = vector.broadcast %broadcast_in_dim3A_852 : i32 to vector<16xi32>
      %ge3A_854 = arith.cmpi sge, %add3A_730, %broadcast_in_dim3A_853 : vector<16xi32>
      %or3A = arith.ori %ge3A, %ge3A_854 : vector<16xi1>
      %broadcast_in_dim3A_855 = arith.constant 1.000000e+00 : f32
      %broadcast_in_dim3A_856 = vector.broadcast %broadcast_in_dim3A_855 : f32 to vector<16xf32>
      %broadcast_in_dim3A_857 = arith.constant 0.000000e+00 : f32
      %broadcast_in_dim3A_858 = vector.broadcast %broadcast_in_dim3A_857 : f32 to vector<16xf32>
      %select_n3A = arith.select %or3A, %broadcast_in_dim3A_856, %broadcast_in_dim3A_858 : vector<16xi1>, vector<16xf32>
      %add3A_859 = arith.addf %scan3A_54, %select_n3A : vector<16xf32>
      scf.yield %add3A_849, %add3A_859 : vector<16xf32>, vector<16xf32>
    }
    %scan3A_27 = arith.constant 16 : i32
    %dma_wait3A = arith.constant 4096 : i32
    %dma_wait3A_28 = tpu.memref_slice %arg5[%dma_wait3A] : memref<8192xf32, #tpu.memory_space<vmem>> -> memref<4096xf32, #tpu.memory_space<vmem>>
    %dma_wait3A_29 = tpu.memref_slice %arg3[%add3A_6] : memref<262144xf32, #tpu.memory_space<hbm>> -> memref<4096xf32, #tpu.memory_space<hbm>>
    %dma_wait3A_30 = arith.constant 4096 : i32
    %dma_wait3A_31 = tpu.memref_slice %arg5[%dma_wait3A_30] : memref<8192xf32, #tpu.memory_space<vmem>> -> memref<4096xf32, #tpu.memory_space<vmem>>
    %dma_wait3A_32 = tpu.memref_slice %arg3[%add3A_6] : memref<262144xf32, #tpu.memory_space<hbm>> -> memref<4096xf32, #tpu.memory_space<hbm>>
    tpu.wait_dma2 semaphore(%arg10 : memref<!tpu.dma_semaphore, #tpu.memory_space<semaphore_mem>>) src(%dma_wait3A_32 : memref<4096xf32, #tpu.memory_space<hbm>>) dst(%dma_wait3A_31 : memref<4096xf32, #tpu.memory_space<vmem>>)
    %dma_wait3A_33 = arith.constant 4096 : i32
    %dma_wait3A_34 = tpu.memref_slice %arg6[%dma_wait3A_33] : memref<8192xf32, #tpu.memory_space<vmem>> -> memref<4096xf32, #tpu.memory_space<vmem>>
    %dma_wait3A_35 = tpu.memref_slice %arg2[%add3A_13] : memref<262144xf32, #tpu.memory_space<hbm>> -> memref<4096xf32, #tpu.memory_space<hbm>>
    %dma_wait3A_36 = arith.constant 4096 : i32
    %dma_wait3A_37 = tpu.memref_slice %arg6[%dma_wait3A_36] : memref<8192xf32, #tpu.memory_space<vmem>> -> memref<4096xf32, #tpu.memory_space<vmem>>
    %dma_wait3A_38 = tpu.memref_slice %arg2[%add3A_13] : memref<262144xf32, #tpu.memory_space<hbm>> -> memref<4096xf32, #tpu.memory_space<hbm>>
    tpu.wait_dma2 semaphore(%arg10 : memref<!tpu.dma_semaphore, #tpu.memory_space<semaphore_mem>>) src(%dma_wait3A_38 : memref<4096xf32, #tpu.memory_space<hbm>>) dst(%dma_wait3A_37 : memref<4096xf32, #tpu.memory_space<vmem>>)
    %scan3A_39 = arith.constant 16 : i32
    %scan3A_40 = arith.constant 16 : i32
    %scan3A_41 = arith.addi %scan3A_39, %scan3A_40 : i32
    %scan3A_42 = arith.constant 1 : i32
    %scan3A_43:2 = scf.for %scan3A_52 = %scan3A_39 to %scan3A_41 step %scan3A_42 iter_args(%scan3A_53 = %scan3A_26#0, %scan3A_54 = %scan3A_26#1) -> (vector<16xf32>, vector<16xf32>)  : i32 {
      %mul3A_55 = arith.constant 16 : i32
      %mul3A_56 = arith.muli %scan3A_52, %mul3A_55 : i32
      %add3A_57 = vector.broadcast %mul3A_56 : i32 to vector<16xi32>
      %add3A_58 = arith.addi %add3A_57, %iota3A : vector<16xi32>
      %mul3A_59 = arith.constant 16 : i32
      %mul3A_60 = vector.broadcast %mul3A_59 : i32 to vector<16xi32>
      %mul3A_61 = arith.muli %add3A_58, %mul3A_60 : vector<16xi32>
      %broadcast_in_dim3A_62 = arith.constant 0.000000e+00 : f32
      %broadcast_in_dim3A_63 = vector.broadcast %broadcast_in_dim3A_62 : f32 to vector<16xf32>
      %broadcast_in_dim3A_64 = arith.constant 0.000000e+00 : f32
      %broadcast_in_dim3A_65 = vector.broadcast %broadcast_in_dim3A_64 : f32 to vector<16xf32>
      %broadcast_in_dim3A_66 = arith.constant 0 : i32
      %broadcast_in_dim3A_67 = vector.broadcast %broadcast_in_dim3A_66 : i32 to vector<16xi32>
      %broadcast_in_dim3A_68 = arith.constant 0 : i32
      %broadcast_in_dim3A_69 = vector.broadcast %broadcast_in_dim3A_68 : i32 to vector<16xi32>
      %broadcast_in_dim3A_70 = arith.constant 0 : i32
      %broadcast_in_dim3A_71 = vector.broadcast %broadcast_in_dim3A_70 : i32 to vector<16xi32>
      %broadcast_in_dim3A_72 = arith.constant 0 : i32
      %broadcast_in_dim3A_73 = vector.broadcast %broadcast_in_dim3A_72 : i32 to vector<16xi32>
      %broadcast_in_dim3A_74 = arith.constant 0 : i32
      %broadcast_in_dim3A_75 = vector.broadcast %broadcast_in_dim3A_74 : i32 to vector<16xi32>
      %broadcast_in_dim3A_76 = arith.constant 0 : i32
      %broadcast_in_dim3A_77 = vector.broadcast %broadcast_in_dim3A_76 : i32 to vector<16xi32>
      %broadcast_in_dim3A_78 = arith.constant 0 : i32
      %broadcast_in_dim3A_79 = vector.broadcast %broadcast_in_dim3A_78 : i32 to vector<16xi32>
      %add3A_80 = arith.addi %mul3A_61, %broadcast_in_dim3A_79 : vector<16xi32>
      %gather3A = tpu.vector_load_idx %arg5[%add3A_80] : memref<8192xf32, #tpu.memory_space<vmem>>[vector<16xi32>], vector<16xf32>,
      %gather3A_81 = tpu.vector_load_idx %arg6[%add3A_80] : memref<8192xf32, #tpu.memory_space<vmem>>[vector<16xi32>], vector<16xf32>,
      %add3A_82 = arith.addf %broadcast_in_dim3A_63, %gather3A : vector<16xf32>
      %add3A_83 = arith.addf %broadcast_in_dim3A_65, %gather3A_81 : vector<16xf32>
      %swap3A_84 = arith.constant 0 : index
      %swap3A_85 = tpu.vector_load %arg7[%swap3A_84] {strides = array<i32>} : memref<256xf32, #tpu.memory_space<vmem>>, vector<16xf32>,
      tpu.vector_store %arg7[%swap3A_84], %add3A_82 {strides = array<i32>} : memref<256xf32, #tpu.memory_space<vmem>>, vector<16xf32>,
      %swap3A_86 = arith.constant 0 : index
      %swap3A_87 = tpu.vector_load %arg8[%swap3A_86] {strides = array<i32>} : memref<256xf32, #tpu.memory_space<vmem>>, vector<16xf32>,
      tpu.vector_store %arg8[%swap3A_86], %add3A_83 {strides = array<i32>} : memref<256xf32, #tpu.memory_space<vmem>>, vector<16xf32>,
      %broadcast_in_dim3A_88 = arith.constant 2.500000e-01 : f32
      %broadcast_in_dim3A_89 = vector.broadcast %broadcast_in_dim3A_88 : f32 to vector<16xf32>
      %lt3A = arith.cmpf olt, %add3A_82, %broadcast_in_dim3A_89 : vector<16xf32>
      %convert_element_type3A = arith.extui %lt3A : vector<16xi1> to vector<16xi32>
      %add3A_90 = arith.addi %broadcast_in_dim3A_67, %convert_element_type3A : vector<16xi32>
      %broadcast_in_dim3A_91 = arith.constant 2.500000e-01 : f32
      %broadcast_in_dim3A_92 = vector.broadcast %broadcast_in_dim3A_91 : f32 to vector<16xf32>
      %lt3A_93 = arith.cmpf olt, %add3A_83, %broadcast_in_dim3A_92 : vector<16xf32>
      %convert_element_type3A_94 = arith.extui %lt3A_93 : vector<16xi1> to vector<16xi32>
      %add3A_95 = arith.addi %broadcast_in_dim3A_73, %convert_element_type3A_94 : vector<16xi32>
      %broadcast_in_dim3A_96 = arith.constant 5.000000e-01 : f32
      %broadcast_in_dim3A_97 = vector.broadcast %broadcast_in_dim3A_96 : f32 to vector<16xf32>
      %lt3A_98 = arith.cmpf olt, %add3A_82, %broadcast_in_dim3A_97 : vector<16xf32>
      %convert_element_type3A_99 = arith.extui %lt3A_98 : vector<16xi1> to vector<16xi32>
      %add3A_100 = arith.addi %broadcast_in_dim3A_69, %convert_element_type3A_99 : vector<16xi32>
      %broadcast_in_dim3A_101 = arith.constant 5.000000e-01 : f32
      %broadcast_in_dim3A_102 = vector.broadcast %broadcast_in_dim3A_101 : f32 to vector<16xf32>
      %lt3A_103 = arith.cmpf olt, %add3A_83, %broadcast_in_dim3A_102 : vector<16xf32>
      %convert_element_type3A_104 = arith.extui %lt3A_103 : vector<16xi1> to vector<16xi32>
      %add3A_105 = arith.addi %broadcast_in_dim3A_75, %convert_element_type3A_104 : vector<16xi32>
      %broadcast_in_dim3A_106 = arith.constant 7.500000e-01 : f32
      %broadcast_in_dim3A_107 = vector.broadcast %broadcast_in_dim3A_106 : f32 to vector<16xf32>
      %lt3A_108 = arith.cmpf olt, %add3A_82, %broadcast_in_dim3A_107 : vector<16xf32>
      %convert_element_type3A_109 = arith.extui %lt3A_108 : vector<16xi1> to vector<16xi32>
      %add3A_110 = arith.addi %broadcast_in_dim3A_71, %convert_element_type3A_109 : vector<16xi32>
      %broadcast_in_dim3A_111 = arith.constant 7.500000e-01 : f32
      %broadcast_in_dim3A_112 = vector.broadcast %broadcast_in_dim3A_111 : f32 to vector<16xf32>
      %lt3A_113 = arith.cmpf olt, %add3A_83, %broadcast_in_dim3A_112 : vector<16xf32>
      %convert_element_type3A_114 = arith.extui %lt3A_113 : vector<16xi1> to vector<16xi32>
      %add3A_115 = arith.addi %broadcast_in_dim3A_77, %convert_element_type3A_114 : vector<16xi32>
      %broadcast_in_dim3A_116 = arith.constant 1 : i32
      %broadcast_in_dim3A_117 = vector.broadcast %broadcast_in_dim3A_116 : i32 to vector<16xi32>
      %add3A_118 = arith.addi %mul3A_61, %broadcast_in_dim3A_117 : vector<16xi32>
      %gather3A_119 = tpu.vector_load_idx %arg5[%add3A_118] : memref<8192xf32, #tpu.memory_space<vmem>>[vector<16xi32>], vector<16xf32>,
      %gather3A_120 = tpu.vector_load_idx %arg6[%add3A_118] : memref<8192xf32, #tpu.memory_space<vmem>>[vector<16xi32>], vector<16xf32>,
      %add3A_121 = arith.addf %add3A_82, %gather3A_119 : vector<16xf32>
      %add3A_122 = arith.addf %add3A_83, %gather3A_120 : vector<16xf32>
      %swap3A_123 = arith.constant 16 : index
      %swap3A_124 = tpu.vector_load %arg7[%swap3A_123] {strides = array<i32>} : memref<256xf32, #tpu.memory_space<vmem>>, vector<16xf32>,
      tpu.vector_store %arg7[%swap3A_123], %add3A_121 {strides = array<i32>} : memref<256xf32, #tpu.memory_space<vmem>>, vector<16xf32>,
      %swap3A_125 = arith.constant 16 : index
      %swap3A_126 = tpu.vector_load %arg8[%swap3A_125] {strides = array<i32>} : memref<256xf32, #tpu.memory_space<vmem>>, vector<16xf32>,
      tpu.vector_store %arg8[%swap3A_125], %add3A_122 {strides = array<i32>} : memref<256xf32, #tpu.memory_space<vmem>>, vector<16xf32>,
      %broadcast_in_dim3A_127 = arith.constant 2.500000e-01 : f32
      %broadcast_in_dim3A_128 = vector.broadcast %broadcast_in_dim3A_127 : f32 to vector<16xf32>
      %lt3A_129 = arith.cmpf olt, %add3A_121, %broadcast_in_dim3A_128 : vector<16xf32>
      %convert_element_type3A_130 = arith.extui %lt3A_129 : vector<16xi1> to vector<16xi32>
      %add3A_131 = arith.addi %add3A_90, %convert_element_type3A_130 : vector<16xi32>
      %broadcast_in_dim3A_132 = arith.constant 2.500000e-01 : f32
      %broadcast_in_dim3A_133 = vector.broadcast %broadcast_in_dim3A_132 : f32 to vector<16xf32>
      %lt3A_134 = arith.cmpf olt, %add3A_122, %broadcast_in_dim3A_133 : vector<16xf32>
      %convert_element_type3A_135 = arith.extui %lt3A_134 : vector<16xi1> to vector<16xi32>
      %add3A_136 = arith.addi %add3A_95, %convert_element_type3A_135 : vector<16xi32>
      %broadcast_in_dim3A_137 = arith.constant 5.000000e-01 : f32
      %broadcast_in_dim3A_138 = vector.broadcast %broadcast_in_dim3A_137 : f32 to vector<16xf32>
      %lt3A_139 = arith.cmpf olt, %add3A_121, %broadcast_in_dim3A_138 : vector<16xf32>
      %convert_element_type3A_140 = arith.extui %lt3A_139 : vector<16xi1> to vector<16xi32>
      %add3A_141 = arith.addi %add3A_100, %convert_element_type3A_140 : vector<16xi32>
      %broadcast_in_dim3A_142 = arith.constant 5.000000e-01 : f32
      %broadcast_in_dim3A_143 = vector.broadcast %broadcast_in_dim3A_142 : f32 to vector<16xf32>
      %lt3A_144 = arith.cmpf olt, %add3A_122, %broadcast_in_dim3A_143 : vector<16xf32>
      %convert_element_type3A_145 = arith.extui %lt3A_144 : vector<16xi1> to vector<16xi32>
      %add3A_146 = arith.addi %add3A_105, %convert_element_type3A_145 : vector<16xi32>
      %broadcast_in_dim3A_147 = arith.constant 7.500000e-01 : f32
      %broadcast_in_dim3A_148 = vector.broadcast %broadcast_in_dim3A_147 : f32 to vector<16xf32>
      %lt3A_149 = arith.cmpf olt, %add3A_121, %broadcast_in_dim3A_148 : vector<16xf32>
      %convert_element_type3A_150 = arith.extui %lt3A_149 : vector<16xi1> to vector<16xi32>
      %add3A_151 = arith.addi %add3A_110, %convert_element_type3A_150 : vector<16xi32>
      %broadcast_in_dim3A_152 = arith.constant 7.500000e-01 : f32
      %broadcast_in_dim3A_153 = vector.broadcast %broadcast_in_dim3A_152 : f32 to vector<16xf32>
      %lt3A_154 = arith.cmpf olt, %add3A_122, %broadcast_in_dim3A_153 : vector<16xf32>
      %convert_element_type3A_155 = arith.extui %lt3A_154 : vector<16xi1> to vector<16xi32>
      %add3A_156 = arith.addi %add3A_115, %convert_element_type3A_155 : vector<16xi32>
      %broadcast_in_dim3A_157 = arith.constant 2 : i32
      %broadcast_in_dim3A_158 = vector.broadcast %broadcast_in_dim3A_157 : i32 to vector<16xi32>
      %add3A_159 = arith.addi %mul3A_61, %broadcast_in_dim3A_158 : vector<16xi32>
      %gather3A_160 = tpu.vector_load_idx %arg5[%add3A_159] : memref<8192xf32, #tpu.memory_space<vmem>>[vector<16xi32>], vector<16xf32>,
      %gather3A_161 = tpu.vector_load_idx %arg6[%add3A_159] : memref<8192xf32, #tpu.memory_space<vmem>>[vector<16xi32>], vector<16xf32>,
      %add3A_162 = arith.addf %add3A_121, %gather3A_160 : vector<16xf32>
      %add3A_163 = arith.addf %add3A_122, %gather3A_161 : vector<16xf32>
      %swap3A_164 = arith.constant 32 : index
      %swap3A_165 = tpu.vector_load %arg7[%swap3A_164] {strides = array<i32>} : memref<256xf32, #tpu.memory_space<vmem>>, vector<16xf32>,
      tpu.vector_store %arg7[%swap3A_164], %add3A_162 {strides = array<i32>} : memref<256xf32, #tpu.memory_space<vmem>>, vector<16xf32>,
      %swap3A_166 = arith.constant 32 : index
      %swap3A_167 = tpu.vector_load %arg8[%swap3A_166] {strides = array<i32>} : memref<256xf32, #tpu.memory_space<vmem>>, vector<16xf32>,
      tpu.vector_store %arg8[%swap3A_166], %add3A_163 {strides = array<i32>} : memref<256xf32, #tpu.memory_space<vmem>>, vector<16xf32>,
      %broadcast_in_dim3A_168 = arith.constant 2.500000e-01 : f32
      %broadcast_in_dim3A_169 = vector.broadcast %broadcast_in_dim3A_168 : f32 to vector<16xf32>
      %lt3A_170 = arith.cmpf olt, %add3A_162, %broadcast_in_dim3A_169 : vector<16xf32>
      %convert_element_type3A_171 = arith.extui %lt3A_170 : vector<16xi1> to vector<16xi32>
      %add3A_172 = arith.addi %add3A_131, %convert_element_type3A_171 : vector<16xi32>
      %broadcast_in_dim3A_173 = arith.constant 2.500000e-01 : f32
      %broadcast_in_dim3A_174 = vector.broadcast %broadcast_in_dim3A_173 : f32 to vector<16xf32>
      %lt3A_175 = arith.cmpf olt, %add3A_163, %broadcast_in_dim3A_174 : vector<16xf32>
      %convert_element_type3A_176 = arith.extui %lt3A_175 : vector<16xi1> to vector<16xi32>
      %add3A_177 = arith.addi %add3A_136, %convert_element_type3A_176 : vector<16xi32>
      %broadcast_in_dim3A_178 = arith.constant 5.000000e-01 : f32
      %broadcast_in_dim3A_179 = vector.broadcast %broadcast_in_dim3A_178 : f32 to vector<16xf32>
      %lt3A_180 = arith.cmpf olt, %add3A_162, %broadcast_in_dim3A_179 : vector<16xf32>
      %convert_element_type3A_181 = arith.extui %lt3A_180 : vector<16xi1> to vector<16xi32>
      %add3A_182 = arith.addi %add3A_141, %convert_element_type3A_181 : vector<16xi32>
      %broadcast_in_dim3A_183 = arith.constant 5.000000e-01 : f32
      %broadcast_in_dim3A_184 = vector.broadcast %broadcast_in_dim3A_183 : f32 to vector<16xf32>
      %lt3A_185 = arith.cmpf olt, %add3A_163, %broadcast_in_dim3A_184 : vector<16xf32>
      %convert_element_type3A_186 = arith.extui %lt3A_185 : vector<16xi1> to vector<16xi32>
      %add3A_187 = arith.addi %add3A_146, %convert_element_type3A_186 : vector<16xi32>
      %broadcast_in_dim3A_188 = arith.constant 7.500000e-01 : f32
      %broadcast_in_dim3A_189 = vector.broadcast %broadcast_in_dim3A_188 : f32 to vector<16xf32>
      %lt3A_190 = arith.cmpf olt, %add3A_162, %broadcast_in_dim3A_189 : vector<16xf32>
      %convert_element_type3A_191 = arith.extui %lt3A_190 : vector<16xi1> to vector<16xi32>
      %add3A_192 = arith.addi %add3A_151, %convert_element_type3A_191 : vector<16xi32>
      %broadcast_in_dim3A_193 = arith.constant 7.500000e-01 : f32
      %broadcast_in_dim3A_194 = vector.broadcast %broadcast_in_dim3A_193 : f32 to vector<16xf32>
      %lt3A_195 = arith.cmpf olt, %add3A_163, %broadcast_in_dim3A_194 : vector<16xf32>
      %convert_element_type3A_196 = arith.extui %lt3A_195 : vector<16xi1> to vector<16xi32>
      %add3A_197 = arith.addi %add3A_156, %convert_element_type3A_196 : vector<16xi32>
      %broadcast_in_dim3A_198 = arith.constant 3 : i32
      %broadcast_in_dim3A_199 = vector.broadcast %broadcast_in_dim3A_198 : i32 to vector<16xi32>
      %add3A_200 = arith.addi %mul3A_61, %broadcast_in_dim3A_199 : vector<16xi32>
      %gather3A_201 = tpu.vector_load_idx %arg5[%add3A_200] : memref<8192xf32, #tpu.memory_space<vmem>>[vector<16xi32>], vector<16xf32>,
      %gather3A_202 = tpu.vector_load_idx %arg6[%add3A_200] : memref<8192xf32, #tpu.memory_space<vmem>>[vector<16xi32>], vector<16xf32>,
      %add3A_203 = arith.addf %add3A_162, %gather3A_201 : vector<16xf32>
      %add3A_204 = arith.addf %add3A_163, %gather3A_202 : vector<16xf32>
      %swap3A_205 = arith.constant 48 : index
      %swap3A_206 = tpu.vector_load %arg7[%swap3A_205] {strides = array<i32>} : memref<256xf32, #tpu.memory_space<vmem>>, vector<16xf32>,
      tpu.vector_store %arg7[%swap3A_205], %add3A_203 {strides = array<i32>} : memref<256xf32, #tpu.memory_space<vmem>>, vector<16xf32>,
      %swap3A_207 = arith.constant 48 : index
      %swap3A_208 = tpu.vector_load %arg8[%swap3A_207] {strides = array<i32>} : memref<256xf32, #tpu.memory_space<vmem>>, vector<16xf32>,
      tpu.vector_store %arg8[%swap3A_207], %add3A_204 {strides = array<i32>} : memref<256xf32, #tpu.memory_space<vmem>>, vector<16xf32>,
      %broadcast_in_dim3A_209 = arith.constant 2.500000e-01 : f32
      %broadcast_in_dim3A_210 = vector.broadcast %broadcast_in_dim3A_209 : f32 to vector<16xf32>
      %lt3A_211 = arith.cmpf olt, %add3A_203, %broadcast_in_dim3A_210 : vector<16xf32>
      %convert_element_type3A_212 = arith.extui %lt3A_211 : vector<16xi1> to vector<16xi32>
      %add3A_213 = arith.addi %add3A_172, %convert_element_type3A_212 : vector<16xi32>
      %broadcast_in_dim3A_214 = arith.constant 2.500000e-01 : f32
      %broadcast_in_dim3A_215 = vector.broadcast %broadcast_in_dim3A_214 : f32 to vector<16xf32>
      %lt3A_216 = arith.cmpf olt, %add3A_204, %broadcast_in_dim3A_215 : vector<16xf32>
      %convert_element_type3A_217 = arith.extui %lt3A_216 : vector<16xi1> to vector<16xi32>
      %add3A_218 = arith.addi %add3A_177, %convert_element_type3A_217 : vector<16xi32>
      %broadcast_in_dim3A_219 = arith.constant 5.000000e-01 : f32
      %broadcast_in_dim3A_220 = vector.broadcast %broadcast_in_dim3A_219 : f32 to vector<16xf32>
      %lt3A_221 = arith.cmpf olt, %add3A_203, %broadcast_in_dim3A_220 : vector<16xf32>
      %convert_element_type3A_222 = arith.extui %lt3A_221 : vector<16xi1> to vector<16xi32>
      %add3A_223 = arith.addi %add3A_182, %convert_element_type3A_222 : vector<16xi32>
      %broadcast_in_dim3A_224 = arith.constant 5.000000e-01 : f32
      %broadcast_in_dim3A_225 = vector.broadcast %broadcast_in_dim3A_224 : f32 to vector<16xf32>
      %lt3A_226 = arith.cmpf olt, %add3A_204, %broadcast_in_dim3A_225 : vector<16xf32>
      %convert_element_type3A_227 = arith.extui %lt3A_226 : vector<16xi1> to vector<16xi32>
      %add3A_228 = arith.addi %add3A_187, %convert_element_type3A_227 : vector<16xi32>
      %broadcast_in_dim3A_229 = arith.constant 7.500000e-01 : f32
      %broadcast_in_dim3A_230 = vector.broadcast %broadcast_in_dim3A_229 : f32 to vector<16xf32>
      %lt3A_231 = arith.cmpf olt, %add3A_203, %broadcast_in_dim3A_230 : vector<16xf32>
      %convert_element_type3A_232 = arith.extui %lt3A_231 : vector<16xi1> to vector<16xi32>
      %add3A_233 = arith.addi %add3A_192, %convert_element_type3A_232 : vector<16xi32>
      %broadcast_in_dim3A_234 = arith.constant 7.500000e-01 : f32
      %broadcast_in_dim3A_235 = vector.broadcast %broadcast_in_dim3A_234 : f32 to vector<16xf32>
      %lt3A_236 = arith.cmpf olt, %add3A_204, %broadcast_in_dim3A_235 : vector<16xf32>
      %convert_element_type3A_237 = arith.extui %lt3A_236 : vector<16xi1> to vector<16xi32>
      %add3A_238 = arith.addi %add3A_197, %convert_element_type3A_237 : vector<16xi32>
      %broadcast_in_dim3A_239 = arith.constant 4 : i32
      %broadcast_in_dim3A_240 = vector.broadcast %broadcast_in_dim3A_239 : i32 to vector<16xi32>
      %add3A_241 = arith.addi %mul3A_61, %broadcast_in_dim3A_240 : vector<16xi32>
      %gather3A_242 = tpu.vector_load_idx %arg5[%add3A_241] : memref<8192xf32, #tpu.memory_space<vmem>>[vector<16xi32>], vector<16xf32>,
      %gather3A_243 = tpu.vector_load_idx %arg6[%add3A_241] : memref<8192xf32, #tpu.memory_space<vmem>>[vector<16xi32>], vector<16xf32>,
      %add3A_244 = arith.addf %add3A_203, %gather3A_242 : vector<16xf32>
      %add3A_245 = arith.addf %add3A_204, %gather3A_243 : vector<16xf32>
      %swap3A_246 = arith.constant 64 : index
      %swap3A_247 = tpu.vector_load %arg7[%swap3A_246] {strides = array<i32>} : memref<256xf32, #tpu.memory_space<vmem>>, vector<16xf32>,
      tpu.vector_store %arg7[%swap3A_246], %add3A_244 {strides = array<i32>} : memref<256xf32, #tpu.memory_space<vmem>>, vector<16xf32>,
      %swap3A_248 = arith.constant 64 : index
      %swap3A_249 = tpu.vector_load %arg8[%swap3A_248] {strides = array<i32>} : memref<256xf32, #tpu.memory_space<vmem>>, vector<16xf32>,
      tpu.vector_store %arg8[%swap3A_248], %add3A_245 {strides = array<i32>} : memref<256xf32, #tpu.memory_space<vmem>>, vector<16xf32>,
      %broadcast_in_dim3A_250 = arith.constant 2.500000e-01 : f32
      %broadcast_in_dim3A_251 = vector.broadcast %broadcast_in_dim3A_250 : f32 to vector<16xf32>
      %lt3A_252 = arith.cmpf olt, %add3A_244, %broadcast_in_dim3A_251 : vector<16xf32>
      %convert_element_type3A_253 = arith.extui %lt3A_252 : vector<16xi1> to vector<16xi32>
      %add3A_254 = arith.addi %add3A_213, %convert_element_type3A_253 : vector<16xi32>
      %broadcast_in_dim3A_255 = arith.constant 2.500000e-01 : f32
      %broadcast_in_dim3A_256 = vector.broadcast %broadcast_in_dim3A_255 : f32 to vector<16xf32>
      %lt3A_257 = arith.cmpf olt, %add3A_245, %broadcast_in_dim3A_256 : vector<16xf32>
      %convert_element_type3A_258 = arith.extui %lt3A_257 : vector<16xi1> to vector<16xi32>
      %add3A_259 = arith.addi %add3A_218, %convert_element_type3A_258 : vector<16xi32>
      %broadcast_in_dim3A_260 = arith.constant 5.000000e-01 : f32
      %broadcast_in_dim3A_261 = vector.broadcast %broadcast_in_dim3A_260 : f32 to vector<16xf32>
      %lt3A_262 = arith.cmpf olt, %add3A_244, %broadcast_in_dim3A_261 : vector<16xf32>
      %convert_element_type3A_263 = arith.extui %lt3A_262 : vector<16xi1> to vector<16xi32>
      %add3A_264 = arith.addi %add3A_223, %convert_element_type3A_263 : vector<16xi32>
      %broadcast_in_dim3A_265 = arith.constant 5.000000e-01 : f32
      %broadcast_in_dim3A_266 = vector.broadcast %broadcast_in_dim3A_265 : f32 to vector<16xf32>
      %lt3A_267 = arith.cmpf olt, %add3A_245, %broadcast_in_dim3A_266 : vector<16xf32>
      %convert_element_type3A_268 = arith.extui %lt3A_267 : vector<16xi1> to vector<16xi32>
      %add3A_269 = arith.addi %add3A_228, %convert_element_type3A_268 : vector<16xi32>
      %broadcast_in_dim3A_270 = arith.constant 7.500000e-01 : f32
      %broadcast_in_dim3A_271 = vector.broadcast %broadcast_in_dim3A_270 : f32 to vector<16xf32>
      %lt3A_272 = arith.cmpf olt, %add3A_244, %broadcast_in_dim3A_271 : vector<16xf32>
      %convert_element_type3A_273 = arith.extui %lt3A_272 : vector<16xi1> to vector<16xi32>
      %add3A_274 = arith.addi %add3A_233, %convert_element_type3A_273 : vector<16xi32>
      %broadcast_in_dim3A_275 = arith.constant 7.500000e-01 : f32
      %broadcast_in_dim3A_276 = vector.broadcast %broadcast_in_dim3A_275 : f32 to vector<16xf32>
      %lt3A_277 = arith.cmpf olt, %add3A_245, %broadcast_in_dim3A_276 : vector<16xf32>
      %convert_element_type3A_278 = arith.extui %lt3A_277 : vector<16xi1> to vector<16xi32>
      %add3A_279 = arith.addi %add3A_238, %convert_element_type3A_278 : vector<16xi32>
      %broadcast_in_dim3A_280 = arith.constant 5 : i32
      %broadcast_in_dim3A_281 = vector.broadcast %broadcast_in_dim3A_280 : i32 to vector<16xi32>
      %add3A_282 = arith.addi %mul3A_61, %broadcast_in_dim3A_281 : vector<16xi32>
      %gather3A_283 = tpu.vector_load_idx %arg5[%add3A_282] : memref<8192xf32, #tpu.memory_space<vmem>>[vector<16xi32>], vector<16xf32>,
      %gather3A_284 = tpu.vector_load_idx %arg6[%add3A_282] : memref<8192xf32, #tpu.memory_space<vmem>>[vector<16xi32>], vector<16xf32>,
      %add3A_285 = arith.addf %add3A_244, %gather3A_283 : vector<16xf32>
      %add3A_286 = arith.addf %add3A_245, %gather3A_284 : vector<16xf32>
      %swap3A_287 = arith.constant 80 : index
      %swap3A_288 = tpu.vector_load %arg7[%swap3A_287] {strides = array<i32>} : memref<256xf32, #tpu.memory_space<vmem>>, vector<16xf32>,
      tpu.vector_store %arg7[%swap3A_287], %add3A_285 {strides = array<i32>} : memref<256xf32, #tpu.memory_space<vmem>>, vector<16xf32>,
      %swap3A_289 = arith.constant 80 : index
      %swap3A_290 = tpu.vector_load %arg8[%swap3A_289] {strides = array<i32>} : memref<256xf32, #tpu.memory_space<vmem>>, vector<16xf32>,
      tpu.vector_store %arg8[%swap3A_289], %add3A_286 {strides = array<i32>} : memref<256xf32, #tpu.memory_space<vmem>>, vector<16xf32>,
      %broadcast_in_dim3A_291 = arith.constant 2.500000e-01 : f32
      %broadcast_in_dim3A_292 = vector.broadcast %broadcast_in_dim3A_291 : f32 to vector<16xf32>
      %lt3A_293 = arith.cmpf olt, %add3A_285, %broadcast_in_dim3A_292 : vector<16xf32>
      %convert_element_type3A_294 = arith.extui %lt3A_293 : vector<16xi1> to vector<16xi32>
      %add3A_295 = arith.addi %add3A_254, %convert_element_type3A_294 : vector<16xi32>
      %broadcast_in_dim3A_296 = arith.constant 2.500000e-01 : f32
      %broadcast_in_dim3A_297 = vector.broadcast %broadcast_in_dim3A_296 : f32 to vector<16xf32>
      %lt3A_298 = arith.cmpf olt, %add3A_286, %broadcast_in_dim3A_297 : vector<16xf32>
      %convert_element_type3A_299 = arith.extui %lt3A_298 : vector<16xi1> to vector<16xi32>
      %add3A_300 = arith.addi %add3A_259, %convert_element_type3A_299 : vector<16xi32>
      %broadcast_in_dim3A_301 = arith.constant 5.000000e-01 : f32
      %broadcast_in_dim3A_302 = vector.broadcast %broadcast_in_dim3A_301 : f32 to vector<16xf32>
      %lt3A_303 = arith.cmpf olt, %add3A_285, %broadcast_in_dim3A_302 : vector<16xf32>
      %convert_element_type3A_304 = arith.extui %lt3A_303 : vector<16xi1> to vector<16xi32>
      %add3A_305 = arith.addi %add3A_264, %convert_element_type3A_304 : vector<16xi32>
      %broadcast_in_dim3A_306 = arith.constant 5.000000e-01 : f32
      %broadcast_in_dim3A_307 = vector.broadcast %broadcast_in_dim3A_306 : f32 to vector<16xf32>
      %lt3A_308 = arith.cmpf olt, %add3A_286, %broadcast_in_dim3A_307 : vector<16xf32>
      %convert_element_type3A_309 = arith.extui %lt3A_308 : vector<16xi1> to vector<16xi32>
      %add3A_310 = arith.addi %add3A_269, %convert_element_type3A_309 : vector<16xi32>
      %broadcast_in_dim3A_311 = arith.constant 7.500000e-01 : f32
      %broadcast_in_dim3A_312 = vector.broadcast %broadcast_in_dim3A_311 : f32 to vector<16xf32>
      %lt3A_313 = arith.cmpf olt, %add3A_285, %broadcast_in_dim3A_312 : vector<16xf32>
      %convert_element_type3A_314 = arith.extui %lt3A_313 : vector<16xi1> to vector<16xi32>
      %add3A_315 = arith.addi %add3A_274, %convert_element_type3A_314 : vector<16xi32>
      %broadcast_in_dim3A_316 = arith.constant 7.500000e-01 : f32
      %broadcast_in_dim3A_317 = vector.broadcast %broadcast_in_dim3A_316 : f32 to vector<16xf32>
      %lt3A_318 = arith.cmpf olt, %add3A_286, %broadcast_in_dim3A_317 : vector<16xf32>
      %convert_element_type3A_319 = arith.extui %lt3A_318 : vector<16xi1> to vector<16xi32>
      %add3A_320 = arith.addi %add3A_279, %convert_element_type3A_319 : vector<16xi32>
      %broadcast_in_dim3A_321 = arith.constant 6 : i32
      %broadcast_in_dim3A_322 = vector.broadcast %broadcast_in_dim3A_321 : i32 to vector<16xi32>
      %add3A_323 = arith.addi %mul3A_61, %broadcast_in_dim3A_322 : vector<16xi32>
      %gather3A_324 = tpu.vector_load_idx %arg5[%add3A_323] : memref<8192xf32, #tpu.memory_space<vmem>>[vector<16xi32>], vector<16xf32>,
      %gather3A_325 = tpu.vector_load_idx %arg6[%add3A_323] : memref<8192xf32, #tpu.memory_space<vmem>>[vector<16xi32>], vector<16xf32>,
      %add3A_326 = arith.addf %add3A_285, %gather3A_324 : vector<16xf32>
      %add3A_327 = arith.addf %add3A_286, %gather3A_325 : vector<16xf32>
      %swap3A_328 = arith.constant 96 : index
      %swap3A_329 = tpu.vector_load %arg7[%swap3A_328] {strides = array<i32>} : memref<256xf32, #tpu.memory_space<vmem>>, vector<16xf32>,
      tpu.vector_store %arg7[%swap3A_328], %add3A_326 {strides = array<i32>} : memref<256xf32, #tpu.memory_space<vmem>>, vector<16xf32>,
      %swap3A_330 = arith.constant 96 : index
      %swap3A_331 = tpu.vector_load %arg8[%swap3A_330] {strides = array<i32>} : memref<256xf32, #tpu.memory_space<vmem>>, vector<16xf32>,
      tpu.vector_store %arg8[%swap3A_330], %add3A_327 {strides = array<i32>} : memref<256xf32, #tpu.memory_space<vmem>>, vector<16xf32>,
      %broadcast_in_dim3A_332 = arith.constant 2.500000e-01 : f32
      %broadcast_in_dim3A_333 = vector.broadcast %broadcast_in_dim3A_332 : f32 to vector<16xf32>
      %lt3A_334 = arith.cmpf olt, %add3A_326, %broadcast_in_dim3A_333 : vector<16xf32>
      %convert_element_type3A_335 = arith.extui %lt3A_334 : vector<16xi1> to vector<16xi32>
      %add3A_336 = arith.addi %add3A_295, %convert_element_type3A_335 : vector<16xi32>
      %broadcast_in_dim3A_337 = arith.constant 2.500000e-01 : f32
      %broadcast_in_dim3A_338 = vector.broadcast %broadcast_in_dim3A_337 : f32 to vector<16xf32>
      %lt3A_339 = arith.cmpf olt, %add3A_327, %broadcast_in_dim3A_338 : vector<16xf32>
      %convert_element_type3A_340 = arith.extui %lt3A_339 : vector<16xi1> to vector<16xi32>
      %add3A_341 = arith.addi %add3A_300, %convert_element_type3A_340 : vector<16xi32>
      %broadcast_in_dim3A_342 = arith.constant 5.000000e-01 : f32
      %broadcast_in_dim3A_343 = vector.broadcast %broadcast_in_dim3A_342 : f32 to vector<16xf32>
      %lt3A_344 = arith.cmpf olt, %add3A_326, %broadcast_in_dim3A_343 : vector<16xf32>
      %convert_element_type3A_345 = arith.extui %lt3A_344 : vector<16xi1> to vector<16xi32>
      %add3A_346 = arith.addi %add3A_305, %convert_element_type3A_345 : vector<16xi32>
      %broadcast_in_dim3A_347 = arith.constant 5.000000e-01 : f32
      %broadcast_in_dim3A_348 = vector.broadcast %broadcast_in_dim3A_347 : f32 to vector<16xf32>
      %lt3A_349 = arith.cmpf olt, %add3A_327, %broadcast_in_dim3A_348 : vector<16xf32>
      %convert_element_type3A_350 = arith.extui %lt3A_349 : vector<16xi1> to vector<16xi32>
      %add3A_351 = arith.addi %add3A_310, %convert_element_type3A_350 : vector<16xi32>
      %broadcast_in_dim3A_352 = arith.constant 7.500000e-01 : f32
      %broadcast_in_dim3A_353 = vector.broadcast %broadcast_in_dim3A_352 : f32 to vector<16xf32>
      %lt3A_354 = arith.cmpf olt, %add3A_326, %broadcast_in_dim3A_353 : vector<16xf32>
      %convert_element_type3A_355 = arith.extui %lt3A_354 : vector<16xi1> to vector<16xi32>
      %add3A_356 = arith.addi %add3A_315, %convert_element_type3A_355 : vector<16xi32>
      %broadcast_in_dim3A_357 = arith.constant 7.500000e-01 : f32
      %broadcast_in_dim3A_358 = vector.broadcast %broadcast_in_dim3A_357 : f32 to vector<16xf32>
      %lt3A_359 = arith.cmpf olt, %add3A_327, %broadcast_in_dim3A_358 : vector<16xf32>
      %convert_element_type3A_360 = arith.extui %lt3A_359 : vector<16xi1> to vector<16xi32>
      %add3A_361 = arith.addi %add3A_320, %convert_element_type3A_360 : vector<16xi32>
      %broadcast_in_dim3A_362 = arith.constant 7 : i32
      %broadcast_in_dim3A_363 = vector.broadcast %broadcast_in_dim3A_362 : i32 to vector<16xi32>
      %add3A_364 = arith.addi %mul3A_61, %broadcast_in_dim3A_363 : vector<16xi32>
      %gather3A_365 = tpu.vector_load_idx %arg5[%add3A_364] : memref<8192xf32, #tpu.memory_space<vmem>>[vector<16xi32>], vector<16xf32>,
      %gather3A_366 = tpu.vector_load_idx %arg6[%add3A_364] : memref<8192xf32, #tpu.memory_space<vmem>>[vector<16xi32>], vector<16xf32>,
      %add3A_367 = arith.addf %add3A_326, %gather3A_365 : vector<16xf32>
      %add3A_368 = arith.addf %add3A_327, %gather3A_366 : vector<16xf32>
      %swap3A_369 = arith.constant 112 : index
      %swap3A_370 = tpu.vector_load %arg7[%swap3A_369] {strides = array<i32>} : memref<256xf32, #tpu.memory_space<vmem>>, vector<16xf32>,
      tpu.vector_store %arg7[%swap3A_369], %add3A_367 {strides = array<i32>} : memref<256xf32, #tpu.memory_space<vmem>>, vector<16xf32>,
      %swap3A_371 = arith.constant 112 : index
      %swap3A_372 = tpu.vector_load %arg8[%swap3A_371] {strides = array<i32>} : memref<256xf32, #tpu.memory_space<vmem>>, vector<16xf32>,
      tpu.vector_store %arg8[%swap3A_371], %add3A_368 {strides = array<i32>} : memref<256xf32, #tpu.memory_space<vmem>>, vector<16xf32>,
      %broadcast_in_dim3A_373 = arith.constant 2.500000e-01 : f32
      %broadcast_in_dim3A_374 = vector.broadcast %broadcast_in_dim3A_373 : f32 to vector<16xf32>
      %lt3A_375 = arith.cmpf olt, %add3A_367, %broadcast_in_dim3A_374 : vector<16xf32>
      %convert_element_type3A_376 = arith.extui %lt3A_375 : vector<16xi1> to vector<16xi32>
      %add3A_377 = arith.addi %add3A_336, %convert_element_type3A_376 : vector<16xi32>
      %broadcast_in_dim3A_378 = arith.constant 2.500000e-01 : f32
      %broadcast_in_dim3A_379 = vector.broadcast %broadcast_in_dim3A_378 : f32 to vector<16xf32>
      %lt3A_380 = arith.cmpf olt, %add3A_368, %broadcast_in_dim3A_379 : vector<16xf32>
      %convert_element_type3A_381 = arith.extui %lt3A_380 : vector<16xi1> to vector<16xi32>
      %add3A_382 = arith.addi %add3A_341, %convert_element_type3A_381 : vector<16xi32>
      %broadcast_in_dim3A_383 = arith.constant 5.000000e-01 : f32
      %broadcast_in_dim3A_384 = vector.broadcast %broadcast_in_dim3A_383 : f32 to vector<16xf32>
      %lt3A_385 = arith.cmpf olt, %add3A_367, %broadcast_in_dim3A_384 : vector<16xf32>
      %convert_element_type3A_386 = arith.extui %lt3A_385 : vector<16xi1> to vector<16xi32>
      %add3A_387 = arith.addi %add3A_346, %convert_element_type3A_386 : vector<16xi32>
      %broadcast_in_dim3A_388 = arith.constant 5.000000e-01 : f32
      %broadcast_in_dim3A_389 = vector.broadcast %broadcast_in_dim3A_388 : f32 to vector<16xf32>
      %lt3A_390 = arith.cmpf olt, %add3A_368, %broadcast_in_dim3A_389 : vector<16xf32>
      %convert_element_type3A_391 = arith.extui %lt3A_390 : vector<16xi1> to vector<16xi32>
      %add3A_392 = arith.addi %add3A_351, %convert_element_type3A_391 : vector<16xi32>
      %broadcast_in_dim3A_393 = arith.constant 7.500000e-01 : f32
      %broadcast_in_dim3A_394 = vector.broadcast %broadcast_in_dim3A_393 : f32 to vector<16xf32>
      %lt3A_395 = arith.cmpf olt, %add3A_367, %broadcast_in_dim3A_394 : vector<16xf32>
      %convert_element_type3A_396 = arith.extui %lt3A_395 : vector<16xi1> to vector<16xi32>
      %add3A_397 = arith.addi %add3A_356, %convert_element_type3A_396 : vector<16xi32>
      %broadcast_in_dim3A_398 = arith.constant 7.500000e-01 : f32
      %broadcast_in_dim3A_399 = vector.broadcast %broadcast_in_dim3A_398 : f32 to vector<16xf32>
      %lt3A_400 = arith.cmpf olt, %add3A_368, %broadcast_in_dim3A_399 : vector<16xf32>
      %convert_element_type3A_401 = arith.extui %lt3A_400 : vector<16xi1> to vector<16xi32>
      %add3A_402 = arith.addi %add3A_361, %convert_element_type3A_401 : vector<16xi32>
      %broadcast_in_dim3A_403 = arith.constant 8 : i32
      %broadcast_in_dim3A_404 = vector.broadcast %broadcast_in_dim3A_403 : i32 to vector<16xi32>
      %add3A_405 = arith.addi %mul3A_61, %broadcast_in_dim3A_404 : vector<16xi32>
      %gather3A_406 = tpu.vector_load_idx %arg5[%add3A_405] : memref<8192xf32, #tpu.memory_space<vmem>>[vector<16xi32>], vector<16xf32>,
      %gather3A_407 = tpu.vector_load_idx %arg6[%add3A_405] : memref<8192xf32, #tpu.memory_space<vmem>>[vector<16xi32>], vector<16xf32>,
      %add3A_408 = arith.addf %add3A_367, %gather3A_406 : vector<16xf32>
      %add3A_409 = arith.addf %add3A_368, %gather3A_407 : vector<16xf32>
      %swap3A_410 = arith.constant 128 : index
      %swap3A_411 = tpu.vector_load %arg7[%swap3A_410] {strides = array<i32>} : memref<256xf32, #tpu.memory_space<vmem>>, vector<16xf32>,
      tpu.vector_store %arg7[%swap3A_410], %add3A_408 {strides = array<i32>} : memref<256xf32, #tpu.memory_space<vmem>>, vector<16xf32>,
      %swap3A_412 = arith.constant 128 : index
      %swap3A_413 = tpu.vector_load %arg8[%swap3A_412] {strides = array<i32>} : memref<256xf32, #tpu.memory_space<vmem>>, vector<16xf32>,
      tpu.vector_store %arg8[%swap3A_412], %add3A_409 {strides = array<i32>} : memref<256xf32, #tpu.memory_space<vmem>>, vector<16xf32>,
      %broadcast_in_dim3A_414 = arith.constant 2.500000e-01 : f32
      %broadcast_in_dim3A_415 = vector.broadcast %broadcast_in_dim3A_414 : f32 to vector<16xf32>
      %lt3A_416 = arith.cmpf olt, %add3A_408, %broadcast_in_dim3A_415 : vector<16xf32>
      %convert_element_type3A_417 = arith.extui %lt3A_416 : vector<16xi1> to vector<16xi32>
      %add3A_418 = arith.addi %add3A_377, %convert_element_type3A_417 : vector<16xi32>
      %broadcast_in_dim3A_419 = arith.constant 2.500000e-01 : f32
      %broadcast_in_dim3A_420 = vector.broadcast %broadcast_in_dim3A_419 : f32 to vector<16xf32>
      %lt3A_421 = arith.cmpf olt, %add3A_409, %broadcast_in_dim3A_420 : vector<16xf32>
      %convert_element_type3A_422 = arith.extui %lt3A_421 : vector<16xi1> to vector<16xi32>
      %add3A_423 = arith.addi %add3A_382, %convert_element_type3A_422 : vector<16xi32>
      %broadcast_in_dim3A_424 = arith.constant 5.000000e-01 : f32
      %broadcast_in_dim3A_425 = vector.broadcast %broadcast_in_dim3A_424 : f32 to vector<16xf32>
      %lt3A_426 = arith.cmpf olt, %add3A_408, %broadcast_in_dim3A_425 : vector<16xf32>
      %convert_element_type3A_427 = arith.extui %lt3A_426 : vector<16xi1> to vector<16xi32>
      %add3A_428 = arith.addi %add3A_387, %convert_element_type3A_427 : vector<16xi32>
      %broadcast_in_dim3A_429 = arith.constant 5.000000e-01 : f32
      %broadcast_in_dim3A_430 = vector.broadcast %broadcast_in_dim3A_429 : f32 to vector<16xf32>
      %lt3A_431 = arith.cmpf olt, %add3A_409, %broadcast_in_dim3A_430 : vector<16xf32>
      %convert_element_type3A_432 = arith.extui %lt3A_431 : vector<16xi1> to vector<16xi32>
      %add3A_433 = arith.addi %add3A_392, %convert_element_type3A_432 : vector<16xi32>
      %broadcast_in_dim3A_434 = arith.constant 7.500000e-01 : f32
      %broadcast_in_dim3A_435 = vector.broadcast %broadcast_in_dim3A_434 : f32 to vector<16xf32>
      %lt3A_436 = arith.cmpf olt, %add3A_408, %broadcast_in_dim3A_435 : vector<16xf32>
      %convert_element_type3A_437 = arith.extui %lt3A_436 : vector<16xi1> to vector<16xi32>
      %add3A_438 = arith.addi %add3A_397, %convert_element_type3A_437 : vector<16xi32>
      %broadcast_in_dim3A_439 = arith.constant 7.500000e-01 : f32
      %broadcast_in_dim3A_440 = vector.broadcast %broadcast_in_dim3A_439 : f32 to vector<16xf32>
      %lt3A_441 = arith.cmpf olt, %add3A_409, %broadcast_in_dim3A_440 : vector<16xf32>
      %convert_element_type3A_442 = arith.extui %lt3A_441 : vector<16xi1> to vector<16xi32>
      %add3A_443 = arith.addi %add3A_402, %convert_element_type3A_442 : vector<16xi32>
      %broadcast_in_dim3A_444 = arith.constant 9 : i32
      %broadcast_in_dim3A_445 = vector.broadcast %broadcast_in_dim3A_444 : i32 to vector<16xi32>
      %add3A_446 = arith.addi %mul3A_61, %broadcast_in_dim3A_445 : vector<16xi32>
      %gather3A_447 = tpu.vector_load_idx %arg5[%add3A_446] : memref<8192xf32, #tpu.memory_space<vmem>>[vector<16xi32>], vector<16xf32>,
      %gather3A_448 = tpu.vector_load_idx %arg6[%add3A_446] : memref<8192xf32, #tpu.memory_space<vmem>>[vector<16xi32>], vector<16xf32>,
      %add3A_449 = arith.addf %add3A_408, %gather3A_447 : vector<16xf32>
      %add3A_450 = arith.addf %add3A_409, %gather3A_448 : vector<16xf32>
      %swap3A_451 = arith.constant 144 : index
      %swap3A_452 = tpu.vector_load %arg7[%swap3A_451] {strides = array<i32>} : memref<256xf32, #tpu.memory_space<vmem>>, vector<16xf32>,
      tpu.vector_store %arg7[%swap3A_451], %add3A_449 {strides = array<i32>} : memref<256xf32, #tpu.memory_space<vmem>>, vector<16xf32>,
      %swap3A_453 = arith.constant 144 : index
      %swap3A_454 = tpu.vector_load %arg8[%swap3A_453] {strides = array<i32>} : memref<256xf32, #tpu.memory_space<vmem>>, vector<16xf32>,
      tpu.vector_store %arg8[%swap3A_453], %add3A_450 {strides = array<i32>} : memref<256xf32, #tpu.memory_space<vmem>>, vector<16xf32>,
      %broadcast_in_dim3A_455 = arith.constant 2.500000e-01 : f32
      %broadcast_in_dim3A_456 = vector.broadcast %broadcast_in_dim3A_455 : f32 to vector<16xf32>
      %lt3A_457 = arith.cmpf olt, %add3A_449, %broadcast_in_dim3A_456 : vector<16xf32>
      %convert_element_type3A_458 = arith.extui %lt3A_457 : vector<16xi1> to vector<16xi32>
      %add3A_459 = arith.addi %add3A_418, %convert_element_type3A_458 : vector<16xi32>
      %broadcast_in_dim3A_460 = arith.constant 2.500000e-01 : f32
      %broadcast_in_dim3A_461 = vector.broadcast %broadcast_in_dim3A_460 : f32 to vector<16xf32>
      %lt3A_462 = arith.cmpf olt, %add3A_450, %broadcast_in_dim3A_461 : vector<16xf32>
      %convert_element_type3A_463 = arith.extui %lt3A_462 : vector<16xi1> to vector<16xi32>
      %add3A_464 = arith.addi %add3A_423, %convert_element_type3A_463 : vector<16xi32>
      %broadcast_in_dim3A_465 = arith.constant 5.000000e-01 : f32
      %broadcast_in_dim3A_466 = vector.broadcast %broadcast_in_dim3A_465 : f32 to vector<16xf32>
      %lt3A_467 = arith.cmpf olt, %add3A_449, %broadcast_in_dim3A_466 : vector<16xf32>
      %convert_element_type3A_468 = arith.extui %lt3A_467 : vector<16xi1> to vector<16xi32>
      %add3A_469 = arith.addi %add3A_428, %convert_element_type3A_468 : vector<16xi32>
      %broadcast_in_dim3A_470 = arith.constant 5.000000e-01 : f32
      %broadcast_in_dim3A_471 = vector.broadcast %broadcast_in_dim3A_470 : f32 to vector<16xf32>
      %lt3A_472 = arith.cmpf olt, %add3A_450, %broadcast_in_dim3A_471 : vector<16xf32>
      %convert_element_type3A_473 = arith.extui %lt3A_472 : vector<16xi1> to vector<16xi32>
      %add3A_474 = arith.addi %add3A_433, %convert_element_type3A_473 : vector<16xi32>
      %broadcast_in_dim3A_475 = arith.constant 7.500000e-01 : f32
      %broadcast_in_dim3A_476 = vector.broadcast %broadcast_in_dim3A_475 : f32 to vector<16xf32>
      %lt3A_477 = arith.cmpf olt, %add3A_449, %broadcast_in_dim3A_476 : vector<16xf32>
      %convert_element_type3A_478 = arith.extui %lt3A_477 : vector<16xi1> to vector<16xi32>
      %add3A_479 = arith.addi %add3A_438, %convert_element_type3A_478 : vector<16xi32>
      %broadcast_in_dim3A_480 = arith.constant 7.500000e-01 : f32
      %broadcast_in_dim3A_481 = vector.broadcast %broadcast_in_dim3A_480 : f32 to vector<16xf32>
      %lt3A_482 = arith.cmpf olt, %add3A_450, %broadcast_in_dim3A_481 : vector<16xf32>
      %convert_element_type3A_483 = arith.extui %lt3A_482 : vector<16xi1> to vector<16xi32>
      %add3A_484 = arith.addi %add3A_443, %convert_element_type3A_483 : vector<16xi32>
      %broadcast_in_dim3A_485 = arith.constant 10 : i32
      %broadcast_in_dim3A_486 = vector.broadcast %broadcast_in_dim3A_485 : i32 to vector<16xi32>
      %add3A_487 = arith.addi %mul3A_61, %broadcast_in_dim3A_486 : vector<16xi32>
      %gather3A_488 = tpu.vector_load_idx %arg5[%add3A_487] : memref<8192xf32, #tpu.memory_space<vmem>>[vector<16xi32>], vector<16xf32>,
      %gather3A_489 = tpu.vector_load_idx %arg6[%add3A_487] : memref<8192xf32, #tpu.memory_space<vmem>>[vector<16xi32>], vector<16xf32>,
      %add3A_490 = arith.addf %add3A_449, %gather3A_488 : vector<16xf32>
      %add3A_491 = arith.addf %add3A_450, %gather3A_489 : vector<16xf32>
      %swap3A_492 = arith.constant 160 : index
      %swap3A_493 = tpu.vector_load %arg7[%swap3A_492] {strides = array<i32>} : memref<256xf32, #tpu.memory_space<vmem>>, vector<16xf32>,
      tpu.vector_store %arg7[%swap3A_492], %add3A_490 {strides = array<i32>} : memref<256xf32, #tpu.memory_space<vmem>>, vector<16xf32>,
      %swap3A_494 = arith.constant 160 : index
      %swap3A_495 = tpu.vector_load %arg8[%swap3A_494] {strides = array<i32>} : memref<256xf32, #tpu.memory_space<vmem>>, vector<16xf32>,
      tpu.vector_store %arg8[%swap3A_494], %add3A_491 {strides = array<i32>} : memref<256xf32, #tpu.memory_space<vmem>>, vector<16xf32>,
      %broadcast_in_dim3A_496 = arith.constant 2.500000e-01 : f32
      %broadcast_in_dim3A_497 = vector.broadcast %broadcast_in_dim3A_496 : f32 to vector<16xf32>
      %lt3A_498 = arith.cmpf olt, %add3A_490, %broadcast_in_dim3A_497 : vector<16xf32>
      %convert_element_type3A_499 = arith.extui %lt3A_498 : vector<16xi1> to vector<16xi32>
      %add3A_500 = arith.addi %add3A_459, %convert_element_type3A_499 : vector<16xi32>
      %broadcast_in_dim3A_501 = arith.constant 2.500000e-01 : f32
      %broadcast_in_dim3A_502 = vector.broadcast %broadcast_in_dim3A_501 : f32 to vector<16xf32>
      %lt3A_503 = arith.cmpf olt, %add3A_491, %broadcast_in_dim3A_502 : vector<16xf32>
      %convert_element_type3A_504 = arith.extui %lt3A_503 : vector<16xi1> to vector<16xi32>
      %add3A_505 = arith.addi %add3A_464, %convert_element_type3A_504 : vector<16xi32>
      %broadcast_in_dim3A_506 = arith.constant 5.000000e-01 : f32
      %broadcast_in_dim3A_507 = vector.broadcast %broadcast_in_dim3A_506 : f32 to vector<16xf32>
      %lt3A_508 = arith.cmpf olt, %add3A_490, %broadcast_in_dim3A_507 : vector<16xf32>
      %convert_element_type3A_509 = arith.extui %lt3A_508 : vector<16xi1> to vector<16xi32>
      %add3A_510 = arith.addi %add3A_469, %convert_element_type3A_509 : vector<16xi32>
      %broadcast_in_dim3A_511 = arith.constant 5.000000e-01 : f32
      %broadcast_in_dim3A_512 = vector.broadcast %broadcast_in_dim3A_511 : f32 to vector<16xf32>
      %lt3A_513 = arith.cmpf olt, %add3A_491, %broadcast_in_dim3A_512 : vector<16xf32>
      %convert_element_type3A_514 = arith.extui %lt3A_513 : vector<16xi1> to vector<16xi32>
      %add3A_515 = arith.addi %add3A_474, %convert_element_type3A_514 : vector<16xi32>
      %broadcast_in_dim3A_516 = arith.constant 7.500000e-01 : f32
      %broadcast_in_dim3A_517 = vector.broadcast %broadcast_in_dim3A_516 : f32 to vector<16xf32>
      %lt3A_518 = arith.cmpf olt, %add3A_490, %broadcast_in_dim3A_517 : vector<16xf32>
      %convert_element_type3A_519 = arith.extui %lt3A_518 : vector<16xi1> to vector<16xi32>
      %add3A_520 = arith.addi %add3A_479, %convert_element_type3A_519 : vector<16xi32>
      %broadcast_in_dim3A_521 = arith.constant 7.500000e-01 : f32
      %broadcast_in_dim3A_522 = vector.broadcast %broadcast_in_dim3A_521 : f32 to vector<16xf32>
      %lt3A_523 = arith.cmpf olt, %add3A_491, %broadcast_in_dim3A_522 : vector<16xf32>
      %convert_element_type3A_524 = arith.extui %lt3A_523 : vector<16xi1> to vector<16xi32>
      %add3A_525 = arith.addi %add3A_484, %convert_element_type3A_524 : vector<16xi32>
      %broadcast_in_dim3A_526 = arith.constant 11 : i32
      %broadcast_in_dim3A_527 = vector.broadcast %broadcast_in_dim3A_526 : i32 to vector<16xi32>
      %add3A_528 = arith.addi %mul3A_61, %broadcast_in_dim3A_527 : vector<16xi32>
      %gather3A_529 = tpu.vector_load_idx %arg5[%add3A_528] : memref<8192xf32, #tpu.memory_space<vmem>>[vector<16xi32>], vector<16xf32>,
      %gather3A_530 = tpu.vector_load_idx %arg6[%add3A_528] : memref<8192xf32, #tpu.memory_space<vmem>>[vector<16xi32>], vector<16xf32>,
      %add3A_531 = arith.addf %add3A_490, %gather3A_529 : vector<16xf32>
      %add3A_532 = arith.addf %add3A_491, %gather3A_530 : vector<16xf32>
      %swap3A_533 = arith.constant 176 : index
      %swap3A_534 = tpu.vector_load %arg7[%swap3A_533] {strides = array<i32>} : memref<256xf32, #tpu.memory_space<vmem>>, vector<16xf32>,
      tpu.vector_store %arg7[%swap3A_533], %add3A_531 {strides = array<i32>} : memref<256xf32, #tpu.memory_space<vmem>>, vector<16xf32>,
      %swap3A_535 = arith.constant 176 : index
      %swap3A_536 = tpu.vector_load %arg8[%swap3A_535] {strides = array<i32>} : memref<256xf32, #tpu.memory_space<vmem>>, vector<16xf32>,
      tpu.vector_store %arg8[%swap3A_535], %add3A_532 {strides = array<i32>} : memref<256xf32, #tpu.memory_space<vmem>>, vector<16xf32>,
      %broadcast_in_dim3A_537 = arith.constant 2.500000e-01 : f32
      %broadcast_in_dim3A_538 = vector.broadcast %broadcast_in_dim3A_537 : f32 to vector<16xf32>
      %lt3A_539 = arith.cmpf olt, %add3A_531, %broadcast_in_dim3A_538 : vector<16xf32>
      %convert_element_type3A_540 = arith.extui %lt3A_539 : vector<16xi1> to vector<16xi32>
      %add3A_541 = arith.addi %add3A_500, %convert_element_type3A_540 : vector<16xi32>
      %broadcast_in_dim3A_542 = arith.constant 2.500000e-01 : f32
      %broadcast_in_dim3A_543 = vector.broadcast %broadcast_in_dim3A_542 : f32 to vector<16xf32>
      %lt3A_544 = arith.cmpf olt, %add3A_532, %broadcast_in_dim3A_543 : vector<16xf32>
      %convert_element_type3A_545 = arith.extui %lt3A_544 : vector<16xi1> to vector<16xi32>
      %add3A_546 = arith.addi %add3A_505, %convert_element_type3A_545 : vector<16xi32>
      %broadcast_in_dim3A_547 = arith.constant 5.000000e-01 : f32
      %broadcast_in_dim3A_548 = vector.broadcast %broadcast_in_dim3A_547 : f32 to vector<16xf32>
      %lt3A_549 = arith.cmpf olt, %add3A_531, %broadcast_in_dim3A_548 : vector<16xf32>
      %convert_element_type3A_550 = arith.extui %lt3A_549 : vector<16xi1> to vector<16xi32>
      %add3A_551 = arith.addi %add3A_510, %convert_element_type3A_550 : vector<16xi32>
      %broadcast_in_dim3A_552 = arith.constant 5.000000e-01 : f32
      %broadcast_in_dim3A_553 = vector.broadcast %broadcast_in_dim3A_552 : f32 to vector<16xf32>
      %lt3A_554 = arith.cmpf olt, %add3A_532, %broadcast_in_dim3A_553 : vector<16xf32>
      %convert_element_type3A_555 = arith.extui %lt3A_554 : vector<16xi1> to vector<16xi32>
      %add3A_556 = arith.addi %add3A_515, %convert_element_type3A_555 : vector<16xi32>
      %broadcast_in_dim3A_557 = arith.constant 7.500000e-01 : f32
      %broadcast_in_dim3A_558 = vector.broadcast %broadcast_in_dim3A_557 : f32 to vector<16xf32>
      %lt3A_559 = arith.cmpf olt, %add3A_531, %broadcast_in_dim3A_558 : vector<16xf32>
      %convert_element_type3A_560 = arith.extui %lt3A_559 : vector<16xi1> to vector<16xi32>
      %add3A_561 = arith.addi %add3A_520, %convert_element_type3A_560 : vector<16xi32>
      %broadcast_in_dim3A_562 = arith.constant 7.500000e-01 : f32
      %broadcast_in_dim3A_563 = vector.broadcast %broadcast_in_dim3A_562 : f32 to vector<16xf32>
      %lt3A_564 = arith.cmpf olt, %add3A_532, %broadcast_in_dim3A_563 : vector<16xf32>
      %convert_element_type3A_565 = arith.extui %lt3A_564 : vector<16xi1> to vector<16xi32>
      %add3A_566 = arith.addi %add3A_525, %convert_element_type3A_565 : vector<16xi32>
      %broadcast_in_dim3A_567 = arith.constant 12 : i32
      %broadcast_in_dim3A_568 = vector.broadcast %broadcast_in_dim3A_567 : i32 to vector<16xi32>
      %add3A_569 = arith.addi %mul3A_61, %broadcast_in_dim3A_568 : vector<16xi32>
      %gather3A_570 = tpu.vector_load_idx %arg5[%add3A_569] : memref<8192xf32, #tpu.memory_space<vmem>>[vector<16xi32>], vector<16xf32>,
      %gather3A_571 = tpu.vector_load_idx %arg6[%add3A_569] : memref<8192xf32, #tpu.memory_space<vmem>>[vector<16xi32>], vector<16xf32>,
      %add3A_572 = arith.addf %add3A_531, %gather3A_570 : vector<16xf32>
      %add3A_573 = arith.addf %add3A_532, %gather3A_571 : vector<16xf32>
      %swap3A_574 = arith.constant 192 : index
      %swap3A_575 = tpu.vector_load %arg7[%swap3A_574] {strides = array<i32>} : memref<256xf32, #tpu.memory_space<vmem>>, vector<16xf32>,
      tpu.vector_store %arg7[%swap3A_574], %add3A_572 {strides = array<i32>} : memref<256xf32, #tpu.memory_space<vmem>>, vector<16xf32>,
      %swap3A_576 = arith.constant 192 : index
      %swap3A_577 = tpu.vector_load %arg8[%swap3A_576] {strides = array<i32>} : memref<256xf32, #tpu.memory_space<vmem>>, vector<16xf32>,
      tpu.vector_store %arg8[%swap3A_576], %add3A_573 {strides = array<i32>} : memref<256xf32, #tpu.memory_space<vmem>>, vector<16xf32>,
      %broadcast_in_dim3A_578 = arith.constant 2.500000e-01 : f32
      %broadcast_in_dim3A_579 = vector.broadcast %broadcast_in_dim3A_578 : f32 to vector<16xf32>
      %lt3A_580 = arith.cmpf olt, %add3A_572, %broadcast_in_dim3A_579 : vector<16xf32>
      %convert_element_type3A_581 = arith.extui %lt3A_580 : vector<16xi1> to vector<16xi32>
      %add3A_582 = arith.addi %add3A_541, %convert_element_type3A_581 : vector<16xi32>
      %broadcast_in_dim3A_583 = arith.constant 2.500000e-01 : f32
      %broadcast_in_dim3A_584 = vector.broadcast %broadcast_in_dim3A_583 : f32 to vector<16xf32>
      %lt3A_585 = arith.cmpf olt, %add3A_573, %broadcast_in_dim3A_584 : vector<16xf32>
      %convert_element_type3A_586 = arith.extui %lt3A_585 : vector<16xi1> to vector<16xi32>
      %add3A_587 = arith.addi %add3A_546, %convert_element_type3A_586 : vector<16xi32>
      %broadcast_in_dim3A_588 = arith.constant 5.000000e-01 : f32
      %broadcast_in_dim3A_589 = vector.broadcast %broadcast_in_dim3A_588 : f32 to vector<16xf32>
      %lt3A_590 = arith.cmpf olt, %add3A_572, %broadcast_in_dim3A_589 : vector<16xf32>
      %convert_element_type3A_591 = arith.extui %lt3A_590 : vector<16xi1> to vector<16xi32>
      %add3A_592 = arith.addi %add3A_551, %convert_element_type3A_591 : vector<16xi32>
      %broadcast_in_dim3A_593 = arith.constant 5.000000e-01 : f32
      %broadcast_in_dim3A_594 = vector.broadcast %broadcast_in_dim3A_593 : f32 to vector<16xf32>
      %lt3A_595 = arith.cmpf olt, %add3A_573, %broadcast_in_dim3A_594 : vector<16xf32>
      %convert_element_type3A_596 = arith.extui %lt3A_595 : vector<16xi1> to vector<16xi32>
      %add3A_597 = arith.addi %add3A_556, %convert_element_type3A_596 : vector<16xi32>
      %broadcast_in_dim3A_598 = arith.constant 7.500000e-01 : f32
      %broadcast_in_dim3A_599 = vector.broadcast %broadcast_in_dim3A_598 : f32 to vector<16xf32>
      %lt3A_600 = arith.cmpf olt, %add3A_572, %broadcast_in_dim3A_599 : vector<16xf32>
      %convert_element_type3A_601 = arith.extui %lt3A_600 : vector<16xi1> to vector<16xi32>
      %add3A_602 = arith.addi %add3A_561, %convert_element_type3A_601 : vector<16xi32>
      %broadcast_in_dim3A_603 = arith.constant 7.500000e-01 : f32
      %broadcast_in_dim3A_604 = vector.broadcast %broadcast_in_dim3A_603 : f32 to vector<16xf32>
      %lt3A_605 = arith.cmpf olt, %add3A_573, %broadcast_in_dim3A_604 : vector<16xf32>
      %convert_element_type3A_606 = arith.extui %lt3A_605 : vector<16xi1> to vector<16xi32>
      %add3A_607 = arith.addi %add3A_566, %convert_element_type3A_606 : vector<16xi32>
      %broadcast_in_dim3A_608 = arith.constant 13 : i32
      %broadcast_in_dim3A_609 = vector.broadcast %broadcast_in_dim3A_608 : i32 to vector<16xi32>
      %add3A_610 = arith.addi %mul3A_61, %broadcast_in_dim3A_609 : vector<16xi32>
      %gather3A_611 = tpu.vector_load_idx %arg5[%add3A_610] : memref<8192xf32, #tpu.memory_space<vmem>>[vector<16xi32>], vector<16xf32>,
      %gather3A_612 = tpu.vector_load_idx %arg6[%add3A_610] : memref<8192xf32, #tpu.memory_space<vmem>>[vector<16xi32>], vector<16xf32>,
      %add3A_613 = arith.addf %add3A_572, %gather3A_611 : vector<16xf32>
      %add3A_614 = arith.addf %add3A_573, %gather3A_612 : vector<16xf32>
      %swap3A_615 = arith.constant 208 : index
      %swap3A_616 = tpu.vector_load %arg7[%swap3A_615] {strides = array<i32>} : memref<256xf32, #tpu.memory_space<vmem>>, vector<16xf32>,
      tpu.vector_store %arg7[%swap3A_615], %add3A_613 {strides = array<i32>} : memref<256xf32, #tpu.memory_space<vmem>>, vector<16xf32>,
      %swap3A_617 = arith.constant 208 : index
      %swap3A_618 = tpu.vector_load %arg8[%swap3A_617] {strides = array<i32>} : memref<256xf32, #tpu.memory_space<vmem>>, vector<16xf32>,
      tpu.vector_store %arg8[%swap3A_617], %add3A_614 {strides = array<i32>} : memref<256xf32, #tpu.memory_space<vmem>>, vector<16xf32>,
      %broadcast_in_dim3A_619 = arith.constant 2.500000e-01 : f32
      %broadcast_in_dim3A_620 = vector.broadcast %broadcast_in_dim3A_619 : f32 to vector<16xf32>
      %lt3A_621 = arith.cmpf olt, %add3A_613, %broadcast_in_dim3A_620 : vector<16xf32>
      %convert_element_type3A_622 = arith.extui %lt3A_621 : vector<16xi1> to vector<16xi32>
      %add3A_623 = arith.addi %add3A_582, %convert_element_type3A_622 : vector<16xi32>
      %broadcast_in_dim3A_624 = arith.constant 2.500000e-01 : f32
      %broadcast_in_dim3A_625 = vector.broadcast %broadcast_in_dim3A_624 : f32 to vector<16xf32>
      %lt3A_626 = arith.cmpf olt, %add3A_614, %broadcast_in_dim3A_625 : vector<16xf32>
      %convert_element_type3A_627 = arith.extui %lt3A_626 : vector<16xi1> to vector<16xi32>
      %add3A_628 = arith.addi %add3A_587, %convert_element_type3A_627 : vector<16xi32>
      %broadcast_in_dim3A_629 = arith.constant 5.000000e-01 : f32
      %broadcast_in_dim3A_630 = vector.broadcast %broadcast_in_dim3A_629 : f32 to vector<16xf32>
      %lt3A_631 = arith.cmpf olt, %add3A_613, %broadcast_in_dim3A_630 : vector<16xf32>
      %convert_element_type3A_632 = arith.extui %lt3A_631 : vector<16xi1> to vector<16xi32>
      %add3A_633 = arith.addi %add3A_592, %convert_element_type3A_632 : vector<16xi32>
      %broadcast_in_dim3A_634 = arith.constant 5.000000e-01 : f32
      %broadcast_in_dim3A_635 = vector.broadcast %broadcast_in_dim3A_634 : f32 to vector<16xf32>
      %lt3A_636 = arith.cmpf olt, %add3A_614, %broadcast_in_dim3A_635 : vector<16xf32>
      %convert_element_type3A_637 = arith.extui %lt3A_636 : vector<16xi1> to vector<16xi32>
      %add3A_638 = arith.addi %add3A_597, %convert_element_type3A_637 : vector<16xi32>
      %broadcast_in_dim3A_639 = arith.constant 7.500000e-01 : f32
      %broadcast_in_dim3A_640 = vector.broadcast %broadcast_in_dim3A_639 : f32 to vector<16xf32>
      %lt3A_641 = arith.cmpf olt, %add3A_613, %broadcast_in_dim3A_640 : vector<16xf32>
      %convert_element_type3A_642 = arith.extui %lt3A_641 : vector<16xi1> to vector<16xi32>
      %add3A_643 = arith.addi %add3A_602, %convert_element_type3A_642 : vector<16xi32>
      %broadcast_in_dim3A_644 = arith.constant 7.500000e-01 : f32
      %broadcast_in_dim3A_645 = vector.broadcast %broadcast_in_dim3A_644 : f32 to vector<16xf32>
      %lt3A_646 = arith.cmpf olt, %add3A_614, %broadcast_in_dim3A_645 : vector<16xf32>
      %convert_element_type3A_647 = arith.extui %lt3A_646 : vector<16xi1> to vector<16xi32>
      %add3A_648 = arith.addi %add3A_607, %convert_element_type3A_647 : vector<16xi32>
      %broadcast_in_dim3A_649 = arith.constant 14 : i32
      %broadcast_in_dim3A_650 = vector.broadcast %broadcast_in_dim3A_649 : i32 to vector<16xi32>
      %add3A_651 = arith.addi %mul3A_61, %broadcast_in_dim3A_650 : vector<16xi32>
      %gather3A_652 = tpu.vector_load_idx %arg5[%add3A_651] : memref<8192xf32, #tpu.memory_space<vmem>>[vector<16xi32>], vector<16xf32>,
      %gather3A_653 = tpu.vector_load_idx %arg6[%add3A_651] : memref<8192xf32, #tpu.memory_space<vmem>>[vector<16xi32>], vector<16xf32>,
      %add3A_654 = arith.addf %add3A_613, %gather3A_652 : vector<16xf32>
      %add3A_655 = arith.addf %add3A_614, %gather3A_653 : vector<16xf32>
      %swap3A_656 = arith.constant 224 : index
      %swap3A_657 = tpu.vector_load %arg7[%swap3A_656] {strides = array<i32>} : memref<256xf32, #tpu.memory_space<vmem>>, vector<16xf32>,
      tpu.vector_store %arg7[%swap3A_656], %add3A_654 {strides = array<i32>} : memref<256xf32, #tpu.memory_space<vmem>>, vector<16xf32>,
      %swap3A_658 = arith.constant 224 : index
      %swap3A_659 = tpu.vector_load %arg8[%swap3A_658] {strides = array<i32>} : memref<256xf32, #tpu.memory_space<vmem>>, vector<16xf32>,
      tpu.vector_store %arg8[%swap3A_658], %add3A_655 {strides = array<i32>} : memref<256xf32, #tpu.memory_space<vmem>>, vector<16xf32>,
      %broadcast_in_dim3A_660 = arith.constant 2.500000e-01 : f32
      %broadcast_in_dim3A_661 = vector.broadcast %broadcast_in_dim3A_660 : f32 to vector<16xf32>
      %lt3A_662 = arith.cmpf olt, %add3A_654, %broadcast_in_dim3A_661 : vector<16xf32>
      %convert_element_type3A_663 = arith.extui %lt3A_662 : vector<16xi1> to vector<16xi32>
      %add3A_664 = arith.addi %add3A_623, %convert_element_type3A_663 : vector<16xi32>
      %broadcast_in_dim3A_665 = arith.constant 2.500000e-01 : f32
      %broadcast_in_dim3A_666 = vector.broadcast %broadcast_in_dim3A_665 : f32 to vector<16xf32>
      %lt3A_667 = arith.cmpf olt, %add3A_655, %broadcast_in_dim3A_666 : vector<16xf32>
      %convert_element_type3A_668 = arith.extui %lt3A_667 : vector<16xi1> to vector<16xi32>
      %add3A_669 = arith.addi %add3A_628, %convert_element_type3A_668 : vector<16xi32>
      %broadcast_in_dim3A_670 = arith.constant 5.000000e-01 : f32
      %broadcast_in_dim3A_671 = vector.broadcast %broadcast_in_dim3A_670 : f32 to vector<16xf32>
      %lt3A_672 = arith.cmpf olt, %add3A_654, %broadcast_in_dim3A_671 : vector<16xf32>
      %convert_element_type3A_673 = arith.extui %lt3A_672 : vector<16xi1> to vector<16xi32>
      %add3A_674 = arith.addi %add3A_633, %convert_element_type3A_673 : vector<16xi32>
      %broadcast_in_dim3A_675 = arith.constant 5.000000e-01 : f32
      %broadcast_in_dim3A_676 = vector.broadcast %broadcast_in_dim3A_675 : f32 to vector<16xf32>
      %lt3A_677 = arith.cmpf olt, %add3A_655, %broadcast_in_dim3A_676 : vector<16xf32>
      %convert_element_type3A_678 = arith.extui %lt3A_677 : vector<16xi1> to vector<16xi32>
      %add3A_679 = arith.addi %add3A_638, %convert_element_type3A_678 : vector<16xi32>
      %broadcast_in_dim3A_680 = arith.constant 7.500000e-01 : f32
      %broadcast_in_dim3A_681 = vector.broadcast %broadcast_in_dim3A_680 : f32 to vector<16xf32>
      %lt3A_682 = arith.cmpf olt, %add3A_654, %broadcast_in_dim3A_681 : vector<16xf32>
      %convert_element_type3A_683 = arith.extui %lt3A_682 : vector<16xi1> to vector<16xi32>
      %add3A_684 = arith.addi %add3A_643, %convert_element_type3A_683 : vector<16xi32>
      %broadcast_in_dim3A_685 = arith.constant 7.500000e-01 : f32
      %broadcast_in_dim3A_686 = vector.broadcast %broadcast_in_dim3A_685 : f32 to vector<16xf32>
      %lt3A_687 = arith.cmpf olt, %add3A_655, %broadcast_in_dim3A_686 : vector<16xf32>
      %convert_element_type3A_688 = arith.extui %lt3A_687 : vector<16xi1> to vector<16xi32>
      %add3A_689 = arith.addi %add3A_648, %convert_element_type3A_688 : vector<16xi32>
      %broadcast_in_dim3A_690 = arith.constant 15 : i32
      %broadcast_in_dim3A_691 = vector.broadcast %broadcast_in_dim3A_690 : i32 to vector<16xi32>
      %add3A_692 = arith.addi %mul3A_61, %broadcast_in_dim3A_691 : vector<16xi32>
      %gather3A_693 = tpu.vector_load_idx %arg5[%add3A_692] : memref<8192xf32, #tpu.memory_space<vmem>>[vector<16xi32>], vector<16xf32>,
      %gather3A_694 = tpu.vector_load_idx %arg6[%add3A_692] : memref<8192xf32, #tpu.memory_space<vmem>>[vector<16xi32>], vector<16xf32>,
      %add3A_695 = arith.addf %add3A_654, %gather3A_693 : vector<16xf32>
      %add3A_696 = arith.addf %add3A_655, %gather3A_694 : vector<16xf32>
      %swap3A_697 = arith.constant 240 : index
      %swap3A_698 = tpu.vector_load %arg7[%swap3A_697] {strides = array<i32>} : memref<256xf32, #tpu.memory_space<vmem>>, vector<16xf32>,
      tpu.vector_store %arg7[%swap3A_697], %add3A_695 {strides = array<i32>} : memref<256xf32, #tpu.memory_space<vmem>>, vector<16xf32>,
      %swap3A_699 = arith.constant 240 : index
      %swap3A_700 = tpu.vector_load %arg8[%swap3A_699] {strides = array<i32>} : memref<256xf32, #tpu.memory_space<vmem>>, vector<16xf32>,
      tpu.vector_store %arg8[%swap3A_699], %add3A_696 {strides = array<i32>} : memref<256xf32, #tpu.memory_space<vmem>>, vector<16xf32>,
      %broadcast_in_dim3A_701 = arith.constant 2.500000e-01 : f32
      %broadcast_in_dim3A_702 = vector.broadcast %broadcast_in_dim3A_701 : f32 to vector<16xf32>
      %lt3A_703 = arith.cmpf olt, %add3A_695, %broadcast_in_dim3A_702 : vector<16xf32>
      %convert_element_type3A_704 = arith.extui %lt3A_703 : vector<16xi1> to vector<16xi32>
      %add3A_705 = arith.addi %add3A_664, %convert_element_type3A_704 : vector<16xi32>
      %broadcast_in_dim3A_706 = arith.constant 2.500000e-01 : f32
      %broadcast_in_dim3A_707 = vector.broadcast %broadcast_in_dim3A_706 : f32 to vector<16xf32>
      %lt3A_708 = arith.cmpf olt, %add3A_696, %broadcast_in_dim3A_707 : vector<16xf32>
      %convert_element_type3A_709 = arith.extui %lt3A_708 : vector<16xi1> to vector<16xi32>
      %add3A_710 = arith.addi %add3A_669, %convert_element_type3A_709 : vector<16xi32>
      %broadcast_in_dim3A_711 = arith.constant 5.000000e-01 : f32
      %broadcast_in_dim3A_712 = vector.broadcast %broadcast_in_dim3A_711 : f32 to vector<16xf32>
      %lt3A_713 = arith.cmpf olt, %add3A_695, %broadcast_in_dim3A_712 : vector<16xf32>
      %convert_element_type3A_714 = arith.extui %lt3A_713 : vector<16xi1> to vector<16xi32>
      %add3A_715 = arith.addi %add3A_674, %convert_element_type3A_714 : vector<16xi32>
      %broadcast_in_dim3A_716 = arith.constant 5.000000e-01 : f32
      %broadcast_in_dim3A_717 = vector.broadcast %broadcast_in_dim3A_716 : f32 to vector<16xf32>
      %lt3A_718 = arith.cmpf olt, %add3A_696, %broadcast_in_dim3A_717 : vector<16xf32>
      %convert_element_type3A_719 = arith.extui %lt3A_718 : vector<16xi1> to vector<16xi32>
      %add3A_720 = arith.addi %add3A_679, %convert_element_type3A_719 : vector<16xi32>
      %broadcast_in_dim3A_721 = arith.constant 7.500000e-01 : f32
      %broadcast_in_dim3A_722 = vector.broadcast %broadcast_in_dim3A_721 : f32 to vector<16xf32>
      %lt3A_723 = arith.cmpf olt, %add3A_695, %broadcast_in_dim3A_722 : vector<16xf32>
      %convert_element_type3A_724 = arith.extui %lt3A_723 : vector<16xi1> to vector<16xi32>
      %add3A_725 = arith.addi %add3A_684, %convert_element_type3A_724 : vector<16xi32>
      %broadcast_in_dim3A_726 = arith.constant 7.500000e-01 : f32
      %broadcast_in_dim3A_727 = vector.broadcast %broadcast_in_dim3A_726 : f32 to vector<16xf32>
      %lt3A_728 = arith.cmpf olt, %add3A_696, %broadcast_in_dim3A_727 : vector<16xf32>
      %convert_element_type3A_729 = arith.extui %lt3A_728 : vector<16xi1> to vector<16xi32>
      %add3A_730 = arith.addi %add3A_689, %convert_element_type3A_729 : vector<16xi32>
      %broadcast_in_dim3A_731 = arith.constant 15 : i32
      %broadcast_in_dim3A_732 = vector.broadcast %broadcast_in_dim3A_731 : i32 to vector<16xi32>
      %min3A = arith.minsi %add3A_705, %broadcast_in_dim3A_732 : vector<16xi32>
      %mul3A_733 = arith.constant 16 : i32
      %mul3A_734 = vector.broadcast %mul3A_733 : i32 to vector<16xi32>
      %mul3A_735 = arith.muli %min3A, %mul3A_734 : vector<16xi32>
      %add3A_736 = arith.addi %mul3A_735, %iota3A : vector<16xi32>
      %gather3A_737 = tpu.vector_load_idx %arg7[%add3A_736] : memref<256xf32, #tpu.memory_space<vmem>>[vector<16xi32>], vector<16xf32>,
      %add3A_738 = arith.addi %mul3A_61, %min3A : vector<16xi32>
      %gather3A_739 = tpu.vector_load_idx %arg5[%add3A_738] : memref<8192xf32, #tpu.memory_space<vmem>>[vector<16xi32>], vector<16xf32>,
      %convert_element_type3A_740 = arith.sitofp %min3A : vector<16xi32> to vector<16xf32>
      %broadcast_in_dim3A_741 = arith.constant 1.000000e+00 : f32
      %broadcast_in_dim3A_742 = vector.broadcast %broadcast_in_dim3A_741 : f32 to vector<16xf32>
      %add3A_743 = arith.addf %convert_element_type3A_740, %broadcast_in_dim3A_742 : vector<16xf32>
      %broadcast_in_dim3A_744 = arith.constant 2.500000e-01 : f32
      %broadcast_in_dim3A_745 = vector.broadcast %broadcast_in_dim3A_744 : f32 to vector<16xf32>
      %sub3A = arith.subf %broadcast_in_dim3A_745, %gather3A_737 : vector<16xf32>
      %div3A = arith.divf %sub3A, %gather3A_739 : vector<16xf32>
      %add3A_746 = arith.addf %add3A_743, %div3A : vector<16xf32>
      %broadcast_in_dim3A_747 = arith.constant 15 : i32
      %broadcast_in_dim3A_748 = vector.broadcast %broadcast_in_dim3A_747 : i32 to vector<16xi32>
      %min3A_749 = arith.minsi %add3A_710, %broadcast_in_dim3A_748 : vector<16xi32>
      %mul3A_750 = arith.constant 16 : i32
      %mul3A_751 = vector.broadcast %mul3A_750 : i32 to vector<16xi32>
      %mul3A_752 = arith.muli %min3A_749, %mul3A_751 : vector<16xi32>
      %add3A_753 = arith.addi %mul3A_752, %iota3A : vector<16xi32>
      %gather3A_754 = tpu.vector_load_idx %arg8[%add3A_753] : memref<256xf32, #tpu.memory_space<vmem>>[vector<16xi32>], vector<16xf32>,
      %add3A_755 = arith.addi %mul3A_61, %min3A_749 : vector<16xi32>
      %gather3A_756 = tpu.vector_load_idx %arg6[%add3A_755] : memref<8192xf32, #tpu.memory_space<vmem>>[vector<16xi32>], vector<16xf32>,
      %convert_element_type3A_757 = arith.sitofp %min3A_749 : vector<16xi32> to vector<16xf32>
      %broadcast_in_dim3A_758 = arith.constant 1.000000e+00 : f32
      %broadcast_in_dim3A_759 = vector.broadcast %broadcast_in_dim3A_758 : f32 to vector<16xf32>
      %add3A_760 = arith.addf %convert_element_type3A_757, %broadcast_in_dim3A_759 : vector<16xf32>
      %broadcast_in_dim3A_761 = arith.constant 2.500000e-01 : f32
      %broadcast_in_dim3A_762 = vector.broadcast %broadcast_in_dim3A_761 : f32 to vector<16xf32>
      %sub3A_763 = arith.subf %broadcast_in_dim3A_762, %gather3A_754 : vector<16xf32>
      %div3A_764 = arith.divf %sub3A_763, %gather3A_756 : vector<16xf32>
      %add3A_765 = arith.addf %add3A_760, %div3A_764 : vector<16xf32>
      %sub3A_766 = arith.subf %add3A_746, %add3A_765 : vector<16xf32>
      %abs3A = math.absf %sub3A_766 : vector<16xf32>
      %add3A_767 = arith.addf %scan3A_53, %abs3A : vector<16xf32>
      %broadcast_in_dim3A_768 = arith.constant 15 : i32
      %broadcast_in_dim3A_769 = vector.broadcast %broadcast_in_dim3A_768 : i32 to vector<16xi32>
      %min3A_770 = arith.minsi %add3A_715, %broadcast_in_dim3A_769 : vector<16xi32>
      %mul3A_771 = arith.constant 16 : i32
      %mul3A_772 = vector.broadcast %mul3A_771 : i32 to vector<16xi32>
      %mul3A_773 = arith.muli %min3A_770, %mul3A_772 : vector<16xi32>
      %add3A_774 = arith.addi %mul3A_773, %iota3A : vector<16xi32>
      %gather3A_775 = tpu.vector_load_idx %arg7[%add3A_774] : memref<256xf32, #tpu.memory_space<vmem>>[vector<16xi32>], vector<16xf32>,
      %add3A_776 = arith.addi %mul3A_61, %min3A_770 : vector<16xi32>
      %gather3A_777 = tpu.vector_load_idx %arg5[%add3A_776] : memref<8192xf32, #tpu.memory_space<vmem>>[vector<16xi32>], vector<16xf32>,
      %convert_element_type3A_778 = arith.sitofp %min3A_770 : vector<16xi32> to vector<16xf32>
      %broadcast_in_dim3A_779 = arith.constant 1.000000e+00 : f32
      %broadcast_in_dim3A_780 = vector.broadcast %broadcast_in_dim3A_779 : f32 to vector<16xf32>
      %add3A_781 = arith.addf %convert_element_type3A_778, %broadcast_in_dim3A_780 : vector<16xf32>
      %broadcast_in_dim3A_782 = arith.constant 5.000000e-01 : f32
      %broadcast_in_dim3A_783 = vector.broadcast %broadcast_in_dim3A_782 : f32 to vector<16xf32>
      %sub3A_784 = arith.subf %broadcast_in_dim3A_783, %gather3A_775 : vector<16xf32>
      %div3A_785 = arith.divf %sub3A_784, %gather3A_777 : vector<16xf32>
      %add3A_786 = arith.addf %add3A_781, %div3A_785 : vector<16xf32>
      %broadcast_in_dim3A_787 = arith.constant 15 : i32
      %broadcast_in_dim3A_788 = vector.broadcast %broadcast_in_dim3A_787 : i32 to vector<16xi32>
      %min3A_789 = arith.minsi %add3A_720, %broadcast_in_dim3A_788 : vector<16xi32>
      %mul3A_790 = arith.constant 16 : i32
      %mul3A_791 = vector.broadcast %mul3A_790 : i32 to vector<16xi32>
      %mul3A_792 = arith.muli %min3A_789, %mul3A_791 : vector<16xi32>
      %add3A_793 = arith.addi %mul3A_792, %iota3A : vector<16xi32>
      %gather3A_794 = tpu.vector_load_idx %arg8[%add3A_793] : memref<256xf32, #tpu.memory_space<vmem>>[vector<16xi32>], vector<16xf32>,
      %add3A_795 = arith.addi %mul3A_61, %min3A_789 : vector<16xi32>
      %gather3A_796 = tpu.vector_load_idx %arg6[%add3A_795] : memref<8192xf32, #tpu.memory_space<vmem>>[vector<16xi32>], vector<16xf32>,
      %convert_element_type3A_797 = arith.sitofp %min3A_789 : vector<16xi32> to vector<16xf32>
      %broadcast_in_dim3A_798 = arith.constant 1.000000e+00 : f32
      %broadcast_in_dim3A_799 = vector.broadcast %broadcast_in_dim3A_798 : f32 to vector<16xf32>
      %add3A_800 = arith.addf %convert_element_type3A_797, %broadcast_in_dim3A_799 : vector<16xf32>
      %broadcast_in_dim3A_801 = arith.constant 5.000000e-01 : f32
      %broadcast_in_dim3A_802 = vector.broadcast %broadcast_in_dim3A_801 : f32 to vector<16xf32>
      %sub3A_803 = arith.subf %broadcast_in_dim3A_802, %gather3A_794 : vector<16xf32>
      %div3A_804 = arith.divf %sub3A_803, %gather3A_796 : vector<16xf32>
      %add3A_805 = arith.addf %add3A_800, %div3A_804 : vector<16xf32>
      %sub3A_806 = arith.subf %add3A_786, %add3A_805 : vector<16xf32>
      %abs3A_807 = math.absf %sub3A_806 : vector<16xf32>
      %add3A_808 = arith.addf %add3A_767, %abs3A_807 : vector<16xf32>
      %broadcast_in_dim3A_809 = arith.constant 15 : i32
      %broadcast_in_dim3A_810 = vector.broadcast %broadcast_in_dim3A_809 : i32 to vector<16xi32>
      %min3A_811 = arith.minsi %add3A_725, %broadcast_in_dim3A_810 : vector<16xi32>
      %mul3A_812 = arith.constant 16 : i32
      %mul3A_813 = vector.broadcast %mul3A_812 : i32 to vector<16xi32>
      %mul3A_814 = arith.muli %min3A_811, %mul3A_813 : vector<16xi32>
      %add3A_815 = arith.addi %mul3A_814, %iota3A : vector<16xi32>
      %gather3A_816 = tpu.vector_load_idx %arg7[%add3A_815] : memref<256xf32, #tpu.memory_space<vmem>>[vector<16xi32>], vector<16xf32>,
      %add3A_817 = arith.addi %mul3A_61, %min3A_811 : vector<16xi32>
      %gather3A_818 = tpu.vector_load_idx %arg5[%add3A_817] : memref<8192xf32, #tpu.memory_space<vmem>>[vector<16xi32>], vector<16xf32>,
      %convert_element_type3A_819 = arith.sitofp %min3A_811 : vector<16xi32> to vector<16xf32>
      %broadcast_in_dim3A_820 = arith.constant 1.000000e+00 : f32
      %broadcast_in_dim3A_821 = vector.broadcast %broadcast_in_dim3A_820 : f32 to vector<16xf32>
      %add3A_822 = arith.addf %convert_element_type3A_819, %broadcast_in_dim3A_821 : vector<16xf32>
      %broadcast_in_dim3A_823 = arith.constant 7.500000e-01 : f32
      %broadcast_in_dim3A_824 = vector.broadcast %broadcast_in_dim3A_823 : f32 to vector<16xf32>
      %sub3A_825 = arith.subf %broadcast_in_dim3A_824, %gather3A_816 : vector<16xf32>
      %div3A_826 = arith.divf %sub3A_825, %gather3A_818 : vector<16xf32>
      %add3A_827 = arith.addf %add3A_822, %div3A_826 : vector<16xf32>
      %broadcast_in_dim3A_828 = arith.constant 15 : i32
      %broadcast_in_dim3A_829 = vector.broadcast %broadcast_in_dim3A_828 : i32 to vector<16xi32>
      %min3A_830 = arith.minsi %add3A_730, %broadcast_in_dim3A_829 : vector<16xi32>
      %mul3A_831 = arith.constant 16 : i32
      %mul3A_832 = vector.broadcast %mul3A_831 : i32 to vector<16xi32>
      %mul3A_833 = arith.muli %min3A_830, %mul3A_832 : vector<16xi32>
      %add3A_834 = arith.addi %mul3A_833, %iota3A : vector<16xi32>
      %gather3A_835 = tpu.vector_load_idx %arg8[%add3A_834] : memref<256xf32, #tpu.memory_space<vmem>>[vector<16xi32>], vector<16xf32>,
      %add3A_836 = arith.addi %mul3A_61, %min3A_830 : vector<16xi32>
      %gather3A_837 = tpu.vector_load_idx %arg6[%add3A_836] : memref<8192xf32, #tpu.memory_space<vmem>>[vector<16xi32>], vector<16xf32>,
      %convert_element_type3A_838 = arith.sitofp %min3A_830 : vector<16xi32> to vector<16xf32>
      %broadcast_in_dim3A_839 = arith.constant 1.000000e+00 : f32
      %broadcast_in_dim3A_840 = vector.broadcast %broadcast_in_dim3A_839 : f32 to vector<16xf32>
      %add3A_841 = arith.addf %convert_element_type3A_838, %broadcast_in_dim3A_840 : vector<16xf32>
      %broadcast_in_dim3A_842 = arith.constant 7.500000e-01 : f32
      %broadcast_in_dim3A_843 = vector.broadcast %broadcast_in_dim3A_842 : f32 to vector<16xf32>
      %sub3A_844 = arith.subf %broadcast_in_dim3A_843, %gather3A_835 : vector<16xf32>
      %div3A_845 = arith.divf %sub3A_844, %gather3A_837 : vector<16xf32>
      %add3A_846 = arith.addf %add3A_841, %div3A_845 : vector<16xf32>
      %sub3A_847 = arith.subf %add3A_827, %add3A_846 : vector<16xf32>
      %abs3A_848 = math.absf %sub3A_847 : vector<16xf32>
      %add3A_849 = arith.addf %add3A_808, %abs3A_848 : vector<16xf32>
      %broadcast_in_dim3A_850 = arith.constant 16 : i32
      %broadcast_in_dim3A_851 = vector.broadcast %broadcast_in_dim3A_850 : i32 to vector<16xi32>
      %ge3A = arith.cmpi sge, %add3A_725, %broadcast_in_dim3A_851 : vector<16xi32>
      %broadcast_in_dim3A_852 = arith.constant 16 : i32
      %broadcast_in_dim3A_853 = vector.broadcast %broadcast_in_dim3A_852 : i32 to vector<16xi32>
      %ge3A_854 = arith.cmpi sge, %add3A_730, %broadcast_in_dim3A_853 : vector<16xi32>
      %or3A = arith.ori %ge3A, %ge3A_854 : vector<16xi1>
      %broadcast_in_dim3A_855 = arith.constant 1.000000e+00 : f32
      %broadcast_in_dim3A_856 = vector.broadcast %broadcast_in_dim3A_855 : f32 to vector<16xf32>
      %broadcast_in_dim3A_857 = arith.constant 0.000000e+00 : f32
      %broadcast_in_dim3A_858 = vector.broadcast %broadcast_in_dim3A_857 : f32 to vector<16xf32>
      %select_n3A = arith.select %or3A, %broadcast_in_dim3A_856, %broadcast_in_dim3A_858 : vector<16xi1>, vector<16xf32>
      %add3A_859 = arith.addf %scan3A_54, %select_n3A : vector<16xf32>
      scf.yield %add3A_849, %add3A_859 : vector<16xf32>, vector<16xf32>
    }
    %scan3A_44 = arith.constant 16 : i32
    %swap3A = arith.constant 0 : index
    %swap3A_45 = tpu.vector_load %arg9[%swap3A] {strides = array<i32>} : memref<32xf32, #tpu.memory_space<vmem>>, vector<16xf32>,
    tpu.vector_store %arg9[%swap3A], %scan3A_43#0 {strides = array<i32>} : memref<32xf32, #tpu.memory_space<vmem>>, vector<16xf32>,
    %swap3A_46 = arith.constant 16 : index
    %swap3A_47 = tpu.vector_load %arg9[%swap3A_46] {strides = array<i32>} : memref<32xf32, #tpu.memory_space<vmem>>, vector<16xf32>,
    tpu.vector_store %arg9[%swap3A_46], %scan3A_43#1 {strides = array<i32>} : memref<32xf32, #tpu.memory_space<vmem>>, vector<16xf32>,
    %mul3A_48 = arith.constant 2 : i32
    %mul3A_49 = arith.muli %add3A, %mul3A_48 : i32
    %mul3A_50 = arith.constant 16 : i32
    %mul3A_51 = arith.muli %mul3A_49, %mul3A_50 : i32
    "tpu.region"() ({
      %run_scoped3A = tpu.sem_alloc : memref<!tpu.dma_semaphore, #tpu.memory_space<semaphore_mem>>
      %dma_start3A_52 = tpu.memref_slice %arg4[%mul3A_51] : memref<1024xf32, #tpu.memory_space<hbm>> -> memref<32xf32, #tpu.memory_space<hbm>>
      %dma_start3A_53 = tpu.memref_slice %arg4[%mul3A_51] : memref<1024xf32, #tpu.memory_space<hbm>> -> memref<32xf32, #tpu.memory_space<hbm>>
      tpu.enqueue_dma source(%arg9 : memref<32xf32, #tpu.memory_space<vmem>>) target(%dma_start3A_53 : memref<32xf32, #tpu.memory_space<hbm>>) target_semaphore(%run_scoped3A : memref<!tpu.dma_semaphore, #tpu.memory_space<semaphore_mem>>)
      %dma_wait3A_54 = tpu.memref_slice %arg4[%mul3A_51] : memref<1024xf32, #tpu.memory_space<hbm>> -> memref<32xf32, #tpu.memory_space<hbm>>
      %dma_wait3A_55 = tpu.memref_slice %arg4[%mul3A_51] : memref<1024xf32, #tpu.memory_space<hbm>> -> memref<32xf32, #tpu.memory_space<hbm>>
      tpu.wait_dma2 semaphore(%run_scoped3A : memref<!tpu.dma_semaphore, #tpu.memory_space<semaphore_mem>>) src(%arg9 : memref<32xf32, #tpu.memory_space<vmem>>) dst(%dma_wait3A_55 : memref<32xf32, #tpu.memory_space<hbm>>)
      tpu.yield
    }) : () -> ()
    return
  }
}

</mosaic_0001>

<sc_bundles>
// kernel: branch_1_fun.3.cloned.1.call-start
scs
__scs_entry_jumppad:
0x0: {  	(pc) =	sbr.rel $0x88, $3  }
0x1: {  	(tag) =	ssettag $0x0;
	lr =	simm.s32 $0x1  }
0x2: {  	[smem:$0x3F9F] =	sst lr;
	_ =	strace $0xD0000000  }
0x3: {  	_ = 	snop  }
0x4: {  	_ = 	snop  }
0x5: {  	_ = 	snop  }
0x6: {  	_ = 	snop  }
0x7: {  	_ = 	snop  }
__scs_overlays_trampoline_lowered:
0x8: {  	[smem:$0x3FAE] =	sst s0  }
0x9: {  	[smem:$0x3FAF] =	sst s1  }
0xa: {  	[smem:$0x3FB0] =	sst s2  }
0xb: {  	[smem:$0x3FB1] =	sst s3  }
0xc: {  	[smem:$0x3FB2] =	sst s4  }
0xd: {  	[smem:$0x3FB3] =	sst s5  }
0xe: {  	[smem:$0x3FB4] =	sst s6  }
0xf: {  	[smem:$0x3FB5] =	sst s7  }
0x10: {  	[smem:$0x3FB6] =	sst s8  }
0x11: {  	[smem:$0x3FB7] =	sst s9;
	s0 =	simm.s32 @!p0 $0x0  }
0x12: {  	s1 =	sld [smem:$0x3F9D];
	s0 =	simm.s32 @p0 $0x1  }
0x13: {  	[smem:$0x3FB8] =	sst s0;
	s0 =	simm.s32 @!p1 $0x0  }
0x14: {  	s2 =	sld [smem:$0x3F9C];
	s0 =	simm.s32 @p1 $0x1  }
0x15: {  	[smem:$0x3FB9] =	sst s0;
	s0 =	simm.s32 @!p2 $0x0  }
0x16: {  	s3 =	sld [smem:$0x3FDB];
	s0 =	simm.s32 @p2 $0x1  }
0x17: {  	s4 =	simm.s32 $0x1BF5;
	[smem:$0x3FBB] =	sst s0  }
0x18: {  	s0 =	sld [smem:$0x3F9E];
	_ =	swait.ge [sflag:s4], $0x0  }
0x19: {  	s7 =	sld [smem:$0x3F9F]  }
0x1a: {  	s8 =	sadd.s32 $0xFFFFE003, lr  }
0x1b: {  	s9 =	sadd.s32 $0xFFFFFEF7, lr;
	s5 =	simm.s32 $0xFFFFFFFF;
	p2 =	slt.u32 s8, $0xFFFFF086  }
0x1c: {  	p1 =	slt.u32 s9, $0xF7A;
	s5 =	simm.s32 @!p2 $0x0  }
0x1d: {  	s5 =	simm.s32 @p1 $0x1;
	p0 =	seq.s32 s7, s2  }
0x1e: {  	s7 =	smul.u32 @!p0 $0xF7A, s2;
	p2 =	seq.s32 @!p0 s5, $0x0  }
0x1f: {  	s9 =	smul.u32 $0xF7A, s1;
	s8 =	simm.s32 @!p0 $0x1BF5;
	p2 =	por !p2, p0  }
0x20: {  	[sflag:s8] =	ssyncset.s32 @!p0 $0xFFFFF086;
	s6 =	sadd.s32 @!p0 s3, s7;
	s7 =	simm.s32 @!p0 $0x108  }
0x21: {  	s3 =	sadd.s32 s3, s9;
	s6 =	sadd.s32 @!p0 $0x88, s6;
	s7 =	simm.s32 @p2 $0x1082  }
0x22: {  	[simem:s7], [sflag:s8] =	dma.local @!p0 [hbm:s6], $0xF7A  }
0x23: {  	s9 =	sor.u32 $0xD0000000, s2;
	s6 =	simm.s32 $0x108;
	_ =	swait.ge @!p0 [sflag:s8], $0x0  }
0x24: {  	s3 =	sadd.s32 $0x88, s3;
	s6 =	simm.s32 @!p1 $0x1082;
	[sflag:s4] =	ssyncset.s32 $0xFFFFF086  }
0x25: {  	[simem:s6], [sflag:s4] =	dma.local [hbm:s3], $0xF7A  }
0x26: {  	[smem:$0x3F9F] =	sst s1;
	(tag) =	ssettag s2;
	_ =	strace s9  }
0x27: {  	s1 =	sld [smem:$0x3FAF]  }
0x28: {  	s2 =	sld [smem:$0x3FB0]  }
0x29: {  	s4 =	sld [smem:$0x3FB2]  }
0x2a: {  	p0 =	seq.s32 s5, $0x0;
	s5 =	sld [smem:$0x3FB3]  }
0x2b: {  	s6 =	sld [smem:$0x3FB4]  }
0x2c: {  	s7 =	sld [smem:$0x3FB5]  }
0x2d: {  	s3 =	simm.s32 $0x108;
	s8 =	sld [smem:$0x3FB6]  }
0x2e: {  	s3 =	simm.s32 @!p0 $0x1082;
	s9 =	sld [smem:$0x3FB7]  }
0x2f: {  	lr =	sadd.s32 s0, s3;
	s0 =	sld [smem:$0x3FAE]  }
0x30: {  	s3 =	sld [smem:$0x3FB1]  }
0x31: {  	[smem:$0x3FBA] =	sst s10  }
0x32: {  	s10 =	sld [smem:$0x3FB8];
	_ =	sdelay $0x3  }
0x33: {  	p0 =	seq.s32 s10, $0x1;
	s10 =	sld [smem:$0x3FBA];
	_ =	sdelay $0x3  }
0x34: {  	[smem:$0x3FBA] =	sst s10  }
0x35: {  	s10 =	sld [smem:$0x3FB9];
	_ =	sdelay $0x3  }
0x36: {  	p1 =	seq.s32 s10, $0x1;
	s10 =	sld [smem:$0x3FBA];
	_ =	sdelay $0x3  }
0x37: {  	[smem:$0x3FBA] =	sst s10  }
0x38: {  	s10 =	sld [smem:$0x3FBB]  }
0x39: {  	_ = 	snop;
	(pc) =	sbr.ind lr, $3  }
0x3a: {  	_ = 	snop  }
0x3b: {  	_ = 	snop  }
0x3c: {  	p2 =	seq.s32 s10, $0x1;
	s10 =	sld [smem:$0x3FBA]  }
0x3d: {  	_ =	shalt  }
0x3e: {  	_ =	shalt  }
0x3f: {  	_ =	shalt  }
0x40: {  	_ =	shalt  }
0x41: {  	_ =	shalt  }
0x42: {  	_ =	shalt  }
0x43: {  	_ =	shalt  }
0x44: {  	_ =	shalt  }
0x45: {  	_ =	shalt  }
0x46: {  	_ =	shalt  }
0x47: {  	_ =	shalt  }
0x48: {  	_ =	shalt  }
0x49: {  	_ =	shalt  }
0x4a: {  	_ =	shalt  }
0x4b: {  	_ =	shalt  }
0x4c: {  	_ =	shalt  }
0x4d: {  	_ =	shalt  }
0x4e: {  	_ =	shalt  }
0x4f: {  	_ =	shalt  }
0x50: {  	_ =	shalt  }
0x51: {  	_ =	shalt  }
0x52: {  	_ =	shalt  }
0x53: {  	_ =	shalt  }
0x54: {  	_ =	shalt  }
0x55: {  	_ =	shalt  }
0x56: {  	_ =	shalt  }
0x57: {  	_ =	shalt  }
0x58: {  	_ =	shalt  }
0x59: {  	_ =	shalt  }
0x5a: {  	_ =	shalt  }
0x5b: {  	_ =	shalt  }
0x5c: {  	_ =	shalt  }
0x5d: {  	_ =	shalt  }
0x5e: {  	_ =	shalt  }
0x5f: {  	_ =	shalt  }
0x60: {  	_ =	shalt  }
0x61: {  	_ =	shalt  }
0x62: {  	_ =	shalt  }
0x63: {  	_ =	shalt  }
0x64: {  	_ =	shalt  }
0x65: {  	_ =	shalt  }
0x66: {  	_ =	shalt  }
0x67: {  	_ =	shalt  }
0x68: {  	_ =	shalt  }
0x69: {  	_ =	shalt  }
0x6a: {  	_ =	shalt  }
0x6b: {  	_ =	shalt  }
0x6c: {  	_ =	shalt  }
0x6d: {  	_ =	shalt  }
0x6e: {  	_ =	shalt  }
0x6f: {  	_ =	shalt  }
0x70: {  	_ =	shalt  }
0x71: {  	_ =	shalt  }
0x72: {  	_ =	shalt  }
0x73: {  	_ =	shalt  }
0x74: {  	_ =	shalt  }
0x75: {  	_ =	shalt  }
0x76: {  	_ =	shalt  }
0x77: {  	_ =	shalt  }
0x78: {  	_ =	shalt  }
0x79: {  	_ =	shalt  }
0x7a: {  	_ =	shalt  }
0x7b: {  	_ =	shalt  }
0x7c: {  	_ =	shalt  }
0x7d: {  	_ =	shalt  }
0x7e: {  	_ =	shalt  }
0x7f: {  	_ =	shalt  }
0x80: {  	_ =	shalt  }
0x81: {  	_ =	shalt  }
0x82: {  	_ =	shalt  }
0x83: {  	_ =	shalt  }
0x84: {  	_ =	shalt  }
0x85: {  	_ =	shalt  }
0x86: {  	_ =	shalt  }
0x87: {  	_ =	shalt  }
.Lfunc_end0:
.L_simem_size_0:
called_computation_lowered:
.L_overlay_start_0:
0x88: {  	s2 =	sld [smem:$0x3FD9]  }
0x89: {  	s3 =	sld [smem:$0x3FFE];
	_ =	sdelay $0x1  }
0x8a: {  	s1 =	srdreg.scid  }
0x8b: {  	s0 =	sand.u32 $0x1, s1  }
0x8c: {  	s16 =	sshll.u32 s0, $0xA;
	s2 =	sadd.s32 s3, s2  }
0x8d: {  	s2 =	sadd.s32 s2, s16  }
0x8e: {  	[smem:$0x3FC6] =	sst s2  }
0x8f: {  	_ = 	snop  }
0x90: {  	(tm) =	ssettm $0x1  }
0x91: {  	s17 =	sld [smem:$0x3FFB];
	_ =	sdelay $0x3  }
0x92: {  	_ =	strace s17  }
0x93: {  	s2 =	sld [smem:$0x3FFC];
	_ =	sdelay $0x3  }
0x94: {  	_ =	strace s2  }
0x95: {  	s2 =	sld [smem:$0x3FFD];
	_ =	sdelay $0x3  }
0x96: {  	_ =	strace s2  }
0x97: {  	_ =	strace $0x8FFFFFFF  }
0x98: {  	s18 =	sld [smem:$0x3FDB];
	_ =	sdelay $0x1  }
0x99: {  	s19 =	simm.s32 $_scs_section_size  }
0x9a: {  	s4 =	simm.s32 $_size__tile_overlayer_lowered;
	s5 =	simm.s32 $_tile_overlayer_lowered  }
0x9b: {  	s22 =	simm.s32 $0x1BFF;
	s21 =	sshll.u32 s5, $0x1;
	s2 =	sadd.s32 s19, s18  }
0x9c: {  	s6 =	simm.s32 $0x0;
	s20 =	sshll.u32 s4, $0x1;
	s4 =	sadd.s32 s21, s2  }
0x9d: {  	[timem:s6], [sflag:s22] =	dma.local [hbm:s4], s20  }
0x9e: {  	_ =	swait.ge [sflag:s22], s20  }
0x9f: {  	s3 =	ssub.s32 $0x0, s20;
	[sflag:s22] =	ssyncset.done $0x0  }
0xa0: {  	[sflag:s22] =	ssyncadd.s32 s3;
	_ =	sdelay $0x1  }
0xa1: {  	s23 =	simm.s32 $0x1B8B  }
0xa2: {  	_ =	swait.ge [sflag:s23], $0x1  }
0xa3: {  	[sflag:s23] =	ssyncset.done $0x0  }
0xa4: {  	s25 =	simm.s32 $0x1B8E;
	s24 =	sld [smem:$0x3FFE];
	[sflag:s23] =	ssyncadd.s32 $0xFFFFFFFF  }
0xa5: {  	s26 =	simm.s32 $execute0_lowered;
	[smem:$0x3FD2] =	sst s25  }
0xa6: {  	s4 =	sshll.u32 s26, $0x1;
	_ =	strace $0x80000046;
	[dreg:$0x1] =	wrdreg $0xFFFFFFFF  }
0xa7: {  	s28 =	simm.s32 $_size_execute0_lowered;
	s2 =	sadd.s32 s2, s4;
	[dreg:$0x0] =	wrdreg $0x0  }
0xa8: {  	s4 =	sshll.u32 s28, $0x1;
	[dreg:$0x2] =	wrdreg s2  }
0xa9: {  	[dreg:$0x3] =	wrdreg s4  }
0xaa: {  	[dreg:$0x4] =	wrdreg $0xC0  }
0xab: {  	_ =	task [dreg:s6], $0x5FFFF  }
0xac: {  	[dreg:$0x1] =	wrdreg $0xFFFFFFFF  }
0xad: {  	[dreg:$0x0] =	wrdreg $0x60  }
0xae: {  	[dreg:$0x2] =	wrdreg s24  }
0xaf: {  	[dreg:$0x3] =	wrdreg $0x9  }
0xb0: {  	_ =	task.clear_ibuf [dreg:s6], $0x4FFFF;
	_ =	strace $0x90000046  }
0xb1: {  	s29 =	simm.s32 $0x9;
	_ =	strace $0x80000048  }
0xb2: {  	_ =	swait.ge [sflag:s29], $0x1  }
0xb3: {  	[sflag:s29] =	ssyncadd.s32 $0xFFFFFFFF  }
0xb4: {  	_ =	strace $0x90000048  }
0xb5: {  	_ =	sfence  }
0xb6: {  	s30 =	sld [smem:$0x0];
	_ =	sdelay $0x2  }
0xb7: {  	s31 =	sshll.u32 s1, $0xD;
	s1 =	sshrl.u32 s1, $0x2  }
0xb8: {  	s3 =	sand.u32 $0x4000, s31;
	s1 =	sadd.s32 s1, s30  }
0xb9: {  	s0 =	sor.u32 s3, s0;
	s1 =	sshll.u32 s1, $0x11  }
0xba: {  	s0 =	sor.u32 s1, s0  }
0xbb: {  	s0 =	sadd.s32 $0x8F2B, s0  }
0xbc: {  	[sflag:s0] =	ssyncadd.remote.s32 $0x1  }
0xbd: {  	_ =	sfence.sel $0xFFFF  }
0xbe: {  	[dreg:$0x0] =	wrdreg $0xFFFFFFFF;
	(pc) =	sbr.abs _section_cstart, $3  }
0xbf: {  	[dreg:$0x1] =	wrdreg $0xFFFFFFFF  }
0xc0: {  	_ =	task.clear_ibuf [dreg:s6], $0x2FFFF;
	_ =	strace $0x9FFFFFFF  }
0xc1: {  	(tm) =	ssettm $0x7FFFFFFF  }
tec
execute0_lowered:
.L_overlay_start_1:
0x0: {  	(tag) =	ssettag $0x1  }
0x1: {  	s5 =	rddreg [dreg:$0x0]  }
0x2: {  	s0 =	rddreg [dreg:$0x1]  }
0x3: {  	s2 =	simm.s32 $0x0;
	s3 =	srdreg.scid;
	s1 =	stileid.u32  }
0x4: {  	s10 =	simm.s32 $0x7D00;
	s11 =	simm.s32 $0xBB80;
	s12 =	simm.s32 $0xFA00  }
0x5: {  	[smem:$0x7FF] =	sst s2;
	s3 =	sand.u32 $0x1, s3;
	s4 =	sshll.u32 s1, $0x1  }
0x6: {  	s13 =	simm.s32 $0x0;
	_ =	strace $0x80000047;
	s6 =	sor.u32 s3, s4  }
0x7: {  	s7 =	ssub.s32 $0x2, s3;
	s3 =	sadd.s32 $0x3F4200, s5;
	s8 =	sshll.u32 s6, $0x1  }
0x8: {  	s4 =	sadd.s32 $0x200200, s5;
	s9 =	sshrl.u32 s7, $0x1;
	s8 =	sadd.s32 s8, s5  }
0x9: {  	v0 =	vlaneseq.u32;
	s7 =	ssub.s32 s7, s9;
	s5 =	smul.u32 $0x7D000, s6;
	s9 =	simm.s32 $0x3E80  }
0xa: {  	v2 =	vimm.s32 $0x0;
	v1 =	vmul.u32 $0x3E8, v0;
	s6 =	sadd.s32 $0x200, s8;
	s7 =	smax.u32 s7, $0x1;
	s8 =	simm.s32 $0x1  }
.LBB2_1:
0xb: {  	v3 =	vimm.f32 $0.0e+00;
	s14 =	simm.s32 $0x0  }
.LBB2_2:
0xc: {  	s15 =	smul.u32 $0x3E80, s14;
	_ =	sdelay $0x1  }
0xd: {  	s15 =	sadd.s32 s5, s15  }
0xe: {  	s16 =	sshrl.u32 s15, $0x3  }
0xf: {  	s15 =	simm.s32 $0x0;
	s17 =	sadd.s32 s4, s16  }
0x10: {  	[tilespmem:s15], [sflag:$0x1] =	stream.linear.gather [hbm4b:s17+s15], $0x3E80, $0x38;
	[tilespmem:$0xFA80] =	vst v63  }
0x11: {  	_ =	swait.ge [sflag:s8], $0x3E80  }
0x12: {  	[sflag:s8] =	ssyncset.done $0x0  }
0x13: {  	s16 =	sadd.s32 s3, s16;
	v5 =	vadd.s32 s15, v1;
	[sflag:s8] =	ssyncadd.s32 $0xFFFFC180  }
0x14: {  	[tilespmem:s9], [sflag:$0x1] =	stream.linear.gather [hbm4b:s16+s15], $0x3E80, $0x38;
	[tilespmem:$0xFA80] =	vst v63  }
0x15: {  	_ =	swait.ge [sflag:s8], $0x3E80  }
0x16: {  	[sflag:s8] =	ssyncset.done $0x0  }
0x17: {  	[sflag:s8] =	ssyncadd.s32 $0xFFFFC180  }
0x18: {  	v4 =	vimm.s32 $0x0;
	v8 =	vld.idx.msk [tilespmem:v5+s2+$0x0], $0xffff  }
0x19: {  	v7 =	vimm.f32 $0.0e+00;
	v6 =	vimm.s32 $0x0;
	s17 =	simm.s32 $0x2;
	s16 =	simm.s32 $0x1;
	v5 =	vimm.s32 $0x0  }
.LBB2_3:
0x1a: {  	p0 =	sne.s32 s17, $0x3E7;
	v9 =	vor.u32 s15, v0  }
0x1b: {  	v10 =	vadd.s32 s16, v1;
	s16 =	smov.u32 s17;
	_ =	sdelay $0x1  }
0x1c: {  	v7 =	vadd.f32 v8, v7  }
.Ltmp0:
0x1d: {  	(pc) =	sbr.rel @p0 .LBB2_3-.Ltmp0, $4  }
0x1e: {  	vm0 =	vlt.f32 v7, $2.500000000e-01;
	vm1 =	vlt.f32 v7, $5.000000000e-01;
	vm2 =	vlt.f32 v7, $7.500000000e-01;
	[tilespmem:v9+s10+$0x0] =	vst.idx.msk $0xffff, v7  }
0x1f: {  	v9 =	vsel vm0, $0x1, v2;
	v11 =	vsel vm2, $0x1, v2;
	v8 =	vld.idx.msk [tilespmem:v10+s2+$0x0], $0xffff;
	v10 =	vsel vm1, $0x1, v2  }
0x20: {  	v4 =	vadd.s32 v9, v4;
	v5 =	vadd.s32 v11, v5;
	v6 =	vadd.s32 v10, v6  }
0x21: {  	s17 =	sadd.s32 $0x1, s17;
	s15 =	sadd.s32 $0x10, s15  }
0x22: {  	v9 =	vor.u32 s15, v0  }
0x23: {  	v10 =	vadd.s32 s16, v1;
	_ =	sdelay $0x1  }
0x24: {  	v7 =	vadd.f32 v8, v7;
	_ =	sdelay $0x1  }
0x25: {  	[tilespmem:v9+s10+$0x0] =	vst.idx.msk $0xffff, v7  }
0x26: {  	v8 =	vld.idx.msk [tilespmem:v10+s2+$0x0], $0xffff;
	_ =	sdelay $0x3  }
0x27: {  	s31 =	sadd.s32 $0x10, s15;
	s15 =	simm.s32 $0x0  }
0x28: {  	v15 =	vadd.s32 s15, v1;
	v8 =	vadd.f32 v8, v7  }
0x29: {  	vm0 =	vlt.f32 v7, $2.500000000e-01;
	vm1 =	vlt.f32 v7, $5.000000000e-01;
	vm2 =	vlt.f32 v7, $7.500000000e-01  }
0x2a: {  	v9 =	vsel vm1, $0x1, v2;
	v7 =	vsel vm0, $0x1, v2;
	vm10 =	vlt.f32 v8, $2.500000000e-01  }
0x2b: {  	v10 =	vsel vm2, $0x1, v2;
	v4 =	vadd.s32 v7, v4;
	v7 =	vsel vm10, $0x1, v2  }
0x2c: {  	v6 =	vadd.s32 v9, v6;
	vm11 =	vlt.f32 v8, $5.000000000e-01;
	v4 =	vadd.s32 v7, v4  }
0x2d: {  	v9 =	vor.u32 s31, v0;
	v7 =	vsel vm11, $0x1, v2;
	vm12 =	vgt.s32 v4, $0x3E7  }
0x2e: {  	vm13 =	vlt.f32 v8, $7.500000000e-01;
	v7 =	vadd.s32 v7, v6;
	v6 =	vsel vm12, $0x0, v4  }
0x2f: {  	v5 =	vadd.s32 v10, v5;
	v4 =	vsel vm13, $0x1, v2;
	v10 =	vshll.u32 v6, $0x4  }
0x30: {  	vm14 =	vgt.s32 v7, $0x3E7;
	v4 =	vadd.s32 v4, v5;
	v5 =	vor.u32 v0, v10  }
0x31: {  	v7 =	vsel vm14, $0x0, v7;
	v10 =	vadd.s32 v1, v6  }
0x32: {  	v11 =	vshll.u32 v7, $0x4;
	vm15 =	vgt.s32 v4, $0x3E7;
	v12 =	vadd.s32 v1, v7  }
0x33: {  	[tilespmem:v9+s10+$0x0] =	vst.idx.msk $0xffff, v8;
	v11 =	vor.u32 v0, v11;
	v4 =	vsel vm15, $0x0, v4  }
0x34: {  	v17 =	vld.idx.msk [tilespmem:v15+s9+$0x0], $0xffff;
	v13 =	vshll.u32 v4, $0x4;
	v14 =	vadd.s32 v1, v4  }
0x35: {  	v13 =	vor.u32 v0, v13;
	v8 =	vld.idx.msk [tilespmem:v5+s10+$0x0], $0xffff  }
0x36: {  	v10 =	vld.idx.msk [tilespmem:v10+s15+$0x0], $0xffff  }
0x37: {  	v12 =	vld.idx.msk [tilespmem:v12+s15+$0x0], $0xffff  }
0x38: {  	v9 =	vld.idx.msk [tilespmem:v11+s10+$0x0], $0xffff  }
0x39: {  	v16 =	vimm.f32 $0.0e+00;
	v11 =	vld.idx.msk [tilespmem:v14+s15+$0x0], $0xffff  }
0x3a: {  	s16 =	simm.s32 $0x1;
	s17 =	simm.s32 $0x2;
	v15 =	vimm.s32 $0x0;
	v14 =	vimm.s32 $0x0;
	v5 =	vld.idx.msk [tilespmem:v13+s10+$0x0], $0xffff;
	v13 =	vimm.s32 $0x0  }
.LBB2_5:
0x3b: {  	p0 =	sne.s32 s17, $0x3E7;
	v18 =	vor.u32 s15, v0  }
0x3c: {  	v19 =	vadd.s32 s16, v1;
	s16 =	smov.u32 s17;
	_ =	sdelay $0x1  }
0x3d: {  	v16 =	vadd.f32 v17, v16  }
.Ltmp1:
0x3e: {  	(pc) =	sbr.rel @p0 .LBB2_5-.Ltmp1, $4  }
0x3f: {  	vm0 =	vlt.f32 v16, $2.500000000e-01;
	vm1 =	vlt.f32 v16, $5.000000000e-01;
	vm2 =	vlt.f32 v16, $7.500000000e-01;
	[tilespmem:v18+s11+$0x0] =	vst.idx.msk $0xffff, v16  }
0x40: {  	v18 =	vsel vm0, $0x1, v2;
	v20 =	vsel vm2, $0x1, v2;
	v17 =	vld.idx.msk [tilespmem:v19+s9+$0x0], $0xffff;
	v19 =	vsel vm1, $0x1, v2  }
0x41: {  	v13 =	vadd.s32 v18, v13;
	v14 =	vadd.s32 v20, v14;
	v15 =	vadd.s32 v19, v15  }
0x42: {  	s17 =	sadd.s32 $0x1, s17;
	s15 =	sadd.s32 $0x10, s15  }
0x43: {  	v18 =	vor.u32 s15, v0  }
0x44: {  	v19 =	vadd.s32 s16, v1;
	_ =	sdelay $0x1  }
0x45: {  	v16 =	vadd.f32 v17, v16;
	_ =	sdelay $0x1  }
0x46: {  	[tilespmem:v18+s11+$0x0] =	vst.idx.msk $0xffff, v16  }
0x47: {  	v38 =	vld.idx.msk [tilespmem:v19+s9+$0x0], $0xffff;
	_ =	sdelay $0x3  }
0x48: {  	s31 =	sadd.s32 $0x10, s15  }
0x49: {  	v44 =	vor.u32 s31, v0;
	v17 =	vadd.f32 v38, v16  }
0x4a: {  	vm0 =	vlt.f32 v16, $2.500000000e-01;
	vm1 =	vlt.f32 v16, $5.000000000e-01;
	vm2 =	vlt.f32 v16, $7.500000000e-01  }
0x4b: {  	v39 =	vsel vm0, $0x1, v2;
	v40 =	vsel vm1, $0x1, v2;
	vm10 =	vlt.f32 v17, $2.500000000e-01  }
0x4c: {  	v41 =	vsel vm2, $0x1, v2;
	v13 =	vadd.s32 v39, v13;
	v42 =	vsel vm10, $0x1, v2  }
0x4d: {  	v15 =	vadd.s32 v40, v15;
	vm11 =	vlt.f32 v17, $5.000000000e-01;
	v13 =	vadd.s32 v42, v13  }
0x4e: {  	v14 =	vadd.s32 v41, v14;
	v43 =	vsel vm11, $0x1, v2;
	vm12 =	vgt.s32 v13, $0x3E7  }
0x4f: {  	vm13 =	vlt.f32 v17, $7.500000000e-01;
	v15 =	vadd.s32 v43, v15;
	v13 =	vsel vm12, $0x0, v13  }
0x50: {  	v45 =	vsel vm13, $0x1, v2;
	vm14 =	vgt.s32 v15, $0x3E7;
	v46 =	vadd.s32 v1, v13  }
0x51: {  	v14 =	vadd.s32 v45, v14;
	v15 =	vsel vm14, $0x0, v15  }
0x52: {  	vm15 =	vgt.s32 v14, $0x3E7;
	v47 =	vadd.s32 v1, v15  }
0x53: {  	v14 =	vsel vm15, $0x0, v14  }
0x54: {  	[tilespmem:v44+s11+$0x0] =	vst.idx.msk $0xffff, v17;
	v48 =	vadd.s32 v1, v14  }
0x55: {  	v17 =	vld.idx.msk [tilespmem:v46+s9+$0x0], $0xffff;
	_ =	sdelay $0x1  }
0x56: {  	(erf) = vrcp.f32 v10;
	v50 =	vshll.u32 v13, $0x4;
	v49 =	vld.idx.msk [tilespmem:v47+s9+$0x0], $0xffff  }
0x57: {  	(erf) = vrcp.f32 v12;
	v12 =	vor.u32 v0, v50  }
0x58: {  	(erf) = vrcp.f32 v11;
	v51 =	vshll.u32 v15, $0x4;
	v16 =	vld.idx.msk [tilespmem:v48+s9+$0x0], $0xffff  }
0x59: {  	v52 =	vor.u32 v0, v51;
	(erf) = vrcp.f32 v17  }
0x5a: {  	v53 =	vshll.u32 v14, $0x4  }
0x5b: {  	v10 =	vor.u32 v0, v53;
	(erf) = vrcp.f32 v49  }
0x5c: {  	v12 =	vld.idx.msk [tilespmem:v12+s11+$0x0], $0xffff  }
0x5d: {  	(erf) = vrcp.f32 v16  }
0x5e: {  	v6 =	vcvt.s32.f32 v6;
	v8 =	vsub.f32 $2.500000000e-01, v8;
	v11 =	vld.idx.msk [tilespmem:v52+s11+$0x0], $0xffff  }
0x5f: {  	v7 =	vcvt.s32.f32 v7;
	v9 =	vsub.f32 $5.000000000e-01, v9;
	v4 =	vcvt.s32.f32 v4;
	v54 =	vpop (erf)  }
0x60: {  	v5 =	vsub.f32 $7.500000000e-01, v5;
	v6 =	vadd.f32 $1.000000000e+00, v6;
	v55 =	vpop (erf);
	v8 =	vmul.f32 v54, v8;
	v10 =	vld.idx.msk [tilespmem:v10+s11+$0x0], $0xffff  }
0x61: {  	v7 =	vadd.f32 $1.000000000e+00, v7;
	v56 =	vpop (erf);
	v57 =	vcvt.s32.f32 v13;
	v12 =	vsub.f32 $2.500000000e-01, v12  }
0x62: {  	v9 =	vmul.f32 v55, v9;
	v6 =	vadd.f32 v8, v6;
	v59 =	vcvt.s32.f32 v15;
	v58 =	vpop (erf)  }
0x63: {  	v8 =	vadd.f32 $1.000000000e+00, v57;
	v11 =	vsub.f32 $5.000000000e-01, v11;
	v12 =	vmul.f32 v58, v12  }
0x64: {  	v7 =	vadd.f32 v9, v7;
	v61 =	vcvt.s32.f32 v14;
	v9 =	vadd.f32 $1.000000000e+00, v59;
	v60 =	vpop (erf)  }
0x65: {  	v10 =	vsub.f32 $7.500000000e-01, v10;
	v11 =	vmul.f32 v60, v11;
	v8 =	vadd.f32 v12, v8  }
0x66: {  	v4 =	vadd.f32 $1.000000000e+00, v4;
	v5 =	vmul.f32 v56, v5;
	v62 =	vpop (erf);
	v12 =	vadd.f32 $1.000000000e+00, v61  }
0x67: {  	v10 =	vmul.f32 v62, v10;
	v9 =	vadd.f32 v11, v9;
	v6 =	vsub.f32 v6, v8  }
0x68: {  	s14 =	sadd.s32 $0x1, s14;
	v4 =	vadd.f32 v5, v4  }
0x69: {  	p0 =	sne.s32 s14, $0x20;
	v5 =	vadd.f32 v10, v12;
	v7 =	vsub.f32 v7, v9;
	v6 =	vand.u32 $0x7FFFFFFF, v6  }
.Ltmp2:
0x6a: {  	v3 =	vadd.f32 v6, v3;
	(pc) =	sbr.rel @p0 .LBB2_2-.Ltmp2, $4  }
0x6b: {  	v4 =	vsub.f32 v4, v5;
	v63 =	vand.u32 $0x7FFFFFFF, v7  }
0x6c: {  	v3 =	vadd.f32 v63, v3  }
0x6d: {  	v4 =	vand.u32 $0x7FFFFFFF, v4  }
0x6e: {  	v3 =	vadd.f32 v4, v3  }
0x6f: {  	s13 =	sadd.s32 $0x1, s13  }
0x70: {  	p0 =	sne.s32 s13, s7  }
.Ltmp3:
0x71: {  	[tilespmem:$0xFA00] =	vst v3;
	(pc) =	sbr.rel @p0 .LBB2_1-.Ltmp3, $4  }
0x72: {  	[hbm4b:s6+s2] =	stream.linear.scatter [tilespmem:s12], [sflag:$0x1], $0x10, $0x38;
	[tilespmem:$0xFA80] =	vst v63  }
0x73: {  	_ =	swait.ge [sflag:s8], $0x10  }
0x74: {  	[sflag:s8] =	ssyncset.done $0x0  }
0x75: {  	[sflag:s8] =	ssyncadd.s32 $0xFFFFFFF0  }
0x76: {  	_ =	sfence.sel $0x180000  }
0x77: {  	[bflag:$0x0] =	sbarrier.arrive $0xFFFF  }
0x78: {  	p0 =	sne.s32 s1, $0x0;
	_ =	strace $0x90000047  }
0x79: {  	s0 =	sadd.s32 @!p0 $0x100000, s0;
	[bflag:$0x2] =	sbarrier.arrive $0xFFFF  }
0x7a: {  	[sflag:s0] =	ssyncadd.tile.s32 @!p0 $0x1;
	_ =	shalt  }
.Lfunc_end2:
_tile_overlayer_lowered:
.L_overlay_start_2:
0x7b: {  	(tag) =	ssettag $0x2  }
0x7c: {  	s0 =	rddreg [dreg:$0x0];
	s2 =	stileid.u32  }
0x7d: {  	s1 =	rddreg [dreg:$0x1];
	p0 =	sne.s32 s2, $0x0  }
0x7e: {  	s3 =	rddreg [dreg:$0x2];
	[bflag:$0x3] =	sbarrier.arrive $0xFFFF;
	s2 =	simm.s32 @!p0 $0x1C01  }
0x7f: {  	[timem:s3], [sflag:s2] =	dma.local @!p0 [hbm:s0], s1  }
0x80: {  	s0 =	simm.s32 @!p0 $0x1  }
0x81: {  	_ =	swait.ge @!p0 [sflag:s0], s1  }
0x82: {  	s1 =	ssub.s32 @!p0 $0x0, s1;
	[sflag:s0] =	ssyncset.done @!p0 $0x0  }
0x83: {  	[sflag:s0] =	ssyncadd.s32 @!p0 s1  }
0x84: {  	[bflag:$0x3] =	sbarrier.arrive $0xFFFF  }
0x85: {  	_ =	shalt  }

// kernel: kernel.3.cloned.1.call-start
scs
__scs_entry_jumppad:
0x0: {  	(pc) =	sbr.rel $0x88, $3  }
0x1: {  	(tag) =	ssettag $0x0;
	lr =	simm.s32 $0x1  }
0x2: {  	[smem:$0x3F9F] =	sst lr;
	_ =	strace $0xD0000000  }
0x3: {  	_ = 	snop  }
0x4: {  	_ = 	snop  }
0x5: {  	_ = 	snop  }
0x6: {  	_ = 	snop  }
0x7: {  	_ = 	snop  }
__scs_overlays_trampoline_lowered:
0x8: {  	[smem:$0x3FAE] =	sst s0  }
0x9: {  	[smem:$0x3FAF] =	sst s1  }
0xa: {  	[smem:$0x3FB0] =	sst s2  }
0xb: {  	[smem:$0x3FB1] =	sst s3  }
0xc: {  	[smem:$0x3FB2] =	sst s4  }
0xd: {  	[smem:$0x3FB3] =	sst s5  }
0xe: {  	[smem:$0x3FB4] =	sst s6  }
0xf: {  	[smem:$0x3FB5] =	sst s7  }
0x10: {  	[smem:$0x3FB6] =	sst s8  }
0x11: {  	[smem:$0x3FB7] =	sst s9;
	s0 =	simm.s32 @!p0 $0x0  }
0x12: {  	s1 =	sld [smem:$0x3F9D];
	s0 =	simm.s32 @p0 $0x1  }
0x13: {  	[smem:$0x3FB8] =	sst s0;
	s0 =	simm.s32 @!p1 $0x0  }
0x14: {  	s2 =	sld [smem:$0x3F9C];
	s0 =	simm.s32 @p1 $0x1  }
0x15: {  	[smem:$0x3FB9] =	sst s0;
	s0 =	simm.s32 @!p2 $0x0  }
0x16: {  	s3 =	sld [smem:$0x3FDB];
	s0 =	simm.s32 @p2 $0x1  }
0x17: {  	s4 =	simm.s32 $0x1BF5;
	[smem:$0x3FBB] =	sst s0  }
0x18: {  	s0 =	sld [smem:$0x3F9E];
	_ =	swait.ge [sflag:s4], $0x0  }
0x19: {  	s7 =	sld [smem:$0x3F9F]  }
0x1a: {  	s8 =	sadd.s32 $0xFFFFE003, lr  }
0x1b: {  	s9 =	sadd.s32 $0xFFFFFEF7, lr;
	s5 =	simm.s32 $0xFFFFFFFF;
	p2 =	slt.u32 s8, $0xFFFFF086  }
0x1c: {  	p1 =	slt.u32 s9, $0xF7A;
	s5 =	simm.s32 @!p2 $0x0  }
0x1d: {  	s5 =	simm.s32 @p1 $0x1;
	p0 =	seq.s32 s7, s2  }
0x1e: {  	s7 =	smul.u32 @!p0 $0xF7A, s2;
	p2 =	seq.s32 @!p0 s5, $0x0  }
0x1f: {  	s9 =	smul.u32 $0xF7A, s1;
	s8 =	simm.s32 @!p0 $0x1BF5;
	p2 =	por !p2, p0  }
0x20: {  	[sflag:s8] =	ssyncset.s32 @!p0 $0xFFFFF086;
	s6 =	sadd.s32 @!p0 s3, s7;
	s7 =	simm.s32 @!p0 $0x108  }
0x21: {  	s3 =	sadd.s32 s3, s9;
	s6 =	sadd.s32 @!p0 $0x88, s6;
	s7 =	simm.s32 @p2 $0x1082  }
0x22: {  	[simem:s7], [sflag:s8] =	dma.local @!p0 [hbm:s6], $0xF7A  }
0x23: {  	s9 =	sor.u32 $0xD0000000, s2;
	s6 =	simm.s32 $0x108;
	_ =	swait.ge @!p0 [sflag:s8], $0x0  }
0x24: {  	s3 =	sadd.s32 $0x88, s3;
	s6 =	simm.s32 @!p1 $0x1082;
	[sflag:s4] =	ssyncset.s32 $0xFFFFF086  }
0x25: {  	[simem:s6], [sflag:s4] =	dma.local [hbm:s3], $0xF7A  }
0x26: {  	[smem:$0x3F9F] =	sst s1;
	(tag) =	ssettag s2;
	_ =	strace s9  }
0x27: {  	s1 =	sld [smem:$0x3FAF]  }
0x28: {  	s2 =	sld [smem:$0x3FB0]  }
0x29: {  	s4 =	sld [smem:$0x3FB2]  }
0x2a: {  	p0 =	seq.s32 s5, $0x0;
	s5 =	sld [smem:$0x3FB3]  }
0x2b: {  	s6 =	sld [smem:$0x3FB4]  }
0x2c: {  	s7 =	sld [smem:$0x3FB5]  }
0x2d: {  	s3 =	simm.s32 $0x108;
	s8 =	sld [smem:$0x3FB6]  }
0x2e: {  	s3 =	simm.s32 @!p0 $0x1082;
	s9 =	sld [smem:$0x3FB7]  }
0x2f: {  	lr =	sadd.s32 s0, s3;
	s0 =	sld [smem:$0x3FAE]  }
0x30: {  	s3 =	sld [smem:$0x3FB1]  }
0x31: {  	[smem:$0x3FBA] =	sst s10  }
0x32: {  	s10 =	sld [smem:$0x3FB8];
	_ =	sdelay $0x3  }
0x33: {  	p0 =	seq.s32 s10, $0x1;
	s10 =	sld [smem:$0x3FBA];
	_ =	sdelay $0x3  }
0x34: {  	[smem:$0x3FBA] =	sst s10  }
0x35: {  	s10 =	sld [smem:$0x3FB9];
	_ =	sdelay $0x3  }
0x36: {  	p1 =	seq.s32 s10, $0x1;
	s10 =	sld [smem:$0x3FBA];
	_ =	sdelay $0x3  }
0x37: {  	[smem:$0x3FBA] =	sst s10  }
0x38: {  	s10 =	sld [smem:$0x3FBB]  }
0x39: {  	_ = 	snop;
	(pc) =	sbr.ind lr, $3  }
0x3a: {  	_ = 	snop  }
0x3b: {  	_ = 	snop  }
0x3c: {  	p2 =	seq.s32 s10, $0x1;
	s10 =	sld [smem:$0x3FBA]  }
0x3d: {  	_ =	shalt  }
0x3e: {  	_ =	shalt  }
0x3f: {  	_ =	shalt  }
0x40: {  	_ =	shalt  }
0x41: {  	_ =	shalt  }
0x42: {  	_ =	shalt  }
0x43: {  	_ =	shalt  }
0x44: {  	_ =	shalt  }
0x45: {  	_ =	shalt  }
0x46: {  	_ =	shalt  }
0x47: {  	_ =	shalt  }
0x48: {  	_ =	shalt  }
0x49: {  	_ =	shalt  }
0x4a: {  	_ =	shalt  }
0x4b: {  	_ =	shalt  }
0x4c: {  	_ =	shalt  }
0x4d: {  	_ =	shalt  }
0x4e: {  	_ =	shalt  }
0x4f: {  	_ =	shalt  }
0x50: {  	_ =	shalt  }
0x51: {  	_ =	shalt  }
0x52: {  	_ =	shalt  }
0x53: {  	_ =	shalt  }
0x54: {  	_ =	shalt  }
0x55: {  	_ =	shalt  }
0x56: {  	_ =	shalt  }
0x57: {  	_ =	shalt  }
0x58: {  	_ =	shalt  }
0x59: {  	_ =	shalt  }
0x5a: {  	_ =	shalt  }
0x5b: {  	_ =	shalt  }
0x5c: {  	_ =	shalt  }
0x5d: {  	_ =	shalt  }
0x5e: {  	_ =	shalt  }
0x5f: {  	_ =	shalt  }
0x60: {  	_ =	shalt  }
0x61: {  	_ =	shalt  }
0x62: {  	_ =	shalt  }
0x63: {  	_ =	shalt  }
0x64: {  	_ =	shalt  }
0x65: {  	_ =	shalt  }
0x66: {  	_ =	shalt  }
0x67: {  	_ =	shalt  }
0x68: {  	_ =	shalt  }
0x69: {  	_ =	shalt  }
0x6a: {  	_ =	shalt  }
0x6b: {  	_ =	shalt  }
0x6c: {  	_ =	shalt  }
0x6d: {  	_ =	shalt  }
0x6e: {  	_ =	shalt  }
0x6f: {  	_ =	shalt  }
0x70: {  	_ =	shalt  }
0x71: {  	_ =	shalt  }
0x72: {  	_ =	shalt  }
0x73: {  	_ =	shalt  }
0x74: {  	_ =	shalt  }
0x75: {  	_ =	shalt  }
0x76: {  	_ =	shalt  }
0x77: {  	_ =	shalt  }
0x78: {  	_ =	shalt  }
0x79: {  	_ =	shalt  }
0x7a: {  	_ =	shalt  }
0x7b: {  	_ =	shalt  }
0x7c: {  	_ =	shalt  }
0x7d: {  	_ =	shalt  }
0x7e: {  	_ =	shalt  }
0x7f: {  	_ =	shalt  }
0x80: {  	_ =	shalt  }
0x81: {  	_ =	shalt  }
0x82: {  	_ =	shalt  }
0x83: {  	_ =	shalt  }
0x84: {  	_ =	shalt  }
0x85: {  	_ =	shalt  }
0x86: {  	_ =	shalt  }
0x87: {  	_ =	shalt  }
.Lfunc_end0:
.L_simem_size_0:
called_computation.1_lowered:
.L_overlay_start_0:
0x88: {  	s2 =	sld [smem:$0x3FD9]  }
0x89: {  	s3 =	sld [smem:$0x3FFE];
	_ =	sdelay $0x1  }
0x8a: {  	s1 =	srdreg.scid  }
0x8b: {  	s0 =	sand.u32 $0x1, s1  }
0x8c: {  	s16 =	sshll.u32 s0, $0xA;
	s2 =	sadd.s32 s3, s2  }
0x8d: {  	s2 =	sadd.s32 s2, s16  }
0x8e: {  	[smem:$0x3FC6] =	sst s2  }
0x8f: {  	_ = 	snop  }
0x90: {  	(tm) =	ssettm $0x1  }
0x91: {  	s17 =	sld [smem:$0x3FFB];
	_ =	sdelay $0x3  }
0x92: {  	_ =	strace s17  }
0x93: {  	s2 =	sld [smem:$0x3FFC];
	_ =	sdelay $0x3  }
0x94: {  	_ =	strace s2  }
0x95: {  	s2 =	sld [smem:$0x3FFD];
	_ =	sdelay $0x3  }
0x96: {  	_ =	strace s2  }
0x97: {  	_ =	strace $0x8FFFFFFF  }
0x98: {  	s18 =	sld [smem:$0x3FDB];
	_ =	sdelay $0x1  }
0x99: {  	s19 =	simm.s32 $_scs_section_size  }
0x9a: {  	s4 =	simm.s32 $_size__tile_overlayer_lowered;
	s5 =	simm.s32 $_tile_overlayer_lowered  }
0x9b: {  	s22 =	simm.s32 $0x1BFF;
	s21 =	sshll.u32 s5, $0x1;
	s2 =	sadd.s32 s19, s18  }
0x9c: {  	s6 =	simm.s32 $0x0;
	s20 =	sshll.u32 s4, $0x1;
	s4 =	sadd.s32 s21, s2  }
0x9d: {  	[timem:s6], [sflag:s22] =	dma.local [hbm:s4], s20  }
0x9e: {  	_ =	swait.ge [sflag:s22], s20  }
0x9f: {  	s3 =	ssub.s32 $0x0, s20;
	[sflag:s22] =	ssyncset.done $0x0  }
0xa0: {  	[sflag:s22] =	ssyncadd.s32 s3;
	_ =	sdelay $0x1  }
0xa1: {  	s23 =	simm.s32 $0x1B8B  }
0xa2: {  	_ =	swait.ge [sflag:s23], $0x1  }
0xa3: {  	[sflag:s23] =	ssyncset.done $0x0  }
0xa4: {  	s25 =	simm.s32 $0x1B8E;
	s24 =	sld [smem:$0x3FFE];
	[sflag:s23] =	ssyncadd.s32 $0xFFFFFFFF  }
0xa5: {  	s26 =	simm.s32 $execute0_lowered;
	[smem:$0x3FD2] =	sst s25  }
0xa6: {  	s4 =	sshll.u32 s26, $0x1;
	_ =	strace $0x80000049;
	[dreg:$0x1] =	wrdreg $0xFFFFFFFF  }
0xa7: {  	s28 =	simm.s32 $_size_execute0_lowered;
	s2 =	sadd.s32 s2, s4;
	[dreg:$0x0] =	wrdreg $0x0  }
0xa8: {  	s4 =	sshll.u32 s28, $0x1;
	[dreg:$0x2] =	wrdreg s2  }
0xa9: {  	[dreg:$0x3] =	wrdreg s4  }
0xaa: {  	[dreg:$0x4] =	wrdreg $0xC0  }
0xab: {  	_ =	task [dreg:s6], $0x5FFFF  }
0xac: {  	[dreg:$0x1] =	wrdreg $0xFFFFFFFF  }
0xad: {  	[dreg:$0x0] =	wrdreg $0x60  }
0xae: {  	[dreg:$0x2] =	wrdreg s24  }
0xaf: {  	[dreg:$0x3] =	wrdreg $0x9  }
0xb0: {  	_ =	task.clear_ibuf [dreg:s6], $0x4FFFF;
	_ =	strace $0x90000049  }
0xb1: {  	s29 =	simm.s32 $0x9;
	_ =	strace $0x8000004B  }
0xb2: {  	_ =	swait.ge [sflag:s29], $0x1  }
0xb3: {  	[sflag:s29] =	ssyncadd.s32 $0xFFFFFFFF  }
0xb4: {  	_ =	strace $0x9000004B  }
0xb5: {  	_ =	sfence  }
0xb6: {  	s30 =	sld [smem:$0x0];
	_ =	sdelay $0x2  }
0xb7: {  	s31 =	sshll.u32 s1, $0xD;
	s1 =	sshrl.u32 s1, $0x2  }
0xb8: {  	s3 =	sand.u32 $0x4000, s31;
	s1 =	sadd.s32 s1, s30  }
0xb9: {  	s0 =	sor.u32 s3, s0;
	s1 =	sshll.u32 s1, $0x11  }
0xba: {  	s0 =	sor.u32 s1, s0  }
0xbb: {  	s0 =	sadd.s32 $0x8F2B, s0  }
0xbc: {  	[sflag:s0] =	ssyncadd.remote.s32 $0x1  }
0xbd: {  	_ =	sfence.sel $0xFFFF  }
0xbe: {  	[dreg:$0x0] =	wrdreg $0xFFFFFFFF;
	(pc) =	sbr.abs _section_cstart, $3  }
0xbf: {  	[dreg:$0x1] =	wrdreg $0xFFFFFFFF  }
0xc0: {  	_ =	task.clear_ibuf [dreg:s6], $0x2FFFF;
	_ =	strace $0x9FFFFFFF  }
0xc1: {  	(tm) =	ssettm $0x7FFFFFFF  }
tec
execute0_lowered:
.L_overlay_start_1:
0x0: {  	(tag) =	ssettag $0x1  }
0x1: {  	s5 =	rddreg [dreg:$0x0]  }
0x2: {  	s0 =	rddreg [dreg:$0x1];
	s2 =	simm.s32 $0x0  }
0x3: {  	s3 =	srdreg.scid;
	s1 =	stileid.u32;
	s10 =	simm.s32 $0x2000  }
0x4: {  	s11 =	simm.s32 $0x1000;
	s12 =	simm.s32 $0x3000;
	s13 =	simm.s32 $0x4000  }
0x5: {  	s14 =	simm.s32 $0x4100;
	s15 =	simm.s32 $0x1;
	s16 =	simm.s32 $0x4200  }
0x6: {  	s17 =	simm.s32 $0x0;
	s3 =	sand.u32 $0x1, s3;
	s4 =	sshll.u32 s1, $0x1  }
0x7: {  	[smem:$0x7FF] =	sst s2;
	s6 =	sadd.s32 $0x8000, s5;
	s4 =	sor.u32 s3, s4  }
0x8: {  	_ =	strace $0x8000004A;
	s3 =	ssub.s32 $0x2, s3;
	s7 =	sshll.u32 s4, $0x2  }
0x9: {  	s8 =	sshrl.u32 s3, $0x1;
	s4 =	sshll.u32 s4, $0xA;
	s7 =	sadd.s32 s7, s5  }
0xa: {  	s8 =	ssub.s32 s3, s8;
	s9 =	sor.u32 $0x200, s4;
	s3 =	sadd.s32 s5, s4  }
0xb: {  	v0 =	vlaneseq.u32;
	s4 =	sadd.s32 s6, s4;
	s5 =	sadd.s32 s5, s9;
	s6 =	sadd.s32 s6, s9  }
0xc: {  	v2 =	vimm.s32 $0x0;
	v3 =	vimm.f32 $1.000000000e+00;
	v1 =	vmul.u32 $0x10, v0;
	s7 =	sadd.s32 $0x10000, s7;
	s8 =	smax.u32 s8, $0x1;
	s9 =	simm.s32 $0x2  }
.LBB2_1:
0xd: {  	[tilespmem:s2], [sflag:$0x2] =	stream.linear.gather [hbm4b:s3+s2], $0x1000, $0x38;
	[tilespmem:$0x4280] =	vst v63  }
0xe: {  	_ =	swait.ge [sflag:s9], $0x1000  }
0xf: {  	[sflag:s9] =	ssyncset.done $0x0  }
0x10: {  	[sflag:s9] =	ssyncadd.s32 $0xFFFFF000  }
0x11: {  	v4 =	vmov s2;
	[tilespmem:s10], [sflag:$0x2] =	stream.linear.gather [hbm4b:s4+s2], $0x1000, $0x38;
	[tilespmem:$0x4280] =	vst v63  }
0x12: {  	v4 =	vshll.u32 v4, $0x4;
	_ =	swait.ge [sflag:s9], $0x1000  }
0x13: {  	v5 =	vor.u32 v1, v4;
	[sflag:s9] =	ssyncset.done $0x0  }
0x14: {  	[sflag:s9] =	ssyncadd.s32 $0xFFFFF000  }
0x15: {  	[tilespmem:s11], [sflag:$0x1] =	stream.linear.gather [hbm4b:s5+s2], $0x1000, $0x38;
	[tilespmem:$0x4280] =	vst v63  }
0x16: {  	_ = 	snop  }
0x17: {  	[tilespmem:s12], [sflag:$0x1] =	stream.linear.gather [hbm4b:s6+s2], $0x1000, $0x38;
	[tilespmem:$0x4280] =	vst v63  }
0x18: {  	v6 =	vld.idx.msk [tilespmem:v5+s2+$0x0], $0xffff  }
0x19: {  	v7 =	vld.idx.msk [tilespmem:v5+s10+$0x0], $0xffff;
	_ =	sdelay $0x2  }
0x1a: {  	v4 =	vor.u32 $0x1, v5  }
0x1b: {  	v8 =	vadd.f32 $0.0e+00, v6  }
0x1c: {  	v9 =	vadd.f32 $0.0e+00, v7  }
0x1d: {  	[tilespmem:$0x4000] =	vst v8  }
0x1e: {  	[tilespmem:$0x4100] =	vst v9  }
0x1f: {  	v10 =	vld.idx.msk [tilespmem:v4+s2+$0x0], $0xffff  }
0x20: {  	v4 =	vld.idx.msk [tilespmem:v4+s10+$0x0], $0xffff;
	_ =	sdelay $0x2  }
0x21: {  	v11 =	vor.u32 $0x2, v5  }
0x22: {  	v8 =	vadd.f32 v10, v8  }
0x23: {  	v9 =	vadd.f32 v4, v9  }
0x24: {  	[tilespmem:$0x4010] =	vst v8  }
0x25: {  	[tilespmem:$0x4110] =	vst v9  }
0x26: {  	v4 =	vld.idx.msk [tilespmem:v11+s2+$0x0], $0xffff  }
0x27: {  	v10 =	vld.idx.msk [tilespmem:v11+s10+$0x0], $0xffff;
	_ =	sdelay $0x2  }
0x28: {  	v11 =	vor.u32 $0x3, v5  }
0x29: {  	v13 =	vadd.f32 v4, v8  }
0x2a: {  	v10 =	vadd.f32 v10, v9  }
0x2b: {  	[tilespmem:$0x4020] =	vst v13  }
0x2c: {  	[tilespmem:$0x4120] =	vst v10  }
0x2d: {  	v4 =	vld.idx.msk [tilespmem:v11+s2+$0x0], $0xffff  }
0x2e: {  	v11 =	vld.idx.msk [tilespmem:v11+s10+$0x0], $0xffff;
	_ =	sdelay $0x2  }
0x2f: {  	v12 =	vor.u32 $0x4, v5  }
0x30: {  	v15 =	vadd.f32 v4, v13  }
0x31: {  	v16 =	vadd.f32 v11, v10  }
0x32: {  	[tilespmem:$0x4030] =	vst v15  }
0x33: {  	[tilespmem:$0x4130] =	vst v16  }
0x34: {  	v4 =	vld.idx.msk [tilespmem:v12+s2+$0x0], $0xffff  }
0x35: {  	v11 =	vld.idx.msk [tilespmem:v12+s10+$0x0], $0xffff;
	_ =	sdelay $0x2  }
0x36: {  	v12 =	vor.u32 $0x5, v5  }
0x37: {  	v17 =	vadd.f32 v4, v15  }
0x38: {  	v18 =	vadd.f32 v11, v16  }
0x39: {  	v19 =	vor.u32 $0x6, v5;
	[tilespmem:$0x4040] =	vst v17  }
0x3a: {  	v25 =	vor.u32 $0x7, v5;
	v53 =	vor.u32 $0x8, v5;
	v51 =	vor.u32 $0xB, v5;
	[tilespmem:$0x4140] =	vst v18  }
0x3b: {  	v52 =	vor.u32 $0xD, v5;
	v60 =	vor.u32 $0xC, v5;
	vm0 =	vlt.f32 v6, $7.500000000e-01;
	v11 =	vld.idx.msk [tilespmem:v12+s2+$0x0], $0xffff  }
0x3c: {  	vm4 =	vlt.f32 v7, $5.000000000e-01;
	vm1 =	vlt.f32 v7, $7.500000000e-01;
	vm2 =	vlt.f32 v6, $2.500000000e-01;
	v12 =	vld.idx.msk [tilespmem:v12+s10+$0x0], $0xffff  }
0x3d: {  	v14 =	vsel vm0, $0x1, v2;
	vm0 =	vlt.f32 v7, $2.500000000e-01;
	v32 =	vsel vm4, $0x1, v2  }
0x3e: {  	v58 =	vsel vm2, $0x1, v2;
	v62 =	vsel vm1, $0x1, v2;
	v61 =	vsel vm0, $0x1, v2  }
0x3f: {  	vm3 =	vlt.f32 v8, $7.500000000e-01;
	vm5 =	vlt.f32 v9, $5.000000000e-01;
	vm11 =	vlt.f32 v8, $2.500000000e-01  }
0x40: {  	vm12 =	vlt.f32 v9, $7.500000000e-01;
	vm6 =	vlt.f32 v9, $2.500000000e-01;
	v22 =	vadd.f32 v11, v17  }
0x41: {  	vm7 =	vlt.f32 v8, $5.000000000e-01;
	v7 =	vsel vm3, $0x1, v2;
	v23 =	vadd.f32 v12, v18  }
0x42: {  	v20 =	vsel vm5, $0x1, v2;
	v21 =	vadd.s32 v14, v7;
	v7 =	vsel vm12, $0x1, v2;
	[tilespmem:$0x4050] =	vst v22  }
0x43: {  	v20 =	vadd.s32 v32, v20;
	v8 =	vsel vm11, $0x1, v2;
	v9 =	vsel vm6, $0x1, v2;
	[tilespmem:$0x4150] =	vst v23  }
0x44: {  	v7 =	vadd.s32 v62, v7;
	v9 =	vadd.s32 v61, v9;
	v8 =	vadd.s32 v58, v8;
	v14 =	vld.idx.msk [tilespmem:v19+s2+$0x0], $0xffff  }
0x45: {  	vm13 =	vlt.f32 v13, $2.500000000e-01;
	vm3 =	vlt.f32 v13, $5.000000000e-01;
	vm14 =	vlt.f32 v13, $7.500000000e-01;
	v19 =	vld.idx.msk [tilespmem:v19+s10+$0x0], $0xffff  }
0x46: {  	vm15 =	vlt.f32 v10, $2.500000000e-01;
	vm8 =	vlt.f32 v10, $5.000000000e-01;
	vm12 =	vlt.f32 v10, $7.500000000e-01  }
0x47: {  	v24 =	vsel vm14, $0x1, v2;
	v26 =	vsel vm8, $0x1, v2;
	v13 =	vsel vm15, $0x1, v2  }
0x48: {  	v10 =	vadd.s32 v24, v21;
	v9 =	vadd.s32 v13, v9;
	v13 =	vsel vm3, $0x1, v2  }
0x49: {  	vm5 =	vlt.f32 v15, $2.500000000e-01;
	vm14 =	vlt.f32 v15, $7.500000000e-01;
	v28 =	vadd.f32 v14, v22  }
0x4a: {  	vm15 =	vlt.f32 v16, $5.000000000e-01;
	vm11 =	vlt.f32 v16, $2.500000000e-01;
	v30 =	vadd.f32 v19, v23  }
0x4b: {  	v27 =	vsel vm15, $0x1, v2;
	v24 =	vsel vm5, $0x1, v2;
	vm9 =	vlt.f32 v18, $5.000000000e-01;
	[tilespmem:$0x4060] =	vst v28  }
0x4c: {  	vm5 =	vlt.f32 v17, $2.500000000e-01;
	vm15 =	vlt.f32 v18, $2.500000000e-01;
	v31 =	vsel vm9, $0x1, v2;
	[tilespmem:$0x4160] =	vst v30  }
0x4d: {  	v12 =	vsel vm7, $0x1, v2;
	v11 =	vsel vm13, $0x1, v2;
	vm13 =	vlt.f32 v15, $5.000000000e-01;
	v29 =	vld.idx.msk [tilespmem:v25+s2+$0x0], $0xffff  }
0x4e: {  	v15 =	vsel vm14, $0x1, v2;
	v14 =	vsel vm12, $0x1, v2;
	vm12 =	vlt.f32 v16, $7.500000000e-01;
	v16 =	vld.idx.msk [tilespmem:v25+s10+$0x0], $0xffff  }
0x4f: {  	vm14 =	vlt.f32 v17, $7.500000000e-01;
	v21 =	vadd.s32 v15, v10;
	v10 =	vsel vm11, $0x1, v2  }
0x50: {  	v8 =	vadd.s32 v11, v8;
	vm8 =	vlt.f32 v23, $7.500000000e-01;
	vm9 =	vlt.f32 v22, $2.500000000e-01  }
0x51: {  	vm10 =	vlt.f32 v23, $2.500000000e-01;
	v8 =	vadd.s32 v24, v8;
	v9 =	vadd.s32 v10, v9  }
0x52: {  	v36 =	vsel vm10, $0x1, v2;
	v19 =	vsel vm13, $0x1, v2;
	v33 =	vadd.f32 v29, v28  }
0x53: {  	vm13 =	vlt.f32 v17, $5.000000000e-01;
	v17 =	vsel vm14, $0x1, v2;
	v16 =	vadd.f32 v16, v30  }
0x54: {  	vm14 =	vlt.f32 v22, $5.000000000e-01;
	v15 =	vsel vm12, $0x1, v2;
	v34 =	vadd.s32 v17, v21;
	[tilespmem:$0x4070] =	vst v33  }
0x55: {  	vm12 =	vlt.f32 v18, $7.500000000e-01;
	v17 =	vsel vm5, $0x1, v2;
	v18 =	vadd.s32 v26, v20;
	[tilespmem:$0x4170] =	vst v16  }
0x56: {  	v20 =	vsel vm15, $0x1, v2;
	v26 =	vsel vm13, $0x1, v2;
	vm13 =	vlt.f32 v22, $7.500000000e-01;
	v54 =	vld.idx.msk [tilespmem:v53+s2+$0x0], $0xffff  }
0x57: {  	vm15 =	vlt.f32 v23, $5.000000000e-01;
	v23 =	vor.u32 $0x9, v5;
	v7 =	vadd.s32 v14, v7;
	v25 =	vld.idx.msk [tilespmem:v53+s10+$0x0], $0xffff  }
0x58: {  	v21 =	vsel vm12, $0x1, v2;
	v18 =	vadd.s32 v27, v18;
	v55 =	vsel vm13, $0x1, v2  }
0x59: {  	v27 =	vsel vm14, $0x1, v2;
	v35 =	vsel vm15, $0x1, v2;
	vm11 =	vlt.f32 v28, $2.500000000e-01  }
0x5a: {  	vm4 =	vlt.f32 v28, $5.000000000e-01;
	vm12 =	vlt.f32 v28, $7.500000000e-01;
	vm13 =	vlt.f32 v30, $2.500000000e-01  }
0x5b: {  	vm14 =	vlt.f32 v30, $5.000000000e-01;
	vm5 =	vlt.f32 v30, $7.500000000e-01;
	v37 =	vadd.f32 v54, v33  }
0x5c: {  	v7 =	vadd.s32 v15, v7;
	v8 =	vadd.s32 v17, v8;
	v25 =	vadd.f32 v25, v16  }
0x5d: {  	v9 =	vadd.s32 v20, v9;
	v18 =	vadd.s32 v31, v18;
	v32 =	vadd.s32 v55, v34;
	[tilespmem:$0x4080] =	vst v37  }
0x5e: {  	v38 =	vsel vm13, $0x1, v2;
	v56 =	vsel vm14, $0x1, v2;
	v7 =	vadd.s32 v21, v7;
	[tilespmem:$0x4180] =	vst v25  }
0x5f: {  	v9 =	vadd.s32 v36, v9;
	v17 =	vsel vm4, $0x1, v2;
	v22 =	vadd.s32 v35, v18;
	v57 =	vld.idx.msk [tilespmem:v23+s2+$0x0], $0xffff  }
0x60: {  	v20 =	vsel vm5, $0x1, v2;
	v35 =	vsel vm9, $0x1, v2;
	v39 =	vadd.s32 v56, v22;
	v22 =	vld.idx.msk [tilespmem:v23+s10+$0x0], $0xffff  }
0x61: {  	v18 =	vsel vm11, $0x1, v2;
	v28 =	vsel vm12, $0x1, v2;
	vm15 =	vlt.f32 v33, $2.500000000e-01  }
0x62: {  	vm13 =	vlt.f32 v33, $7.500000000e-01;
	vm14 =	vlt.f32 v16, $2.500000000e-01;
	vm11 =	vlt.f32 v16, $5.000000000e-01  }
0x63: {  	v30 =	vsel vm15, $0x1, v2;
	vm15 =	vlt.f32 v16, $7.500000000e-01;
	v16 =	vor.u32 $0xA, v5  }
0x64: {  	v28 =	vadd.s32 v28, v32;
	v23 =	vsel vm13, $0x1, v2;
	v42 =	vadd.f32 v57, v37  }
0x65: {  	v29 =	vsel vm8, $0x1, v2;
	v43 =	vadd.s32 v23, v28;
	v23 =	vadd.f32 v22, v25  }
0x66: {  	v9 =	vadd.s32 v38, v9;
	v8 =	vadd.s32 v35, v8;
	v7 =	vadd.s32 v29, v7;
	[tilespmem:$0x4090] =	vst v42  }
0x67: {  	v8 =	vadd.s32 v18, v8;
	vm12 =	vlt.f32 v33, $5.000000000e-01;
	v7 =	vadd.s32 v20, v7;
	[tilespmem:$0x4190] =	vst v23  }
0x68: {  	v31 =	vsel vm14, $0x1, v2;
	v40 =	vsel vm12, $0x1, v2;
	v41 =	vsel vm11, $0x1, v2;
	v47 =	vld.idx.msk [tilespmem:v16+s2+$0x0], $0xffff  }
0x69: {  	v34 =	vsel vm15, $0x1, v2;
	v21 =	vadd.s32 v41, v39;
	v8 =	vadd.s32 v30, v8;
	v49 =	vld.idx.msk [tilespmem:v16+s10+$0x0], $0xffff  }
0x6a: {  	v9 =	vadd.s32 v31, v9;
	v7 =	vadd.s32 v34, v7;
	vm7 =	vlt.f32 v37, $5.000000000e-01  }
0x6b: {  	vm14 =	vlt.f32 v25, $2.500000000e-01;
	vm15 =	vlt.f32 v25, $7.500000000e-01;
	vm13 =	vlt.f32 v37, $7.500000000e-01  }
0x6c: {  	v46 =	vsel vm7, $0x1, v2;
	v48 =	vsel vm13, $0x1, v2;
	vm6 =	vlt.f32 v42, $2.500000000e-01  }
0x6d: {  	vm7 =	vlt.f32 v42, $5.000000000e-01;
	vm13 =	vlt.f32 v42, $7.500000000e-01;
	v42 =	vadd.f32 v47, v42  }
0x6e: {  	v44 =	vsel vm14, $0x1, v2;
	v45 =	vsel vm15, $0x1, v2;
	v49 =	vadd.f32 v49, v23  }
0x6f: {  	vm12 =	vlt.f32 v37, $2.500000000e-01;
	v9 =	vadd.s32 v44, v9;
	v7 =	vadd.s32 v45, v7;
	[tilespmem:$0x40A0] =	vst v42  }
0x70: {  	v18 =	vadd.s32 v48, v43;
	v37 =	vsel vm12, $0x1, v2;
	vm12 =	vlt.f32 v25, $5.000000000e-01;
	[tilespmem:$0x41A0] =	vst v49  }
0x71: {  	v22 =	vsel vm12, $0x1, v2;
	v8 =	vadd.s32 v37, v8;
	vm14 =	vlt.f32 v23, $2.500000000e-01;
	v56 =	vld.idx.msk [tilespmem:v51+s2+$0x0], $0xffff  }
0x72: {  	vm15 =	vlt.f32 v23, $7.500000000e-01;
	v32 =	vsel vm7, $0x1, v2;
	vm7 =	vlt.f32 v6, $5.000000000e-01;
	v51 =	vld.idx.msk [tilespmem:v51+s10+$0x0], $0xffff  }
0x73: {  	vm12 =	vlt.f32 v23, $5.000000000e-01;
	v25 =	vsel vm13, $0x1, v2;
	v59 =	vsel vm7, $0x1, v2  }
0x74: {  	v50 =	vsel vm14, $0x1, v2;
	v33 =	vsel vm15, $0x1, v2;
	v12 =	vadd.s32 v59, v12  }
0x75: {  	v28 =	vsel vm12, $0x1, v2;
	v16 =	vor.u32 $0xF, v5;
	v11 =	vadd.s32 v13, v12  }
0x76: {  	v9 =	vadd.s32 v50, v9;
	v11 =	vadd.s32 v19, v11;
	v14 =	vadd.f32 v56, v42  }
0x77: {  	v7 =	vadd.s32 v33, v7;
	v10 =	vadd.s32 v26, v11;
	v12 =	vadd.f32 v51, v49  }
0x78: {  	v18 =	vadd.s32 v25, v18;
	v47 =	vor.u32 $0xE, v5;
	v10 =	vadd.s32 v27, v10;
	[tilespmem:$0x40B0] =	vst v14  }
0x79: {  	vm13 =	vlt.f32 v42, $2.500000000e-01;
	vm14 =	vlt.f32 v42, $5.000000000e-01;
	vm10 =	vlt.f32 v42, $7.500000000e-01;
	[tilespmem:$0x41B0] =	vst v12  }
0x7a: {  	vm11 =	vlt.f32 v49, $2.500000000e-01;
	vm15 =	vlt.f32 v49, $7.500000000e-01;
	vm12 =	vlt.f32 v49, $5.000000000e-01;
	v58 =	vld.idx.msk [tilespmem:v60+s2+$0x0], $0xffff  }
0x7b: {  	v10 =	vadd.s32 v17, v10;
	v53 =	vsel vm13, $0x1, v2;
	v54 =	vsel vm11, $0x1, v2;
	v59 =	vld.idx.msk [tilespmem:v60+s10+$0x0], $0xffff  }
0x7c: {  	v55 =	vsel vm15, $0x1, v2;
	v6 =	vsel vm14, $0x1, v2;
	v10 =	vadd.s32 v40, v10  }
0x7d: {  	v23 =	vsel vm12, $0x1, v2;
	v57 =	vsel vm10, $0x1, v2;
	v10 =	vadd.s32 v46, v10  }
0x7e: {  	v9 =	vadd.s32 v54, v9;
	vm13 =	vlt.f32 v14, $2.500000000e-01;
	vm14 =	vlt.f32 v14, $5.000000000e-01  }
0x7f: {  	vm15 =	vlt.f32 v14, $7.500000000e-01;
	vm7 =	vlt.f32 v12, $2.500000000e-01;
	v14 =	vadd.f32 v58, v14  }
0x80: {  	vm8 =	vlt.f32 v12, $7.500000000e-01;
	vm9 =	vlt.f32 v12, $5.000000000e-01;
	v12 =	vadd.f32 v59, v12  }
0x81: {  	v7 =	vadd.s32 v55, v7;
	v10 =	vadd.s32 v32, v10;
	v51 =	vsel vm6, $0x1, v2;
	[tilespmem:$0x40C0] =	vst v14  }
0x82: {  	v18 =	vadd.s32 v57, v18;
	v6 =	vadd.s32 v6, v10;
	v8 =	vadd.s32 v51, v8;
	[tilespmem:$0x41C0] =	vst v12  }
0x83: {  	v8 =	vadd.s32 v53, v8;
	v13 =	vsel vm13, $0x1, v2;
	v19 =	vsel vm7, $0x1, v2;
	v61 =	vld.idx.msk [tilespmem:v52+s2+$0x0], $0xffff  }
0x84: {  	v24 =	vsel vm15, $0x1, v2;
	v42 =	vsel vm8, $0x1, v2;
	v15 =	vsel vm14, $0x1, v2;
	v49 =	vld.idx.msk [tilespmem:v52+s10+$0x0], $0xffff  }
0x85: {  	v11 =	vsel vm9, $0x1, v2;
	v8 =	vadd.s32 v13, v8;
	v9 =	vadd.s32 v19, v9  }
0x86: {  	v7 =	vadd.s32 v42, v7;
	v18 =	vadd.s32 v24, v18;
	v6 =	vadd.s32 v15, v6  }
0x87: {  	vm10 =	vlt.f32 v14, $2.500000000e-01;
	vm11 =	vlt.f32 v14, $5.000000000e-01;
	vm12 =	vlt.f32 v14, $7.500000000e-01  }
0x88: {  	vm13 =	vlt.f32 v12, $2.500000000e-01;
	vm14 =	vlt.f32 v12, $7.500000000e-01;
	v14 =	vadd.f32 v61, v14  }
0x89: {  	vm15 =	vlt.f32 v12, $5.000000000e-01;
	v17 =	vsel vm10, $0x1, v2;
	v12 =	vadd.f32 v49, v12  }
0x8a: {  	v20 =	vsel vm13, $0x1, v2;
	v60 =	vsel vm14, $0x1, v2;
	v62 =	vsel vm11, $0x1, v2;
	[tilespmem:$0x40D0] =	vst v14  }
0x8b: {  	v63 =	vsel vm15, $0x1, v2;
	v41 =	vsel vm12, $0x1, v2;
	v8 =	vadd.s32 v17, v8;
	[tilespmem:$0x41D0] =	vst v12  }
0x8c: {  	v9 =	vadd.s32 v20, v9;
	v7 =	vadd.s32 v60, v7;
	v6 =	vadd.s32 v62, v6;
	v54 =	vld.idx.msk [tilespmem:v47+s2+$0x0], $0xffff  }
0x8d: {  	vm7 =	vlt.f32 v14, $2.500000000e-01;
	vm8 =	vlt.f32 v14, $5.000000000e-01;
	vm9 =	vlt.f32 v14, $7.500000000e-01;
	v58 =	vld.idx.msk [tilespmem:v47+s10+$0x0], $0xffff  }
0x8e: {  	vm10 =	vlt.f32 v12, $2.500000000e-01;
	vm11 =	vlt.f32 v12, $7.500000000e-01;
	vm12 =	vlt.f32 v12, $5.000000000e-01  }
0x8f: {  	v13 =	vsel vm7, $0x1, v2;
	v52 =	vsel vm10, $0x1, v2;
	v53 =	vsel vm11, $0x1, v2  }
0x90: {  	v19 =	vsel vm8, $0x1, v2;
	v8 =	vadd.s32 v13, v8;
	v13 =	vadd.s32 v22, v21  }
0x91: {  	v56 =	vsel vm12, $0x1, v2;
	v13 =	vadd.s32 v28, v13;
	v14 =	vadd.f32 v54, v14  }
0x92: {  	v17 =	vsel vm9, $0x1, v2;
	v10 =	vadd.s32 v23, v13;
	v12 =	vadd.f32 v58, v12  }
0x93: {  	v9 =	vadd.s32 v52, v9;
	v7 =	vadd.s32 v53, v7;
	v10 =	vadd.s32 v11, v10;
	[tilespmem:$0x40E0] =	vst v14  }
0x94: {  	v6 =	vadd.s32 v19, v6;
	v13 =	vadd.s32 v41, v18;
	v10 =	vadd.s32 v63, v10;
	[tilespmem:$0x41E0] =	vst v12  }
0x95: {  	v11 =	vadd.s32 v17, v13;
	v10 =	vadd.s32 v56, v10;
	vm13 =	vlt.f32 v14, $2.500000000e-01;
	v22 =	vld.idx.msk [tilespmem:v16+s2+$0x0], $0xffff  }
0x96: {  	vm14 =	vlt.f32 v14, $5.000000000e-01;
	vm15 =	vlt.f32 v14, $7.500000000e-01;
	vm6 =	vlt.f32 v12, $2.500000000e-01;
	v16 =	vld.idx.msk [tilespmem:v16+s10+$0x0], $0xffff  }
0x97: {  	vm7 =	vlt.f32 v12, $7.500000000e-01;
	vm8 =	vlt.f32 v12, $5.000000000e-01;
	v20 =	vsel vm13, $0x1, v2  }
0x98: {  	v21 =	vsel vm6, $0x1, v2;
	v59 =	vsel vm15, $0x1, v2;
	v8 =	vadd.s32 v20, v8  }
0x99: {  	v20 =	vsel vm7, $0x1, v2;
	v9 =	vadd.s32 v21, v9;
	v21 =	vsel vm8, $0x1, v2  }
0x9a: {  	v11 =	vadd.s32 v59, v11;
	v7 =	vadd.s32 v20, v7;
	v13 =	vadd.f32 v22, v14  }
0x9b: {  	v20 =	vsel vm14, $0x1, v2;
	v10 =	vadd.s32 v21, v10;
	v12 =	vadd.f32 v16, v12  }
0x9c: {  	v6 =	vadd.s32 v20, v6;
	vm9 =	vlt.f32 v13, $2.500000000e-01;
	vm10 =	vlt.f32 v13, $5.000000000e-01  }
0x9d: {  	vm11 =	vlt.f32 v13, $7.500000000e-01;
	vm12 =	vlt.f32 v12, $2.500000000e-01;
	vm13 =	vlt.f32 v12, $5.000000000e-01  }
0x9e: {  	vm14 =	vlt.f32 v12, $7.500000000e-01;
	v14 =	vsel vm9, $0x1, v2;
	v15 =	vsel vm10, $0x1, v2  }
0x9f: {  	v16 =	vsel vm12, $0x1, v2;
	v18 =	vsel vm14, $0x1, v2;
	v8 =	vadd.s32 v14, v8  }
0xa0: {  	v6 =	vadd.s32 v15, v6;
	v9 =	vadd.s32 v16, v9;
	v14 =	vsel vm11, $0x1, v2  }
0xa1: {  	v20 =	vadd.s32 v18, v7;
	v16 =	vmin.u32 v6, $0xF;
	v15 =	vmin.u32 v8, $0xF  }
0xa2: {  	v6 =	vmin.u32 v9, $0xF;
	v8 =	vsel vm13, $0x1, v2;
	v9 =	vor.u32 v5, v15  }
0xa3: {  	v11 =	vadd.s32 v14, v11;
	v8 =	vadd.s32 v8, v10;
	v10 =	vor.u32 v5, v6  }
0xa4: {  	[tilespmem:$0x40F0] =	vst v13;
	v14 =	vmin.u32 v20, $0xF;
	v13 =	vor.u32 v5, v16;
	v8 =	vmin.u32 v8, $0xF  }
0xa5: {  	v17 =	vshll.u32 v6, $0x4;
	v6 =	vcvt.s32.f32 v6;
	v19 =	vor.u32 v5, v8  }
0xa6: {  	[tilespmem:$0x41F0] =	vst v12;
	v12 =	vshll.u32 v15, $0x4;
	v21 =	vmin.u32 v11, $0xF;
	v17 =	vor.u32 v0, v17  }
0xa7: {  	v23 =	vshll.u32 v14, $0x4;
	v7 =	vadd.f32 $1.000000000e+00, v6;
	v6 =	vor.u32 v5, v14;
	v9 =	vld.idx.msk [tilespmem:v9+s2+$0x0], $0xffff  }
0xa8: {  	v22 =	vshll.u32 v21, $0x4;
	v5 =	vor.u32 v5, v21;
	v18 =	vshll.u32 v8, $0x4;
	v10 =	vld.idx.msk [tilespmem:v10+s10+$0x0], $0xffff  }
0xa9: {  	s18 =	simm.s32 $0x10;
	v12 =	vor.u32 v0, v12;
	v60 =	vor.u32 v0, v18;
	v18 =	vor.u32 v0, v22;
	v62 =	vld.idx.msk [tilespmem:v13+s2+$0x0], $0xffff  }
0xaa: {  	v22 =	vor.u32 v0, v23;
	v23 =	vmov s18;
	v61 =	vld.idx.msk [tilespmem:v19+s10+$0x0], $0xffff;
	v19 =	vshll.u32 v16, $0x4  }
0xab: {  	v4 =	vimm.f32 $0.0e+00;
	v13 =	vshll.u32 v23, $0x4;
	v17 =	vld.idx.msk [tilespmem:v17+s14+$0x0], $0xffff;
	v63 =	vor.u32 v0, v19  }
0xac: {  	v11 =	vor.u32 v11, v20;
	v19 =	vld.idx.msk [tilespmem:v6+s10+$0x0], $0xffff;
	v6 =	vor.u32 v1, v13;
	(erf) = vrcp.f32 v9  }
0xad: {  	v15 =	vcvt.s32.f32 v15;
	vm15 =	vlt.u32 v11, $0x10;
	v20 =	vld.idx.msk [tilespmem:v5+s2+$0x0], $0xffff;
	(erf) = vrcp.f32 v10  }
0xae: {  	v11 =	vcvt.s32.f32 v14;
	v5 =	vsel vm15, $0x0, v3;
	v16 =	vcvt.s32.f32 v16;
	v13 =	vld.idx.msk [tilespmem:v12+s13+$0x0], $0xffff  }
0xaf: {  	v5 =	vadd.f32 v5, v4;
	v14 =	vld.idx.msk [tilespmem:v60+s14+$0x0], $0xffff;
	v9 =	vcvt.s32.f32 v8;
	(erf) = vrcp.f32 v61  }
0xb0: {  	s18 =	simm.s32 $0x20;
	v8 =	vcvt.s32.f32 v21;
	v10 =	vsub.f32 $2.500000000e-01, v17;
	v12 =	vld.idx.msk [tilespmem:v63+s13+$0x0], $0xffff;
	(erf) = vrcp.f32 v62  }
.LBB2_2:
0xb1: {  	p0 =	sne.s32 s18, $0xF0;
	v17 =	vld.idx.msk [tilespmem:v6+s2+$0x0], $0xffff;
	s19 =	smov.u32 s18;
	s18 =	sadd.s32 $0x10, s18  }
0xb2: {  	v21 =	vld.idx.msk [tilespmem:v6+s10+$0x0], $0xffff;
	(erf) = vrcp.f32 v19  }
0xb3: {  	v15 =	vadd.f32 $1.000000000e+00, v15;
	v19 =	vld.idx.msk [tilespmem:v22+s14+$0x0], $0xffff;
	(erf) = vrcp.f32 v20  }
0xb4: {  	v16 =	vadd.f32 $1.000000000e+00, v16;
	v13 =	vsub.f32 $2.500000000e-01, v13;
	v18 =	vld.idx.msk [tilespmem:v18+s13+$0x0], $0xffff  }
0xb5: {  	v11 =	vadd.f32 $1.000000000e+00, v11;
	v14 =	vsub.f32 $5.000000000e-01, v14;
	v20 =	vpop (erf)  }
0xb6: {  	v22 =	vor.u32 $0x1, v6;
	v12 =	vsub.f32 $5.000000000e-01, v12;
	v13 =	vmul.f32 v20, v13;
	v20 =	vpop (erf)  }
0xb7: {  	v23 =	vadd.f32 $0.0e+00, v17;
	vm0 =	vlt.f32 v17, $7.500000000e-01;
	v10 =	vmul.f32 v20, v10  }
0xb8: {  	v9 =	vadd.f32 $1.000000000e+00, v9;
	v20 =	vadd.f32 $0.0e+00, v21;
	v24 =	vsel vm0, $0x1, v2;
	v25 =	vpop (erf)  }
0xb9: {  	v13 =	vadd.f32 v13, v15;
	[tilespmem:$0x4000] =	vst v23;
	v7 =	vadd.f32 v10, v7;
	v25 =	vmul.f32 v25, v14;
	v14 =	vpop (erf)  }
0xba: {  	v19 =	vsub.f32 $7.500000000e-01, v19;
	[tilespmem:$0x4100] =	vst v20;
	v12 =	vmul.f32 v14, v12;
	v14 =	vsub.f32 $7.500000000e-01, v18  }
0xbb: {  	vm4 =	vlt.f32 v21, $5.000000000e-01;
	v18 =	vld.idx.msk [tilespmem:v22+s2+$0x0], $0xffff;
	v7 =	vsub.f32 v13, v7;
	v9 =	vadd.f32 v25, v9;
	v10 =	vpop (erf)  }
0xbc: {  	v8 =	vadd.f32 $1.000000000e+00, v8;
	v13 =	vld.idx.msk [tilespmem:v22+s10+$0x0], $0xffff;
	v12 =	vadd.f32 v12, v16;
	v10 =	vmul.f32 v10, v19;
	v15 =	vpop (erf)  }
0xbd: {  	vm0 =	vlt.f32 v21, $2.500000000e-01;
	v7 =	vand.u32 $0x7FFFFFFF, v7;
	v14 =	vmul.f32 v15, v14  }
0xbe: {  	vm1 =	vlt.f32 v21, $7.500000000e-01;
	v9 =	vsub.f32 v12, v9;
	v10 =	vadd.f32 v10, v11  }
0xbf: {  	vm2 =	vlt.f32 v17, $2.500000000e-01;
	v4 =	vadd.f32 v7, v4;
	v7 =	vadd.f32 v14, v8  }
0xc0: {  	v8 =	vor.u32 $0x2, v6;
	v9 =	vand.u32 $0x7FFFFFFF, v9  }
0xc1: {  	v11 =	vadd.f32 v18, v23;
	v7 =	vsub.f32 v7, v10  }
0xc2: {  	v12 =	vadd.f32 v13, v20;
	v4 =	vadd.f32 v9, v4  }
0xc3: {  	vm3 =	vlt.f32 v11, $2.500000000e-01;
	vm5 =	vlt.f32 v11, $7.500000000e-01;
	[tilespmem:$0x4010] =	vst v11;
	v7 =	vand.u32 $0x7FFFFFFF, v7  }
0xc4: {  	vm6 =	vlt.f32 v12, $5.000000000e-01;
	v9 =	vsel vm5, $0x1, v2;
	[tilespmem:$0x4110] =	vst v12;
	v4 =	vadd.f32 v7, v4  }
0xc5: {  	vm5 =	vlt.f32 v12, $7.500000000e-01;
	v23 =	vsel vm6, $0x1, v2;
	v13 =	vadd.s32 v24, v9;
	v14 =	vld.idx.msk [tilespmem:v8+s2+$0x0], $0xffff  }
0xc6: {  	vm7 =	vlt.f32 v11, $5.000000000e-01;
	vm6 =	vlt.f32 v12, $2.500000000e-01;
	v7 =	vsel vm5, $0x1, v2;
	v15 =	vld.idx.msk [tilespmem:v8+s10+$0x0], $0xffff  }
0xc7: {  	v10 =	vsel vm7, $0x1, v2;
	v9 =	vsel vm6, $0x1, v2;
	v8 =	vsel vm3, $0x1, v2;
	_ =	sdelay $0x2  }
0xc8: {  	v16 =	vor.u32 $0x3, v6  }
0xc9: {  	v18 =	vadd.f32 v14, v11  }
0xca: {  	v15 =	vadd.f32 v15, v12  }
0xcb: {  	vm5 =	vlt.f32 v18, $2.500000000e-01;
	vm3 =	vlt.f32 v18, $5.000000000e-01;
	vm6 =	vlt.f32 v18, $7.500000000e-01;
	[tilespmem:$0x4020] =	vst v18  }
0xcc: {  	vm7 =	vlt.f32 v15, $2.500000000e-01;
	vm8 =	vlt.f32 v15, $5.000000000e-01;
	v19 =	vsel vm6, $0x1, v2;
	[tilespmem:$0x4120] =	vst v15  }
0xcd: {  	v11 =	vsel vm5, $0x1, v2;
	v12 =	vsel vm7, $0x1, v2;
	v24 =	vsel vm8, $0x1, v2;
	v20 =	vld.idx.msk [tilespmem:v16+s2+$0x0], $0xffff  }
0xce: {  	vm5 =	vlt.f32 v15, $7.500000000e-01;
	v16 =	vld.idx.msk [tilespmem:v16+s10+$0x0], $0xffff  }
0xcf: {  	v14 =	vsel vm5, $0x1, v2;
	_ =	sdelay $0x2  }
0xd0: {  	v21 =	vor.u32 $0x4, v6  }
0xd1: {  	v18 =	vadd.f32 v20, v18  }
0xd2: {  	v20 =	vadd.f32 v16, v15  }
0xd3: {  	vm5 =	vlt.f32 v18, $2.500000000e-01;
	vm6 =	vlt.f32 v18, $5.000000000e-01;
	vm7 =	vlt.f32 v18, $7.500000000e-01;
	[tilespmem:$0x4030] =	vst v18  }
0xd4: {  	v13 =	vadd.s32 v19, v13;
	vm8 =	vlt.f32 v20, $5.000000000e-01;
	v15 =	vsel vm7, $0x1, v2;
	[tilespmem:$0x4130] =	vst v20  }
0xd5: {  	vm7 =	vlt.f32 v20, $2.500000000e-01;
	v25 =	vsel vm8, $0x1, v2;
	v19 =	vadd.s32 v15, v13;
	v22 =	vld.idx.msk [tilespmem:v21+s2+$0x0], $0xffff  }
0xd6: {  	v16 =	vsel vm6, $0x1, v2;
	vm6 =	vlt.f32 v20, $7.500000000e-01;
	v13 =	vsel vm7, $0x1, v2;
	v26 =	vld.idx.msk [tilespmem:v21+s10+$0x0], $0xffff  }
0xd7: {  	v15 =	vsel vm6, $0x1, v2;
	v21 =	vsel vm5, $0x1, v2;
	_ =	sdelay $0x2  }
0xd8: {  	v27 =	vor.u32 $0x5, v6  }
0xd9: {  	v28 =	vadd.f32 v22, v18  }
0xda: {  	v26 =	vadd.f32 v26, v20  }
0xdb: {  	vm5 =	vlt.f32 v28, $2.500000000e-01;
	vm6 =	vlt.f32 v28, $5.000000000e-01;
	vm7 =	vlt.f32 v28, $7.500000000e-01;
	[tilespmem:$0x4040] =	vst v28  }
0xdc: {  	vm8 =	vlt.f32 v26, $2.500000000e-01;
	vm9 =	vlt.f32 v26, $5.000000000e-01;
	v18 =	vsel vm7, $0x1, v2;
	[tilespmem:$0x4140] =	vst v26  }
0xdd: {  	vm7 =	vlt.f32 v26, $7.500000000e-01;
	v29 =	vsel vm9, $0x1, v2;
	v30 =	vadd.s32 v18, v19;
	v31 =	vld.idx.msk [tilespmem:v27+s2+$0x0], $0xffff  }
0xde: {  	v18 =	vsel vm5, $0x1, v2;
	v19 =	vsel vm8, $0x1, v2;
	v20 =	vsel vm7, $0x1, v2;
	v27 =	vld.idx.msk [tilespmem:v27+s10+$0x0], $0xffff  }
0xdf: {  	v22 =	vsel vm6, $0x1, v2;
	_ =	sdelay $0x1  }
0xe0: {  	v32 =	vsel vm4, $0x1, v2  }
0xe1: {  	v23 =	vadd.s32 v32, v23;
	v32 =	vor.u32 $0x6, v6  }
0xe2: {  	v23 =	vadd.s32 v24, v23;
	v31 =	vadd.f32 v31, v28  }
0xe3: {  	v23 =	vadd.s32 v25, v23;
	v26 =	vadd.f32 v27, v26  }
0xe4: {  	v23 =	vadd.s32 v29, v23;
	vm4 =	vlt.f32 v31, $5.000000000e-01;
	vm5 =	vlt.f32 v31, $7.500000000e-01;
	[tilespmem:$0x4050] =	vst v31  }
0xe5: {  	vm6 =	vlt.f32 v26, $5.000000000e-01;
	v29 =	vsel vm5, $0x1, v2;
	vm5 =	vlt.f32 v26, $7.500000000e-01;
	[tilespmem:$0x4150] =	vst v26  }
0xe6: {  	v24 =	vsel vm4, $0x1, v2;
	v27 =	vsel vm6, $0x1, v2;
	v25 =	vsel vm5, $0x1, v2;
	v33 =	vld.idx.msk [tilespmem:v32+s2+$0x0], $0xffff  }
0xe7: {  	vm4 =	vlt.f32 v31, $2.500000000e-01;
	vm5 =	vlt.f32 v26, $2.500000000e-01;
	v34 =	vadd.s32 v27, v23;
	v23 =	vld.idx.msk [tilespmem:v32+s10+$0x0], $0xffff  }
0xe8: {  	v27 =	vsel vm4, $0x1, v2;
	v28 =	vsel vm5, $0x1, v2;
	_ =	sdelay $0x2  }
0xe9: {  	v32 =	vor.u32 $0x7, v6  }
0xea: {  	v31 =	vadd.f32 v33, v31  }
0xeb: {  	v29 =	vadd.s32 v29, v30;
	v26 =	vadd.f32 v23, v26  }
0xec: {  	vm5 =	vlt.f32 v31, $2.500000000e-01;
	vm4 =	vlt.f32 v31, $5.000000000e-01;
	vm6 =	vlt.f32 v31, $7.500000000e-01;
	[tilespmem:$0x4060] =	vst v31  }
0xed: {  	v23 =	vsel vm5, $0x1, v2;
	vm5 =	vlt.f32 v26, $2.500000000e-01;
	v30 =	vsel vm6, $0x1, v2;
	[tilespmem:$0x4160] =	vst v26  }
0xee: {  	v33 =	vsel vm5, $0x1, v2;
	vm5 =	vlt.f32 v26, $5.000000000e-01;
	v29 =	vadd.s32 v30, v29;
	v30 =	vld.idx.msk [tilespmem:v32+s2+$0x0], $0xffff  }
0xef: {  	v35 =	vsel vm5, $0x1, v2;
	vm5 =	vlt.f32 v26, $7.500000000e-01;
	v32 =	vld.idx.msk [tilespmem:v32+s10+$0x0], $0xffff  }
0xf0: {  	v37 =	vadd.s32 v35, v34;
	_ =	sdelay $0x2  }
0xf1: {  	v34 =	vor.u32 $0x8, v6  }
0xf2: {  	v36 =	vadd.f32 v30, v31  }
0xf3: {  	v26 =	vadd.f32 v32, v26  }
0xf4: {  	vm6 =	vlt.f32 v36, $2.500000000e-01;
	vm7 =	vlt.f32 v36, $5.000000000e-01;
	vm8 =	vlt.f32 v36, $7.500000000e-01;
	[tilespmem:$0x4070] =	vst v36  }
0xf5: {  	v30 =	vsel vm6, $0x1, v2;
	vm6 =	vlt.f32 v26, $2.500000000e-01;
	vm9 =	vlt.f32 v26, $7.500000000e-01;
	[tilespmem:$0x4170] =	vst v26  }
0xf6: {  	v35 =	vsel vm7, $0x1, v2;
	v31 =	vsel vm6, $0x1, v2;
	v32 =	vsel vm9, $0x1, v2;
	v39 =	vld.idx.msk [tilespmem:v34+s2+$0x0], $0xffff  }
0xf7: {  	v38 =	vsel vm8, $0x1, v2;
	vm6 =	vlt.f32 v26, $5.000000000e-01;
	v34 =	vld.idx.msk [tilespmem:v34+s10+$0x0], $0xffff  }
0xf8: {  	v38 =	vadd.s32 v38, v29;
	v48 =	vsel vm6, $0x1, v2;
	_ =	sdelay $0x2  }
0xf9: {  	v29 =	vor.u32 $0x9, v6  }
0xfa: {  	v36 =	vadd.f32 v39, v36  }
0xfb: {  	v34 =	vadd.f32 v34, v26  }
0xfc: {  	vm6 =	vlt.f32 v36, $2.500000000e-01;
	vm7 =	vlt.f32 v36, $5.000000000e-01;
	vm8 =	vlt.f32 v36, $7.500000000e-01;
	[tilespmem:$0x4080] =	vst v36  }
0xfd: {  	v42 =	vsel vm6, $0x1, v2;
	vm6 =	vlt.f32 v34, $2.500000000e-01;
	vm9 =	vlt.f32 v34, $7.500000000e-01;
	[tilespmem:$0x4180] =	vst v34  }
0xfe: {  	v43 =	vsel vm6, $0x1, v2;
	vm6 =	vlt.f32 v34, $5.000000000e-01;
	v44 =	vsel vm9, $0x1, v2;
	v39 =	vld.idx.msk [tilespmem:v29+s2+$0x0], $0xffff  }
0xff: {  	v45 =	vsel vm7, $0x1, v2;
	v47 =	vsel vm8, $0x1, v2;
	v26 =	vsel vm6, $0x1, v2;
	v29 =	vld.idx.msk [tilespmem:v29+s10+$0x0], $0xffff;
	_ =	sdelay $0x3  }
0x100: {  	v46 =	vor.u32 $0xA, v6  }
0x101: {  	v36 =	vadd.f32 v39, v36  }
0x102: {  	v49 =	vadd.f32 v29, v34  }
0x103: {  	vm6 =	vlt.f32 v36, $2.500000000e-01;
	vm7 =	vlt.f32 v36, $5.000000000e-01;
	vm8 =	vlt.f32 v36, $7.500000000e-01;
	[tilespmem:$0x4090] =	vst v36  }
0x104: {  	vm9 =	vlt.f32 v49, $2.500000000e-01;
	v34 =	vsel vm8, $0x1, v2;
	vm8 =	vlt.f32 v49, $7.500000000e-01;
	[tilespmem:$0x4190] =	vst v49  }
0x105: {  	v51 =	vsel vm9, $0x1, v2;
	vm9 =	vlt.f32 v49, $5.000000000e-01;
	v41 =	vsel vm8, $0x1, v2;
	v29 =	vld.idx.msk [tilespmem:v46+s2+$0x0], $0xffff  }
0x106: {  	v40 =	vsel vm7, $0x1, v2;
	v39 =	vsel vm9, $0x1, v2;
	v50 =	vld.idx.msk [tilespmem:v46+s10+$0x0], $0xffff;
	_ =	sdelay $0x3  }
0x107: {  	v52 =	vor.u32 $0xB, v6  }
0x108: {  	v46 =	vor.u32 $0xE, v6;
	v53 =	vadd.f32 v29, v36;
	v29 =	vor.u32 $0xF, v6  }
0x109: {  	v55 =	vor.u32 $0xD, v6;
	vm7 =	vlt.f32 v17, $5.000000000e-01;
	v54 =	vadd.f32 v50, v49  }
0x10a: {  	vm8 =	vlt.f32 v53, $2.500000000e-01;
	vm9 =	vlt.f32 v53, $5.000000000e-01;
	vm10 =	vlt.f32 v53, $7.500000000e-01;
	[tilespmem:$0x40A0] =	vst v53  }
0x10b: {  	v56 =	vsel vm8, $0x1, v2;
	vm8 =	vlt.f32 v54, $2.500000000e-01;
	vm11 =	vlt.f32 v54, $7.500000000e-01;
	[tilespmem:$0x41A0] =	vst v54  }
0x10c: {  	v57 =	vsel vm8, $0x1, v2;
	vm8 =	vlt.f32 v54, $5.000000000e-01;
	v50 =	vsel vm11, $0x1, v2;
	v58 =	vld.idx.msk [tilespmem:v52+s2+$0x0], $0xffff  }
0x10d: {  	v17 =	vsel vm9, $0x1, v2;
	v49 =	vsel vm10, $0x1, v2;
	v36 =	vsel vm8, $0x1, v2;
	v52 =	vld.idx.msk [tilespmem:v52+s10+$0x0], $0xffff  }
0x10e: {  	v61 =	vor.u32 $0xC, v6;
	v59 =	vsel vm2, $0x1, v2;
	v60 =	vsel vm7, $0x1, v2  }
0x10f: {  	v62 =	vsel vm0, $0x1, v2;
	v63 =	vsel vm1, $0x1, v2;
	v10 =	vadd.s32 v60, v10  }
0x110: {  	v7 =	vadd.s32 v63, v7;
	v9 =	vadd.s32 v62, v9;
	v8 =	vadd.s32 v59, v8  }
0x111: {  	v9 =	vadd.s32 v12, v9;
	v12 =	vsel vm3, $0x1, v2;
	v7 =	vadd.s32 v14, v7  }
0x112: {  	v8 =	vadd.s32 v11, v8;
	v10 =	vadd.s32 v12, v10;
	v11 =	vadd.f32 v58, v53  }
0x113: {  	v12 =	vadd.s32 v21, v8;
	v8 =	vadd.s32 v16, v10;
	v10 =	vadd.f32 v52, v54  }
0x114: {  	vm0 =	vlt.f32 v11, $2.500000000e-01;
	vm1 =	vlt.f32 v11, $5.000000000e-01;
	vm2 =	vlt.f32 v11, $7.500000000e-01;
	[tilespmem:$0x40B0] =	vst v11  }
0x115: {  	v14 =	vsel vm0, $0x1, v2;
	vm0 =	vlt.f32 v10, $2.500000000e-01;
	vm3 =	vlt.f32 v10, $7.500000000e-01;
	[tilespmem:$0x41B0] =	vst v10  }
0x116: {  	v21 =	vsel vm2, $0x1, v2;
	v16 =	vsel vm0, $0x1, v2;
	v52 =	vsel vm3, $0x1, v2;
	v53 =	vld.idx.msk [tilespmem:v61+s2+$0x0], $0xffff  }
0x117: {  	v15 =	vadd.s32 v15, v7;
	v7 =	vsel vm1, $0x1, v2;
	vm0 =	vlt.f32 v10, $5.000000000e-01;
	v54 =	vld.idx.msk [tilespmem:v61+s10+$0x0], $0xffff  }
0x118: {  	v9 =	vadd.s32 v13, v9;
	v13 =	vadd.s32 v22, v8;
	v8 =	vsel vm0, $0x1, v2  }
0x119: {  	v9 =	vadd.s32 v19, v9;
	v15 =	vadd.s32 v20, v15;
	v12 =	vadd.s32 v18, v12  }
0x11a: {  	v15 =	vadd.s32 v25, v15;
	v9 =	vadd.s32 v28, v9;
	v12 =	vadd.s32 v27, v12  }
0x11b: {  	v19 =	vsel vm5, $0x1, v2;
	v18 =	vsel vm4, $0x1, v2;
	v13 =	vadd.s32 v24, v13  }
0x11c: {  	v9 =	vadd.s32 v33, v9;
	v20 =	vadd.s32 v48, v37;
	v11 =	vadd.f32 v53, v11  }
0x11d: {  	v15 =	vadd.s32 v19, v15;
	v13 =	vadd.s32 v18, v13;
	v10 =	vadd.f32 v54, v10  }
0x11e: {  	vm0 =	vlt.f32 v11, $2.500000000e-01;
	vm1 =	vlt.f32 v11, $5.000000000e-01;
	vm2 =	vlt.f32 v11, $7.500000000e-01;
	[tilespmem:$0x40C0] =	vst v11  }
0x11f: {  	v18 =	vsel vm0, $0x1, v2;
	vm0 =	vlt.f32 v10, $2.500000000e-01;
	vm3 =	vlt.f32 v10, $7.500000000e-01;
	[tilespmem:$0x41C0] =	vst v10  }
0x120: {  	v19 =	vsel vm0, $0x1, v2;
	vm0 =	vlt.f32 v10, $5.000000000e-01;
	v22 =	vsel vm3, $0x1, v2;
	v24 =	vld.idx.msk [tilespmem:v55+s2+$0x0], $0xffff  }
0x121: {  	v25 =	vsel vm1, $0x1, v2;
	v28 =	vsel vm2, $0x1, v2;
	v27 =	vsel vm0, $0x1, v2;
	v33 =	vld.idx.msk [tilespmem:v55+s10+$0x0], $0xffff  }
0x122: {  	v12 =	vadd.s32 v23, v12;
	v23 =	vadd.s32 v47, v38;
	v13 =	vadd.s32 v35, v13  }
0x123: {  	v15 =	vadd.s32 v32, v15;
	v12 =	vadd.s32 v30, v12;
	v13 =	vadd.s32 v45, v13  }
0x124: {  	v9 =	vadd.s32 v31, v9;
	v30 =	vsel vm6, $0x1, v2;
	v12 =	vadd.s32 v42, v12  }
0x125: {  	v9 =	vadd.s32 v43, v9;
	v15 =	vadd.s32 v44, v15;
	v12 =	vadd.s32 v30, v12  }
0x126: {  	v9 =	vadd.s32 v51, v9;
	v12 =	vadd.s32 v56, v12;
	v11 =	vadd.f32 v24, v11  }
0x127: {  	v9 =	vadd.s32 v57, v9;
	v12 =	vadd.s32 v14, v12;
	v10 =	vadd.f32 v33, v10  }
0x128: {  	vm0 =	vlt.f32 v11, $2.500000000e-01;
	vm1 =	vlt.f32 v11, $5.000000000e-01;
	vm2 =	vlt.f32 v11, $7.500000000e-01;
	[tilespmem:$0x40D0] =	vst v11  }
0x129: {  	v14 =	vsel vm0, $0x1, v2;
	vm0 =	vlt.f32 v10, $2.500000000e-01;
	vm3 =	vlt.f32 v10, $7.500000000e-01;
	[tilespmem:$0x41D0] =	vst v10  }
0x12a: {  	v24 =	vsel vm0, $0x1, v2;
	vm0 =	vlt.f32 v10, $5.000000000e-01;
	v30 =	vsel vm3, $0x1, v2;
	v31 =	vld.idx.msk [tilespmem:v46+s2+$0x0], $0xffff  }
0x12b: {  	v9 =	vadd.s32 v16, v9;
	v16 =	vsel vm1, $0x1, v2;
	v32 =	vsel vm0, $0x1, v2;
	v33 =	vld.idx.msk [tilespmem:v46+s10+$0x0], $0xffff  }
0x12c: {  	v12 =	vadd.s32 v18, v12;
	v9 =	vadd.s32 v19, v9;
	v18 =	vsel vm2, $0x1, v2  }
0x12d: {  	v15 =	vadd.s32 v41, v15;
	v12 =	vadd.s32 v14, v12;
	v9 =	vadd.s32 v24, v9  }
0x12e: {  	v13 =	vadd.s32 v40, v13;
	v15 =	vadd.s32 v50, v15;
	v14 =	vadd.s32 v26, v20  }
0x12f: {  	v15 =	vadd.s32 v52, v15;
	v19 =	vadd.s32 v34, v23;
	v14 =	vadd.s32 v39, v14  }
0x130: {  	v15 =	vadd.s32 v22, v15;
	v19 =	vadd.s32 v49, v19;
	v11 =	vadd.f32 v31, v11  }
0x131: {  	v19 =	vadd.s32 v21, v19;
	v15 =	vadd.s32 v30, v15;
	v10 =	vadd.f32 v33, v10  }
0x132: {  	vm0 =	vlt.f32 v11, $2.500000000e-01;
	vm1 =	vlt.f32 v11, $5.000000000e-01;
	vm2 =	vlt.f32 v11, $7.500000000e-01;
	[tilespmem:$0x40E0] =	vst v11  }
0x133: {  	v20 =	vsel vm0, $0x1, v2;
	vm0 =	vlt.f32 v10, $2.500000000e-01;
	vm3 =	vlt.f32 v10, $7.500000000e-01;
	[tilespmem:$0x41E0] =	vst v10  }
0x134: {  	v12 =	vadd.s32 v20, v12;
	v20 =	vsel vm0, $0x1, v2;
	v21 =	vsel vm3, $0x1, v2;
	v22 =	vld.idx.msk [tilespmem:v29+s2+$0x0], $0xffff  }
0x135: {  	vm0 =	vlt.f32 v10, $5.000000000e-01;
	v9 =	vadd.s32 v20, v9;
	v15 =	vadd.s32 v21, v15;
	v20 =	vld.idx.msk [tilespmem:v29+s10+$0x0], $0xffff  }
0x136: {  	v24 =	vsel vm2, $0x1, v2;
	v21 =	vsel vm1, $0x1, v2;
	v23 =	vsel vm0, $0x1, v2  }
0x137: {  	v13 =	vadd.s32 v17, v13;
	v17 =	vadd.s32 v28, v19;
	v14 =	vadd.s32 v36, v14  }
0x138: {  	v7 =	vadd.s32 v7, v13;
	v13 =	vadd.s32 v18, v17;
	v8 =	vadd.s32 v8, v14  }
0x139: {  	v7 =	vadd.s32 v25, v7;
	v8 =	vadd.s32 v27, v8;
	v13 =	vadd.s32 v24, v13  }
0x13a: {  	v7 =	vadd.s32 v16, v7;
	v8 =	vadd.s32 v32, v8;
	v11 =	vadd.f32 v22, v11  }
0x13b: {  	v7 =	vadd.s32 v21, v7;
	v8 =	vadd.s32 v23, v8;
	v10 =	vadd.f32 v20, v10  }
0x13c: {  	vm0 =	vlt.f32 v11, $2.500000000e-01;
	vm1 =	vlt.f32 v11, $5.000000000e-01;
	vm2 =	vlt.f32 v11, $7.500000000e-01;
	[tilespmem:$0x40F0] =	vst v11  }
0x13d: {  	v11 =	vsel vm0, $0x1, v2;
	vm0 =	vlt.f32 v10, $2.500000000e-01;
	v14 =	vsel vm1, $0x1, v2;
	[tilespmem:$0x41F0] =	vst v10  }
0x13e: {  	v11 =	vadd.s32 v11, v12;
	v12 =	vsel vm0, $0x1, v2;
	v7 =	vadd.s32 v14, v7  }
0x13f: {  	v9 =	vadd.s32 v12, v9;
	v12 =	vsel vm2, $0x1, v2;
	v16 =	vmin.u32 v7, $0xF  }
0x140: {  	vm1 =	vlt.f32 v10, $7.500000000e-01;
	vm0 =	vlt.f32 v10, $5.000000000e-01;
	v14 =	vmin.u32 v11, $0xF  }
0x141: {  	v7 =	vsel vm0, $0x1, v2;
	v10 =	vor.u32 v6, v14;
	v9 =	vmin.u32 v9, $0xF  }
0x142: {  	v7 =	vadd.s32 v7, v8;
	v8 =	vshll.u32 v9, $0x4;
	v11 =	vor.u32 v6, v9  }
0x143: {  	v9 =	vcvt.s32.f32 v9;
	v17 =	vmin.u32 v7, $0xF;
	v8 =	vor.u32 v0, v8  }
0x144: {  	v19 =	vor.u32 v6, v16;
	v7 =	vsel vm1, $0x1, v2;
	v18 =	vor.u32 v6, v17  }
0x145: {  	v12 =	vadd.s32 v12, v13;
	v13 =	vadd.s32 v7, v15;
	v15 =	vshll.u32 v14, $0x4  }
0x146: {  	v21 =	vmin.u32 v12, $0xF;
	v7 =	vadd.f32 $1.000000000e+00, v9;
	v23 =	vmin.u32 v13, $0xF;
	v10 =	vld.idx.msk [tilespmem:v10+s2+$0x0], $0xffff  }
0x147: {  	v20 =	vor.u32 v6, v21;
	v15 =	vor.u32 v0, v15;
	v9 =	vor.u32 v6, v23;
	v11 =	vld.idx.msk [tilespmem:v11+s10+$0x0], $0xffff  }
0x148: {  	v22 =	vshll.u32 v21, $0x4;
	v6 =	vshll.u32 v17, $0x4;
	v24 =	vshll.u32 v23, $0x4;
	v8 =	vld.idx.msk [tilespmem:v8+s14+$0x0], $0xffff  }
0x149: {  	v25 =	vor.u32 v0, v6;
	v26 =	vld.idx.msk [tilespmem:v18+s10+$0x0], $0xffff;
	v18 =	vor.u32 v0, v22;
	v22 =	vor.u32 v0, v24  }
0x14a: {  	v12 =	vor.u32 v12, v13;
	v6 =	vmov s19;
	v24 =	vshll.u32 v16, $0x4;
	v27 =	vld.idx.msk [tilespmem:v19+s2+$0x0], $0xffff  }
0x14b: {  	vm0 =	vlt.u32 v12, $0x10;
	v6 =	vshll.u32 v6, $0x4;
	v24 =	vor.u32 v0, v24  }
.Ltmp0:
0x14c: {  	v12 =	vsel vm0, $0x0, v3;
	v6 =	vor.u32 v1, v6;
	v19 =	vld.idx.msk [tilespmem:v9+s10+$0x0], $0xffff;
	(erf) = vrcp.f32 v10;
	(pc) =	sbr.rel @p0 .LBB2_2-.Ltmp0, $4  }
0x14d: {  	v5 =	vadd.f32 v12, v5;
	v9 =	vcvt.s32.f32 v17;
	v20 =	vld.idx.msk [tilespmem:v20+s2+$0x0], $0xffff;
	(erf) = vrcp.f32 v11  }
0x14e: {  	v10 =	vsub.f32 $2.500000000e-01, v8;
	v8 =	vcvt.s32.f32 v21;
	v11 =	vcvt.s32.f32 v23;
	v13 =	vld.idx.msk [tilespmem:v15+s13+$0x0], $0xffff  }
0x14f: {  	v15 =	vcvt.s32.f32 v14;
	v14 =	vld.idx.msk [tilespmem:v25+s14+$0x0], $0xffff;
	(erf) = vrcp.f32 v26  }
0x150: {  	v16 =	vcvt.s32.f32 v16;
	v12 =	vld.idx.msk [tilespmem:v24+s13+$0x0], $0xffff;
	(erf) = vrcp.f32 v27  }
0x151: {  	_ =	sdelay $0x3  }
0x152: {  	v21 =	vld.idx.msk [tilespmem:v6+s2+$0x0], $0xffff  }
0x153: {  	v23 =	vld.idx.msk [tilespmem:v6+s10+$0x0], $0xffff;
	_ =	sdelay $0x2  }
0x154: {  	v24 =	vor.u32 $0x1, v6  }
0x155: {  	v17 =	vld.idx.msk [tilespmem:v22+s14+$0x0], $0xffff;
	v22 =	vadd.f32 $0.0e+00, v21  }
0x156: {  	v25 =	vadd.f32 $0.0e+00, v23  }
0x157: {  	v18 =	vld.idx.msk [tilespmem:v18+s13+$0x0], $0xffff;
	[tilespmem:$0x4000] =	vst v22  }
0x158: {  	[tilespmem:$0x4100] =	vst v25  }
0x159: {  	v26 =	vld.idx.msk [tilespmem:v24+s2+$0x0], $0xffff  }
0x15a: {  	v24 =	vld.idx.msk [tilespmem:v24+s10+$0x0], $0xffff;
	_ =	sdelay $0x2  }
0x15b: {  	v27 =	vor.u32 $0x2, v6  }
0x15c: {  	v22 =	vadd.f32 v26, v22  }
0x15d: {  	v24 =	vadd.f32 v24, v25  }
0x15e: {  	[tilespmem:$0x4010] =	vst v22  }
0x15f: {  	[tilespmem:$0x4110] =	vst v24  }
0x160: {  	v47 =	vld.idx.msk [tilespmem:v27+s2+$0x0], $0xffff  }
0x161: {  	v48 =	vld.idx.msk [tilespmem:v27+s10+$0x0], $0xffff;
	_ =	sdelay $0x2  }
0x162: {  	v49 =	vor.u32 $0x3, v6  }
0x163: {  	v25 =	vadd.f32 v47, v22  }
0x164: {  	v26 =	vadd.f32 v48, v24  }
0x165: {  	[tilespmem:$0x4020] =	vst v25  }
0x166: {  	[tilespmem:$0x4120] =	vst v26  }
0x167: {  	v28 =	vld.idx.msk [tilespmem:v49+s2+$0x0], $0xffff  }
0x168: {  	v27 =	vld.idx.msk [tilespmem:v49+s10+$0x0], $0xffff;
	_ =	sdelay $0x2  }
0x169: {  	v29 =	vor.u32 $0x4, v6  }
0x16a: {  	v31 =	vadd.f32 v28, v25  }
0x16b: {  	v32 =	vadd.f32 v27, v26  }
0x16c: {  	[tilespmem:$0x4030] =	vst v31  }
0x16d: {  	[tilespmem:$0x4130] =	vst v32  }
0x16e: {  	v50 =	vld.idx.msk [tilespmem:v29+s2+$0x0], $0xffff  }
0x16f: {  	v51 =	vld.idx.msk [tilespmem:v29+s10+$0x0], $0xffff;
	_ =	sdelay $0x2  }
0x170: {  	v52 =	vor.u32 $0x5, v6  }
0x171: {  	v34 =	vadd.f32 v50, v31  }
0x172: {  	v35 =	vadd.f32 v51, v32  }
0x173: {  	v55 =	vor.u32 $0x6, v6;
	v59 =	vor.u32 $0x7, v6;
	[tilespmem:$0x4040] =	vst v34  }
0x174: {  	v46 =	vor.u32 $0x8, v6;
	vm0 =	vlt.f32 v21, $7.500000000e-01;
	vm4 =	vlt.f32 v23, $5.000000000e-01;
	[tilespmem:$0x4140] =	vst v35  }
0x175: {  	vm1 =	vlt.f32 v23, $2.500000000e-01;
	vm3 =	vlt.f32 v21, $2.500000000e-01;
	v56 =	vsel vm0, $0x1, v2;
	v53 =	vld.idx.msk [tilespmem:v52+s2+$0x0], $0xffff  }
0x176: {  	vm0 =	vlt.f32 v23, $7.500000000e-01;
	vm2 =	vlt.f32 v22, $7.500000000e-01;
	vm5 =	vlt.f32 v24, $5.000000000e-01;
	v54 =	vld.idx.msk [tilespmem:v52+s10+$0x0], $0xffff  }
0x177: {  	vm6 =	vlt.f32 v22, $2.500000000e-01;
	vm11 =	vlt.f32 v24, $7.500000000e-01;
	vm12 =	vlt.f32 v24, $2.500000000e-01  }
0x178: {  	vm7 =	vlt.f32 v22, $5.000000000e-01;
	v23 =	vsel vm2, $0x1, v2;
	v36 =	vsel vm5, $0x1, v2  }
0x179: {  	v42 =	vsel vm7, $0x1, v2;
	v33 =	vadd.s32 v56, v23;
	v22 =	vsel vm11, $0x1, v2  }
0x17a: {  	vm13 =	vlt.f32 v25, $2.500000000e-01;
	vm2 =	vlt.f32 v25, $5.000000000e-01;
	v40 =	vadd.f32 v53, v34  }
0x17b: {  	vm14 =	vlt.f32 v25, $7.500000000e-01;
	vm15 =	vlt.f32 v26, $2.500000000e-01;
	v41 =	vadd.f32 v54, v35  }
0x17c: {  	vm8 =	vlt.f32 v26, $5.000000000e-01;
	vm11 =	vlt.f32 v26, $7.500000000e-01;
	v37 =	vsel vm14, $0x1, v2;
	[tilespmem:$0x4050] =	vst v40  }
0x17d: {  	v23 =	vsel vm13, $0x1, v2;
	v38 =	vsel vm8, $0x1, v2;
	v30 =	vsel vm11, $0x1, v2;
	[tilespmem:$0x4150] =	vst v41  }
0x17e: {  	v60 =	vadd.s32 v37, v33;
	v27 =	vsel vm12, $0x1, v2;
	v28 =	vsel vm15, $0x1, v2;
	v57 =	vld.idx.msk [tilespmem:v55+s2+$0x0], $0xffff  }
0x17f: {  	vm12 =	vlt.f32 v31, $2.500000000e-01;
	vm13 =	vlt.f32 v31, $5.000000000e-01;
	vm14 =	vlt.f32 v31, $7.500000000e-01;
	v58 =	vld.idx.msk [tilespmem:v55+s10+$0x0], $0xffff  }
0x180: {  	vm15 =	vlt.f32 v32, $5.000000000e-01;
	vm10 =	vlt.f32 v32, $2.500000000e-01;
	vm11 =	vlt.f32 v32, $7.500000000e-01  }
0x181: {  	v29 =	vsel vm6, $0x1, v2;
	v62 =	vsel vm14, $0x1, v2;
	v44 =	vsel vm15, $0x1, v2  }
0x182: {  	v26 =	vsel vm10, $0x1, v2;
	v45 =	vsel vm12, $0x1, v2;
	v33 =	vsel vm11, $0x1, v2  }
0x183: {  	v37 =	vadd.s32 v62, v60;
	v32 =	vsel vm13, $0x1, v2;
	v43 =	vadd.f32 v57, v40  }
0x184: {  	v51 =	vor.u32 $0x9, v6;
	vm12 =	vlt.f32 v34, $2.500000000e-01;
	v24 =	vadd.f32 v58, v41  }
0x185: {  	vm13 =	vlt.f32 v34, $5.000000000e-01;
	vm14 =	vlt.f32 v34, $7.500000000e-01;
	vm15 =	vlt.f32 v35, $2.500000000e-01;
	[tilespmem:$0x4060] =	vst v43  }
0x186: {  	vm9 =	vlt.f32 v35, $5.000000000e-01;
	vm10 =	vlt.f32 v35, $7.500000000e-01;
	v54 =	vsel vm4, $0x1, v2;
	[tilespmem:$0x4160] =	vst v24  }
0x187: {  	v48 =	vsel vm9, $0x1, v2;
	v39 =	vsel vm12, $0x1, v2;
	v31 =	vadd.s32 v54, v36;
	v61 =	vld.idx.msk [tilespmem:v59+s2+$0x0], $0xffff  }
0x188: {  	v36 =	vsel vm10, $0x1, v2;
	v31 =	vadd.s32 v38, v31;
	vm11 =	vlt.f32 v40, $5.000000000e-01;
	v25 =	vld.idx.msk [tilespmem:v59+s10+$0x0], $0xffff  }
0x189: {  	vm12 =	vlt.f32 v40, $7.500000000e-01;
	vm8 =	vlt.f32 v41, $2.500000000e-01;
	v55 =	vsel vm14, $0x1, v2  }
0x18a: {  	v31 =	vadd.s32 v44, v31;
	v44 =	vsel vm13, $0x1, v2;
	vm13 =	vlt.f32 v41, $5.000000000e-01  }
0x18b: {  	v49 =	vsel vm12, $0x1, v2;
	vm14 =	vlt.f32 v41, $7.500000000e-01;
	v48 =	vadd.s32 v48, v31  }
0x18c: {  	v31 =	vsel vm11, $0x1, v2;
	v50 =	vsel vm13, $0x1, v2;
	v63 =	vadd.f32 v61, v43  }
0x18d: {  	v38 =	vsel vm14, $0x1, v2;
	vm11 =	vlt.f32 v24, $2.500000000e-01;
	v47 =	vadd.f32 v25, v24  }
0x18e: {  	v58 =	vadd.s32 v50, v48;
	v52 =	vsel vm11, $0x1, v2;
	vm11 =	vlt.f32 v21, $5.000000000e-01;
	[tilespmem:$0x4070] =	vst v63  }
0x18f: {  	v48 =	vsel vm8, $0x1, v2;
	vm9 =	vlt.f32 v43, $2.500000000e-01;
	v21 =	vsel vm11, $0x1, v2;
	[tilespmem:$0x4170] =	vst v47  }
0x190: {  	vm4 =	vlt.f32 v43, $5.000000000e-01;
	v42 =	vadd.s32 v21, v42;
	v21 =	vsel vm3, $0x1, v2;
	v56 =	vld.idx.msk [tilespmem:v46+s2+$0x0], $0xffff  }
0x191: {  	vm10 =	vlt.f32 v43, $7.500000000e-01;
	vm12 =	vlt.f32 v24, $5.000000000e-01;
	v21 =	vadd.s32 v21, v29;
	v46 =	vld.idx.msk [tilespmem:v46+s10+$0x0], $0xffff  }
0x192: {  	vm5 =	vlt.f32 v24, $7.500000000e-01;
	v60 =	vsel vm12, $0x1, v2;
	v23 =	vadd.s32 v23, v21  }
0x193: {  	v21 =	vor.u32 $0xF, v6;
	v25 =	vadd.s32 v55, v37;
	v37 =	vsel vm15, $0x1, v2  }
0x194: {  	vm15 =	vlt.f32 v40, $2.500000000e-01;
	v43 =	vsel vm10, $0x1, v2;
	v61 =	vor.u32 $0xA, v6  }
0x195: {  	v23 =	vadd.s32 v45, v23;
	v41 =	vsel vm15, $0x1, v2;
	v57 =	vadd.f32 v56, v63  }
0x196: {  	v49 =	vadd.s32 v49, v25;
	v25 =	vsel vm9, $0x1, v2;
	v46 =	vadd.f32 v46, v47  }
0x197: {  	v23 =	vadd.s32 v39, v23;
	v43 =	vadd.s32 v43, v49;
	v49 =	vadd.s32 v60, v58;
	[tilespmem:$0x4080] =	vst v57  }
0x198: {  	vm13 =	vlt.f32 v63, $2.500000000e-01;
	vm14 =	vlt.f32 v63, $5.000000000e-01;
	vm15 =	vlt.f32 v63, $7.500000000e-01;
	[tilespmem:$0x4180] =	vst v46  }
0x199: {  	vm12 =	vlt.f32 v47, $2.500000000e-01;
	v60 =	vor.u32 $0xB, v6;
	v23 =	vadd.s32 v41, v23;
	v59 =	vld.idx.msk [tilespmem:v51+s2+$0x0], $0xffff  }
0x19a: {  	v34 =	vsel vm13, $0x1, v2;
	vm13 =	vlt.f32 v47, $7.500000000e-01;
	v35 =	vsel vm12, $0x1, v2;
	v51 =	vld.idx.msk [tilespmem:v51+s10+$0x0], $0xffff  }
0x19b: {  	v53 =	vsel vm14, $0x1, v2;
	vm14 =	vlt.f32 v47, $5.000000000e-01;
	v62 =	vsel vm15, $0x1, v2  }
0x19c: {  	v23 =	vadd.s32 v25, v23;
	v54 =	vsel vm13, $0x1, v2;
	v55 =	vsel vm14, $0x1, v2  }
0x19d: {  	v43 =	vadd.s32 v62, v43;
	v23 =	vadd.s32 v34, v23;
	v49 =	vadd.s32 v55, v49  }
0x19e: {  	v55 =	vsel vm5, $0x1, v2;
	v63 =	vsel vm1, $0x1, v2;
	v50 =	vadd.f32 v59, v57  }
0x19f: {  	v27 =	vadd.s32 v63, v27;
	vm15 =	vlt.f32 v57, $2.500000000e-01;
	v51 =	vadd.f32 v51, v46  }
0x1a0: {  	vm12 =	vlt.f32 v57, $5.000000000e-01;
	vm13 =	vlt.f32 v57, $7.500000000e-01;
	vm14 =	vlt.f32 v46, $2.500000000e-01;
	[tilespmem:$0x4090] =	vst v50  }
0x1a1: {  	vm10 =	vlt.f32 v46, $5.000000000e-01;
	v27 =	vadd.s32 v28, v27;
	v28 =	vor.u32 $0xE, v6;
	[tilespmem:$0x4190] =	vst v51  }
0x1a2: {  	v40 =	vsel vm15, $0x1, v2;
	vm15 =	vlt.f32 v46, $7.500000000e-01;
	v26 =	vadd.s32 v26, v27;
	v47 =	vld.idx.msk [tilespmem:v61+s2+$0x0], $0xffff  }
0x1a3: {  	v56 =	vsel vm14, $0x1, v2;
	v58 =	vsel vm12, $0x1, v2;
	v26 =	vadd.s32 v37, v26;
	v57 =	vld.idx.msk [tilespmem:v61+s10+$0x0], $0xffff  }
0x1a4: {  	v24 =	vsel vm10, $0x1, v2;
	v27 =	vor.u32 $0xC, v6;
	v26 =	vadd.s32 v48, v26  }
0x1a5: {  	v23 =	vadd.s32 v40, v23;
	v24 =	vadd.s32 v24, v49;
	v26 =	vadd.s32 v52, v26  }
0x1a6: {  	v52 =	vsel vm4, $0x1, v2;
	v26 =	vadd.s32 v35, v26;
	v46 =	vsel vm15, $0x1, v2  }
0x1a7: {  	v59 =	vsel vm13, $0x1, v2;
	vm6 =	vlt.f32 v50, $2.500000000e-01;
	v47 =	vadd.f32 v47, v50  }
0x1a8: {  	vm7 =	vlt.f32 v50, $5.000000000e-01;
	vm12 =	vlt.f32 v50, $7.500000000e-01;
	v50 =	vadd.f32 v57, v51  }
0x1a9: {  	v26 =	vadd.s32 v56, v26;
	v43 =	vadd.s32 v59, v43;
	vm13 =	vlt.f32 v51, $2.500000000e-01;
	[tilespmem:$0x40A0] =	vst v47  }
0x1aa: {  	vm14 =	vlt.f32 v51, $7.500000000e-01;
	vm15 =	vlt.f32 v51, $5.000000000e-01;
	v61 =	vsel vm0, $0x1, v2;
	[tilespmem:$0x41A0] =	vst v50  }
0x1ab: {  	v29 =	vsel vm12, $0x1, v2;
	v40 =	vsel vm6, $0x1, v2;
	v22 =	vadd.s32 v61, v22;
	v61 =	vld.idx.msk [tilespmem:v60+s2+$0x0], $0xffff  }
0x1ac: {  	v62 =	vsel vm7, $0x1, v2;
	v63 =	vsel vm15, $0x1, v2;
	v23 =	vadd.s32 v40, v23;
	v60 =	vld.idx.msk [tilespmem:v60+s10+$0x0], $0xffff  }
0x1ad: {  	v24 =	vadd.s32 v63, v24;
	v22 =	vadd.s32 v30, v22;
	v30 =	vsel vm2, $0x1, v2  }
0x1ae: {  	v29 =	vadd.s32 v29, v43;
	v30 =	vadd.s32 v30, v42;
	v22 =	vadd.s32 v33, v22  }
0x1af: {  	v42 =	vor.u32 $0xD, v6;
	v30 =	vadd.s32 v32, v30;
	v22 =	vadd.s32 v36, v22  }
0x1b0: {  	v57 =	vsel vm13, $0x1, v2;
	v51 =	vsel vm14, $0x1, v2;
	v45 =	vadd.f32 v61, v47  }
0x1b1: {  	v30 =	vadd.s32 v44, v30;
	v22 =	vadd.s32 v38, v22;
	v33 =	vadd.f32 v60, v50  }
0x1b2: {  	v30 =	vadd.s32 v31, v30;
	v22 =	vadd.s32 v55, v22;
	v26 =	vadd.s32 v57, v26;
	[tilespmem:$0x40B0] =	vst v45  }
0x1b3: {  	vm8 =	vlt.f32 v47, $2.500000000e-01;
	vm9 =	vlt.f32 v47, $5.000000000e-01;
	vm10 =	vlt.f32 v47, $7.500000000e-01;
	[tilespmem:$0x41B0] =	vst v33  }
0x1b4: {  	vm11 =	vlt.f32 v50, $2.500000000e-01;
	vm12 =	vlt.f32 v50, $7.500000000e-01;
	vm13 =	vlt.f32 v50, $5.000000000e-01;
	v36 =	vld.idx.msk [tilespmem:v27+s2+$0x0], $0xffff  }
0x1b5: {  	v30 =	vadd.s32 v52, v30;
	v22 =	vadd.s32 v54, v22;
	v32 =	vsel vm11, $0x1, v2;
	v27 =	vld.idx.msk [tilespmem:v27+s10+$0x0], $0xffff  }
0x1b6: {  	v44 =	vsel vm10, $0x1, v2;
	v30 =	vadd.s32 v53, v30;
	v22 =	vadd.s32 v46, v22  }
0x1b7: {  	v30 =	vadd.s32 v58, v30;
	v26 =	vadd.s32 v32, v26;
	v22 =	vadd.s32 v51, v22  }
0x1b8: {  	v29 =	vadd.s32 v44, v29;
	v30 =	vadd.s32 v62, v30;
	v47 =	vsel vm8, $0x1, v2  }
0x1b9: {  	v50 =	vsel vm12, $0x1, v2;
	v60 =	vsel vm9, $0x1, v2;
	v36 =	vadd.f32 v36, v45  }
0x1ba: {  	v61 =	vsel vm13, $0x1, v2;
	v23 =	vadd.s32 v47, v23;
	v27 =	vadd.f32 v27, v33  }
0x1bb: {  	v22 =	vadd.s32 v50, v22;
	v30 =	vadd.s32 v60, v30;
	v24 =	vadd.s32 v61, v24;
	[tilespmem:$0x40C0] =	vst v36  }
0x1bc: {  	vm14 =	vlt.f32 v45, $2.500000000e-01;
	vm15 =	vlt.f32 v45, $5.000000000e-01;
	vm7 =	vlt.f32 v45, $7.500000000e-01;
	[tilespmem:$0x41C0] =	vst v27  }
0x1bd: {  	vm8 =	vlt.f32 v33, $2.500000000e-01;
	vm9 =	vlt.f32 v33, $7.500000000e-01;
	vm10 =	vlt.f32 v33, $5.000000000e-01;
	v55 =	vld.idx.msk [tilespmem:v42+s2+$0x0], $0xffff  }
0x1be: {  	v37 =	vsel vm14, $0x1, v2;
	v39 =	vsel vm8, $0x1, v2;
	v41 =	vsel vm7, $0x1, v2;
	v42 =	vld.idx.msk [tilespmem:v42+s10+$0x0], $0xffff  }
0x1bf: {  	v48 =	vsel vm9, $0x1, v2;
	v38 =	vsel vm15, $0x1, v2;
	v31 =	vsel vm10, $0x1, v2  }
0x1c0: {  	v23 =	vadd.s32 v37, v23;
	v26 =	vadd.s32 v39, v26;
	v22 =	vadd.s32 v48, v22  }
0x1c1: {  	v29 =	vadd.s32 v41, v29;
	v30 =	vadd.s32 v38, v30;
	v24 =	vadd.s32 v31, v24  }
0x1c2: {  	vm11 =	vlt.f32 v36, $2.500000000e-01;
	vm14 =	vlt.f32 v27, $2.500000000e-01;
	v54 =	vadd.f32 v55, v36  }
0x1c3: {  	vm15 =	vlt.f32 v27, $7.500000000e-01;
	vm4 =	vlt.f32 v27, $5.000000000e-01;
	v27 =	vadd.f32 v42, v27  }
0x1c4: {  	vm12 =	vlt.f32 v36, $5.000000000e-01;
	vm13 =	vlt.f32 v36, $7.500000000e-01;
	v33 =	vsel vm11, $0x1, v2;
	[tilespmem:$0x40D0] =	vst v54  }
0x1c5: {  	v45 =	vsel vm14, $0x1, v2;
	v52 =	vsel vm15, $0x1, v2;
	v25 =	vsel vm12, $0x1, v2;
	[tilespmem:$0x41D0] =	vst v27  }
0x1c6: {  	v53 =	vsel vm4, $0x1, v2;
	v59 =	vsel vm13, $0x1, v2;
	v23 =	vadd.s32 v33, v23;
	v58 =	vld.idx.msk [tilespmem:v28+s2+$0x0], $0xffff  }
0x1c7: {  	v26 =	vadd.s32 v45, v26;
	v22 =	vadd.s32 v52, v22;
	v29 =	vadd.s32 v59, v29;
	v28 =	vld.idx.msk [tilespmem:v28+s10+$0x0], $0xffff  }
0x1c8: {  	v25 =	vadd.s32 v25, v30;
	v24 =	vadd.s32 v53, v24;
	vm5 =	vlt.f32 v54, $2.500000000e-01  }
0x1c9: {  	vm6 =	vlt.f32 v54, $5.000000000e-01;
	vm7 =	vlt.f32 v54, $7.500000000e-01;
	vm8 =	vlt.f32 v27, $2.500000000e-01  }
0x1ca: {  	vm9 =	vlt.f32 v27, $7.500000000e-01;
	vm10 =	vlt.f32 v27, $5.000000000e-01;
	v55 =	vsel vm5, $0x1, v2  }
0x1cb: {  	v56 =	vsel vm8, $0x1, v2;
	v57 =	vsel vm9, $0x1, v2;
	v52 =	vadd.f32 v58, v54  }
0x1cc: {  	v39 =	vsel vm6, $0x1, v2;
	v46 =	vsel vm10, $0x1, v2;
	v27 =	vadd.f32 v28, v27  }
0x1cd: {  	v47 =	vsel vm7, $0x1, v2;
	v23 =	vadd.s32 v55, v23;
	v26 =	vadd.s32 v56, v26;
	[tilespmem:$0x40E0] =	vst v52  }
0x1ce: {  	v22 =	vadd.s32 v57, v22;
	v29 =	vadd.s32 v47, v29;
	v25 =	vadd.s32 v39, v25;
	[tilespmem:$0x41E0] =	vst v27  }
0x1cf: {  	v24 =	vadd.s32 v46, v24;
	vm11 =	vlt.f32 v52, $2.500000000e-01;
	vm12 =	vlt.f32 v52, $5.000000000e-01;
	v57 =	vld.idx.msk [tilespmem:v21+s2+$0x0], $0xffff  }
0x1d0: {  	vm13 =	vlt.f32 v52, $7.500000000e-01;
	vm14 =	vlt.f32 v27, $2.500000000e-01;
	vm15 =	vlt.f32 v27, $7.500000000e-01;
	v21 =	vld.idx.msk [tilespmem:v21+s10+$0x0], $0xffff  }
0x1d1: {  	vm4 =	vlt.f32 v27, $5.000000000e-01;
	v54 =	vsel vm11, $0x1, v2;
	v55 =	vsel vm14, $0x1, v2  }
0x1d2: {  	v56 =	vsel vm15, $0x1, v2;
	v58 =	vsel vm12, $0x1, v2;
	v62 =	vsel vm4, $0x1, v2  }
0x1d3: {  	v63 =	vsel vm13, $0x1, v2;
	v23 =	vadd.s32 v54, v23;
	v26 =	vadd.s32 v55, v26  }
0x1d4: {  	v22 =	vadd.s32 v56, v22;
	v29 =	vadd.s32 v63, v29;
	v37 =	vadd.f32 v57, v52  }
0x1d5: {  	v25 =	vadd.s32 v58, v25;
	v24 =	vadd.s32 v62, v24;
	v27 =	vadd.f32 v21, v27  }
0x1d6: {  	vm5 =	vlt.f32 v37, $2.500000000e-01;
	vm6 =	vlt.f32 v37, $5.000000000e-01;
	vm7 =	vlt.f32 v37, $7.500000000e-01  }
0x1d7: {  	vm8 =	vlt.f32 v27, $2.500000000e-01;
	vm9 =	vlt.f32 v27, $5.000000000e-01;
	vm10 =	vlt.f32 v27, $7.500000000e-01  }
0x1d8: {  	v21 =	vsel vm5, $0x1, v2;
	v38 =	vsel vm6, $0x1, v2;
	v39 =	vsel vm7, $0x1, v2  }
0x1d9: {  	v21 =	vadd.s32 v21, v23;
	v23 =	vsel vm8, $0x1, v2;
	v25 =	vadd.s32 v38, v25  }
0x1da: {  	v23 =	vadd.s32 v23, v26;
	v28 =	vmin.u32 v21, $0xF;
	v21 =	vsel vm9, $0x1, v2  }
0x1db: {  	v40 =	vor.u32 v6, v28;
	v32 =	vmin.u32 v23, $0xF;
	v21 =	vadd.s32 v21, v24  }
0x1dc: {  	v41 =	vor.u32 v6, v32;
	v24 =	vmin.u32 v21, $0xF;
	v21 =	vsel vm10, $0x1, v2  }
0x1dd: {  	v25 =	vmin.u32 v25, $0xF;
	v42 =	vor.u32 v6, v24;
	v21 =	vadd.s32 v21, v22  }
0x1de: {  	[tilespmem:$0x40F0] =	vst v37;
	v43 =	vor.u32 v6, v25;
	v22 =	vadd.s32 v39, v29;
	v26 =	vmin.u32 v21, $0xF  }
0x1df: {  	[tilespmem:$0x41F0] =	vst v27;
	v23 =	vmin.u32 v22, $0xF;
	v44 =	vor.u32 v6, v26  }
0x1e0: {  	v6 =	vor.u32 v6, v23;
	v45 =	vld.idx.msk [tilespmem:v40+s2+$0x0], $0xffff  }
0x1e1: {  	v46 =	vld.idx.msk [tilespmem:v41+s10+$0x0], $0xffff  }
0x1e2: {  	v47 =	vld.idx.msk [tilespmem:v42+s10+$0x0], $0xffff  }
0x1e3: {  	(erf) = vrcp.f32 v19;
	v19 =	vld.idx.msk [tilespmem:v43+s2+$0x0], $0xffff  }
0x1e4: {  	(erf) = vrcp.f32 v20;
	v20 =	vld.idx.msk [tilespmem:v44+s10+$0x0], $0xffff  }
0x1e5: {  	v6 =	vld.idx.msk [tilespmem:v6+s2+$0x0], $0xffff;
	(erf) = vrcp.f32 v45  }
0x1e6: {  	(erf) = vrcp.f32 v46  }
0x1e7: {  	(erf) = vrcp.f32 v47  }
0x1e8: {  	v27 =	vpop (erf);
	(erf) = vrcp.f32 v19  }
0x1e9: {  	v30 =	vpop (erf);
	v48 =	vshll.u32 v32, $0x4;
	(erf) = vrcp.f32 v20  }
0x1ea: {  	v51 =	vshll.u32 v25, $0x4;
	v19 =	vor.u32 v0, v48;
	v20 =	vpop (erf);
	(erf) = vrcp.f32 v6  }
0x1eb: {  	v49 =	vshll.u32 v28, $0x4;
	v31 =	vor.u32 v0, v51;
	v33 =	vpop (erf)  }
0x1ec: {  	v29 =	vor.u32 v0, v49;
	v52 =	vshll.u32 v26, $0x4;
	v34 =	vpop (erf)  }
0x1ed: {  	v50 =	vshll.u32 v24, $0x4;
	v35 =	vor.u32 v0, v52;
	v36 =	vpop (erf)  }
0x1ee: {  	v53 =	vshll.u32 v23, $0x4;
	v6 =	vor.u32 v0, v50;
	v37 =	vpop (erf)  }
0x1ef: {  	v38 =	vld.idx.msk [tilespmem:v19+s14+$0x0], $0xffff;
	v19 =	vor.u32 v0, v53;
	v39 =	vpop (erf)  }
0x1f0: {  	v31 =	vld.idx.msk [tilespmem:v31+s13+$0x0], $0xffff;
	v41 =	vpop (erf)  }
0x1f1: {  	v29 =	vld.idx.msk [tilespmem:v29+s13+$0x0], $0xffff;
	v42 =	vpop (erf)  }
0x1f2: {  	s18 =	simm.s32 $0x100;
	v35 =	vld.idx.msk [tilespmem:v35+s14+$0x0], $0xffff;
	v54 =	vpop (erf)  }
0x1f3: {  	v40 =	vld.idx.msk [tilespmem:v6+s14+$0x0], $0xffff;
	v6 =	vmov s18;
	v56 =	vpop (erf)  }
0x1f4: {  	v6 =	vshll.u32 v6, $0x4;
	v55 =	vld.idx.msk [tilespmem:v19+s13+$0x0], $0xffff;
	_ =	swait.ge [sflag:s15], $0x1000  }
0x1f5: {  	v6 =	vor.u32 v1, v6;
	[sflag:s15] =	ssyncset.done $0x0  }
0x1f6: {  	[sflag:s15] =	ssyncadd.s32 $0xFFFFF000  }
0x1f7: {  	_ =	swait.ge [sflag:s15], $0x1000  }
0x1f8: {  	[sflag:s15] =	ssyncset.done $0x0  }
0x1f9: {  	[sflag:s15] =	ssyncadd.s32 $0xFFFFF000  }
0x1fa: {  	v19 =	vld.idx.msk [tilespmem:v6+s2+$0x0], $0xffff  }
0x1fb: {  	v57 =	vld.idx.msk [tilespmem:v6+s10+$0x0], $0xffff;
	_ =	sdelay $0x2  }
0x1fc: {  	v58 =	vor.u32 $0x1, v6  }
0x1fd: {  	v59 =	vadd.f32 $0.0e+00, v19  }
0x1fe: {  	v60 =	vadd.f32 $0.0e+00, v57  }
0x1ff: {  	[tilespmem:$0x4000] =	vst v59  }
0x200: {  	[tilespmem:$0x4100] =	vst v60  }
0x201: {  	v61 =	vld.idx.msk [tilespmem:v58+s2+$0x0], $0xffff  }
0x202: {  	v47 =	vld.idx.msk [tilespmem:v58+s10+$0x0], $0xffff;
	_ =	sdelay $0x1  }
0x203: {  	v13 =	vsub.f32 $2.500000000e-01, v13  }
0x204: {  	v15 =	vadd.f32 $1.000000000e+00, v15;
	v11 =	vadd.f32 $1.000000000e+00, v11;
	v62 =	vor.u32 $0x2, v6  }
0x205: {  	v13 =	vmul.f32 v27, v13;
	v10 =	vmul.f32 v30, v10;
	v48 =	vadd.f32 v61, v59  }
0x206: {  	v9 =	vadd.f32 $1.000000000e+00, v9;
	v47 =	vadd.f32 v47, v60  }
0x207: {  	v13 =	vadd.f32 v13, v15;
	v7 =	vadd.f32 v10, v7;
	[tilespmem:$0x4010] =	vst v48  }
0x208: {  	v8 =	vadd.f32 $1.000000000e+00, v8;
	v14 =	vsub.f32 $5.000000000e-01, v14;
	[tilespmem:$0x4110] =	vst v47  }
0x209: {  	v12 =	vsub.f32 $5.000000000e-01, v12;
	v7 =	vsub.f32 v13, v7;
	v63 =	vld.idx.msk [tilespmem:v62+s2+$0x0], $0xffff  }
0x20a: {  	v16 =	vadd.f32 $1.000000000e+00, v16;
	v17 =	vsub.f32 $7.500000000e-01, v17;
	v30 =	vld.idx.msk [tilespmem:v62+s10+$0x0], $0xffff  }
0x20b: {  	v7 =	vand.u32 $0x7FFFFFFF, v7;
	v10 =	vmul.f32 v20, v14;
	v12 =	vmul.f32 v33, v12  }
0x20c: {  	v4 =	vadd.f32 v7, v4;
	v14 =	vsub.f32 $7.500000000e-01, v18  }
0x20d: {  	v9 =	vadd.f32 v10, v9;
	v10 =	vadd.f32 v12, v16;
	v15 =	vor.u32 $0x3, v6  }
0x20e: {  	v12 =	vmul.f32 v34, v17;
	v13 =	vmul.f32 v36, v14;
	v18 =	vadd.f32 v63, v48  }
0x20f: {  	v9 =	vsub.f32 v10, v9;
	v20 =	vadd.f32 v30, v47  }
0x210: {  	v23 =	vcvt.s32.f32 v23;
	v10 =	vadd.f32 v12, v11;
	v7 =	vadd.f32 v13, v8;
	[tilespmem:$0x4020] =	vst v18  }
0x211: {  	v16 =	vsub.f32 $2.500000000e-01, v29;
	v12 =	vcvt.s32.f32 v32;
	v9 =	vand.u32 $0x7FFFFFFF, v9;
	[tilespmem:$0x4120] =	vst v20  }
0x212: {  	v7 =	vsub.f32 v7, v10;
	v4 =	vadd.f32 v9, v4;
	v9 =	vcvt.s32.f32 v28;
	v11 =	vld.idx.msk [tilespmem:v15+s2+$0x0], $0xffff  }
0x213: {  	v14 =	vcvt.s32.f32 v25;
	v10 =	vadd.f32 $1.000000000e+00, v12;
	v12 =	vsub.f32 $2.500000000e-01, v38;
	v8 =	vld.idx.msk [tilespmem:v15+s10+$0x0], $0xffff  }
0x214: {  	v34 =	vsub.f32 $5.000000000e-01, v31;
	v16 =	vmul.f32 v37, v16;
	v9 =	vadd.f32 $1.000000000e+00, v9  }
0x215: {  	v14 =	vadd.f32 $1.000000000e+00, v14;
	v38 =	vsub.f32 $7.500000000e-01, v35;
	v12 =	vmul.f32 v39, v12  }
0x216: {  	v13 =	vor.u32 $0x4, v6;
	v33 =	vsub.f32 $5.000000000e-01, v40;
	v9 =	vadd.f32 v16, v9  }
0x217: {  	v7 =	vand.u32 $0x7FFFFFFF, v7;
	v10 =	vadd.f32 v12, v10;
	v15 =	vadd.f32 v11, v18  }
0x218: {  	v4 =	vadd.f32 v7, v4;
	v16 =	vmul.f32 v42, v34;
	v17 =	vadd.f32 v8, v20  }
0x219: {  	v37 =	vsub.f32 $7.500000000e-01, v55;
	v9 =	vsub.f32 v9, v10;
	[tilespmem:$0x4030] =	vst v15  }
0x21a: {  	v46 =	vor.u32 $0x8, v6;
	v10 =	vadd.f32 v16, v14;
	v14 =	vadd.f32 $1.000000000e+00, v23;
	[tilespmem:$0x4130] =	vst v17  }
0x21b: {  	v23 =	vmul.f32 v54, v38;
	vm12 =	vlt.f32 v19, $7.500000000e-01;
	v8 =	vcvt.s32.f32 v24;
	v36 =	vld.idx.msk [tilespmem:v13+s2+$0x0], $0xffff  }
0x21c: {  	vm4 =	vlt.f32 v57, $5.000000000e-01;
	vm0 =	vlt.f32 v57, $2.500000000e-01;
	vm1 =	vlt.f32 v57, $7.500000000e-01;
	v12 =	vld.idx.msk [tilespmem:v13+s10+$0x0], $0xffff  }
0x21d: {  	vm2 =	vlt.f32 v19, $2.500000000e-01;
	v8 =	vadd.f32 $1.000000000e+00, v8;
	v13 =	vmul.f32 v41, v33  }
0x21e: {  	v60 =	vor.u32 $0xA, v6;
	vm13 =	vlt.f32 v48, $7.500000000e-01;
	vm14 =	vlt.f32 v47, $5.000000000e-01  }
0x21f: {  	v11 =	vcvt.s32.f32 v26;
	v8 =	vadd.f32 v13, v8;
	v13 =	vor.u32 $0x5, v6  }
0x220: {  	vm15 =	vlt.f32 v48, $2.500000000e-01;
	vm9 =	vlt.f32 v47, $7.500000000e-01;
	v16 =	vadd.f32 v36, v15  }
0x221: {  	v24 =	vmul.f32 v56, v37;
	v11 =	vadd.f32 $1.000000000e+00, v11;
	v39 =	vadd.f32 v12, v17  }
0x222: {  	vm10 =	vlt.f32 v47, $2.500000000e-01;
	v63 =	vor.u32 $0xB, v6;
	v7 =	vsub.f32 v10, v8;
	[tilespmem:$0x4040] =	vst v16  }
0x223: {  	v8 =	vand.u32 $0x7FFFFFFF, v9;
	v9 =	vadd.f32 v23, v11;
	v10 =	vadd.f32 v24, v14;
	[tilespmem:$0x4140] =	vst v39  }
0x224: {  	vm3 =	vlt.f32 v18, $5.000000000e-01;
	v56 =	vor.u32 $0x9, v6;
	v4 =	vadd.f32 v8, v4;
	v8 =	vld.idx.msk [tilespmem:v13+s2+$0x0], $0xffff  }
0x225: {  	vm5 =	vlt.f32 v15, $2.500000000e-01;
	v11 =	vor.u32 v22, v21;
	v9 =	vsub.f32 v10, v9;
	v10 =	vld.idx.msk [tilespmem:v13+s10+$0x0], $0xffff  }
0x226: {  	v41 =	vor.u32 $0x7, v6;
	v25 =	vsel vm5, $0x1, v2;
	vm11 =	vlt.u32 v11, $0x10  }
0x227: {  	v21 =	vsel vm14, $0x1, v2;
	vm14 =	vlt.f32 v20, $2.500000000e-01;
	v11 =	vsel vm11, $0x0, v3  }
0x228: {  	v7 =	vand.u32 $0x7FFFFFFF, v7;
	v5 =	vadd.f32 v11, v5;
	v11 =	vor.u32 $0x6, v6  }
0x229: {  	vm11 =	vlt.f32 v48, $5.000000000e-01;
	v48 =	vsel vm4, $0x1, v2;
	v23 =	vadd.f32 v8, v16  }
0x22a: {  	v4 =	vadd.f32 v7, v4;
	v12 =	vsel vm11, $0x1, v2;
	v40 =	vadd.f32 v10, v39  }
0x22b: {  	vm11 =	vlt.f32 v17, $2.500000000e-01;
	vm5 =	vlt.f32 v16, $2.500000000e-01;
	vm6 =	vlt.f32 v16, $5.000000000e-01;
	[tilespmem:$0x4050] =	vst v23  }
0x22c: {  	v21 =	vadd.s32 v48, v21;
	v7 =	vand.u32 $0x7FFFFFFF, v9;
	v9 =	vsel vm10, $0x1, v2;
	[tilespmem:$0x4150] =	vst v40  }
0x22d: {  	v13 =	vsel vm14, $0x1, v2;
	vm14 =	vlt.f32 v15, $7.500000000e-01;
	v27 =	vsel vm6, $0x1, v2;
	v14 =	vld.idx.msk [tilespmem:v11+s2+$0x0], $0xffff  }
0x22e: {  	v4 =	vadd.f32 v7, v4;
	v7 =	vsel vm12, $0x1, v2;
	v8 =	vsel vm13, $0x1, v2;
	v22 =	vld.idx.msk [tilespmem:v11+s10+$0x0], $0xffff  }
0x22f: {  	vm12 =	vlt.f32 v18, $2.500000000e-01;
	vm13 =	vlt.f32 v18, $7.500000000e-01;
	v10 =	vadd.s32 v7, v8  }
0x230: {  	v7 =	vsel vm9, $0x1, v2;
	v8 =	vsel vm15, $0x1, v2;
	vm15 =	vlt.f32 v20, $5.000000000e-01  }
0x231: {  	v18 =	vsel vm13, $0x1, v2;
	vm13 =	vlt.f32 v15, $5.000000000e-01;
	v15 =	vsel vm14, $0x1, v2  }
0x232: {  	vm14 =	vlt.f32 v39, $2.500000000e-01;
	v43 =	vsel vm15, $0x1, v2;
	v42 =	vadd.f32 v14, v23  }
0x233: {  	v10 =	vadd.s32 v18, v10;
	vm15 =	vlt.f32 v17, $5.000000000e-01;
	v44 =	vadd.f32 v22, v40  }
0x234: {  	vm8 =	vlt.f32 v40, $7.500000000e-01;
	vm9 =	vlt.f32 v23, $2.500000000e-01;
	vm10 =	vlt.f32 v40, $2.500000000e-01;
	[tilespmem:$0x4060] =	vst v42  }
0x235: {  	v11 =	vsel vm12, $0x1, v2;
	vm12 =	vlt.f32 v20, $7.500000000e-01;
	v18 =	vsel vm15, $0x1, v2;
	[tilespmem:$0x4160] =	vst v44  }
0x236: {  	v20 =	vsel vm13, $0x1, v2;
	vm13 =	vlt.f32 v16, $7.500000000e-01;
	vm15 =	vlt.f32 v39, $5.000000000e-01;
	v45 =	vld.idx.msk [tilespmem:v41+s2+$0x0], $0xffff  }
0x237: {  	v51 =	vadd.s32 v43, v21;
	v14 =	vsel vm12, $0x1, v2;
	vm12 =	vlt.f32 v17, $7.500000000e-01;
	v17 =	vld.idx.msk [tilespmem:v41+s10+$0x0], $0xffff  }
0x238: {  	v21 =	vsel vm14, $0x1, v2;
	vm14 =	vlt.f32 v23, $5.000000000e-01;
	v30 =	vsel vm8, $0x1, v2  }
0x239: {  	v36 =	vsel vm9, $0x1, v2;
	v37 =	vsel vm10, $0x1, v2;
	v16 =	vsel vm13, $0x1, v2  }
0x23a: {  	v47 =	vsel vm15, $0x1, v2;
	v18 =	vadd.s32 v18, v51;
	vm13 =	vlt.f32 v23, $7.500000000e-01  }
0x23b: {  	vm15 =	vlt.f32 v40, $5.000000000e-01;
	v28 =	vsel vm14, $0x1, v2;
	v49 =	vadd.f32 v45, v42  }
0x23c: {  	v18 =	vadd.s32 v47, v18;
	v53 =	vsel vm13, $0x1, v2;
	v50 =	vadd.f32 v17, v44  }
0x23d: {  	v55 =	vsel vm15, $0x1, v2;
	v22 =	vadd.s32 v15, v10;
	v10 =	vsel vm11, $0x1, v2;
	[tilespmem:$0x4070] =	vst v49  }
0x23e: {  	v15 =	vsel vm12, $0x1, v2;
	v16 =	vadd.s32 v16, v22;
	vm12 =	vlt.f32 v39, $7.500000000e-01;
	[tilespmem:$0x4170] =	vst v50  }
0x23f: {  	v23 =	vadd.s32 v55, v18;
	v22 =	vsel vm12, $0x1, v2;
	v16 =	vadd.s32 v53, v16;
	v52 =	vld.idx.msk [tilespmem:v46+s2+$0x0], $0xffff  }
0x240: {  	vm11 =	vlt.f32 v42, $2.500000000e-01;
	vm4 =	vlt.f32 v42, $5.000000000e-01;
	vm12 =	vlt.f32 v42, $7.500000000e-01;
	v54 =	vld.idx.msk [tilespmem:v46+s10+$0x0], $0xffff  }
0x241: {  	vm13 =	vlt.f32 v44, $2.500000000e-01;
	vm14 =	vlt.f32 v44, $5.000000000e-01;
	v53 =	vor.u32 $0xD, v6  }
0x242: {  	v18 =	vsel vm11, $0x1, v2;
	v29 =	vsel vm12, $0x1, v2;
	v58 =	vsel vm14, $0x1, v2  }
0x243: {  	v39 =	vsel vm13, $0x1, v2;
	v16 =	vadd.s32 v29, v16;
	v41 =	vadd.s32 v58, v23  }
0x244: {  	v17 =	vsel vm5, $0x1, v2;
	vm5 =	vlt.f32 v44, $7.500000000e-01;
	v26 =	vadd.f32 v52, v49  }
0x245: {  	vm15 =	vlt.f32 v49, $2.500000000e-01;
	vm12 =	vlt.f32 v49, $5.000000000e-01;
	v57 =	vadd.f32 v54, v50  }
0x246: {  	vm13 =	vlt.f32 v49, $7.500000000e-01;
	vm14 =	vlt.f32 v50, $2.500000000e-01;
	vm11 =	vlt.f32 v50, $5.000000000e-01;
	[tilespmem:$0x4080] =	vst v26  }
0x247: {  	v31 =	vsel vm15, $0x1, v2;
	vm15 =	vlt.f32 v50, $7.500000000e-01;
	v32 =	vsel vm14, $0x1, v2;
	[tilespmem:$0x4180] =	vst v57  }
0x248: {  	v42 =	vsel vm12, $0x1, v2;
	v61 =	vsel vm13, $0x1, v2;
	v43 =	vsel vm11, $0x1, v2;
	v59 =	vld.idx.msk [tilespmem:v56+s2+$0x0], $0xffff  }
0x249: {  	v35 =	vsel vm15, $0x1, v2;
	v44 =	vadd.s32 v61, v16;
	v61 =	vor.u32 $0xC, v6;
	v23 =	vld.idx.msk [tilespmem:v56+s10+$0x0], $0xffff  }
0x24a: {  	v52 =	vor.u32 $0xE, v6;
	vm12 =	vlt.f32 v26, $2.500000000e-01;
	vm7 =	vlt.f32 v26, $5.000000000e-01  }
0x24b: {  	vm13 =	vlt.f32 v26, $7.500000000e-01;
	vm14 =	vlt.f32 v57, $2.500000000e-01;
	vm15 =	vlt.f32 v57, $7.500000000e-01  }
0x24c: {  	v46 =	vsel vm12, $0x1, v2;
	v47 =	vsel vm14, $0x1, v2;
	vm12 =	vlt.f32 v57, $5.000000000e-01  }
0x24d: {  	v38 =	vsel vm15, $0x1, v2;
	v48 =	vsel vm7, $0x1, v2;
	v40 =	vadd.f32 v59, v26  }
0x24e: {  	v49 =	vsel vm13, $0x1, v2;
	v62 =	vadd.f32 v23, v57;
	v59 =	vsel vm2, $0x1, v2  }
0x24f: {  	v23 =	vsel vm12, $0x1, v2;
	v8 =	vadd.s32 v59, v8;
	[tilespmem:$0x4090] =	vst v40;
	vm6 =	vlt.f32 v40, $2.500000000e-01  }
0x250: {  	[tilespmem:$0x4190] =	vst v62;
	vm7 =	vlt.f32 v40, $5.000000000e-01;
	vm13 =	vlt.f32 v40, $7.500000000e-01;
	vm14 =	vlt.f32 v62, $2.500000000e-01  }
0x251: {  	vm15 =	vlt.f32 v62, $7.500000000e-01;
	vm12 =	vlt.f32 v62, $5.000000000e-01;
	v8 =	vadd.s32 v11, v8;
	v16 =	vld.idx.msk [tilespmem:v60+s2+$0x0], $0xffff  }
0x252: {  	v24 =	vld.idx.msk [tilespmem:v60+s10+$0x0], $0xffff;
	v26 =	vsel vm13, $0x1, v2;
	v50 =	vsel vm14, $0x1, v2;
	v34 =	vsel vm15, $0x1, v2  }
0x253: {  	v33 =	vsel vm7, $0x1, v2;
	vm7 =	vlt.f32 v19, $5.000000000e-01;
	v8 =	vadd.s32 v25, v8  }
0x254: {  	v29 =	vsel vm12, $0x1, v2;
	v60 =	vsel vm7, $0x1, v2;
	v8 =	vadd.s32 v17, v8  }
0x255: {  	v17 =	vsel vm4, $0x1, v2;
	v12 =	vadd.s32 v60, v12;
	v8 =	vadd.s32 v36, v8  }
0x256: {  	v8 =	vadd.s32 v18, v8;
	v18 =	vadd.s32 v49, v44;
	v40 =	vadd.f32 v16, v40  }
0x257: {  	v49 =	vsel vm6, $0x1, v2;
	v8 =	vadd.s32 v31, v8;
	v45 =	vadd.f32 v24, v62  }
0x258: {  	v18 =	vadd.s32 v26, v18;
	v62 =	vsel vm0, $0x1, v2;
	v8 =	vadd.s32 v46, v8;
	[tilespmem:$0x40A0] =	vst v40  }
0x259: {  	v16 =	vor.u32 $0xF, v6;
	v9 =	vadd.s32 v62, v9;
	v8 =	vadd.s32 v49, v8;
	[tilespmem:$0x41A0] =	vst v45  }
0x25a: {  	vm13 =	vlt.f32 v40, $2.500000000e-01;
	vm14 =	vlt.f32 v40, $5.000000000e-01;
	vm10 =	vlt.f32 v40, $7.500000000e-01;
	v57 =	vld.idx.msk [tilespmem:v63+s2+$0x0], $0xffff  }
0x25b: {  	vm11 =	vlt.f32 v45, $2.500000000e-01;
	vm15 =	vlt.f32 v45, $7.500000000e-01;
	vm12 =	vlt.f32 v45, $5.000000000e-01;
	v51 =	vld.idx.msk [tilespmem:v63+s10+$0x0], $0xffff  }
0x25c: {  	v9 =	vadd.s32 v13, v9;
	v13 =	vsel vm3, $0x1, v2;
	v54 =	vsel vm13, $0x1, v2  }
0x25d: {  	v55 =	vsel vm11, $0x1, v2;
	v56 =	vsel vm15, $0x1, v2;
	v63 =	vsel vm1, $0x1, v2  }
0x25e: {  	v19 =	vsel vm14, $0x1, v2;
	v24 =	vsel vm12, $0x1, v2;
	v7 =	vadd.s32 v63, v7  }
0x25f: {  	v58 =	vsel vm10, $0x1, v2;
	v7 =	vadd.s32 v14, v7;
	v14 =	vadd.f32 v57, v40  }
0x260: {  	v11 =	vadd.s32 v13, v12;
	v9 =	vadd.s32 v10, v9;
	v12 =	vadd.f32 v51, v45  }
0x261: {  	v11 =	vadd.s32 v20, v11;
	v9 =	vadd.s32 v21, v9;
	v21 =	vsel vm5, $0x1, v2;
	[tilespmem:$0x40B0] =	vst v14  }
0x262: {  	v8 =	vadd.s32 v54, v8;
	v18 =	vadd.s32 v58, v18;
	v10 =	vadd.s32 v27, v11;
	[tilespmem:$0x41B0] =	vst v12  }
0x263: {  	v9 =	vadd.s32 v37, v9;
	v7 =	vadd.s32 v15, v7;
	v10 =	vadd.s32 v28, v10;
	v57 =	vld.idx.msk [tilespmem:v61+s2+$0x0], $0xffff  }
0x264: {  	v9 =	vadd.s32 v39, v9;
	v7 =	vadd.s32 v22, v7;
	v22 =	vadd.s32 v43, v41;
	v59 =	vld.idx.msk [tilespmem:v61+s10+$0x0], $0xffff  }
0x265: {  	v10 =	vadd.s32 v17, v10;
	v9 =	vadd.s32 v32, v9;
	v7 =	vadd.s32 v30, v7  }
0x266: {  	v10 =	vadd.s32 v42, v10;
	v9 =	vadd.s32 v47, v9;
	v7 =	vadd.s32 v21, v7  }
0x267: {  	v9 =	vadd.s32 v50, v9;
	vm13 =	vlt.f32 v14, $2.500000000e-01;
	vm14 =	vlt.f32 v14, $5.000000000e-01  }
0x268: {  	vm15 =	vlt.f32 v14, $7.500000000e-01;
	vm7 =	vlt.f32 v12, $2.500000000e-01;
	v14 =	vadd.f32 v57, v14  }
0x269: {  	vm8 =	vlt.f32 v12, $7.500000000e-01;
	vm9 =	vlt.f32 v12, $5.000000000e-01;
	v12 =	vadd.f32 v59, v12  }
0x26a: {  	v10 =	vadd.s32 v48, v10;
	v7 =	vadd.s32 v35, v7;
	v9 =	vadd.s32 v55, v9;
	[tilespmem:$0x40C0] =	vst v14  }
0x26b: {  	v10 =	vadd.s32 v33, v10;
	v13 =	vsel vm13, $0x1, v2;
	v20 =	vsel vm7, $0x1, v2;
	[tilespmem:$0x41C0] =	vst v12  }
0x26c: {  	v25 =	vsel vm15, $0x1, v2;
	v40 =	vsel vm8, $0x1, v2;
	v15 =	vsel vm14, $0x1, v2;
	v61 =	vld.idx.msk [tilespmem:v53+s2+$0x0], $0xffff  }
0x26d: {  	v11 =	vsel vm9, $0x1, v2;
	v7 =	vadd.s32 v38, v7;
	v10 =	vadd.s32 v19, v10;
	v45 =	vld.idx.msk [tilespmem:v53+s10+$0x0], $0xffff  }
0x26e: {  	v8 =	vadd.s32 v13, v8;
	v9 =	vadd.s32 v20, v9;
	v7 =	vadd.s32 v34, v7  }
0x26f: {  	v18 =	vadd.s32 v25, v18;
	v10 =	vadd.s32 v15, v10;
	v7 =	vadd.s32 v56, v7  }
0x270: {  	v7 =	vadd.s32 v40, v7;
	vm10 =	vlt.f32 v14, $2.500000000e-01;
	vm11 =	vlt.f32 v14, $5.000000000e-01  }
0x271: {  	vm12 =	vlt.f32 v14, $7.500000000e-01;
	vm13 =	vlt.f32 v12, $2.500000000e-01;
	v14 =	vadd.f32 v61, v14  }
0x272: {  	vm14 =	vlt.f32 v12, $7.500000000e-01;
	vm15 =	vlt.f32 v12, $5.000000000e-01;
	v12 =	vadd.f32 v45, v12  }
0x273: {  	v17 =	vsel vm10, $0x1, v2;
	v21 =	vsel vm13, $0x1, v2;
	v60 =	vsel vm14, $0x1, v2;
	[tilespmem:$0x40D0] =	vst v14  }
0x274: {  	v62 =	vsel vm11, $0x1, v2;
	v63 =	vsel vm15, $0x1, v2;
	v43 =	vsel vm12, $0x1, v2;
	[tilespmem:$0x41D0] =	vst v12  }
0x275: {  	v8 =	vadd.s32 v17, v8;
	v9 =	vadd.s32 v21, v9;
	v7 =	vadd.s32 v60, v7;
	v53 =	vld.idx.msk [tilespmem:v52+s2+$0x0], $0xffff  }
0x276: {  	v18 =	vadd.s32 v43, v18;
	v10 =	vadd.s32 v62, v10;
	vm7 =	vlt.f32 v14, $2.500000000e-01;
	v55 =	vld.idx.msk [tilespmem:v52+s10+$0x0], $0xffff  }
0x277: {  	vm8 =	vlt.f32 v14, $5.000000000e-01;
	vm9 =	vlt.f32 v14, $7.500000000e-01;
	vm10 =	vlt.f32 v12, $2.500000000e-01  }
0x278: {  	vm11 =	vlt.f32 v12, $7.500000000e-01;
	vm12 =	vlt.f32 v12, $5.000000000e-01;
	v13 =	vsel vm7, $0x1, v2  }
0x279: {  	v50 =	vsel vm10, $0x1, v2;
	v8 =	vadd.s32 v13, v8;
	v13 =	vadd.s32 v23, v22  }
0x27a: {  	v51 =	vsel vm11, $0x1, v2;
	v13 =	vadd.s32 v29, v13;
	v14 =	vadd.f32 v53, v14  }
0x27b: {  	v20 =	vsel vm8, $0x1, v2;
	v13 =	vadd.s32 v24, v13;
	v12 =	vadd.f32 v55, v12  }
0x27c: {  	v54 =	vsel vm12, $0x1, v2;
	v17 =	vsel vm9, $0x1, v2;
	v11 =	vadd.s32 v11, v13;
	[tilespmem:$0x40E0] =	vst v14  }
0x27d: {  	v9 =	vadd.s32 v50, v9;
	v7 =	vadd.s32 v51, v7;
	v11 =	vadd.s32 v63, v11;
	[tilespmem:$0x41E0] =	vst v12  }
0x27e: {  	v10 =	vadd.s32 v20, v10;
	v13 =	vadd.s32 v17, v18;
	v11 =	vadd.s32 v54, v11;
	v23 =	vld.idx.msk [tilespmem:v16+s2+$0x0], $0xffff  }
0x27f: {  	vm13 =	vlt.f32 v14, $2.500000000e-01;
	vm14 =	vlt.f32 v14, $5.000000000e-01;
	vm15 =	vlt.f32 v14, $7.500000000e-01;
	v16 =	vld.idx.msk [tilespmem:v16+s10+$0x0], $0xffff  }
0x280: {  	vm6 =	vlt.f32 v12, $2.500000000e-01;
	vm7 =	vlt.f32 v12, $7.500000000e-01;
	vm8 =	vlt.f32 v12, $5.000000000e-01  }
0x281: {  	v21 =	vsel vm13, $0x1, v2;
	v22 =	vsel vm6, $0x1, v2;
	v57 =	vsel vm15, $0x1, v2  }
0x282: {  	v8 =	vadd.s32 v21, v8;
	v21 =	vsel vm7, $0x1, v2;
	v9 =	vadd.s32 v22, v9  }
0x283: {  	v22 =	vsel vm8, $0x1, v2;
	v13 =	vadd.s32 v57, v13;
	v14 =	vadd.f32 v23, v14  }
0x284: {  	v7 =	vadd.s32 v21, v7;
	v21 =	vsel vm14, $0x1, v2;
	v12 =	vadd.f32 v16, v12  }
0x285: {  	v11 =	vadd.s32 v22, v11;
	v10 =	vadd.s32 v21, v10;
	vm9 =	vlt.f32 v14, $2.500000000e-01  }
0x286: {  	vm10 =	vlt.f32 v14, $5.000000000e-01;
	vm11 =	vlt.f32 v14, $7.500000000e-01;
	vm12 =	vlt.f32 v12, $2.500000000e-01  }
0x287: {  	vm13 =	vlt.f32 v12, $5.000000000e-01;
	vm14 =	vlt.f32 v12, $7.500000000e-01;
	v15 =	vsel vm9, $0x1, v2  }
0x288: {  	v16 =	vsel vm10, $0x1, v2;
	v17 =	vsel vm12, $0x1, v2;
	v8 =	vadd.s32 v15, v8  }
0x289: {  	v10 =	vadd.s32 v16, v10;
	v9 =	vadd.s32 v17, v9;
	v15 =	vsel vm11, $0x1, v2  }
0x28a: {  	v17 =	vmin.u32 v10, $0xF;
	v8 =	vmin.u32 v8, $0xF;
	v9 =	vmin.u32 v9, $0xF  }
0x28b: {  	[tilespmem:$0x41F0] =	vst v12;
	v10 =	vsel vm13, $0x1, v2;
	v12 =	vadd.s32 v15, v13;
	v16 =	vor.u32 v6, v8  }
0x28c: {  	v18 =	vshll.u32 v9, $0x4;
	v10 =	vadd.s32 v10, v11;
	v11 =	vor.u32 v6, v9  }
0x28d: {  	v9 =	vcvt.s32.f32 v9;
	v21 =	vor.u32 v6, v17;
	v19 =	vmin.u32 v10, $0xF  }
0x28e: {  	[tilespmem:$0x40F0] =	vst v14;
	v13 =	vshll.u32 v8, $0x4;
	v10 =	vsel vm14, $0x1, v2;
	v14 =	vor.u32 v6, v19  }
0x28f: {  	v22 =	vmin.u32 v12, $0xF;
	v18 =	vor.u32 v0, v18;
	v7 =	vadd.s32 v10, v7  }
0x290: {  	v23 =	vor.u32 v0, v13;
	v13 =	vor.u32 v6, v22;
	v15 =	vmin.u32 v7, $0xF;
	v16 =	vld.idx.msk [tilespmem:v16+s2+$0x0], $0xffff  }
0x291: {  	v10 =	vadd.f32 $1.000000000e+00, v9;
	v9 =	vor.u32 v6, v15;
	v6 =	vshll.u32 v19, $0x4;
	v58 =	vld.idx.msk [tilespmem:v11+s10+$0x0], $0xffff  }
0x292: {  	s31 =	simm.s32 $0x110;
	v7 =	vor.u32 v12, v7;
	v11 =	vshll.u32 v22, $0x4;
	v60 =	vor.u32 v0, v6;
	v62 =	vld.idx.msk [tilespmem:v21+s2+$0x0], $0xffff  }
0x293: {  	v6 =	vshll.u32 v17, $0x4;
	v61 =	vld.idx.msk [tilespmem:v14+s10+$0x0], $0xffff;
	v14 =	vor.u32 v0, v11;
	v11 =	vmov s31  }
0x294: {  	vm15 =	vlt.u32 v7, $0x10;
	v59 =	vld.idx.msk [tilespmem:v18+s14+$0x0], $0xffff;
	v63 =	vor.u32 v0, v6;
	v6 =	vshll.u32 v11, $0x4  }
0x295: {  	v7 =	vcvt.s32.f32 v22;
	v13 =	vld.idx.msk [tilespmem:v13+s2+$0x0], $0xffff;
	v6 =	vor.u32 v1, v6;
	(erf) = vrcp.f32 v16  }
0x296: {  	v21 =	vcvt.s32.f32 v8;
	v18 =	vshll.u32 v15, $0x4;
	v9 =	vld.idx.msk [tilespmem:v9+s10+$0x0], $0xffff;
	(erf) = vrcp.f32 v58  }
0x297: {  	v22 =	vcvt.s32.f32 v17;
	v15 =	vcvt.s32.f32 v15;
	v20 =	vor.u32 v0, v18;
	v18 =	vld.idx.msk [tilespmem:v23+s13+$0x0], $0xffff  }
0x298: {  	v12 =	vsel vm15, $0x0, v3;
	v11 =	vcvt.s32.f32 v19;
	v19 =	vld.idx.msk [tilespmem:v60+s14+$0x0], $0xffff;
	(erf) = vrcp.f32 v61  }
0x299: {  	s18 =	simm.s32 $0x120;
	v5 =	vadd.f32 v12, v5;
	v12 =	vsub.f32 $2.500000000e-01, v59;
	v16 =	vld.idx.msk [tilespmem:v63+s13+$0x0], $0xffff;
	(erf) = vrcp.f32 v62  }
.LBB2_4:
0x29a: {  	p0 =	sne.s32 s18, $0x1F0;
	v8 =	vld.idx.msk [tilespmem:v6+s2+$0x0], $0xffff;
	s19 =	smov.u32 s18;
	s18 =	sadd.s32 $0x10, s18  }
0x29b: {  	v17 =	vld.idx.msk [tilespmem:v6+s10+$0x0], $0xffff;
	(erf) = vrcp.f32 v9  }
0x29c: {  	v9 =	vadd.f32 $1.000000000e+00, v21;
	v20 =	vld.idx.msk [tilespmem:v20+s14+$0x0], $0xffff;
	(erf) = vrcp.f32 v13  }
0x29d: {  	v13 =	vsub.f32 $2.500000000e-01, v18;
	v18 =	vadd.f32 $1.000000000e+00, v22;
	v14 =	vld.idx.msk [tilespmem:v14+s13+$0x0], $0xffff  }
0x29e: {  	v15 =	vadd.f32 $1.000000000e+00, v15;
	v19 =	vsub.f32 $5.000000000e-01, v19;
	v21 =	vpop (erf)  }
0x29f: {  	v22 =	vor.u32 $0x1, v6;
	v16 =	vsub.f32 $5.000000000e-01, v16;
	v26 =	vmul.f32 v21, v13;
	v21 =	vpop (erf)  }
0x2a0: {  	v23 =	vadd.f32 $0.0e+00, v8;
	vm0 =	vlt.f32 v8, $7.500000000e-01;
	v12 =	vmul.f32 v21, v12  }
0x2a1: {  	v27 =	vadd.f32 $1.000000000e+00, v11;
	v21 =	vadd.f32 $0.0e+00, v17;
	v24 =	vsel vm0, $0x1, v2;
	v25 =	vpop (erf)  }
0x2a2: {  	v9 =	vadd.f32 v26, v9;
	[tilespmem:$0x4000] =	vst v23;
	v10 =	vadd.f32 v12, v10;
	v12 =	vmul.f32 v25, v19;
	v13 =	vpop (erf)  }
0x2a3: {  	v20 =	vsub.f32 $7.500000000e-01, v20;
	v14 =	vsub.f32 $7.500000000e-01, v14;
	[tilespmem:$0x4100] =	vst v21;
	v13 =	vmul.f32 v13, v16  }
0x2a4: {  	vm4 =	vlt.f32 v17, $5.000000000e-01;
	v19 =	vld.idx.msk [tilespmem:v22+s2+$0x0], $0xffff;
	v9 =	vsub.f32 v9, v10;
	v10 =	vadd.f32 v12, v27;
	v11 =	vpop (erf)  }
0x2a5: {  	v7 =	vadd.f32 $1.000000000e+00, v7;
	v12 =	vld.idx.msk [tilespmem:v22+s10+$0x0], $0xffff;
	v13 =	vadd.f32 v13, v18;
	v11 =	vmul.f32 v11, v20;
	v16 =	vpop (erf)  }
0x2a6: {  	vm0 =	vlt.f32 v17, $2.500000000e-01;
	v9 =	vand.u32 $0x7FFFFFFF, v9;
	v14 =	vmul.f32 v16, v14  }
0x2a7: {  	vm1 =	vlt.f32 v17, $7.500000000e-01;
	v10 =	vsub.f32 v13, v10;
	v11 =	vadd.f32 v11, v15  }
0x2a8: {  	vm2 =	vlt.f32 v8, $2.500000000e-01;
	v4 =	vadd.f32 v9, v4;
	v7 =	vadd.f32 v14, v7  }
0x2a9: {  	v9 =	vor.u32 $0x2, v6;
	v10 =	vand.u32 $0x7FFFFFFF, v10  }
0x2aa: {  	v13 =	vadd.f32 v19, v23;
	v7 =	vsub.f32 v7, v11  }
0x2ab: {  	v12 =	vadd.f32 v12, v21;
	v4 =	vadd.f32 v10, v4  }
0x2ac: {  	vm3 =	vlt.f32 v13, $2.500000000e-01;
	vm5 =	vlt.f32 v13, $7.500000000e-01;
	[tilespmem:$0x4010] =	vst v13;
	v7 =	vand.u32 $0x7FFFFFFF, v7  }
0x2ad: {  	vm6 =	vlt.f32 v12, $5.000000000e-01;
	v10 =	vsel vm5, $0x1, v2;
	[tilespmem:$0x4110] =	vst v12;
	v4 =	vadd.f32 v7, v4  }
0x2ae: {  	vm5 =	vlt.f32 v12, $7.500000000e-01;
	v23 =	vsel vm6, $0x1, v2;
	v14 =	vadd.s32 v24, v10;
	v15 =	vld.idx.msk [tilespmem:v9+s2+$0x0], $0xffff  }
0x2af: {  	vm7 =	vlt.f32 v13, $5.000000000e-01;
	vm6 =	vlt.f32 v12, $2.500000000e-01;
	v7 =	vsel vm5, $0x1, v2;
	v16 =	vld.idx.msk [tilespmem:v9+s10+$0x0], $0xffff  }
0x2b0: {  	v11 =	vsel vm7, $0x1, v2;
	v10 =	vsel vm6, $0x1, v2;
	v9 =	vsel vm3, $0x1, v2;
	_ =	sdelay $0x2  }
0x2b1: {  	v17 =	vor.u32 $0x3, v6  }
0x2b2: {  	v18 =	vadd.f32 v15, v13  }
0x2b3: {  	v16 =	vadd.f32 v16, v12  }
0x2b4: {  	vm5 =	vlt.f32 v18, $2.500000000e-01;
	vm3 =	vlt.f32 v18, $5.000000000e-01;
	vm6 =	vlt.f32 v18, $7.500000000e-01;
	[tilespmem:$0x4020] =	vst v18  }
0x2b5: {  	vm7 =	vlt.f32 v16, $2.500000000e-01;
	vm8 =	vlt.f32 v16, $5.000000000e-01;
	v19 =	vsel vm6, $0x1, v2;
	[tilespmem:$0x4120] =	vst v16  }
0x2b6: {  	v12 =	vsel vm5, $0x1, v2;
	v13 =	vsel vm7, $0x1, v2;
	v24 =	vsel vm8, $0x1, v2;
	v20 =	vld.idx.msk [tilespmem:v17+s2+$0x0], $0xffff  }
0x2b7: {  	vm5 =	vlt.f32 v16, $7.500000000e-01;
	v17 =	vld.idx.msk [tilespmem:v17+s10+$0x0], $0xffff  }
0x2b8: {  	v15 =	vsel vm5, $0x1, v2;
	_ =	sdelay $0x2  }
0x2b9: {  	v21 =	vor.u32 $0x4, v6  }
0x2ba: {  	v18 =	vadd.f32 v20, v18  }
0x2bb: {  	v20 =	vadd.f32 v17, v16  }
0x2bc: {  	vm5 =	vlt.f32 v18, $2.500000000e-01;
	vm6 =	vlt.f32 v18, $5.000000000e-01;
	vm7 =	vlt.f32 v18, $7.500000000e-01;
	[tilespmem:$0x4030] =	vst v18  }
0x2bd: {  	v14 =	vadd.s32 v19, v14;
	vm8 =	vlt.f32 v20, $5.000000000e-01;
	v16 =	vsel vm7, $0x1, v2;
	[tilespmem:$0x4130] =	vst v20  }
0x2be: {  	vm7 =	vlt.f32 v20, $2.500000000e-01;
	v25 =	vsel vm8, $0x1, v2;
	v19 =	vadd.s32 v16, v14;
	v22 =	vld.idx.msk [tilespmem:v21+s2+$0x0], $0xffff  }
0x2bf: {  	v17 =	vsel vm6, $0x1, v2;
	vm6 =	vlt.f32 v20, $7.500000000e-01;
	v14 =	vsel vm7, $0x1, v2;
	v26 =	vld.idx.msk [tilespmem:v21+s10+$0x0], $0xffff  }
0x2c0: {  	v16 =	vsel vm6, $0x1, v2;
	v21 =	vsel vm5, $0x1, v2;
	_ =	sdelay $0x2  }
0x2c1: {  	v27 =	vor.u32 $0x5, v6  }
0x2c2: {  	v28 =	vadd.f32 v22, v18  }
0x2c3: {  	v26 =	vadd.f32 v26, v20  }
0x2c4: {  	vm5 =	vlt.f32 v28, $2.500000000e-01;
	vm6 =	vlt.f32 v28, $5.000000000e-01;
	vm7 =	vlt.f32 v28, $7.500000000e-01;
	[tilespmem:$0x4040] =	vst v28  }
0x2c5: {  	vm8 =	vlt.f32 v26, $2.500000000e-01;
	vm9 =	vlt.f32 v26, $5.000000000e-01;
	v18 =	vsel vm7, $0x1, v2;
	[tilespmem:$0x4140] =	vst v26  }
0x2c6: {  	vm7 =	vlt.f32 v26, $7.500000000e-01;
	v29 =	vsel vm9, $0x1, v2;
	v30 =	vadd.s32 v18, v19;
	v31 =	vld.idx.msk [tilespmem:v27+s2+$0x0], $0xffff  }
0x2c7: {  	v18 =	vsel vm5, $0x1, v2;
	v19 =	vsel vm8, $0x1, v2;
	v20 =	vsel vm7, $0x1, v2;
	v27 =	vld.idx.msk [tilespmem:v27+s10+$0x0], $0xffff  }
0x2c8: {  	v22 =	vsel vm6, $0x1, v2;
	_ =	sdelay $0x1  }
0x2c9: {  	v32 =	vsel vm4, $0x1, v2  }
0x2ca: {  	v23 =	vadd.s32 v32, v23;
	v32 =	vor.u32 $0x6, v6  }
0x2cb: {  	v23 =	vadd.s32 v24, v23;
	v31 =	vadd.f32 v31, v28  }
0x2cc: {  	v23 =	vadd.s32 v25, v23;
	v26 =	vadd.f32 v27, v26  }
0x2cd: {  	v23 =	vadd.s32 v29, v23;
	vm4 =	vlt.f32 v31, $5.000000000e-01;
	vm5 =	vlt.f32 v31, $7.500000000e-01;
	[tilespmem:$0x4050] =	vst v31  }
0x2ce: {  	vm6 =	vlt.f32 v26, $5.000000000e-01;
	v29 =	vsel vm5, $0x1, v2;
	vm5 =	vlt.f32 v26, $7.500000000e-01;
	[tilespmem:$0x4150] =	vst v26  }
0x2cf: {  	v24 =	vsel vm4, $0x1, v2;
	v27 =	vsel vm6, $0x1, v2;
	v25 =	vsel vm5, $0x1, v2;
	v33 =	vld.idx.msk [tilespmem:v32+s2+$0x0], $0xffff  }
0x2d0: {  	vm4 =	vlt.f32 v31, $2.500000000e-01;
	vm5 =	vlt.f32 v26, $2.500000000e-01;
	v34 =	vadd.s32 v27, v23;
	v23 =	vld.idx.msk [tilespmem:v32+s10+$0x0], $0xffff  }
0x2d1: {  	v27 =	vsel vm4, $0x1, v2;
	v28 =	vsel vm5, $0x1, v2;
	_ =	sdelay $0x2  }
0x2d2: {  	v32 =	vor.u32 $0x7, v6  }
0x2d3: {  	v31 =	vadd.f32 v33, v31  }
0x2d4: {  	v29 =	vadd.s32 v29, v30;
	v26 =	vadd.f32 v23, v26  }
0x2d5: {  	vm5 =	vlt.f32 v31, $2.500000000e-01;
	vm4 =	vlt.f32 v31, $5.000000000e-01;
	vm6 =	vlt.f32 v31, $7.500000000e-01;
	[tilespmem:$0x4060] =	vst v31  }
0x2d6: {  	v23 =	vsel vm5, $0x1, v2;
	vm5 =	vlt.f32 v26, $2.500000000e-01;
	v30 =	vsel vm6, $0x1, v2;
	[tilespmem:$0x4160] =	vst v26  }
0x2d7: {  	v33 =	vsel vm5, $0x1, v2;
	vm5 =	vlt.f32 v26, $5.000000000e-01;
	v29 =	vadd.s32 v30, v29;
	v30 =	vld.idx.msk [tilespmem:v32+s2+$0x0], $0xffff  }
0x2d8: {  	v35 =	vsel vm5, $0x1, v2;
	vm5 =	vlt.f32 v26, $7.500000000e-01;
	v32 =	vld.idx.msk [tilespmem:v32+s10+$0x0], $0xffff  }
0x2d9: {  	v37 =	vadd.s32 v35, v34;
	_ =	sdelay $0x2  }
0x2da: {  	v34 =	vor.u32 $0x8, v6  }
0x2db: {  	v36 =	vadd.f32 v30, v31  }
0x2dc: {  	v26 =	vadd.f32 v32, v26  }
0x2dd: {  	vm6 =	vlt.f32 v36, $2.500000000e-01;
	vm7 =	vlt.f32 v36, $5.000000000e-01;
	vm8 =	vlt.f32 v36, $7.500000000e-01;
	[tilespmem:$0x4070] =	vst v36  }
0x2de: {  	v30 =	vsel vm6, $0x1, v2;
	vm6 =	vlt.f32 v26, $2.500000000e-01;
	vm9 =	vlt.f32 v26, $7.500000000e-01;
	[tilespmem:$0x4170] =	vst v26  }
0x2df: {  	v35 =	vsel vm7, $0x1, v2;
	v31 =	vsel vm6, $0x1, v2;
	v32 =	vsel vm9, $0x1, v2;
	v39 =	vld.idx.msk [tilespmem:v34+s2+$0x0], $0xffff  }
0x2e0: {  	v38 =	vsel vm8, $0x1, v2;
	vm6 =	vlt.f32 v26, $5.000000000e-01;
	v34 =	vld.idx.msk [tilespmem:v34+s10+$0x0], $0xffff  }
0x2e1: {  	v38 =	vadd.s32 v38, v29;
	v48 =	vsel vm6, $0x1, v2;
	_ =	sdelay $0x2  }
0x2e2: {  	v29 =	vor.u32 $0x9, v6  }
0x2e3: {  	v36 =	vadd.f32 v39, v36  }
0x2e4: {  	v34 =	vadd.f32 v34, v26  }
0x2e5: {  	vm6 =	vlt.f32 v36, $2.500000000e-01;
	vm7 =	vlt.f32 v36, $5.000000000e-01;
	vm8 =	vlt.f32 v36, $7.500000000e-01;
	[tilespmem:$0x4080] =	vst v36  }
0x2e6: {  	v42 =	vsel vm6, $0x1, v2;
	vm6 =	vlt.f32 v34, $2.500000000e-01;
	vm9 =	vlt.f32 v34, $7.500000000e-01;
	[tilespmem:$0x4180] =	vst v34  }
0x2e7: {  	v43 =	vsel vm6, $0x1, v2;
	vm6 =	vlt.f32 v34, $5.000000000e-01;
	v44 =	vsel vm9, $0x1, v2;
	v39 =	vld.idx.msk [tilespmem:v29+s2+$0x0], $0xffff  }
0x2e8: {  	v45 =	vsel vm7, $0x1, v2;
	v47 =	vsel vm8, $0x1, v2;
	v26 =	vsel vm6, $0x1, v2;
	v29 =	vld.idx.msk [tilespmem:v29+s10+$0x0], $0xffff;
	_ =	sdelay $0x3  }
0x2e9: {  	v46 =	vor.u32 $0xA, v6  }
0x2ea: {  	v36 =	vadd.f32 v39, v36  }
0x2eb: {  	v49 =	vadd.f32 v29, v34  }
0x2ec: {  	vm6 =	vlt.f32 v36, $2.500000000e-01;
	vm7 =	vlt.f32 v36, $5.000000000e-01;
	vm8 =	vlt.f32 v36, $7.500000000e-01;
	[tilespmem:$0x4090] =	vst v36  }
0x2ed: {  	vm9 =	vlt.f32 v49, $2.500000000e-01;
	v34 =	vsel vm8, $0x1, v2;
	vm8 =	vlt.f32 v49, $7.500000000e-01;
	[tilespmem:$0x4190] =	vst v49  }
0x2ee: {  	v51 =	vsel vm9, $0x1, v2;
	vm9 =	vlt.f32 v49, $5.000000000e-01;
	v41 =	vsel vm8, $0x1, v2;
	v29 =	vld.idx.msk [tilespmem:v46+s2+$0x0], $0xffff  }
0x2ef: {  	v40 =	vsel vm7, $0x1, v2;
	v39 =	vsel vm9, $0x1, v2;
	v50 =	vld.idx.msk [tilespmem:v46+s10+$0x0], $0xffff;
	_ =	sdelay $0x3  }
0x2f0: {  	v52 =	vor.u32 $0xB, v6  }
0x2f1: {  	v46 =	vor.u32 $0xE, v6;
	v53 =	vadd.f32 v29, v36;
	v29 =	vor.u32 $0xF, v6  }
0x2f2: {  	v55 =	vor.u32 $0xD, v6;
	vm7 =	vlt.f32 v8, $5.000000000e-01;
	v54 =	vadd.f32 v50, v49  }
0x2f3: {  	vm8 =	vlt.f32 v53, $2.500000000e-01;
	vm9 =	vlt.f32 v53, $5.000000000e-01;
	vm10 =	vlt.f32 v53, $7.500000000e-01;
	[tilespmem:$0x40A0] =	vst v53  }
0x2f4: {  	v56 =	vsel vm8, $0x1, v2;
	vm8 =	vlt.f32 v54, $2.500000000e-01;
	vm11 =	vlt.f32 v54, $7.500000000e-01;
	[tilespmem:$0x41A0] =	vst v54  }
0x2f5: {  	v57 =	vsel vm8, $0x1, v2;
	vm8 =	vlt.f32 v54, $5.000000000e-01;
	v50 =	vsel vm11, $0x1, v2;
	v58 =	vld.idx.msk [tilespmem:v52+s2+$0x0], $0xffff  }
0x2f6: {  	v8 =	vsel vm9, $0x1, v2;
	v49 =	vsel vm10, $0x1, v2;
	v36 =	vsel vm8, $0x1, v2;
	v52 =	vld.idx.msk [tilespmem:v52+s10+$0x0], $0xffff  }
0x2f7: {  	v61 =	vor.u32 $0xC, v6;
	v59 =	vsel vm2, $0x1, v2;
	v60 =	vsel vm7, $0x1, v2  }
0x2f8: {  	v62 =	vsel vm0, $0x1, v2;
	v63 =	vsel vm1, $0x1, v2;
	v11 =	vadd.s32 v60, v11  }
0x2f9: {  	v7 =	vadd.s32 v63, v7;
	v10 =	vadd.s32 v62, v10;
	v9 =	vadd.s32 v59, v9  }
0x2fa: {  	v10 =	vadd.s32 v13, v10;
	v13 =	vsel vm3, $0x1, v2;
	v7 =	vadd.s32 v15, v7  }
0x2fb: {  	v9 =	vadd.s32 v12, v9;
	v11 =	vadd.s32 v13, v11;
	v12 =	vadd.f32 v58, v53  }
0x2fc: {  	v13 =	vadd.s32 v21, v9;
	v9 =	vadd.s32 v17, v11;
	v11 =	vadd.f32 v52, v54  }
0x2fd: {  	vm0 =	vlt.f32 v12, $2.500000000e-01;
	vm1 =	vlt.f32 v12, $5.000000000e-01;
	vm2 =	vlt.f32 v12, $7.500000000e-01;
	[tilespmem:$0x40B0] =	vst v12  }
0x2fe: {  	v15 =	vsel vm0, $0x1, v2;
	vm0 =	vlt.f32 v11, $2.500000000e-01;
	vm3 =	vlt.f32 v11, $7.500000000e-01;
	[tilespmem:$0x41B0] =	vst v11  }
0x2ff: {  	v21 =	vsel vm2, $0x1, v2;
	v17 =	vsel vm0, $0x1, v2;
	v52 =	vsel vm3, $0x1, v2;
	v53 =	vld.idx.msk [tilespmem:v61+s2+$0x0], $0xffff  }
0x300: {  	v16 =	vadd.s32 v16, v7;
	v7 =	vsel vm1, $0x1, v2;
	vm0 =	vlt.f32 v11, $5.000000000e-01;
	v54 =	vld.idx.msk [tilespmem:v61+s10+$0x0], $0xffff  }
0x301: {  	v10 =	vadd.s32 v14, v10;
	v14 =	vadd.s32 v22, v9;
	v9 =	vsel vm0, $0x1, v2  }
0x302: {  	v10 =	vadd.s32 v19, v10;
	v16 =	vadd.s32 v20, v16;
	v13 =	vadd.s32 v18, v13  }
0x303: {  	v16 =	vadd.s32 v25, v16;
	v10 =	vadd.s32 v28, v10;
	v13 =	vadd.s32 v27, v13  }
0x304: {  	v19 =	vsel vm5, $0x1, v2;
	v18 =	vsel vm4, $0x1, v2;
	v14 =	vadd.s32 v24, v14  }
0x305: {  	v10 =	vadd.s32 v33, v10;
	v20 =	vadd.s32 v48, v37;
	v12 =	vadd.f32 v53, v12  }
0x306: {  	v16 =	vadd.s32 v19, v16;
	v14 =	vadd.s32 v18, v14;
	v11 =	vadd.f32 v54, v11  }
0x307: {  	vm0 =	vlt.f32 v12, $2.500000000e-01;
	vm1 =	vlt.f32 v12, $5.000000000e-01;
	vm2 =	vlt.f32 v12, $7.500000000e-01;
	[tilespmem:$0x40C0] =	vst v12  }
0x308: {  	v18 =	vsel vm0, $0x1, v2;
	vm0 =	vlt.f32 v11, $2.500000000e-01;
	vm3 =	vlt.f32 v11, $7.500000000e-01;
	[tilespmem:$0x41C0] =	vst v11  }
0x309: {  	v19 =	vsel vm0, $0x1, v2;
	vm0 =	vlt.f32 v11, $5.000000000e-01;
	v22 =	vsel vm3, $0x1, v2;
	v24 =	vld.idx.msk [tilespmem:v55+s2+$0x0], $0xffff  }
0x30a: {  	v25 =	vsel vm1, $0x1, v2;
	v28 =	vsel vm2, $0x1, v2;
	v27 =	vsel vm0, $0x1, v2;
	v33 =	vld.idx.msk [tilespmem:v55+s10+$0x0], $0xffff  }
0x30b: {  	v13 =	vadd.s32 v23, v13;
	v23 =	vadd.s32 v47, v38;
	v14 =	vadd.s32 v35, v14  }
0x30c: {  	v16 =	vadd.s32 v32, v16;
	v13 =	vadd.s32 v30, v13;
	v14 =	vadd.s32 v45, v14  }
0x30d: {  	v10 =	vadd.s32 v31, v10;
	v30 =	vsel vm6, $0x1, v2;
	v13 =	vadd.s32 v42, v13  }
0x30e: {  	v10 =	vadd.s32 v43, v10;
	v16 =	vadd.s32 v44, v16;
	v13 =	vadd.s32 v30, v13  }
0x30f: {  	v10 =	vadd.s32 v51, v10;
	v13 =	vadd.s32 v56, v13;
	v12 =	vadd.f32 v24, v12  }
0x310: {  	v10 =	vadd.s32 v57, v10;
	v13 =	vadd.s32 v15, v13;
	v11 =	vadd.f32 v33, v11  }
0x311: {  	vm0 =	vlt.f32 v12, $2.500000000e-01;
	vm1 =	vlt.f32 v12, $5.000000000e-01;
	vm2 =	vlt.f32 v12, $7.500000000e-01;
	[tilespmem:$0x40D0] =	vst v12  }
0x312: {  	v15 =	vsel vm0, $0x1, v2;
	vm0 =	vlt.f32 v11, $2.500000000e-01;
	vm3 =	vlt.f32 v11, $7.500000000e-01;
	[tilespmem:$0x41D0] =	vst v11  }
0x313: {  	v24 =	vsel vm0, $0x1, v2;
	vm0 =	vlt.f32 v11, $5.000000000e-01;
	v30 =	vsel vm3, $0x1, v2;
	v31 =	vld.idx.msk [tilespmem:v46+s2+$0x0], $0xffff  }
0x314: {  	v10 =	vadd.s32 v17, v10;
	v17 =	vsel vm1, $0x1, v2;
	v32 =	vsel vm0, $0x1, v2;
	v33 =	vld.idx.msk [tilespmem:v46+s10+$0x0], $0xffff  }
0x315: {  	v13 =	vadd.s32 v18, v13;
	v10 =	vadd.s32 v19, v10;
	v18 =	vsel vm2, $0x1, v2  }
0x316: {  	v16 =	vadd.s32 v41, v16;
	v13 =	vadd.s32 v15, v13;
	v10 =	vadd.s32 v24, v10  }
0x317: {  	v14 =	vadd.s32 v40, v14;
	v16 =	vadd.s32 v50, v16;
	v15 =	vadd.s32 v26, v20  }
0x318: {  	v16 =	vadd.s32 v52, v16;
	v19 =	vadd.s32 v34, v23;
	v15 =	vadd.s32 v39, v15  }
0x319: {  	v16 =	vadd.s32 v22, v16;
	v19 =	vadd.s32 v49, v19;
	v12 =	vadd.f32 v31, v12  }
0x31a: {  	v19 =	vadd.s32 v21, v19;
	v16 =	vadd.s32 v30, v16;
	v11 =	vadd.f32 v33, v11  }
0x31b: {  	vm0 =	vlt.f32 v12, $2.500000000e-01;
	vm1 =	vlt.f32 v12, $5.000000000e-01;
	vm2 =	vlt.f32 v12, $7.500000000e-01;
	[tilespmem:$0x40E0] =	vst v12  }
0x31c: {  	v20 =	vsel vm0, $0x1, v2;
	vm0 =	vlt.f32 v11, $2.500000000e-01;
	vm3 =	vlt.f32 v11, $7.500000000e-01;
	[tilespmem:$0x41E0] =	vst v11  }
0x31d: {  	v13 =	vadd.s32 v20, v13;
	v20 =	vsel vm0, $0x1, v2;
	v21 =	vsel vm3, $0x1, v2;
	v22 =	vld.idx.msk [tilespmem:v29+s2+$0x0], $0xffff  }
0x31e: {  	vm0 =	vlt.f32 v11, $5.000000000e-01;
	v10 =	vadd.s32 v20, v10;
	v16 =	vadd.s32 v21, v16;
	v20 =	vld.idx.msk [tilespmem:v29+s10+$0x0], $0xffff  }
0x31f: {  	v24 =	vsel vm2, $0x1, v2;
	v21 =	vsel vm1, $0x1, v2;
	v23 =	vsel vm0, $0x1, v2  }
0x320: {  	v8 =	vadd.s32 v8, v14;
	v14 =	vadd.s32 v36, v15;
	v15 =	vadd.s32 v28, v19  }
0x321: {  	v7 =	vadd.s32 v7, v8;
	v8 =	vadd.s32 v9, v14;
	v9 =	vadd.s32 v18, v15  }
0x322: {  	v7 =	vadd.s32 v25, v7;
	v8 =	vadd.s32 v27, v8;
	v9 =	vadd.s32 v24, v9  }
0x323: {  	v7 =	vadd.s32 v17, v7;
	v8 =	vadd.s32 v32, v8;
	v12 =	vadd.f32 v22, v12  }
0x324: {  	v7 =	vadd.s32 v21, v7;
	v8 =	vadd.s32 v23, v8;
	v11 =	vadd.f32 v20, v11  }
0x325: {  	vm0 =	vlt.f32 v12, $2.500000000e-01;
	vm1 =	vlt.f32 v12, $5.000000000e-01;
	vm2 =	vlt.f32 v12, $7.500000000e-01;
	[tilespmem:$0x40F0] =	vst v12  }
0x326: {  	v12 =	vsel vm0, $0x1, v2;
	vm0 =	vlt.f32 v11, $2.500000000e-01;
	v14 =	vsel vm1, $0x1, v2;
	[tilespmem:$0x41F0] =	vst v11  }
0x327: {  	v12 =	vadd.s32 v12, v13;
	v13 =	vsel vm0, $0x1, v2;
	v7 =	vadd.s32 v14, v7  }
0x328: {  	v10 =	vadd.s32 v13, v10;
	v13 =	vsel vm2, $0x1, v2;
	v17 =	vmin.u32 v7, $0xF  }
0x329: {  	vm1 =	vlt.f32 v11, $7.500000000e-01;
	vm0 =	vlt.f32 v11, $5.000000000e-01;
	v19 =	vmin.u32 v12, $0xF  }
0x32a: {  	v7 =	vsel vm0, $0x1, v2;
	v11 =	vor.u32 v6, v19;
	v10 =	vmin.u32 v10, $0xF  }
0x32b: {  	v7 =	vadd.s32 v7, v8;
	v8 =	vshll.u32 v10, $0x4;
	v12 =	vor.u32 v6, v10  }
0x32c: {  	v10 =	vcvt.s32.f32 v10;
	v7 =	vmin.u32 v7, $0xF;
	v8 =	vor.u32 v0, v8  }
0x32d: {  	v14 =	vsel vm1, $0x1, v2;
	v15 =	vor.u32 v6, v17;
	v18 =	vor.u32 v6, v7  }
0x32e: {  	v9 =	vadd.s32 v13, v9;
	v13 =	vadd.s32 v14, v16;
	v14 =	vshll.u32 v19, $0x4  }
0x32f: {  	v16 =	vmin.u32 v9, $0xF;
	v21 =	vmin.u32 v13, $0xF;
	v10 =	vadd.f32 $1.000000000e+00, v10;
	v11 =	vld.idx.msk [tilespmem:v11+s2+$0x0], $0xffff  }
0x330: {  	v22 =	vor.u32 v0, v14;
	v23 =	vor.u32 v6, v16;
	v24 =	vor.u32 v6, v21;
	v12 =	vld.idx.msk [tilespmem:v12+s10+$0x0], $0xffff  }
0x331: {  	v6 =	vshll.u32 v7, $0x4;
	v14 =	vshll.u32 v16, $0x4;
	v20 =	vshll.u32 v21, $0x4;
	v8 =	vld.idx.msk [tilespmem:v8+s14+$0x0], $0xffff  }
0x332: {  	v25 =	vor.u32 v0, v6;
	v14 =	vor.u32 v0, v14;
	v20 =	vor.u32 v0, v20;
	v26 =	vld.idx.msk [tilespmem:v18+s10+$0x0], $0xffff  }
0x333: {  	v9 =	vor.u32 v9, v13;
	v6 =	vmov s19;
	v18 =	vshll.u32 v17, $0x4;
	v27 =	vld.idx.msk [tilespmem:v15+s2+$0x0], $0xffff  }
0x334: {  	vm0 =	vlt.u32 v9, $0x10;
	v6 =	vshll.u32 v6, $0x4;
	v28 =	vor.u32 v0, v18  }
.Ltmp1:
0x335: {  	v6 =	vor.u32 v1, v6;
	v15 =	vsel vm0, $0x0, v3;
	v9 =	vld.idx.msk [tilespmem:v24+s10+$0x0], $0xffff;
	(erf) = vrcp.f32 v11;
	(pc) =	sbr.rel @p0 .LBB2_4-.Ltmp1, $4  }
0x336: {  	v5 =	vadd.f32 v15, v5;
	v11 =	vcvt.s32.f32 v7;
	v13 =	vld.idx.msk [tilespmem:v23+s2+$0x0], $0xffff;
	(erf) = vrcp.f32 v12  }
0x337: {  	v15 =	vcvt.s32.f32 v21;
	v7 =	vcvt.s32.f32 v16;
	v12 =	vsub.f32 $2.500000000e-01, v8;
	v18 =	vld.idx.msk [tilespmem:v22+s13+$0x0], $0xffff  }
0x338: {  	v21 =	vcvt.s32.f32 v19;
	v19 =	vld.idx.msk [tilespmem:v25+s14+$0x0], $0xffff;
	(erf) = vrcp.f32 v26  }
0x339: {  	v22 =	vcvt.s32.f32 v17;
	v16 =	vld.idx.msk [tilespmem:v28+s13+$0x0], $0xffff;
	(erf) = vrcp.f32 v27  }
0x33a: {  	_ =	sdelay $0x3  }
0x33b: {  	v17 =	vld.idx.msk [tilespmem:v6+s2+$0x0], $0xffff  }
0x33c: {  	v23 =	vld.idx.msk [tilespmem:v6+s10+$0x0], $0xffff;
	_ =	sdelay $0x2  }
0x33d: {  	v8 =	vor.u32 $0x1, v6  }
0x33e: {  	v24 =	vadd.f32 $0.0e+00, v17  }
0x33f: {  	v20 =	vld.idx.msk [tilespmem:v20+s14+$0x0], $0xffff;
	v62 =	vadd.f32 $0.0e+00, v23  }
0x340: {  	v25 =	vld.idx.msk [tilespmem:v14+s13+$0x0], $0xffff;
	[tilespmem:$0x4000] =	vst v24  }
0x341: {  	[tilespmem:$0x4100] =	vst v62  }
0x342: {  	v26 =	vld.idx.msk [tilespmem:v8+s2+$0x0], $0xffff  }
0x343: {  	v8 =	vld.idx.msk [tilespmem:v8+s10+$0x0], $0xffff;
	_ =	sdelay $0x2  }
0x344: {  	v27 =	vor.u32 $0x2, v6  }
0x345: {  	v24 =	vadd.f32 v26, v24  }
0x346: {  	v63 =	vadd.f32 v8, v62  }
0x347: {  	[tilespmem:$0x4010] =	vst v24  }
0x348: {  	[tilespmem:$0x4110] =	vst v63  }
0x349: {  	v37 =	vld.idx.msk [tilespmem:v27+s2+$0x0], $0xffff  }
0x34a: {  	v38 =	vld.idx.msk [tilespmem:v27+s10+$0x0], $0xffff;
	_ =	sdelay $0x2  }
0x34b: {  	v39 =	vor.u32 $0x3, v6  }
0x34c: {  	v29 =	vadd.f32 v37, v24  }
0x34d: {  	v30 =	vadd.f32 v38, v63  }
0x34e: {  	[tilespmem:$0x4020] =	vst v29  }
0x34f: {  	[tilespmem:$0x4120] =	vst v30  }
0x350: {  	v40 =	vld.idx.msk [tilespmem:v39+s2+$0x0], $0xffff  }
0x351: {  	v41 =	vld.idx.msk [tilespmem:v39+s10+$0x0], $0xffff;
	_ =	sdelay $0x2  }
0x352: {  	v42 =	vor.u32 $0x4, v6  }
0x353: {  	v32 =	vadd.f32 v40, v29  }
0x354: {  	v33 =	vadd.f32 v41, v30  }
0x355: {  	[tilespmem:$0x4030] =	vst v32  }
0x356: {  	[tilespmem:$0x4130] =	vst v33  }
0x357: {  	v43 =	vld.idx.msk [tilespmem:v42+s2+$0x0], $0xffff  }
0x358: {  	v44 =	vld.idx.msk [tilespmem:v42+s10+$0x0], $0xffff  }
0x359: {  	v45 =	vor.u32 $0x5, v6;
	(erf) = vrcp.f32 v9;
	v47 =	vadd.f32 $1.000000000e+00, v21  }
0x35a: {  	v55 =	vor.u32 $0x6, v6;
	v61 =	vor.u32 $0x7, v6;
	v46 =	vsub.f32 $2.500000000e-01, v18  }
0x35b: {  	(erf) = vrcp.f32 v13;
	v9 =	vadd.f32 $1.000000000e+00, v22;
	v19 =	vsub.f32 $5.000000000e-01, v19;
	v48 =	vpop (erf)  }
0x35c: {  	v52 =	vsub.f32 $5.000000000e-01, v16;
	v13 =	vmul.f32 v48, v46;
	v50 =	vpop (erf);
	v35 =	vadd.f32 v43, v32  }
0x35d: {  	vm0 =	vlt.f32 v17, $7.500000000e-01;
	v14 =	vmul.f32 v50, v12;
	v36 =	vadd.f32 v44, v33  }
0x35e: {  	vm4 =	vlt.f32 v23, $5.000000000e-01;
	vm1 =	vlt.f32 v23, $2.500000000e-01;
	vm3 =	vlt.f32 v17, $2.500000000e-01;
	v53 =	vpop (erf);
	[tilespmem:$0x4040] =	vst v35  }
0x35f: {  	v12 =	vadd.f32 $1.000000000e+00, v11;
	v16 =	vadd.f32 v14, v10;
	v14 =	vmul.f32 v53, v19;
	[tilespmem:$0x4140] =	vst v36  }
0x360: {  	v28 =	vsel vm0, $0x1, v2;
	v11 =	vsub.f32 $7.500000000e-01, v20;
	v10 =	vsub.f32 $7.500000000e-01, v25;
	v49 =	vld.idx.msk [tilespmem:v45+s2+$0x0], $0xffff  }
0x361: {  	vm0 =	vlt.f32 v23, $7.500000000e-01;
	v54 =	vpop (erf);
	v12 =	vadd.f32 v14, v12;
	v8 =	vadd.f32 $1.000000000e+00, v15;
	v51 =	vld.idx.msk [tilespmem:v45+s10+$0x0], $0xffff  }
0x362: {  	v15 =	vadd.f32 v13, v47;
	v13 =	vmul.f32 v54, v52;
	vm2 =	vlt.f32 v24, $7.500000000e-01  }
0x363: {  	vm5 =	vlt.f32 v63, $5.000000000e-01;
	vm11 =	vlt.f32 v24, $2.500000000e-01;
	vm12 =	vlt.f32 v63, $7.500000000e-01  }
0x364: {  	vm6 =	vlt.f32 v63, $2.500000000e-01;
	vm7 =	vlt.f32 v24, $5.000000000e-01;
	v57 =	vsel vm2, $0x1, v2  }
0x365: {  	v58 =	vsel vm5, $0x1, v2;
	v18 =	vsel vm12, $0x1, v2;
	v56 =	vadd.f32 v49, v35  }
0x366: {  	v22 =	vsel vm11, $0x1, v2;
	v21 =	vsel vm6, $0x1, v2;
	v37 =	vadd.f32 v51, v36  }
0x367: {  	v19 =	vadd.s32 v28, v57;
	v28 =	vsel vm7, $0x1, v2;
	vm13 =	vlt.f32 v29, $2.500000000e-01;
	[tilespmem:$0x4050] =	vst v56  }
0x368: {  	vm2 =	vlt.f32 v29, $5.000000000e-01;
	vm14 =	vlt.f32 v29, $7.500000000e-01;
	vm15 =	vlt.f32 v30, $2.500000000e-01;
	[tilespmem:$0x4150] =	vst v37  }
0x369: {  	vm8 =	vlt.f32 v30, $5.000000000e-01;
	vm11 =	vlt.f32 v30, $7.500000000e-01;
	v62 =	vsel vm14, $0x1, v2;
	v59 =	vld.idx.msk [tilespmem:v55+s2+$0x0], $0xffff  }
0x36a: {  	v20 =	vsel vm13, $0x1, v2;
	v19 =	vadd.s32 v62, v19;
	v62 =	vsel vm1, $0x1, v2;
	v60 =	vld.idx.msk [tilespmem:v55+s10+$0x0], $0xffff  }
0x36b: {  	v39 =	vsel vm8, $0x1, v2;
	v21 =	vadd.s32 v62, v21;
	v30 =	vsel vm15, $0x1, v2  }
0x36c: {  	v31 =	vsel vm11, $0x1, v2;
	v21 =	vadd.s32 v30, v21;
	vm12 =	vlt.f32 v32, $2.500000000e-01  }
0x36d: {  	vm13 =	vlt.f32 v32, $5.000000000e-01;
	vm14 =	vlt.f32 v32, $7.500000000e-01;
	vm15 =	vlt.f32 v33, $5.000000000e-01  }
0x36e: {  	vm10 =	vlt.f32 v33, $2.500000000e-01;
	vm11 =	vlt.f32 v33, $7.500000000e-01;
	v63 =	vadd.f32 v59, v56  }
0x36f: {  	v47 =	vsel vm14, $0x1, v2;
	v40 =	vsel vm15, $0x1, v2;
	v38 =	vadd.f32 v60, v37  }
0x370: {  	v26 =	vsel vm13, $0x1, v2;
	v41 =	vadd.s32 v47, v19;
	v19 =	vsel vm10, $0x1, v2;
	[tilespmem:$0x4060] =	vst v63  }
0x371: {  	v34 =	vsel vm12, $0x1, v2;
	v23 =	vsel vm11, $0x1, v2;
	v19 =	vadd.s32 v19, v21;
	[tilespmem:$0x4160] =	vst v38  }
0x372: {  	vm5 =	vlt.f32 v35, $2.500000000e-01;
	vm12 =	vlt.f32 v35, $5.000000000e-01;
	vm13 =	vlt.f32 v35, $7.500000000e-01;
	v48 =	vld.idx.msk [tilespmem:v61+s2+$0x0], $0xffff  }
0x373: {  	vm14 =	vlt.f32 v36, $2.500000000e-01;
	vm9 =	vlt.f32 v36, $5.000000000e-01;
	vm15 =	vlt.f32 v36, $7.500000000e-01;
	v24 =	vld.idx.msk [tilespmem:v61+s10+$0x0], $0xffff  }
0x374: {  	v50 =	vsel vm13, $0x1, v2;
	v52 =	vsel vm9, $0x1, v2;
	v33 =	vsel vm5, $0x1, v2  }
0x375: {  	v32 =	vsel vm14, $0x1, v2;
	v44 =	vadd.s32 v50, v41;
	v51 =	vsel vm4, $0x1, v2  }
0x376: {  	v41 =	vsel vm12, $0x1, v2;
	v49 =	vor.u32 $0x8, v6;
	v27 =	vadd.s32 v51, v58  }
0x377: {  	v19 =	vadd.s32 v32, v19;
	v53 =	vadd.s32 v39, v27;
	v42 =	vadd.f32 v48, v63  }
0x378: {  	v27 =	vsel vm15, $0x1, v2;
	vm9 =	vlt.f32 v56, $7.500000000e-01;
	v43 =	vadd.f32 v24, v38  }
0x379: {  	vm10 =	vlt.f32 v56, $5.000000000e-01;
	vm11 =	vlt.f32 v37, $5.000000000e-01;
	vm12 =	vlt.f32 v37, $7.500000000e-01;
	[tilespmem:$0x4070] =	vst v42  }
0x37a: {  	vm13 =	vlt.f32 v56, $2.500000000e-01;
	vm14 =	vlt.f32 v37, $2.500000000e-01;
	v36 =	vadd.s32 v40, v53;
	[tilespmem:$0x4170] =	vst v43  }
0x37b: {  	v45 =	vsel vm9, $0x1, v2;
	v35 =	vsel vm10, $0x1, v2;
	v47 =	vsel vm14, $0x1, v2;
	v54 =	vld.idx.msk [tilespmem:v49+s2+$0x0], $0xffff  }
0x37c: {  	v46 =	vsel vm11, $0x1, v2;
	v44 =	vadd.s32 v45, v44;
	v19 =	vadd.s32 v47, v19;
	v55 =	vld.idx.msk [tilespmem:v49+s10+$0x0], $0xffff  }
0x37d: {  	v56 =	vor.u32 $0x9, v6;
	vm15 =	vlt.f32 v63, $2.500000000e-01;
	vm4 =	vlt.f32 v63, $5.000000000e-01  }
0x37e: {  	vm9 =	vlt.f32 v63, $7.500000000e-01;
	vm10 =	vlt.f32 v38, $2.500000000e-01;
	vm11 =	vlt.f32 v38, $5.000000000e-01  }
0x37f: {  	vm5 =	vlt.f32 v38, $7.500000000e-01;
	v29 =	vsel vm9, $0x1, v2;
	v61 =	vsel vm3, $0x1, v2  }
0x380: {  	v45 =	vsel vm10, $0x1, v2;
	v22 =	vadd.s32 v61, v22;
	v39 =	vadd.f32 v54, v42  }
0x381: {  	v58 =	vsel vm11, $0x1, v2;
	v20 =	vadd.s32 v20, v22;
	v40 =	vadd.f32 v55, v43  }
0x382: {  	v29 =	vadd.s32 v29, v44;
	v61 =	vor.u32 $0xD, v6;
	v20 =	vadd.s32 v34, v20;
	[tilespmem:$0x4080] =	vst v39  }
0x383: {  	v19 =	vadd.s32 v45, v19;
	v34 =	vor.u32 $0xC, v6;
	v20 =	vadd.s32 v33, v20;
	[tilespmem:$0x4180] =	vst v40  }
0x384: {  	v24 =	vadd.s32 v52, v36;
	v36 =	vsel vm12, $0x1, v2;
	v63 =	vsel vm0, $0x1, v2;
	v48 =	vld.idx.msk [tilespmem:v56+s2+$0x0], $0xffff  }
0x385: {  	v57 =	vadd.s32 v46, v24;
	v46 =	vsel vm13, $0x1, v2;
	v24 =	vsel vm15, $0x1, v2;
	v25 =	vld.idx.msk [tilespmem:v56+s10+$0x0], $0xffff  }
0x386: {  	v18 =	vadd.s32 v63, v18;
	v44 =	vadd.s32 v58, v57;
	vm12 =	vlt.f32 v42, $2.500000000e-01  }
0x387: {  	vm13 =	vlt.f32 v42, $5.000000000e-01;
	vm14 =	vlt.f32 v42, $7.500000000e-01;
	vm15 =	vlt.f32 v43, $2.500000000e-01  }
0x388: {  	v18 =	vadd.s32 v31, v18;
	v20 =	vadd.s32 v46, v20;
	v49 =	vor.u32 $0xA, v6  }
0x389: {  	v37 =	vsel vm12, $0x1, v2;
	vm12 =	vlt.f32 v43, $7.500000000e-01;
	v48 =	vadd.f32 v48, v39  }
0x38a: {  	v38 =	vsel vm15, $0x1, v2;
	v50 =	vsel vm13, $0x1, v2;
	v51 =	vadd.f32 v25, v40  }
0x38b: {  	vm13 =	vlt.f32 v43, $5.000000000e-01;
	v59 =	vsel vm14, $0x1, v2;
	v18 =	vadd.s32 v23, v18;
	[tilespmem:$0x4090] =	vst v48  }
0x38c: {  	v20 =	vadd.s32 v24, v20;
	v52 =	vsel vm13, $0x1, v2;
	v53 =	vadd.s32 v59, v29;
	[tilespmem:$0x4190] =	vst v51  }
0x38d: {  	v18 =	vadd.s32 v27, v18;
	v20 =	vadd.s32 v37, v20;
	v19 =	vadd.s32 v38, v19;
	v60 =	vld.idx.msk [tilespmem:v49+s2+$0x0], $0xffff  }
0x38e: {  	v18 =	vadd.s32 v36, v18;
	v36 =	vsel vm5, $0x1, v2;
	v44 =	vadd.s32 v52, v44  }
0x38f: {  	v18 =	vadd.s32 v36, v18;
	v42 =	vsel vm12, $0x1, v2;
	vm7 =	vlt.f32 v39, $5.000000000e-01;
	v49 =	vld.idx.msk [tilespmem:v49+s10+$0x0], $0xffff  }
0x390: {  	v18 =	vadd.s32 v42, v18;
	vm15 =	vlt.f32 v39, $7.500000000e-01;
	v57 =	vsel vm7, $0x1, v2  }
0x391: {  	v58 =	vsel vm15, $0x1, v2;
	vm6 =	vlt.f32 v48, $2.500000000e-01;
	vm7 =	vlt.f32 v48, $5.000000000e-01  }
0x392: {  	vm15 =	vlt.f32 v48, $7.500000000e-01;
	v48 =	vadd.f32 v60, v48;
	v60 =	vor.u32 $0xB, v6  }
0x393: {  	vm14 =	vlt.f32 v39, $2.500000000e-01;
	vm12 =	vlt.f32 v40, $2.500000000e-01;
	vm13 =	vlt.f32 v40, $7.500000000e-01  }
0x394: {  	v54 =	vsel vm14, $0x1, v2;
	v55 =	vsel vm12, $0x1, v2;
	v49 =	vadd.f32 v49, v51  }
0x395: {  	vm14 =	vlt.f32 v40, $5.000000000e-01;
	v56 =	vsel vm13, $0x1, v2;
	v20 =	vadd.s32 v54, v20;
	[tilespmem:$0x40A0] =	vst v48  }
0x396: {  	v19 =	vadd.s32 v55, v19;
	v18 =	vadd.s32 v56, v18;
	v25 =	vsel vm14, $0x1, v2;
	[tilespmem:$0x41A0] =	vst v49  }
0x397: {  	vm12 =	vlt.f32 v51, $2.500000000e-01;
	vm13 =	vlt.f32 v51, $7.500000000e-01;
	vm14 =	vlt.f32 v51, $5.000000000e-01;
	v62 =	vld.idx.msk [tilespmem:v60+s2+$0x0], $0xffff  }
0x398: {  	v29 =	vsel vm15, $0x1, v2;
	v59 =	vsel vm12, $0x1, v2;
	v43 =	vsel vm13, $0x1, v2;
	v31 =	vld.idx.msk [tilespmem:v60+s10+$0x0], $0xffff  }
0x399: {  	v39 =	vsel vm7, $0x1, v2;
	vm15 =	vlt.f32 v17, $5.000000000e-01;
	v42 =	vsel vm6, $0x1, v2  }
0x39a: {  	v40 =	vsel vm14, $0x1, v2;
	v17 =	vsel vm15, $0x1, v2;
	v20 =	vadd.s32 v42, v20  }
0x39b: {  	v19 =	vadd.s32 v59, v19;
	v18 =	vadd.s32 v43, v18;
	vm7 =	vlt.f32 v48, $2.500000000e-01  }
0x39c: {  	vm8 =	vlt.f32 v48, $5.000000000e-01;
	vm9 =	vlt.f32 v48, $7.500000000e-01;
	v48 =	vadd.f32 v62, v48  }
0x39d: {  	v28 =	vadd.s32 v17, v28;
	v60 =	vsel vm2, $0x1, v2;
	v31 =	vadd.f32 v31, v49  }
0x39e: {  	v59 =	vadd.s32 v25, v44;
	v17 =	vor.u32 $0xF, v6;
	v22 =	vadd.s32 v60, v28;
	[tilespmem:$0x40B0] =	vst v48  }
0x39f: {  	v51 =	vor.u32 $0xE, v6;
	vm10 =	vlt.f32 v49, $2.500000000e-01;
	v22 =	vadd.s32 v26, v22;
	[tilespmem:$0x41B0] =	vst v31  }
0x3a0: {  	vm12 =	vlt.f32 v49, $5.000000000e-01;
	v30 =	vsel vm7, $0x1, v2;
	v21 =	vadd.s32 v41, v22;
	v22 =	vld.idx.msk [tilespmem:v34+s2+$0x0], $0xffff  }
0x3a1: {  	vm11 =	vlt.f32 v49, $7.500000000e-01;
	v63 =	vsel vm12, $0x1, v2;
	v20 =	vadd.s32 v30, v20;
	v34 =	vld.idx.msk [tilespmem:v34+s10+$0x0], $0xffff  }
0x3a2: {  	v28 =	vsel vm10, $0x1, v2;
	v60 =	vsel vm11, $0x1, v2;
	v26 =	vsel vm9, $0x1, v2  }
0x3a3: {  	v19 =	vadd.s32 v28, v19;
	v21 =	vadd.s32 v35, v21;
	v35 =	vsel vm4, $0x1, v2  }
0x3a4: {  	v18 =	vadd.s32 v60, v18;
	v62 =	vsel vm8, $0x1, v2;
	v21 =	vadd.s32 v35, v21  }
0x3a5: {  	v21 =	vadd.s32 v50, v21;
	vm7 =	vlt.f32 v31, $2.500000000e-01;
	v22 =	vadd.f32 v22, v48  }
0x3a6: {  	vm8 =	vlt.f32 v31, $7.500000000e-01;
	vm9 =	vlt.f32 v31, $5.000000000e-01;
	v31 =	vadd.f32 v34, v31  }
0x3a7: {  	vm13 =	vlt.f32 v48, $2.500000000e-01;
	vm14 =	vlt.f32 v48, $5.000000000e-01;
	vm15 =	vlt.f32 v48, $7.500000000e-01;
	[tilespmem:$0x40C0] =	vst v22  }
0x3a8: {  	v21 =	vadd.s32 v57, v21;
	v23 =	vsel vm13, $0x1, v2;
	v33 =	vsel vm7, $0x1, v2;
	[tilespmem:$0x41C0] =	vst v31  }
0x3a9: {  	v41 =	vsel vm15, $0x1, v2;
	v49 =	vsel vm8, $0x1, v2;
	v32 =	vsel vm14, $0x1, v2;
	v45 =	vld.idx.msk [tilespmem:v61+s2+$0x0], $0xffff  }
0x3aa: {  	v27 =	vsel vm9, $0x1, v2;
	v21 =	vadd.s32 v39, v21;
	v20 =	vadd.s32 v23, v20;
	v52 =	vld.idx.msk [tilespmem:v61+s10+$0x0], $0xffff  }
0x3ab: {  	v19 =	vadd.s32 v33, v19;
	v23 =	vadd.s32 v40, v59;
	v21 =	vadd.s32 v62, v21  }
0x3ac: {  	v18 =	vadd.s32 v49, v18;
	v23 =	vadd.s32 v63, v23;
	v21 =	vadd.s32 v32, v21  }
0x3ad: {  	v23 =	vadd.s32 v27, v23;
	vm10 =	vlt.f32 v22, $2.500000000e-01;
	vm11 =	vlt.f32 v22, $5.000000000e-01  }
0x3ae: {  	vm12 =	vlt.f32 v22, $7.500000000e-01;
	vm13 =	vlt.f32 v31, $2.500000000e-01;
	v22 =	vadd.f32 v45, v22  }
0x3af: {  	vm14 =	vlt.f32 v31, $7.500000000e-01;
	vm15 =	vlt.f32 v31, $5.000000000e-01;
	v45 =	vadd.f32 v52, v31  }
0x3b0: {  	v34 =	vsel vm10, $0x1, v2;
	v35 =	vsel vm13, $0x1, v2;
	v36 =	vsel vm14, $0x1, v2;
	[tilespmem:$0x40D0] =	vst v22  }
0x3b1: {  	v46 =	vsel vm11, $0x1, v2;
	v47 =	vsel vm15, $0x1, v2;
	v61 =	vadd.s32 v58, v53;
	[tilespmem:$0x41D0] =	vst v45  }
0x3b2: {  	v48 =	vsel vm12, $0x1, v2;
	v20 =	vadd.s32 v34, v20;
	v24 =	vadd.s32 v29, v61;
	v54 =	vld.idx.msk [tilespmem:v51+s2+$0x0], $0xffff  }
0x3b3: {  	v19 =	vadd.s32 v35, v19;
	v18 =	vadd.s32 v36, v18;
	v24 =	vadd.s32 v26, v24;
	v57 =	vld.idx.msk [tilespmem:v51+s10+$0x0], $0xffff  }
0x3b4: {  	v21 =	vadd.s32 v46, v21;
	v23 =	vadd.s32 v47, v23;
	v24 =	vadd.s32 v41, v24  }
0x3b5: {  	v24 =	vadd.s32 v48, v24;
	vm7 =	vlt.f32 v22, $2.500000000e-01;
	vm8 =	vlt.f32 v22, $5.000000000e-01  }
0x3b6: {  	vm9 =	vlt.f32 v22, $7.500000000e-01;
	vm10 =	vlt.f32 v45, $2.500000000e-01;
	vm11 =	vlt.f32 v45, $7.500000000e-01  }
0x3b7: {  	vm12 =	vlt.f32 v45, $5.000000000e-01;
	v50 =	vsel vm7, $0x1, v2;
	v22 =	vadd.f32 v54, v22  }
0x3b8: {  	v52 =	vsel vm10, $0x1, v2;
	v53 =	vsel vm11, $0x1, v2;
	v61 =	vadd.f32 v57, v45  }
0x3b9: {  	v55 =	vsel vm8, $0x1, v2;
	v56 =	vsel vm12, $0x1, v2;
	v58 =	vsel vm9, $0x1, v2;
	[tilespmem:$0x40E0] =	vst v22  }
0x3ba: {  	v20 =	vadd.s32 v50, v20;
	v19 =	vadd.s32 v52, v19;
	v18 =	vadd.s32 v53, v18;
	[tilespmem:$0x41E0] =	vst v61  }
0x3bb: {  	v24 =	vadd.s32 v58, v24;
	v21 =	vadd.s32 v55, v21;
	v23 =	vadd.s32 v56, v23;
	v39 =	vld.idx.msk [tilespmem:v17+s2+$0x0], $0xffff  }
0x3bc: {  	vm13 =	vlt.f32 v22, $2.500000000e-01;
	vm14 =	vlt.f32 v22, $5.000000000e-01;
	vm15 =	vlt.f32 v22, $7.500000000e-01;
	v17 =	vld.idx.msk [tilespmem:v17+s10+$0x0], $0xffff  }
0x3bd: {  	vm6 =	vlt.f32 v61, $2.500000000e-01;
	vm7 =	vlt.f32 v61, $7.500000000e-01;
	vm8 =	vlt.f32 v61, $5.000000000e-01  }
0x3be: {  	v35 =	vsel vm13, $0x1, v2;
	v36 =	vsel vm6, $0x1, v2;
	v37 =	vsel vm7, $0x1, v2  }
0x3bf: {  	v40 =	vsel vm14, $0x1, v2;
	v41 =	vsel vm8, $0x1, v2;
	v42 =	vsel vm15, $0x1, v2  }
0x3c0: {  	v20 =	vadd.s32 v35, v20;
	v19 =	vadd.s32 v36, v19;
	v22 =	vadd.f32 v39, v22  }
0x3c1: {  	v18 =	vadd.s32 v37, v18;
	v24 =	vadd.s32 v42, v24;
	v17 =	vadd.f32 v17, v61  }
0x3c2: {  	v21 =	vadd.s32 v40, v21;
	v23 =	vadd.s32 v41, v23;
	vm9 =	vlt.f32 v22, $2.500000000e-01  }
0x3c3: {  	vm10 =	vlt.f32 v22, $5.000000000e-01;
	vm11 =	vlt.f32 v17, $2.500000000e-01;
	vm12 =	vlt.f32 v22, $7.500000000e-01  }
0x3c4: {  	vm13 =	vlt.f32 v17, $5.000000000e-01;
	vm14 =	vlt.f32 v17, $7.500000000e-01;
	v43 =	vsel vm9, $0x1, v2  }
0x3c5: {  	v44 =	vsel vm11, $0x1, v2;
	v45 =	vsel vm13, $0x1, v2;
	v20 =	vadd.s32 v43, v20  }
0x3c6: {  	v47 =	vsel vm10, $0x1, v2;
	v19 =	vadd.s32 v44, v19;
	v20 =	vmin.u32 v20, $0xF  }
0x3c7: {  	v23 =	vadd.s32 v45, v23;
	v19 =	vmin.u32 v19, $0xF;
	v46 =	vor.u32 v6, v20  }
0x3c8: {  	v21 =	vadd.s32 v47, v21;
	v23 =	vmin.u32 v23, $0xF;
	v48 =	vor.u32 v6, v19  }
0x3c9: {  	v49 =	vsel vm14, $0x1, v2;
	v21 =	vmin.u32 v21, $0xF;
	v50 =	vor.u32 v6, v23  }
0x3ca: {  	[tilespmem:$0x40F0] =	vst v22;
	v51 =	vsel vm12, $0x1, v2;
	v18 =	vadd.s32 v49, v18;
	v52 =	vor.u32 v6, v21  }
0x3cb: {  	v15 =	vsub.f32 v15, v16;
	[tilespmem:$0x41F0] =	vst v17;
	v16 =	vadd.s32 v51, v24;
	v22 =	vmin.u32 v18, $0xF  }
0x3cc: {  	v9 =	vadd.f32 v13, v9;
	v54 =	vmin.u32 v16, $0xF;
	v56 =	vor.u32 v6, v22;
	v53 =	vld.idx.msk [tilespmem:v46+s2+$0x0], $0xffff  }
0x3cd: {  	v7 =	vadd.f32 $1.000000000e+00, v7;
	v58 =	vor.u32 v6, v54;
	v55 =	vld.idx.msk [tilespmem:v48+s10+$0x0], $0xffff  }
0x3ce: {  	v15 =	vand.u32 $0x7FFFFFFF, v15;
	v9 =	vsub.f32 v9, v12;
	v57 =	vshll.u32 v19, $0x4;
	v27 =	vld.idx.msk [tilespmem:v50+s10+$0x0], $0xffff  }
0x3cf: {  	v4 =	vadd.f32 v15, v4;
	v60 =	vshll.u32 v20, $0x4;
	v13 =	vor.u32 v0, v57;
	v28 =	vld.idx.msk [tilespmem:v52+s2+$0x0], $0xffff  }
0x3d0: {  	v9 =	vand.u32 $0x7FFFFFFF, v9;
	v59 =	vpop (erf);
	v62 =	vshll.u32 v23, $0x4;
	v61 =	vor.u32 v0, v60  }
0x3d1: {  	v63 =	vpop (erf);
	v32 =	vshll.u32 v21, $0x4;
	v29 =	vor.u32 v0, v62;
	v25 =	vld.idx.msk [tilespmem:v56+s10+$0x0], $0xffff;
	(erf) = vrcp.f32 v53  }
0x3d2: {  	v35 =	vshll.u32 v54, $0x4;
	v33 =	vor.u32 v0, v32;
	v6 =	vld.idx.msk [tilespmem:v58+s2+$0x0], $0xffff;
	(erf) = vrcp.f32 v55  }
0x3d3: {  	v11 =	vmul.f32 v59, v11;
	v12 =	vor.u32 v0, v35;
	(erf) = vrcp.f32 v27  }
0x3d4: {  	v10 =	vmul.f32 v63, v10;
	v36 =	vshll.u32 v22, $0x4;
	v34 =	vld.idx.msk [tilespmem:v13+s14+$0x0], $0xffff;
	(erf) = vrcp.f32 v28  }
0x3d5: {  	v8 =	vadd.f32 v11, v8;
	v39 =	vcvt.s32.f32 v19;
	v37 =	vld.idx.msk [tilespmem:v61+s13+$0x0], $0xffff;
	v13 =	vor.u32 v0, v36  }
0x3d6: {  	v7 =	vadd.f32 v10, v7;
	v40 =	vcvt.s32.f32 v20;
	v38 =	vld.idx.msk [tilespmem:v29+s14+$0x0], $0xffff;
	(erf) = vrcp.f32 v25  }
0x3d7: {  	v4 =	vadd.f32 v9, v4;
	v43 =	vcvt.s32.f32 v21;
	v11 =	vld.idx.msk [tilespmem:v33+s13+$0x0], $0xffff;
	(erf) = vrcp.f32 v6  }
0x3d8: {  	v7 =	vsub.f32 v7, v8;
	v44 =	vcvt.s32.f32 v22;
	v41 =	vadd.f32 $1.000000000e+00, v39;
	v12 =	vld.idx.msk [tilespmem:v12+s13+$0x0], $0xffff  }
0x3d9: {  	v9 =	vadd.f32 $1.000000000e+00, v40;
	v10 =	vadd.f32 $1.000000000e+00, v43;
	v46 =	vcvt.s32.f32 v23  }
0x3da: {  	v19 =	vadd.f32 $1.000000000e+00, v44;
	v42 =	vsub.f32 $2.500000000e-01, v34;
	v13 =	vld.idx.msk [tilespmem:v13+s14+$0x0], $0xffff;
	v45 =	vpop (erf)  }
0x3db: {  	v52 =	vcvt.s32.f32 v54;
	v48 =	vadd.f32 $1.000000000e+00, v46;
	v17 =	vsub.f32 $2.500000000e-01, v37;
	v47 =	vpop (erf)  }
0x3dc: {  	v15 =	vsub.f32 $5.000000000e-01, v38;
	v11 =	vsub.f32 $5.000000000e-01, v11;
	v8 =	vmul.f32 v47, v42;
	v49 =	vpop (erf)  }
0x3dd: {  	v51 =	vsub.f32 $7.500000000e-01, v12;
	v12 =	vadd.f32 $1.000000000e+00, v52;
	v17 =	vmul.f32 v45, v17;
	v50 =	vpop (erf)  }
0x3de: {  	v15 =	vmul.f32 v49, v15;
	v6 =	vadd.f32 v8, v41;
	v8 =	vmul.f32 v50, v11  }
0x3df: {  	v13 =	vsub.f32 $7.500000000e-01, v13;
	v9 =	vadd.f32 v17, v9;
	v53 =	vpop (erf)  }
0x3e0: {  	v7 =	vand.u32 $0x7FFFFFFF, v7;
	v54 =	vadd.f32 v15, v48;
	v55 =	vpop (erf);
	v8 =	vadd.f32 v8, v10  }
0x3e1: {  	v6 =	vsub.f32 v9, v6;
	v9 =	vmul.f32 v53, v13;
	v10 =	vmul.f32 v55, v51  }
0x3e2: {  	v4 =	vadd.f32 v7, v4;
	v56 =	vsub.f32 v8, v54  }
0x3e3: {  	v6 =	vand.u32 $0x7FFFFFFF, v6;
	v57 =	vadd.f32 v9, v19;
	v58 =	vadd.f32 v10, v12  }
0x3e4: {  	v61 =	vor.u32 v16, v18;
	v4 =	vadd.f32 v6, v4  }
0x3e5: {  	vm15 =	vlt.u32 v61, $0x10;
	v59 =	vand.u32 $0x7FFFFFFF, v56;
	v60 =	vsub.f32 v58, v57  }
0x3e6: {  	v63 =	vsel vm15, $0x0, v3;
	v4 =	vadd.f32 v59, v4  }
0x3e7: {  	v5 =	vadd.f32 v63, v5;
	v62 =	vand.u32 $0x7FFFFFFF, v60  }
0x3e8: {  	s17 =	sadd.s32 $0x1, s17;
	v4 =	vadd.f32 v62, v4  }
0x3e9: {  	p0 =	sne.s32 s17, s8;
	[tilespmem:$0x4210] =	vst v5  }
.Ltmp2:
0x3ea: {  	[tilespmem:$0x4200] =	vst v4;
	(pc) =	sbr.rel @p0 .LBB2_1-.Ltmp2, $4  }
0x3eb: {  	[hbm4b:s7+s2] =	stream.linear.scatter [tilespmem:s16], [sflag:$0x2], $0x20, $0x38;
	[tilespmem:$0x4280] =	vst v63  }
0x3ec: {  	_ =	swait.ge [sflag:s9], $0x20  }
0x3ed: {  	[sflag:s9] =	ssyncset.done $0x0  }
0x3ee: {  	[sflag:s9] =	ssyncadd.s32 $0xFFFFFFE0  }
0x3ef: {  	_ =	sfence.sel $0x180000  }
0x3f0: {  	[bflag:$0x0] =	sbarrier.arrive $0xFFFF  }
0x3f1: {  	p0 =	sne.s32 s1, $0x0;
	_ =	strace $0x9000004A  }
0x3f2: {  	s0 =	sadd.s32 @!p0 $0x100000, s0;
	[bflag:$0x2] =	sbarrier.arrive $0xFFFF  }
0x3f3: {  	[sflag:s0] =	ssyncadd.tile.s32 @!p0 $0x1;
	_ =	shalt  }
.Lfunc_end2:
_tile_overlayer_lowered:
.L_overlay_start_2:
0x3f4: {  	(tag) =	ssettag $0x2  }
0x3f5: {  	s0 =	rddreg [dreg:$0x0];
	s2 =	stileid.u32  }
0x3f6: {  	s1 =	rddreg [dreg:$0x1];
	p0 =	sne.s32 s2, $0x0  }
0x3f7: {  	s3 =	rddreg [dreg:$0x2];
	[bflag:$0x3] =	sbarrier.arrive $0xFFFF;
	s2 =	simm.s32 @!p0 $0x1C02  }
0x3f8: {  	[timem:s3], [sflag:s2] =	dma.local @!p0 [hbm:s0], s1  }
0x3f9: {  	s0 =	simm.s32 @!p0 $0x2  }
0x3fa: {  	_ =	swait.ge @!p0 [sflag:s0], s1  }
0x3fb: {  	s1 =	ssub.s32 @!p0 $0x0, s1;
	[sflag:s0] =	ssyncset.done @!p0 $0x0  }
0x3fc: {  	[sflag:s0] =	ssyncadd.s32 @!p0 s1  }
0x3fd: {  	[bflag:$0x3] =	sbarrier.arrive $0xFFFF  }
0x3fe: {  	_ =	shalt  }

</sc_bundles>
